<compile_context>
chip_gen: v7x
topology: tpu7x:2x2x1
jax: 0.10.2.dev20260603
libtpu: 0.0.44.dev20260713+nightly
codegen_flags: <defaults>
</compile_context>

<pallas_src>
import functools

import jax
import jax.numpy as jnp
from jax import lax
from jax.experimental import pallas as pl
from jax.experimental.pallas import tpu as pltpu
from jax.experimental.pallas import tpu_sc as plsc

N = 10000
E = 320000
D_IN = 128
D_H = 256
N_CLASSES = 32

NCORES = 2
NSUB = 16
CHUNK = 128
COLS = 64

N_PAD = 10240
ROWS_PS = N_PAD // NSUB
PAD_NODE = N_PAD - 1

CH = 160
NG = CH
GI = 8
NGI = NG // GI
E_PAD = NSUB * CH * CHUNK
GBYTES = CHUNK * COLS * 4
IBYTES = GI * CHUNK * 4

BN = 512
NB = N_PAD // BN

_mesh = plsc.VectorSubcoreMesh(core_axis_name="c", subcore_axis_name="s")


@functools.partial(
    pl.kernel,
    mesh=_mesh,
    compiler_params=pltpu.CompilerParams(use_tc_tiling_on_sc=False),
    out_type=jax.ShapeDtypeStruct((NCORES * N_PAD, 16), jnp.float32),
    scratch_types=[
        pltpu.VMEM((NG, CHUNK), jnp.int32),
        pltpu.VMEM((CHUNK, 16), jnp.float32),
        pltpu.VMEM_SHARED((N_PAD, 16), jnp.float32),
    ],
)
def _deg_kernel(dst_hbm, ones_hbm, zeros_hbm, out_hbm, dst_v, ones_v, deg_sh):
    cid = lax.axis_index("c")
    sid = lax.axis_index("s")
    pltpu.sync_copy(dst_hbm.at[sid, pl.ds(0, NG)], dst_v)
    pltpu.sync_copy(ones_hbm, ones_v)
    pltpu.sync_copy(zeros_hbm, deg_sh.at[pl.ds(sid * ROWS_PS, ROWS_PS)])
    plsc.subcore_barrier()

    def body(j, carry):
        pltpu.sync_copy(ones_v, deg_sh.at[dst_v.at[j]], add=True)
        return carry

    lax.fori_loop(0, NG, body, 0)
    plsc.subcore_barrier()
    pltpu.sync_copy(
        deg_sh.at[pl.ds(sid * ROWS_PS, ROWS_PS)],
        out_hbm.at[pl.ds(cid * N_PAD + sid * ROWS_PS, ROWS_PS)],
    )


@functools.partial(
    pl.kernel,
    mesh=_mesh,
    compiler_params=pltpu.CompilerParams(use_tc_tiling_on_sc=False),
    out_type=[
        jax.ShapeDtypeStruct((NCORES * N_PAD, COLS), jnp.float32),
        jax.ShapeDtypeStruct((NCORES * N_PAD, COLS), jnp.float32),
    ],
    scratch_types=[
        pltpu.VMEM((NG + 2, CHUNK), jnp.int32),
        pltpu.VMEM((2 * GI, CHUNK), jnp.int32),
        pltpu.VMEM((CHUNK, COLS), jnp.float32),
        pltpu.VMEM((CHUNK, COLS), jnp.float32),
        pltpu.VMEM_SHARED((N_PAD, COLS), jnp.float32),
        pltpu.VMEM_SHARED((N_PAD, COLS), jnp.float32),
        pltpu.SemaphoreType.DMA,
        pltpu.SemaphoreType.DMA,
        pltpu.SemaphoreType.DMA,
        pltpu.SemaphoreType.DMA,
        pltpu.SemaphoreType.DMA,
    ],
)
def _agg_kernel(hsA_hbm, hsB_hbm, src_hbm, dst_hbm, outA_hbm, outB_hbm,
                src_v, dstb, buf0, buf1, table_sh, acc_sh, g0, g1, s0, s1, di):
    cid = lax.axis_index("c")
    sid = lax.axis_index("s")
    pltpu.sync_copy(src_hbm.at[sid], src_v)

    for hs_hbm, out_hbm in ((hsA_hbm, outA_hbm), (hsB_hbm, outB_hbm)):
        pltpu.sync_copy(dst_hbm.at[sid, pl.ds(0, GI)], dstb.at[pl.ds(0, GI)])
        pltpu.sync_copy(
            hs_hbm.at[pl.ds(cid * N_PAD + sid * ROWS_PS, ROWS_PS)],
            table_sh.at[pl.ds(sid * ROWS_PS, ROWS_PS)],
        )
        pltpu.sync_copy(
            hs_hbm.at[pl.ds(cid * N_PAD + sid * ROWS_PS, ROWS_PS)],
            acc_sh.at[pl.ds(sid * ROWS_PS, ROWS_PS)],
        )
        plsc.subcore_barrier()
        pltpu.async_copy(table_sh.at[src_v.at[0]], buf0, g0)
        pltpu.async_copy(table_sh.at[src_v.at[1]], buf1, g1)

        def body(gi, carry):
            p = (gi % 2) * GI
            pn = ((gi + 1) % 2) * GI
            pltpu.async_copy(
                dst_hbm.at[sid, pl.ds((gi + 1) * GI, GI)],
                dstb.at[pl.ds(pn, GI)], di)
            for k in range(GI // 2):
                j0 = gi * GI + 2 * k
                pltpu.make_async_copy(
                    table_sh.at[src_v.at[j0]], buf0, g0).wait()
                pltpu.async_copy(buf0, acc_sh.at[dstb.at[p + 2 * k]], s0,
                                 add=True)
                pltpu.make_async_copy(
                    table_sh.at[src_v.at[j0 + 1]], buf1, g1).wait()
                pltpu.async_copy(buf1, acc_sh.at[dstb.at[p + 2 * k + 1]], s1,
                                 add=True)
                pltpu.make_async_copy(
                    buf0, acc_sh.at[dstb.at[p + 2 * k]], s0).wait()
                pltpu.async_copy(table_sh.at[src_v.at[j0 + 2]], buf0, g0)
                pltpu.make_async_copy(
                    buf1, acc_sh.at[dstb.at[p + 2 * k + 1]], s1).wait()
                pltpu.async_copy(table_sh.at[src_v.at[j0 + 3]], buf1, g1)
            pltpu.make_async_copy(
                dst_hbm.at[sid, pl.ds((gi + 1) * GI, GI)],
                dstb.at[pl.ds(pn, GI)], di).wait()
            return carry

        lax.fori_loop(0, NGI, body, 0)
        pltpu.make_async_copy(table_sh.at[src_v.at[NG]], buf0, g0).wait()
        pltpu.make_async_copy(table_sh.at[src_v.at[NG + 1]], buf1, g1).wait()
        plsc.subcore_barrier()
        pltpu.sync_copy(
            acc_sh.at[pl.ds(sid * ROWS_PS, ROWS_PS)],
            out_hbm.at[pl.ds(cid * N_PAD + sid * ROWS_PS, ROWS_PS)],
        )


def _mm1_body(x_ref, w_ref, deg_ref, oa_ref, ob_ref):
    dinv = lax.rsqrt(deg_ref[:, 0:1] + 1.0)
    h = jnp.dot(x_ref[...], w_ref[...], preferred_element_type=jnp.float32)
    hs = h * dinv
    oa_ref[...] = hs[:, :COLS]
    ob_ref[...] = hs[:, COLS:]


def _mm1(xp, W1, deg):
    return pl.pallas_call(
        _mm1_body,
        grid=(NB, NCORES),
        in_specs=[
            pl.BlockSpec((BN, D_IN), lambda i, j: (i, 0)),
            pl.BlockSpec((D_IN, 128), lambda i, j: (0, j)),
            pl.BlockSpec((BN, 16), lambda i, j: (i, 0)),
        ],
        out_specs=[
            pl.BlockSpec((BN, COLS), lambda i, j: (j * NB + i, 0)),
            pl.BlockSpec((BN, COLS), lambda i, j: (j * NB + i, 0)),
        ],
        out_shape=[
            jax.ShapeDtypeStruct((NCORES * N_PAD, COLS), jnp.float32),
            jax.ShapeDtypeStruct((NCORES * N_PAD, COLS), jnp.float32),
        ],
    )(xp, W1, deg)


def _mm2_body(a0_ref, b0_ref, a1_ref, b1_ref, deg_ref, bias_ref, w_ref,
              oa_ref, ob_ref):
    dinv = lax.rsqrt(deg_ref[:, 0:1] + 1.0)
    bias = bias_ref[...]
    h = jnp.dot(jnp.maximum(a0_ref[...] * dinv + bias[0], 0.0),
                w_ref[0:64, :], preferred_element_type=jnp.float32)
    h += jnp.dot(jnp.maximum(b0_ref[...] * dinv + bias[1], 0.0),
                 w_ref[64:128, :], preferred_element_type=jnp.float32)
    h += jnp.dot(jnp.maximum(a1_ref[...] * dinv + bias[2], 0.0),
                 w_ref[128:192, :], preferred_element_type=jnp.float32)
    h += jnp.dot(jnp.maximum(b1_ref[...] * dinv + bias[3], 0.0),
                 w_ref[192:256, :], preferred_element_type=jnp.float32)
    hs = h * dinv
    oa_ref[...] = hs[:, :COLS]
    ob_ref[...] = hs[:, COLS:]


def _mm2(aggA, aggB, deg, b1r, W2):
    return pl.pallas_call(
        _mm2_body,
        grid=(NB, NCORES),
        in_specs=[
            pl.BlockSpec((BN, COLS), lambda i, j: (i, 0)),
            pl.BlockSpec((BN, COLS), lambda i, j: (i, 0)),
            pl.BlockSpec((BN, COLS), lambda i, j: (NB + i, 0)),
            pl.BlockSpec((BN, COLS), lambda i, j: (NB + i, 0)),
            pl.BlockSpec((BN, 16), lambda i, j: (i, 0)),
            pl.BlockSpec((4, 1, COLS), lambda i, j: (0, 0, 0)),
            pl.BlockSpec((D_H, 128), lambda i, j: (0, j)),
        ],
        out_specs=[
            pl.BlockSpec((BN, COLS), lambda i, j: (j * NB + i, 0)),
            pl.BlockSpec((BN, COLS), lambda i, j: (j * NB + i, 0)),
        ],
        out_shape=[
            jax.ShapeDtypeStruct((NCORES * N_PAD, COLS), jnp.float32),
            jax.ShapeDtypeStruct((NCORES * N_PAD, COLS), jnp.float32),
        ],
    )(aggA, aggB, aggA, aggB, deg, b1r, W2)


def _mmc_body(a0_ref, b0_ref, a1_ref, b1_ref, deg_ref, bias_ref, w_ref,
              bc_ref, o_ref):
    dinv = lax.rsqrt(deg_ref[:, 0:1] + 1.0)
    bias = bias_ref[...]
    h = jnp.dot(jnp.maximum(a0_ref[...] * dinv + bias[0], 0.0),
                w_ref[0:64, :], preferred_element_type=jnp.float32)
    h += jnp.dot(jnp.maximum(b0_ref[...] * dinv + bias[1], 0.0),
                 w_ref[64:128, :], preferred_element_type=jnp.float32)
    h += jnp.dot(jnp.maximum(a1_ref[...] * dinv + bias[2], 0.0),
                 w_ref[128:192, :], preferred_element_type=jnp.float32)
    h += jnp.dot(jnp.maximum(b1_ref[...] * dinv + bias[3], 0.0),
                 w_ref[192:256, :], preferred_element_type=jnp.float32)
    o_ref[...] = h + bc_ref[...]


def _mmc(aggA, aggB, deg, b2r, Wc, bcr):
    return pl.pallas_call(
        _mmc_body,
        grid=(NB,),
        in_specs=[
            pl.BlockSpec((BN, COLS), lambda i: (i, 0)),
            pl.BlockSpec((BN, COLS), lambda i: (i, 0)),
            pl.BlockSpec((BN, COLS), lambda i: (NB + i, 0)),
            pl.BlockSpec((BN, COLS), lambda i: (NB + i, 0)),
            pl.BlockSpec((BN, 16), lambda i: (i, 0)),
            pl.BlockSpec((4, 1, COLS), lambda i: (0, 0, 0)),
            pl.BlockSpec((D_H, N_CLASSES), lambda i: (0, 0)),
            pl.BlockSpec((1, N_CLASSES), lambda i: (0, 0)),
        ],
        out_specs=pl.BlockSpec((BN, N_CLASSES), lambda i: (i, 0)),
        out_shape=jax.ShapeDtypeStruct((N_PAD, N_CLASSES), jnp.float32),
    )(aggA, aggB, aggA, aggB, deg, b2r, Wc, bcr)


def kernel(x, edge_index, W1, b1, W2, b2, Wc, bc):
    xp = jnp.zeros((N_PAD, D_IN), jnp.float32).at[:N].set(x)

    src = jnp.concatenate(
        [edge_index[0], jnp.full((E_PAD - E,), PAD_NODE, jnp.int32)])
    dst = jnp.concatenate(
        [edge_index[1], jnp.full((E_PAD - E,), PAD_NODE, jnp.int32)])
    dst_l = jnp.concatenate(
        [dst.reshape(NSUB, NG, CHUNK),
         jnp.full((NSUB, GI, CHUNK), PAD_NODE, jnp.int32)], axis=1)
    src_l = jnp.concatenate(
        [src.reshape(NSUB, NG, CHUNK),
         jnp.full((NSUB, 2, CHUNK), PAD_NODE, jnp.int32)], axis=1)

    ones_c = jnp.ones((CHUNK, 16), jnp.float32)
    zeros_c = jnp.zeros((ROWS_PS, 16), jnp.float32)

    deg = _deg_kernel(dst_l, ones_c, zeros_c)

    hs1A, hs1B = _mm1(xp, W1, deg)
    agg1A, agg1B = _agg_kernel(hs1A, hs1B, src_l, dst_l)

    b1r = b1.reshape(4, 1, COLS)
    hs2A, hs2B = _mm2(agg1A, agg1B, deg, b1r, W2)
    agg2A, agg2B = _agg_kernel(hs2A, hs2B, src_l, dst_l)

    b2r = b2.reshape(4, 1, COLS)
    logits = _mmc(agg2A, agg2B, deg, b2r, Wc, bc.reshape(1, N_CLASSES))
    return logits[:N]

# --- scband reference (transcript-rebuilt; emitter-appended) ---
"""Pipeline reference for scband-simple-gcn-51445118271859 (READ-ONLY COPY).

The authoritative reference and input builder live on the scoring server;
editing this copy changes nothing except your own understanding.
"""

import jax, jax.numpy as jnp
import numpy as np

N = 10000
E = 320000
D_IN = 128
D_H = 256
N_CLASSES = 32


def setup_inputs(seed: int = 0) -> dict:
    key = jax.random.key(seed)
    ks = jax.random.split(key, 8)
    x = jax.random.normal(ks[0], (N, D_IN), dtype=jnp.float32)
    edge_index = jax.random.randint(ks[1], (2, E), 0, N, dtype=jnp.int32)
    W1 = jax.random.normal(ks[2], (D_IN, D_H), dtype=jnp.float32) * (1.0 / np.sqrt(D_IN))
    b1 = jnp.zeros((D_H,), dtype=jnp.float32)
    W2 = jax.random.normal(ks[3], (D_H, D_H), dtype=jnp.float32) * (1.0 / np.sqrt(D_H))
    b2 = jnp.zeros((D_H,), dtype=jnp.float32)
    Wc = jax.random.normal(ks[4], (D_H, N_CLASSES), dtype=jnp.float32) * (1.0 / np.sqrt(D_H))
    bc = jnp.zeros((N_CLASSES,), dtype=jnp.float32)
    return {"x": x, "edge_index": edge_index, "W1": W1, "b1": b1, "W2": W2, "b2": b2, "Wc": Wc, "bc": bc}


def _gcn_conv(x, edge_index, W, b):
    # torch_geometric GCNConv: add self-loops, symmetric normalization, transform, scatter-add
    num_nodes = x.shape[0]
    loops = jnp.arange(num_nodes, dtype=edge_index.dtype)
    src = jnp.concatenate([edge_index[0], loops])
    dst = jnp.concatenate([edge_index[1], loops])
    deg = jax.ops.segment_sum(jnp.ones_like(src, dtype=x.dtype), dst, num_segments=num_nodes)
    dinv = jnp.where(deg > 0, jax.lax.rsqrt(jnp.maximum(deg, 1e-12)), 0.0)
    norm = jnp.take(dinv, src) * jnp.take(dinv, dst)
    h = x @ W
    msg = jnp.take(h, src, axis=0) * norm[:, None]
    out = jax.ops.segment_sum(msg, dst, num_segments=num_nodes)
    return out + b


def reference(x, edge_index, W1, b1, W2, b2, Wc, bc):
    # dropout is a no-op in eval mode
    h = jax.nn.relu(_gcn_conv(x, edge_index, W1, b1))
    h = jax.nn.relu(_gcn_conv(h, edge_index, W2, b2))
    return h @ Wc + bc

if __name__ == "__main__":
    import jax
    _d = setup_inputs()
    print(jax.jit(kernel)(*tuple(_d.values())))

</pallas_src>

<mosaic_0001>
#map = affine_map<(d0, d1) -> (0, 0, 0)>
#map1 = affine_map<(d0, d1) -> (0, 0)>
module attributes {stable_mosaic.version = 14 : i64} {
  func.func @_deg_kernel(%arg0: i32, %arg1: i32, %arg2: memref<16x168x128xi32, #tpu.memory_space<hbm>>, %arg3: memref<128x16xf32, #tpu.memory_space<hbm>>, %arg4: memref<640x16xf32, #tpu.memory_space<hbm>>, %arg5: memref<20480x16xf32, #tpu.memory_space<hbm>>, %arg6: memref<160x128xi32, #tpu.memory_space<vmem>>, %arg7: memref<128x16xf32, #tpu.memory_space<vmem>>, %arg8: memref<10240x16xf32, #tpu.memory_space<vmem_shared>>) attributes {dimension_semantics = [#tpu.dimension_semantics<core_parallel>, #tpu.dimension_semantics<subcore_parallel>], iteration_bounds = array<i64: 2, 16>, scalar_prefetch = 0 : i64, scratch_operands = 3 : i64, tpu.core_type = #tpu.core_type<sc_vector_subcore>, window_params = [{transform_indices = #map}, {transform_indices = #map1}, {transform_indices = #map1}, {transform_indices = #map1}]} {
    "tpu.region"() ({
      %run_scoped3A = tpu.sem_alloc : memref<!tpu.dma_semaphore, #tpu.memory_space<semaphore_mem>>
      %dma_start3A = arith.constant 0 : i32
      %dma_start3A_13 = arith.constant 0 : i32
      %dma_start3A_14 = tpu.memref_slice %arg2[%arg1, %dma_start3A, %dma_start3A_13] : memref<16x168x128xi32, #tpu.memory_space<hbm>> -> memref<1x160x128xi32, #tpu.memory_space<hbm>>
      %dma_start3A_15 = tpu.memref_squeeze %dma_start3A_14 : memref<1x160x128xi32, #tpu.memory_space<hbm>> -> memref<160x128xi32, #tpu.memory_space<hbm>>
      %dma_start3A_16 = arith.constant 0 : i32
      %dma_start3A_17 = arith.constant 0 : i32
      %dma_start3A_18 = tpu.memref_slice %arg2[%arg1, %dma_start3A_16, %dma_start3A_17] : memref<16x168x128xi32, #tpu.memory_space<hbm>> -> memref<1x160x128xi32, #tpu.memory_space<hbm>>
      %dma_start3A_19 = tpu.memref_squeeze %dma_start3A_18 : memref<1x160x128xi32, #tpu.memory_space<hbm>> -> memref<160x128xi32, #tpu.memory_space<hbm>>
      tpu.enqueue_dma source(%dma_start3A_19 : memref<160x128xi32, #tpu.memory_space<hbm>>) target(%arg6 : memref<160x128xi32, #tpu.memory_space<vmem>>) target_semaphore(%run_scoped3A : memref<!tpu.dma_semaphore, #tpu.memory_space<semaphore_mem>>)
      %dma_wait3A = arith.constant 0 : i32
      %dma_wait3A_20 = arith.constant 0 : i32
      %dma_wait3A_21 = tpu.memref_slice %arg2[%arg1, %dma_wait3A, %dma_wait3A_20] : memref<16x168x128xi32, #tpu.memory_space<hbm>> -> memref<1x160x128xi32, #tpu.memory_space<hbm>>
      %dma_wait3A_22 = tpu.memref_squeeze %dma_wait3A_21 : memref<1x160x128xi32, #tpu.memory_space<hbm>> -> memref<160x128xi32, #tpu.memory_space<hbm>>
      %dma_wait3A_23 = arith.constant 0 : i32
      %dma_wait3A_24 = arith.constant 0 : i32
      %dma_wait3A_25 = tpu.memref_slice %arg2[%arg1, %dma_wait3A_23, %dma_wait3A_24] : memref<16x168x128xi32, #tpu.memory_space<hbm>> -> memref<1x160x128xi32, #tpu.memory_space<hbm>>
      %dma_wait3A_26 = tpu.memref_squeeze %dma_wait3A_25 : memref<1x160x128xi32, #tpu.memory_space<hbm>> -> memref<160x128xi32, #tpu.memory_space<hbm>>
      tpu.wait_dma2 semaphore(%run_scoped3A : memref<!tpu.dma_semaphore, #tpu.memory_space<semaphore_mem>>) src(%dma_wait3A_26 : memref<160x128xi32, #tpu.memory_space<hbm>>) dst(%arg6 : memref<160x128xi32, #tpu.memory_space<vmem>>)
      tpu.yield
    }) : () -> ()
    "tpu.region"() ({
      %run_scoped3A = tpu.sem_alloc : memref<!tpu.dma_semaphore, #tpu.memory_space<semaphore_mem>>
      tpu.enqueue_dma source(%arg3 : memref<128x16xf32, #tpu.memory_space<hbm>>) target(%arg7 : memref<128x16xf32, #tpu.memory_space<vmem>>) target_semaphore(%run_scoped3A : memref<!tpu.dma_semaphore, #tpu.memory_space<semaphore_mem>>)
      tpu.wait_dma2 semaphore(%run_scoped3A : memref<!tpu.dma_semaphore, #tpu.memory_space<semaphore_mem>>) src(%arg3 : memref<128x16xf32, #tpu.memory_space<hbm>>) dst(%arg7 : memref<128x16xf32, #tpu.memory_space<vmem>>)
      tpu.yield
    }) : () -> ()
    %mul3A = arith.constant 640 : i32
    %mul3A_0 = arith.muli %arg1, %mul3A : i32
    "tpu.region"() ({
      %run_scoped3A = tpu.sem_alloc : memref<!tpu.dma_semaphore, #tpu.memory_space<semaphore_mem>>
      %dma_start3A = arith.constant 0 : i32
      %dma_start3A_13 = tpu.memref_slice %arg8[%mul3A_0, %dma_start3A] : memref<10240x16xf32, #tpu.memory_space<vmem_shared>> -> memref<640x16xf32, #tpu.memory_space<vmem_shared>>
      tpu.enqueue_dma source(%arg4 : memref<640x16xf32, #tpu.memory_space<hbm>>) target(%dma_start3A_13 : memref<640x16xf32, #tpu.memory_space<vmem_shared>>) target_semaphore(%run_scoped3A : memref<!tpu.dma_semaphore, #tpu.memory_space<semaphore_mem>>)
      %dma_wait3A = arith.constant 0 : i32
      %dma_wait3A_14 = tpu.memref_slice %arg8[%mul3A_0, %dma_wait3A] : memref<10240x16xf32, #tpu.memory_space<vmem_shared>> -> memref<640x16xf32, #tpu.memory_space<vmem_shared>>
      tpu.wait_dma2 semaphore(%run_scoped3A : memref<!tpu.dma_semaphore, #tpu.memory_space<semaphore_mem>>) src(%arg4 : memref<640x16xf32, #tpu.memory_space<hbm>>) dst(%dma_wait3A_14 : memref<640x16xf32, #tpu.memory_space<vmem_shared>>)
      tpu.yield
    }) : () -> ()
    %barrier3A = arith.constant 0 : index
    tpu.barrier barrier_id(%barrier3A)
    %scan3A = arith.constant 0 : i32
    %scan3A_1 = arith.constant 0 : i32
    %scan3A_2 = arith.constant 160 : i32
    %scan3A_3 = arith.addi %scan3A_1, %scan3A_2 : i32
    %scan3A_4 = arith.constant 1 : i32
    scf.for %scan3A_13 = %scan3A_1 to %scan3A_3 step %scan3A_4  : i32 {
      "tpu.region"() ({
        %run_scoped3A = tpu.sem_alloc : memref<!tpu.dma_semaphore, #tpu.memory_space<semaphore_mem>>
        %dma_start3A = arith.constant 0 : i32
        %dma_start3A_14 = tpu.memref_slice %arg6[%scan3A_13, %dma_start3A] : memref<160x128xi32, #tpu.memory_space<vmem>> -> memref<1x128xi32, #tpu.memory_space<vmem>>
        %dma_start3A_15 = tpu.memref_squeeze %dma_start3A_14 : memref<1x128xi32, #tpu.memory_space<vmem>> -> memref<128xi32, #tpu.memory_space<vmem>>
        %dma_start3A_16 = arith.constant 0 : i32
        %dma_start3A_17 = arith.constant 0 : i32
        %dma_start3A_18 = tpu.memref_slice %arg8[%dma_start3A_16, %dma_start3A_17] : memref<10240x16xf32, #tpu.memory_space<vmem_shared>> -> memref<10240x16xf32, #tpu.memory_space<vmem_shared>>
        tpu.enqueue_indirect_dma source(%arg7 : memref<128x16xf32, #tpu.memory_space<vmem>>) target(%dma_start3A_18 : memref<10240x16xf32, #tpu.memory_space<vmem_shared>>) offsets(%dma_start3A_15 : memref<128xi32, #tpu.memory_space<vmem>>) semaphore(%run_scoped3A : memref<!tpu.dma_semaphore, #tpu.memory_space<semaphore_mem>>) {add = true}
        %dma_wait3A = arith.constant 0 : i32
        %dma_wait3A_19 = tpu.memref_slice %arg6[%scan3A_13, %dma_wait3A] : memref<160x128xi32, #tpu.memory_space<vmem>> -> memref<1x128xi32, #tpu.memory_space<vmem>>
        %dma_wait3A_20 = tpu.memref_squeeze %dma_wait3A_19 : memref<1x128xi32, #tpu.memory_space<vmem>> -> memref<128xi32, #tpu.memory_space<vmem>>
        %dma_wait3A_21 = arith.constant 0 : i32
        %dma_wait3A_22 = arith.constant 0 : i32
        %dma_wait3A_23 = tpu.memref_slice %arg8[%dma_wait3A_21, %dma_wait3A_22] : memref<10240x16xf32, #tpu.memory_space<vmem_shared>> -> memref<10240x16xf32, #tpu.memory_space<vmem_shared>>
        tpu.wait_indirect_dma semaphore(%run_scoped3A : memref<!tpu.dma_semaphore, #tpu.memory_space<semaphore_mem>>) src(%arg7 : memref<128x16xf32, #tpu.memory_space<vmem>>) dst(%dma_wait3A_23 : memref<10240x16xf32, #tpu.memory_space<vmem_shared>>)
        tpu.yield
      }) : () -> ()
    }
    %scan3A_5 = arith.constant 160 : i32
    %barrier3A_6 = arith.constant 0 : index
    tpu.barrier barrier_id(%barrier3A_6)
    %mul3A_7 = arith.constant 640 : i32
    %mul3A_8 = arith.muli %arg1, %mul3A_7 : i32
    %mul3A_9 = arith.constant 10240 : i32
    %mul3A_10 = arith.muli %arg0, %mul3A_9 : i32
    %mul3A_11 = arith.constant 640 : i32
    %mul3A_12 = arith.muli %arg1, %mul3A_11 : i32
    %add3A = arith.addi %mul3A_10, %mul3A_12 : i32
    "tpu.region"() ({
      %run_scoped3A = tpu.sem_alloc : memref<!tpu.dma_semaphore, #tpu.memory_space<semaphore_mem>>
      %dma_start3A = arith.constant 0 : i32
      %dma_start3A_13 = tpu.memref_slice %arg5[%add3A, %dma_start3A] : memref<20480x16xf32, #tpu.memory_space<hbm>> -> memref<640x16xf32, #tpu.memory_space<hbm>>
      %dma_start3A_14 = arith.constant 0 : i32
      %dma_start3A_15 = tpu.memref_slice %arg8[%mul3A_8, %dma_start3A_14] : memref<10240x16xf32, #tpu.memory_space<vmem_shared>> -> memref<640x16xf32, #tpu.memory_space<vmem_shared>>
      tpu.enqueue_dma source(%dma_start3A_15 : memref<640x16xf32, #tpu.memory_space<vmem_shared>>) target(%dma_start3A_13 : memref<640x16xf32, #tpu.memory_space<hbm>>) target_semaphore(%run_scoped3A : memref<!tpu.dma_semaphore, #tpu.memory_space<semaphore_mem>>)
      %dma_wait3A = arith.constant 0 : i32
      %dma_wait3A_16 = tpu.memref_slice %arg5[%add3A, %dma_wait3A] : memref<20480x16xf32, #tpu.memory_space<hbm>> -> memref<640x16xf32, #tpu.memory_space<hbm>>
      %dma_wait3A_17 = arith.constant 0 : i32
      %dma_wait3A_18 = tpu.memref_slice %arg8[%mul3A_8, %dma_wait3A_17] : memref<10240x16xf32, #tpu.memory_space<vmem_shared>> -> memref<640x16xf32, #tpu.memory_space<vmem_shared>>
      tpu.wait_dma2 semaphore(%run_scoped3A : memref<!tpu.dma_semaphore, #tpu.memory_space<semaphore_mem>>) src(%dma_wait3A_18 : memref<640x16xf32, #tpu.memory_space<vmem_shared>>) dst(%dma_wait3A_16 : memref<640x16xf32, #tpu.memory_space<hbm>>)
      tpu.yield
    }) : () -> ()
    return
  }
}

#map = affine_map<(d0, d1) -> (0, 0)>
#map1 = affine_map<(d0, d1) -> (0, 0, 0)>
module attributes {stable_mosaic.version = 14 : i64} {
  func.func @_agg_kernel(%arg0: i32, %arg1: i32, %arg2: memref<20480x64xf32, #tpu.memory_space<hbm>>, %arg3: memref<20480x64xf32, #tpu.memory_space<hbm>>, %arg4: memref<16x162x128xi32, #tpu.memory_space<hbm>>, %arg5: memref<16x168x128xi32, #tpu.memory_space<hbm>>, %arg6: memref<20480x64xf32, #tpu.memory_space<hbm>>, %arg7: memref<20480x64xf32, #tpu.memory_space<hbm>>, %arg8: memref<162x128xi32, #tpu.memory_space<vmem>>, %arg9: memref<16x128xi32, #tpu.memory_space<vmem>>, %arg10: memref<128x64xf32, #tpu.memory_space<vmem>>, %arg11: memref<128x64xf32, #tpu.memory_space<vmem>>, %arg12: memref<10240x64xf32, #tpu.memory_space<vmem_shared>>, %arg13: memref<10240x64xf32, #tpu.memory_space<vmem_shared>>, %arg14: memref<!tpu.dma_semaphore, #tpu.memory_space<semaphore_mem>>, %arg15: memref<!tpu.dma_semaphore, #tpu.memory_space<semaphore_mem>>, %arg16: memref<!tpu.dma_semaphore, #tpu.memory_space<semaphore_mem>>, %arg17: memref<!tpu.dma_semaphore, #tpu.memory_space<semaphore_mem>>, %arg18: memref<!tpu.dma_semaphore, #tpu.memory_space<semaphore_mem>>) attributes {dimension_semantics = [#tpu.dimension_semantics<core_parallel>, #tpu.dimension_semantics<subcore_parallel>], iteration_bounds = array<i64: 2, 16>, scalar_prefetch = 0 : i64, scratch_operands = 11 : i64, tpu.core_type = #tpu.core_type<sc_vector_subcore>, window_params = [{transform_indices = #map}, {transform_indices = #map}, {transform_indices = #map1}, {transform_indices = #map1}, {transform_indices = #map}, {transform_indices = #map}]} {
    "tpu.region"() ({
      %run_scoped3A = tpu.sem_alloc : memref<!tpu.dma_semaphore, #tpu.memory_space<semaphore_mem>>
      %dma_start3A_108 = arith.constant 0 : i32
      %dma_start3A_109 = arith.constant 0 : i32
      %dma_start3A_110 = tpu.memref_slice %arg4[%arg1, %dma_start3A_108, %dma_start3A_109] : memref<16x162x128xi32, #tpu.memory_space<hbm>> -> memref<1x162x128xi32, #tpu.memory_space<hbm>>
      %dma_start3A_111 = tpu.memref_squeeze %dma_start3A_110 : memref<1x162x128xi32, #tpu.memory_space<hbm>> -> memref<162x128xi32, #tpu.memory_space<hbm>>
      %dma_start3A_112 = arith.constant 0 : i32
      %dma_start3A_113 = arith.constant 0 : i32
      %dma_start3A_114 = tpu.memref_slice %arg4[%arg1, %dma_start3A_112, %dma_start3A_113] : memref<16x162x128xi32, #tpu.memory_space<hbm>> -> memref<1x162x128xi32, #tpu.memory_space<hbm>>
      %dma_start3A_115 = tpu.memref_squeeze %dma_start3A_114 : memref<1x162x128xi32, #tpu.memory_space<hbm>> -> memref<162x128xi32, #tpu.memory_space<hbm>>
      tpu.enqueue_dma source(%dma_start3A_115 : memref<162x128xi32, #tpu.memory_space<hbm>>) target(%arg8 : memref<162x128xi32, #tpu.memory_space<vmem>>) target_semaphore(%run_scoped3A : memref<!tpu.dma_semaphore, #tpu.memory_space<semaphore_mem>>)
      %dma_wait3A_116 = arith.constant 0 : i32
      %dma_wait3A_117 = arith.constant 0 : i32
      %dma_wait3A_118 = tpu.memref_slice %arg4[%arg1, %dma_wait3A_116, %dma_wait3A_117] : memref<16x162x128xi32, #tpu.memory_space<hbm>> -> memref<1x162x128xi32, #tpu.memory_space<hbm>>
      %dma_wait3A_119 = tpu.memref_squeeze %dma_wait3A_118 : memref<1x162x128xi32, #tpu.memory_space<hbm>> -> memref<162x128xi32, #tpu.memory_space<hbm>>
      %dma_wait3A_120 = arith.constant 0 : i32
      %dma_wait3A_121 = arith.constant 0 : i32
      %dma_wait3A_122 = tpu.memref_slice %arg4[%arg1, %dma_wait3A_120, %dma_wait3A_121] : memref<16x162x128xi32, #tpu.memory_space<hbm>> -> memref<1x162x128xi32, #tpu.memory_space<hbm>>
      %dma_wait3A_123 = tpu.memref_squeeze %dma_wait3A_122 : memref<1x162x128xi32, #tpu.memory_space<hbm>> -> memref<162x128xi32, #tpu.memory_space<hbm>>
      tpu.wait_dma2 semaphore(%run_scoped3A : memref<!tpu.dma_semaphore, #tpu.memory_space<semaphore_mem>>) src(%dma_wait3A_123 : memref<162x128xi32, #tpu.memory_space<hbm>>) dst(%arg8 : memref<162x128xi32, #tpu.memory_space<vmem>>)
      tpu.yield
    }) : () -> ()
    "tpu.region"() ({
      %run_scoped3A = tpu.sem_alloc : memref<!tpu.dma_semaphore, #tpu.memory_space<semaphore_mem>>
      %dma_start3A_108 = arith.constant 0 : i32
      %dma_start3A_109 = arith.constant 0 : i32
      %dma_start3A_110 = tpu.memref_slice %arg9[%dma_start3A_108, %dma_start3A_109] : memref<16x128xi32, #tpu.memory_space<vmem>> -> memref<8x128xi32, #tpu.memory_space<vmem>>
      %dma_start3A_111 = arith.constant 0 : i32
      %dma_start3A_112 = arith.constant 0 : i32
      %dma_start3A_113 = tpu.memref_slice %arg5[%arg1, %dma_start3A_111, %dma_start3A_112] : memref<16x168x128xi32, #tpu.memory_space<hbm>> -> memref<1x8x128xi32, #tpu.memory_space<hbm>>
      %dma_start3A_114 = tpu.memref_squeeze %dma_start3A_113 : memref<1x8x128xi32, #tpu.memory_space<hbm>> -> memref<8x128xi32, #tpu.memory_space<hbm>>
      %dma_start3A_115 = arith.constant 0 : i32
      %dma_start3A_116 = arith.constant 0 : i32
      %dma_start3A_117 = tpu.memref_slice %arg9[%dma_start3A_115, %dma_start3A_116] : memref<16x128xi32, #tpu.memory_space<vmem>> -> memref<8x128xi32, #tpu.memory_space<vmem>>
      %dma_start3A_118 = arith.constant 0 : i32
      %dma_start3A_119 = arith.constant 0 : i32
      %dma_start3A_120 = tpu.memref_slice %arg5[%arg1, %dma_start3A_118, %dma_start3A_119] : memref<16x168x128xi32, #tpu.memory_space<hbm>> -> memref<1x8x128xi32, #tpu.memory_space<hbm>>
      %dma_start3A_121 = tpu.memref_squeeze %dma_start3A_120 : memref<1x8x128xi32, #tpu.memory_space<hbm>> -> memref<8x128xi32, #tpu.memory_space<hbm>>
      tpu.enqueue_dma source(%dma_start3A_121 : memref<8x128xi32, #tpu.memory_space<hbm>>) target(%dma_start3A_117 : memref<8x128xi32, #tpu.memory_space<vmem>>) target_semaphore(%run_scoped3A : memref<!tpu.dma_semaphore, #tpu.memory_space<semaphore_mem>>)
      %dma_wait3A_122 = arith.constant 0 : i32
      %dma_wait3A_123 = arith.constant 0 : i32
      %dma_wait3A_124 = tpu.memref_slice %arg9[%dma_wait3A_122, %dma_wait3A_123] : memref<16x128xi32, #tpu.memory_space<vmem>> -> memref<8x128xi32, #tpu.memory_space<vmem>>
      %dma_wait3A_125 = arith.constant 0 : i32
      %dma_wait3A_126 = arith.constant 0 : i32
      %dma_wait3A_127 = tpu.memref_slice %arg5[%arg1, %dma_wait3A_125, %dma_wait3A_126] : memref<16x168x128xi32, #tpu.memory_space<hbm>> -> memref<1x8x128xi32, #tpu.memory_space<hbm>>
      %dma_wait3A_128 = tpu.memref_squeeze %dma_wait3A_127 : memref<1x8x128xi32, #tpu.memory_space<hbm>> -> memref<8x128xi32, #tpu.memory_space<hbm>>
      %dma_wait3A_129 = arith.constant 0 : i32
      %dma_wait3A_130 = arith.constant 0 : i32
      %dma_wait3A_131 = tpu.memref_slice %arg9[%dma_wait3A_129, %dma_wait3A_130] : memref<16x128xi32, #tpu.memory_space<vmem>> -> memref<8x128xi32, #tpu.memory_space<vmem>>
      %dma_wait3A_132 = arith.constant 0 : i32
      %dma_wait3A_133 = arith.constant 0 : i32
      %dma_wait3A_134 = tpu.memref_slice %arg5[%arg1, %dma_wait3A_132, %dma_wait3A_133] : memref<16x168x128xi32, #tpu.memory_space<hbm>> -> memref<1x8x128xi32, #tpu.memory_space<hbm>>
      %dma_wait3A_135 = tpu.memref_squeeze %dma_wait3A_134 : memref<1x8x128xi32, #tpu.memory_space<hbm>> -> memref<8x128xi32, #tpu.memory_space<hbm>>
      tpu.wait_dma2 semaphore(%run_scoped3A : memref<!tpu.dma_semaphore, #tpu.memory_space<semaphore_mem>>) src(%dma_wait3A_135 : memref<8x128xi32, #tpu.memory_space<hbm>>) dst(%dma_wait3A_131 : memref<8x128xi32, #tpu.memory_space<vmem>>)
      tpu.yield
    }) : () -> ()
    %mul3A = arith.constant 10240 : i32
    %mul3A_0 = arith.muli %arg0, %mul3A : i32
    %mul3A_1 = arith.constant 640 : i32
    %mul3A_2 = arith.muli %arg1, %mul3A_1 : i32
    %add3A = arith.addi %mul3A_0, %mul3A_2 : i32
    %mul3A_3 = arith.constant 640 : i32
    %mul3A_4 = arith.muli %arg1, %mul3A_3 : i32
    "tpu.region"() ({
      %run_scoped3A = tpu.sem_alloc : memref<!tpu.dma_semaphore, #tpu.memory_space<semaphore_mem>>
      %dma_start3A_108 = arith.constant 0 : i32
      %dma_start3A_109 = tpu.memref_slice %arg12[%mul3A_4, %dma_start3A_108] : memref<10240x64xf32, #tpu.memory_space<vmem_shared>> -> memref<640x64xf32, #tpu.memory_space<vmem_shared>>
      %dma_start3A_110 = arith.constant 0 : i32
      %dma_start3A_111 = tpu.memref_slice %arg2[%add3A, %dma_start3A_110] : memref<20480x64xf32, #tpu.memory_space<hbm>> -> memref<640x64xf32, #tpu.memory_space<hbm>>
      tpu.enqueue_dma source(%dma_start3A_111 : memref<640x64xf32, #tpu.memory_space<hbm>>) target(%dma_start3A_109 : memref<640x64xf32, #tpu.memory_space<vmem_shared>>) target_semaphore(%run_scoped3A : memref<!tpu.dma_semaphore, #tpu.memory_space<semaphore_mem>>)
      %dma_wait3A_112 = arith.constant 0 : i32
      %dma_wait3A_113 = tpu.memref_slice %arg12[%mul3A_4, %dma_wait3A_112] : memref<10240x64xf32, #tpu.memory_space<vmem_shared>> -> memref<640x64xf32, #tpu.memory_space<vmem_shared>>
      %dma_wait3A_114 = arith.constant 0 : i32
      %dma_wait3A_115 = tpu.memref_slice %arg2[%add3A, %dma_wait3A_114] : memref<20480x64xf32, #tpu.memory_space<hbm>> -> memref<640x64xf32, #tpu.memory_space<hbm>>
      tpu.wait_dma2 semaphore(%run_scoped3A : memref<!tpu.dma_semaphore, #tpu.memory_space<semaphore_mem>>) src(%dma_wait3A_115 : memref<640x64xf32, #tpu.memory_space<hbm>>) dst(%dma_wait3A_113 : memref<640x64xf32, #tpu.memory_space<vmem_shared>>)
      tpu.yield
    }) : () -> ()
    %mul3A_5 = arith.constant 10240 : i32
    %mul3A_6 = arith.muli %arg0, %mul3A_5 : i32
    %mul3A_7 = arith.constant 640 : i32
    %mul3A_8 = arith.muli %arg1, %mul3A_7 : i32
    %add3A_9 = arith.addi %mul3A_6, %mul3A_8 : i32
    %mul3A_10 = arith.constant 640 : i32
    %mul3A_11 = arith.muli %arg1, %mul3A_10 : i32
    "tpu.region"() ({
      %run_scoped3A = tpu.sem_alloc : memref<!tpu.dma_semaphore, #tpu.memory_space<semaphore_mem>>
      %dma_start3A_108 = arith.constant 0 : i32
      %dma_start3A_109 = tpu.memref_slice %arg13[%mul3A_11, %dma_start3A_108] : memref<10240x64xf32, #tpu.memory_space<vmem_shared>> -> memref<640x64xf32, #tpu.memory_space<vmem_shared>>
      %dma_start3A_110 = arith.constant 0 : i32
      %dma_start3A_111 = tpu.memref_slice %arg2[%add3A_9, %dma_start3A_110] : memref<20480x64xf32, #tpu.memory_space<hbm>> -> memref<640x64xf32, #tpu.memory_space<hbm>>
      tpu.enqueue_dma source(%dma_start3A_111 : memref<640x64xf32, #tpu.memory_space<hbm>>) target(%dma_start3A_109 : memref<640x64xf32, #tpu.memory_space<vmem_shared>>) target_semaphore(%run_scoped3A : memref<!tpu.dma_semaphore, #tpu.memory_space<semaphore_mem>>)
      %dma_wait3A_112 = arith.constant 0 : i32
      %dma_wait3A_113 = tpu.memref_slice %arg13[%mul3A_11, %dma_wait3A_112] : memref<10240x64xf32, #tpu.memory_space<vmem_shared>> -> memref<640x64xf32, #tpu.memory_space<vmem_shared>>
      %dma_wait3A_114 = arith.constant 0 : i32
      %dma_wait3A_115 = tpu.memref_slice %arg2[%add3A_9, %dma_wait3A_114] : memref<20480x64xf32, #tpu.memory_space<hbm>> -> memref<640x64xf32, #tpu.memory_space<hbm>>
      tpu.wait_dma2 semaphore(%run_scoped3A : memref<!tpu.dma_semaphore, #tpu.memory_space<semaphore_mem>>) src(%dma_wait3A_115 : memref<640x64xf32, #tpu.memory_space<hbm>>) dst(%dma_wait3A_113 : memref<640x64xf32, #tpu.memory_space<vmem_shared>>)
      tpu.yield
    }) : () -> ()
    %barrier3A = arith.constant 0 : index
    tpu.barrier barrier_id(%barrier3A)
    %dma_start3A = arith.constant 0 : i32
    %dma_start3A_12 = arith.constant 0 : i32
    %dma_start3A_13 = tpu.memref_slice %arg8[%dma_start3A, %dma_start3A_12] : memref<162x128xi32, #tpu.memory_space<vmem>> -> memref<1x128xi32, #tpu.memory_space<vmem>>
    %dma_start3A_14 = tpu.memref_squeeze %dma_start3A_13 : memref<1x128xi32, #tpu.memory_space<vmem>> -> memref<128xi32, #tpu.memory_space<vmem>>
    %dma_start3A_15 = arith.constant 0 : i32
    %dma_start3A_16 = arith.constant 0 : i32
    %dma_start3A_17 = tpu.memref_slice %arg12[%dma_start3A_15, %dma_start3A_16] : memref<10240x64xf32, #tpu.memory_space<vmem_shared>> -> memref<10240x64xf32, #tpu.memory_space<vmem_shared>>
    tpu.enqueue_indirect_dma source(%dma_start3A_17 : memref<10240x64xf32, #tpu.memory_space<vmem_shared>>) target(%arg10 : memref<128x64xf32, #tpu.memory_space<vmem>>) offsets(%dma_start3A_14 : memref<128xi32, #tpu.memory_space<vmem>>) semaphore(%arg14 : memref<!tpu.dma_semaphore, #tpu.memory_space<semaphore_mem>>)
    %dma_start3A_18 = arith.constant 1 : i32
    %dma_start3A_19 = arith.constant 0 : i32
    %dma_start3A_20 = tpu.memref_slice %arg8[%dma_start3A_18, %dma_start3A_19] : memref<162x128xi32, #tpu.memory_space<vmem>> -> memref<1x128xi32, #tpu.memory_space<vmem>>
    %dma_start3A_21 = tpu.memref_squeeze %dma_start3A_20 : memref<1x128xi32, #tpu.memory_space<vmem>> -> memref<128xi32, #tpu.memory_space<vmem>>
    %dma_start3A_22 = arith.constant 0 : i32
    %dma_start3A_23 = arith.constant 0 : i32
    %dma_start3A_24 = tpu.memref_slice %arg12[%dma_start3A_22, %dma_start3A_23] : memref<10240x64xf32, #tpu.memory_space<vmem_shared>> -> memref<10240x64xf32, #tpu.memory_space<vmem_shared>>
    tpu.enqueue_indirect_dma source(%dma_start3A_24 : memref<10240x64xf32, #tpu.memory_space<vmem_shared>>) target(%arg11 : memref<128x64xf32, #tpu.memory_space<vmem>>) offsets(%dma_start3A_21 : memref<128xi32, #tpu.memory_space<vmem>>) semaphore(%arg15 : memref<!tpu.dma_semaphore, #tpu.memory_space<semaphore_mem>>)
    %scan3A = arith.constant 0 : i32
    %scan3A_25 = arith.constant 0 : i32
    %scan3A_26 = arith.constant 20 : i32
    %scan3A_27 = arith.addi %scan3A_25, %scan3A_26 : i32
    %scan3A_28 = arith.constant 1 : i32
    scf.for %scan3A_108 = %scan3A_25 to %scan3A_27 step %scan3A_28  : i32 {
      %jit3A = arith.constant 2 : i32
      %eq3A = arith.constant 0 : i32
      %eq3A_109 = arith.cmpi eq, %jit3A, %eq3A : i32
      %jit3A_110 = arith.constant 1 : i32
      %select_n3A = arith.select %eq3A_109, %jit3A_110, %jit3A : i32
      %rem3A = arith.remsi %scan3A_108, %select_n3A : i32
      %ne3A = arith.constant 0 : i32
      %ne3A_111 = arith.cmpi ne, %rem3A, %ne3A : i32
      %lt3A = arith.constant 0 : i32
      %lt3A_112 = arith.cmpi slt, %rem3A, %lt3A : i32
      %lt3A_113 = arith.constant 0 : i32
      %lt3A_114 = arith.cmpi slt, %select_n3A, %lt3A_113 : i32
      %ne3A_115 = arith.xori %lt3A_112, %lt3A_114 : i1
      %and3A = arith.andi %ne3A_115, %ne3A_111 : i1
      %add3A_116 = arith.addi %rem3A, %select_n3A : i32
      %select_n3A_117 = arith.select %and3A, %add3A_116, %rem3A : i32
      %mul3A_118 = arith.constant 8 : i32
      %mul3A_119 = arith.muli %select_n3A_117, %mul3A_118 : i32
      %add3A_120 = arith.constant 1 : i32
      %add3A_121 = arith.addi %scan3A_108, %add3A_120 : i32
      %jit3A_122 = arith.constant 2 : i32
      %eq3A_123 = arith.constant 0 : i32
      %eq3A_124 = arith.cmpi eq, %jit3A_122, %eq3A_123 : i32
      %jit3A_125 = arith.constant 1 : i32
      %select_n3A_126 = arith.select %eq3A_124, %jit3A_125, %jit3A_122 : i32
      %rem3A_127 = arith.remsi %add3A_121, %select_n3A_126 : i32
      %ne3A_128 = arith.constant 0 : i32
      %ne3A_129 = arith.cmpi ne, %rem3A_127, %ne3A_128 : i32
      %lt3A_130 = arith.constant 0 : i32
      %lt3A_131 = arith.cmpi slt, %rem3A_127, %lt3A_130 : i32
      %lt3A_132 = arith.constant 0 : i32
      %lt3A_133 = arith.cmpi slt, %select_n3A_126, %lt3A_132 : i32
      %ne3A_134 = arith.xori %lt3A_131, %lt3A_133 : i1
      %and3A_135 = arith.andi %ne3A_134, %ne3A_129 : i1
      %add3A_136 = arith.addi %rem3A_127, %select_n3A_126 : i32
      %select_n3A_137 = arith.select %and3A_135, %add3A_136, %rem3A_127 : i32
      %mul3A_138 = arith.constant 8 : i32
      %mul3A_139 = arith.muli %select_n3A_137, %mul3A_138 : i32
      %add3A_140 = arith.constant 1 : i32
      %add3A_141 = arith.addi %scan3A_108, %add3A_140 : i32
      %mul3A_142 = arith.constant 8 : i32
      %mul3A_143 = arith.muli %add3A_141, %mul3A_142 : i32
      %dma_start3A_144 = arith.constant 0 : i32
      %dma_start3A_145 = tpu.memref_slice %arg9[%mul3A_139, %dma_start3A_144] : memref<16x128xi32, #tpu.memory_space<vmem>> -> memref<8x128xi32, #tpu.memory_space<vmem>>
      %dma_start3A_146 = arith.constant 0 : i32
      %dma_start3A_147 = tpu.memref_slice %arg5[%arg1, %mul3A_143, %dma_start3A_146] : memref<16x168x128xi32, #tpu.memory_space<hbm>> -> memref<1x8x128xi32, #tpu.memory_space<hbm>>
      %dma_start3A_148 = tpu.memref_squeeze %dma_start3A_147 : memref<1x8x128xi32, #tpu.memory_space<hbm>> -> memref<8x128xi32, #tpu.memory_space<hbm>>
      %dma_start3A_149 = arith.constant 0 : i32
      %dma_start3A_150 = tpu.memref_slice %arg9[%mul3A_139, %dma_start3A_149] : memref<16x128xi32, #tpu.memory_space<vmem>> -> memref<8x128xi32, #tpu.memory_space<vmem>>
      %dma_start3A_151 = arith.constant 0 : i32
      %dma_start3A_152 = tpu.memref_slice %arg5[%arg1, %mul3A_143, %dma_start3A_151] : memref<16x168x128xi32, #tpu.memory_space<hbm>> -> memref<1x8x128xi32, #tpu.memory_space<hbm>>
      %dma_start3A_153 = tpu.memref_squeeze %dma_start3A_152 : memref<1x8x128xi32, #tpu.memory_space<hbm>> -> memref<8x128xi32, #tpu.memory_space<hbm>>
      tpu.enqueue_dma source(%dma_start3A_153 : memref<8x128xi32, #tpu.memory_space<hbm>>) target(%dma_start3A_150 : memref<8x128xi32, #tpu.memory_space<vmem>>) target_semaphore(%arg18 : memref<!tpu.dma_semaphore, #tpu.memory_space<semaphore_mem>>)
      %mul3A_154 = arith.constant 8 : i32
      %mul3A_155 = arith.muli %scan3A_108, %mul3A_154 : i32
      %add3A_156 = arith.constant 0 : i32
      %add3A_157 = arith.addi %mul3A_155, %add3A_156 : i32
      %dma_wait3A_158 = arith.constant 0 : i32
      %dma_wait3A_159 = tpu.memref_slice %arg8[%add3A_157, %dma_wait3A_158] : memref<162x128xi32, #tpu.memory_space<vmem>> -> memref<1x128xi32, #tpu.memory_space<vmem>>
      %dma_wait3A_160 = tpu.memref_squeeze %dma_wait3A_159 : memref<1x128xi32, #tpu.memory_space<vmem>> -> memref<128xi32, #tpu.memory_space<vmem>>
      %dma_wait3A_161 = arith.constant 0 : i32
      %dma_wait3A_162 = arith.constant 0 : i32
      %dma_wait3A_163 = tpu.memref_slice %arg12[%dma_wait3A_161, %dma_wait3A_162] : memref<10240x64xf32, #tpu.memory_space<vmem_shared>> -> memref<10240x64xf32, #tpu.memory_space<vmem_shared>>
      tpu.wait_indirect_dma semaphore(%arg14 : memref<!tpu.dma_semaphore, #tpu.memory_space<semaphore_mem>>) src(%dma_wait3A_163 : memref<10240x64xf32, #tpu.memory_space<vmem_shared>>) dst(%arg10 : memref<128x64xf32, #tpu.memory_space<vmem>>)
      %add3A_164 = arith.constant 0 : i32
      %add3A_165 = arith.addi %mul3A_119, %add3A_164 : i32
      %dma_start3A_166 = arith.constant 0 : i32
      %dma_start3A_167 = tpu.memref_slice %arg9[%add3A_165, %dma_start3A_166] : memref<16x128xi32, #tpu.memory_space<vmem>> -> memref<1x128xi32, #tpu.memory_space<vmem>>
      %dma_start3A_168 = tpu.memref_squeeze %dma_start3A_167 : memref<1x128xi32, #tpu.memory_space<vmem>> -> memref<128xi32, #tpu.memory_space<vmem>>
      %dma_start3A_169 = arith.constant 0 : i32
      %dma_start3A_170 = arith.constant 0 : i32
      %dma_start3A_171 = tpu.memref_slice %arg13[%dma_start3A_169, %dma_start3A_170] : memref<10240x64xf32, #tpu.memory_space<vmem_shared>> -> memref<10240x64xf32, #tpu.memory_space<vmem_shared>>
      tpu.enqueue_indirect_dma source(%arg10 : memref<128x64xf32, #tpu.memory_space<vmem>>) target(%dma_start3A_171 : memref<10240x64xf32, #tpu.memory_space<vmem_shared>>) offsets(%dma_start3A_168 : memref<128xi32, #tpu.memory_space<vmem>>) semaphore(%arg16 : memref<!tpu.dma_semaphore, #tpu.memory_space<semaphore_mem>>) {add = true}
      %add3A_172 = arith.constant 1 : i32
      %add3A_173 = arith.addi %add3A_157, %add3A_172 : i32
      %dma_wait3A_174 = arith.constant 0 : i32
      %dma_wait3A_175 = tpu.memref_slice %arg8[%add3A_173, %dma_wait3A_174] : memref<162x128xi32, #tpu.memory_space<vmem>> -> memref<1x128xi32, #tpu.memory_space<vmem>>
      %dma_wait3A_176 = tpu.memref_squeeze %dma_wait3A_175 : memref<1x128xi32, #tpu.memory_space<vmem>> -> memref<128xi32, #tpu.memory_space<vmem>>
      %dma_wait3A_177 = arith.constant 0 : i32
      %dma_wait3A_178 = arith.constant 0 : i32
      %dma_wait3A_179 = tpu.memref_slice %arg12[%dma_wait3A_177, %dma_wait3A_178] : memref<10240x64xf32, #tpu.memory_space<vmem_shared>> -> memref<10240x64xf32, #tpu.memory_space<vmem_shared>>
      tpu.wait_indirect_dma semaphore(%arg15 : memref<!tpu.dma_semaphore, #tpu.memory_space<semaphore_mem>>) src(%dma_wait3A_179 : memref<10240x64xf32, #tpu.memory_space<vmem_shared>>) dst(%arg11 : memref<128x64xf32, #tpu.memory_space<vmem>>)
      %add3A_180 = arith.constant 0 : i32
      %add3A_181 = arith.addi %mul3A_119, %add3A_180 : i32
      %add3A_182 = arith.constant 1 : i32
      %add3A_183 = arith.addi %add3A_181, %add3A_182 : i32
      %dma_start3A_184 = arith.constant 0 : i32
      %dma_start3A_185 = tpu.memref_slice %arg9[%add3A_183, %dma_start3A_184] : memref<16x128xi32, #tpu.memory_space<vmem>> -> memref<1x128xi32, #tpu.memory_space<vmem>>
      %dma_start3A_186 = tpu.memref_squeeze %dma_start3A_185 : memref<1x128xi32, #tpu.memory_space<vmem>> -> memref<128xi32, #tpu.memory_space<vmem>>
      %dma_start3A_187 = arith.constant 0 : i32
      %dma_start3A_188 = arith.constant 0 : i32
      %dma_start3A_189 = tpu.memref_slice %arg13[%dma_start3A_187, %dma_start3A_188] : memref<10240x64xf32, #tpu.memory_space<vmem_shared>> -> memref<10240x64xf32, #tpu.memory_space<vmem_shared>>
      tpu.enqueue_indirect_dma source(%arg11 : memref<128x64xf32, #tpu.memory_space<vmem>>) target(%dma_start3A_189 : memref<10240x64xf32, #tpu.memory_space<vmem_shared>>) offsets(%dma_start3A_186 : memref<128xi32, #tpu.memory_space<vmem>>) semaphore(%arg17 : memref<!tpu.dma_semaphore, #tpu.memory_space<semaphore_mem>>) {add = true}
      %add3A_190 = arith.constant 0 : i32
      %add3A_191 = arith.addi %mul3A_119, %add3A_190 : i32
      %dma_wait3A_192 = arith.constant 0 : i32
      %dma_wait3A_193 = tpu.memref_slice %arg9[%add3A_191, %dma_wait3A_192] : memref<16x128xi32, #tpu.memory_space<vmem>> -> memref<1x128xi32, #tpu.memory_space<vmem>>
      %dma_wait3A_194 = tpu.memref_squeeze %dma_wait3A_193 : memref<1x128xi32, #tpu.memory_space<vmem>> -> memref<128xi32, #tpu.memory_space<vmem>>
      %dma_wait3A_195 = arith.constant 0 : i32
      %dma_wait3A_196 = arith.constant 0 : i32
      %dma_wait3A_197 = tpu.memref_slice %arg13[%dma_wait3A_195, %dma_wait3A_196] : memref<10240x64xf32, #tpu.memory_space<vmem_shared>> -> memref<10240x64xf32, #tpu.memory_space<vmem_shared>>
      tpu.wait_indirect_dma semaphore(%arg16 : memref<!tpu.dma_semaphore, #tpu.memory_space<semaphore_mem>>) src(%arg10 : memref<128x64xf32, #tpu.memory_space<vmem>>) dst(%dma_wait3A_197 : memref<10240x64xf32, #tpu.memory_space<vmem_shared>>)
      %add3A_198 = arith.constant 2 : i32
      %add3A_199 = arith.addi %add3A_157, %add3A_198 : i32
      %dma_start3A_200 = arith.constant 0 : i32
      %dma_start3A_201 = tpu.memref_slice %arg8[%add3A_199, %dma_start3A_200] : memref<162x128xi32, #tpu.memory_space<vmem>> -> memref<1x128xi32, #tpu.memory_space<vmem>>
      %dma_start3A_202 = tpu.memref_squeeze %dma_start3A_201 : memref<1x128xi32, #tpu.memory_space<vmem>> -> memref<128xi32, #tpu.memory_space<vmem>>
      %dma_start3A_203 = arith.constant 0 : i32
      %dma_start3A_204 = arith.constant 0 : i32
      %dma_start3A_205 = tpu.memref_slice %arg12[%dma_start3A_203, %dma_start3A_204] : memref<10240x64xf32, #tpu.memory_space<vmem_shared>> -> memref<10240x64xf32, #tpu.memory_space<vmem_shared>>
      tpu.enqueue_indirect_dma source(%dma_start3A_205 : memref<10240x64xf32, #tpu.memory_space<vmem_shared>>) target(%arg10 : memref<128x64xf32, #tpu.memory_space<vmem>>) offsets(%dma_start3A_202 : memref<128xi32, #tpu.memory_space<vmem>>) semaphore(%arg14 : memref<!tpu.dma_semaphore, #tpu.memory_space<semaphore_mem>>)
      %add3A_206 = arith.constant 0 : i32
      %add3A_207 = arith.addi %mul3A_119, %add3A_206 : i32
      %add3A_208 = arith.constant 1 : i32
      %add3A_209 = arith.addi %add3A_207, %add3A_208 : i32
      %dma_wait3A_210 = arith.constant 0 : i32
      %dma_wait3A_211 = tpu.memref_slice %arg9[%add3A_209, %dma_wait3A_210] : memref<16x128xi32, #tpu.memory_space<vmem>> -> memref<1x128xi32, #tpu.memory_space<vmem>>
      %dma_wait3A_212 = tpu.memref_squeeze %dma_wait3A_211 : memref<1x128xi32, #tpu.memory_space<vmem>> -> memref<128xi32, #tpu.memory_space<vmem>>
      %dma_wait3A_213 = arith.constant 0 : i32
      %dma_wait3A_214 = arith.constant 0 : i32
      %dma_wait3A_215 = tpu.memref_slice %arg13[%dma_wait3A_213, %dma_wait3A_214] : memref<10240x64xf32, #tpu.memory_space<vmem_shared>> -> memref<10240x64xf32, #tpu.memory_space<vmem_shared>>
      tpu.wait_indirect_dma semaphore(%arg17 : memref<!tpu.dma_semaphore, #tpu.memory_space<semaphore_mem>>) src(%arg11 : memref<128x64xf32, #tpu.memory_space<vmem>>) dst(%dma_wait3A_215 : memref<10240x64xf32, #tpu.memory_space<vmem_shared>>)
      %add3A_216 = arith.constant 3 : i32
      %add3A_217 = arith.addi %add3A_157, %add3A_216 : i32
      %dma_start3A_218 = arith.constant 0 : i32
      %dma_start3A_219 = tpu.memref_slice %arg8[%add3A_217, %dma_start3A_218] : memref<162x128xi32, #tpu.memory_space<vmem>> -> memref<1x128xi32, #tpu.memory_space<vmem>>
      %dma_start3A_220 = tpu.memref_squeeze %dma_start3A_219 : memref<1x128xi32, #tpu.memory_space<vmem>> -> memref<128xi32, #tpu.memory_space<vmem>>
      %dma_start3A_221 = arith.constant 0 : i32
      %dma_start3A_222 = arith.constant 0 : i32
      %dma_start3A_223 = tpu.memref_slice %arg12[%dma_start3A_221, %dma_start3A_222] : memref<10240x64xf32, #tpu.memory_space<vmem_shared>> -> memref<10240x64xf32, #tpu.memory_space<vmem_shared>>
      tpu.enqueue_indirect_dma source(%dma_start3A_223 : memref<10240x64xf32, #tpu.memory_space<vmem_shared>>) target(%arg11 : memref<128x64xf32, #tpu.memory_space<vmem>>) offsets(%dma_start3A_220 : memref<128xi32, #tpu.memory_space<vmem>>) semaphore(%arg15 : memref<!tpu.dma_semaphore, #tpu.memory_space<semaphore_mem>>)
      %mul3A_224 = arith.constant 8 : i32
      %mul3A_225 = arith.muli %scan3A_108, %mul3A_224 : i32
      %add3A_226 = arith.constant 2 : i32
      %add3A_227 = arith.addi %mul3A_225, %add3A_226 : i32
      %dma_wait3A_228 = arith.constant 0 : i32
      %dma_wait3A_229 = tpu.memref_slice %arg8[%add3A_227, %dma_wait3A_228] : memref<162x128xi32, #tpu.memory_space<vmem>> -> memref<1x128xi32, #tpu.memory_space<vmem>>
      %dma_wait3A_230 = tpu.memref_squeeze %dma_wait3A_229 : memref<1x128xi32, #tpu.memory_space<vmem>> -> memref<128xi32, #tpu.memory_space<vmem>>
      %dma_wait3A_231 = arith.constant 0 : i32
      %dma_wait3A_232 = arith.constant 0 : i32
      %dma_wait3A_233 = tpu.memref_slice %arg12[%dma_wait3A_231, %dma_wait3A_232] : memref<10240x64xf32, #tpu.memory_space<vmem_shared>> -> memref<10240x64xf32, #tpu.memory_space<vmem_shared>>
      tpu.wait_indirect_dma semaphore(%arg14 : memref<!tpu.dma_semaphore, #tpu.memory_space<semaphore_mem>>) src(%dma_wait3A_233 : memref<10240x64xf32, #tpu.memory_space<vmem_shared>>) dst(%arg10 : memref<128x64xf32, #tpu.memory_space<vmem>>)
      %add3A_234 = arith.constant 2 : i32
      %add3A_235 = arith.addi %mul3A_119, %add3A_234 : i32
      %dma_start3A_236 = arith.constant 0 : i32
      %dma_start3A_237 = tpu.memref_slice %arg9[%add3A_235, %dma_start3A_236] : memref<16x128xi32, #tpu.memory_space<vmem>> -> memref<1x128xi32, #tpu.memory_space<vmem>>
      %dma_start3A_238 = tpu.memref_squeeze %dma_start3A_237 : memref<1x128xi32, #tpu.memory_space<vmem>> -> memref<128xi32, #tpu.memory_space<vmem>>
      %dma_start3A_239 = arith.constant 0 : i32
      %dma_start3A_240 = arith.constant 0 : i32
      %dma_start3A_241 = tpu.memref_slice %arg13[%dma_start3A_239, %dma_start3A_240] : memref<10240x64xf32, #tpu.memory_space<vmem_shared>> -> memref<10240x64xf32, #tpu.memory_space<vmem_shared>>
      tpu.enqueue_indirect_dma source(%arg10 : memref<128x64xf32, #tpu.memory_space<vmem>>) target(%dma_start3A_241 : memref<10240x64xf32, #tpu.memory_space<vmem_shared>>) offsets(%dma_start3A_238 : memref<128xi32, #tpu.memory_space<vmem>>) semaphore(%arg16 : memref<!tpu.dma_semaphore, #tpu.memory_space<semaphore_mem>>) {add = true}
      %add3A_242 = arith.constant 1 : i32
      %add3A_243 = arith.addi %add3A_227, %add3A_242 : i32
      %dma_wait3A_244 = arith.constant 0 : i32
      %dma_wait3A_245 = tpu.memref_slice %arg8[%add3A_243, %dma_wait3A_244] : memref<162x128xi32, #tpu.memory_space<vmem>> -> memref<1x128xi32, #tpu.memory_space<vmem>>
      %dma_wait3A_246 = tpu.memref_squeeze %dma_wait3A_245 : memref<1x128xi32, #tpu.memory_space<vmem>> -> memref<128xi32, #tpu.memory_space<vmem>>
      %dma_wait3A_247 = arith.constant 0 : i32
      %dma_wait3A_248 = arith.constant 0 : i32
      %dma_wait3A_249 = tpu.memref_slice %arg12[%dma_wait3A_247, %dma_wait3A_248] : memref<10240x64xf32, #tpu.memory_space<vmem_shared>> -> memref<10240x64xf32, #tpu.memory_space<vmem_shared>>
      tpu.wait_indirect_dma semaphore(%arg15 : memref<!tpu.dma_semaphore, #tpu.memory_space<semaphore_mem>>) src(%dma_wait3A_249 : memref<10240x64xf32, #tpu.memory_space<vmem_shared>>) dst(%arg11 : memref<128x64xf32, #tpu.memory_space<vmem>>)
      %add3A_250 = arith.constant 2 : i32
      %add3A_251 = arith.addi %mul3A_119, %add3A_250 : i32
      %add3A_252 = arith.constant 1 : i32
      %add3A_253 = arith.addi %add3A_251, %add3A_252 : i32
      %dma_start3A_254 = arith.constant 0 : i32
      %dma_start3A_255 = tpu.memref_slice %arg9[%add3A_253, %dma_start3A_254] : memref<16x128xi32, #tpu.memory_space<vmem>> -> memref<1x128xi32, #tpu.memory_space<vmem>>
      %dma_start3A_256 = tpu.memref_squeeze %dma_start3A_255 : memref<1x128xi32, #tpu.memory_space<vmem>> -> memref<128xi32, #tpu.memory_space<vmem>>
      %dma_start3A_257 = arith.constant 0 : i32
      %dma_start3A_258 = arith.constant 0 : i32
      %dma_start3A_259 = tpu.memref_slice %arg13[%dma_start3A_257, %dma_start3A_258] : memref<10240x64xf32, #tpu.memory_space<vmem_shared>> -> memref<10240x64xf32, #tpu.memory_space<vmem_shared>>
      tpu.enqueue_indirect_dma source(%arg11 : memref<128x64xf32, #tpu.memory_space<vmem>>) target(%dma_start3A_259 : memref<10240x64xf32, #tpu.memory_space<vmem_shared>>) offsets(%dma_start3A_256 : memref<128xi32, #tpu.memory_space<vmem>>) semaphore(%arg17 : memref<!tpu.dma_semaphore, #tpu.memory_space<semaphore_mem>>) {add = true}
      %add3A_260 = arith.constant 2 : i32
      %add3A_261 = arith.addi %mul3A_119, %add3A_260 : i32
      %dma_wait3A_262 = arith.constant 0 : i32
      %dma_wait3A_263 = tpu.memref_slice %arg9[%add3A_261, %dma_wait3A_262] : memref<16x128xi32, #tpu.memory_space<vmem>> -> memref<1x128xi32, #tpu.memory_space<vmem>>
      %dma_wait3A_264 = tpu.memref_squeeze %dma_wait3A_263 : memref<1x128xi32, #tpu.memory_space<vmem>> -> memref<128xi32, #tpu.memory_space<vmem>>
      %dma_wait3A_265 = arith.constant 0 : i32
      %dma_wait3A_266 = arith.constant 0 : i32
      %dma_wait3A_267 = tpu.memref_slice %arg13[%dma_wait3A_265, %dma_wait3A_266] : memref<10240x64xf32, #tpu.memory_space<vmem_shared>> -> memref<10240x64xf32, #tpu.memory_space<vmem_shared>>
      tpu.wait_indirect_dma semaphore(%arg16 : memref<!tpu.dma_semaphore, #tpu.memory_space<semaphore_mem>>) src(%arg10 : memref<128x64xf32, #tpu.memory_space<vmem>>) dst(%dma_wait3A_267 : memref<10240x64xf32, #tpu.memory_space<vmem_shared>>)
      %add3A_268 = arith.constant 2 : i32
      %add3A_269 = arith.addi %add3A_227, %add3A_268 : i32
      %dma_start3A_270 = arith.constant 0 : i32
      %dma_start3A_271 = tpu.memref_slice %arg8[%add3A_269, %dma_start3A_270] : memref<162x128xi32, #tpu.memory_space<vmem>> -> memref<1x128xi32, #tpu.memory_space<vmem>>
      %dma_start3A_272 = tpu.memref_squeeze %dma_start3A_271 : memref<1x128xi32, #tpu.memory_space<vmem>> -> memref<128xi32, #tpu.memory_space<vmem>>
      %dma_start3A_273 = arith.constant 0 : i32
      %dma_start3A_274 = arith.constant 0 : i32
      %dma_start3A_275 = tpu.memref_slice %arg12[%dma_start3A_273, %dma_start3A_274] : memref<10240x64xf32, #tpu.memory_space<vmem_shared>> -> memref<10240x64xf32, #tpu.memory_space<vmem_shared>>
      tpu.enqueue_indirect_dma source(%dma_start3A_275 : memref<10240x64xf32, #tpu.memory_space<vmem_shared>>) target(%arg10 : memref<128x64xf32, #tpu.memory_space<vmem>>) offsets(%dma_start3A_272 : memref<128xi32, #tpu.memory_space<vmem>>) semaphore(%arg14 : memref<!tpu.dma_semaphore, #tpu.memory_space<semaphore_mem>>)
      %add3A_276 = arith.constant 2 : i32
      %add3A_277 = arith.addi %mul3A_119, %add3A_276 : i32
      %add3A_278 = arith.constant 1 : i32
      %add3A_279 = arith.addi %add3A_277, %add3A_278 : i32
      %dma_wait3A_280 = arith.constant 0 : i32
      %dma_wait3A_281 = tpu.memref_slice %arg9[%add3A_279, %dma_wait3A_280] : memref<16x128xi32, #tpu.memory_space<vmem>> -> memref<1x128xi32, #tpu.memory_space<vmem>>
      %dma_wait3A_282 = tpu.memref_squeeze %dma_wait3A_281 : memref<1x128xi32, #tpu.memory_space<vmem>> -> memref<128xi32, #tpu.memory_space<vmem>>
      %dma_wait3A_283 = arith.constant 0 : i32
      %dma_wait3A_284 = arith.constant 0 : i32
      %dma_wait3A_285 = tpu.memref_slice %arg13[%dma_wait3A_283, %dma_wait3A_284] : memref<10240x64xf32, #tpu.memory_space<vmem_shared>> -> memref<10240x64xf32, #tpu.memory_space<vmem_shared>>
      tpu.wait_indirect_dma semaphore(%arg17 : memref<!tpu.dma_semaphore, #tpu.memory_space<semaphore_mem>>) src(%arg11 : memref<128x64xf32, #tpu.memory_space<vmem>>) dst(%dma_wait3A_285 : memref<10240x64xf32, #tpu.memory_space<vmem_shared>>)
      %add3A_286 = arith.constant 3 : i32
      %add3A_287 = arith.addi %add3A_227, %add3A_286 : i32
      %dma_start3A_288 = arith.constant 0 : i32
      %dma_start3A_289 = tpu.memref_slice %arg8[%add3A_287, %dma_start3A_288] : memref<162x128xi32, #tpu.memory_space<vmem>> -> memref<1x128xi32, #tpu.memory_space<vmem>>
      %dma_start3A_290 = tpu.memref_squeeze %dma_start3A_289 : memref<1x128xi32, #tpu.memory_space<vmem>> -> memref<128xi32, #tpu.memory_space<vmem>>
      %dma_start3A_291 = arith.constant 0 : i32
      %dma_start3A_292 = arith.constant 0 : i32
      %dma_start3A_293 = tpu.memref_slice %arg12[%dma_start3A_291, %dma_start3A_292] : memref<10240x64xf32, #tpu.memory_space<vmem_shared>> -> memref<10240x64xf32, #tpu.memory_space<vmem_shared>>
      tpu.enqueue_indirect_dma source(%dma_start3A_293 : memref<10240x64xf32, #tpu.memory_space<vmem_shared>>) target(%arg11 : memref<128x64xf32, #tpu.memory_space<vmem>>) offsets(%dma_start3A_290 : memref<128xi32, #tpu.memory_space<vmem>>) semaphore(%arg15 : memref<!tpu.dma_semaphore, #tpu.memory_space<semaphore_mem>>)
      %mul3A_294 = arith.constant 8 : i32
      %mul3A_295 = arith.muli %scan3A_108, %mul3A_294 : i32
      %add3A_296 = arith.constant 4 : i32
      %add3A_297 = arith.addi %mul3A_295, %add3A_296 : i32
      %dma_wait3A_298 = arith.constant 0 : i32
      %dma_wait3A_299 = tpu.memref_slice %arg8[%add3A_297, %dma_wait3A_298] : memref<162x128xi32, #tpu.memory_space<vmem>> -> memref<1x128xi32, #tpu.memory_space<vmem>>
      %dma_wait3A_300 = tpu.memref_squeeze %dma_wait3A_299 : memref<1x128xi32, #tpu.memory_space<vmem>> -> memref<128xi32, #tpu.memory_space<vmem>>
      %dma_wait3A_301 = arith.constant 0 : i32
      %dma_wait3A_302 = arith.constant 0 : i32
      %dma_wait3A_303 = tpu.memref_slice %arg12[%dma_wait3A_301, %dma_wait3A_302] : memref<10240x64xf32, #tpu.memory_space<vmem_shared>> -> memref<10240x64xf32, #tpu.memory_space<vmem_shared>>
      tpu.wait_indirect_dma semaphore(%arg14 : memref<!tpu.dma_semaphore, #tpu.memory_space<semaphore_mem>>) src(%dma_wait3A_303 : memref<10240x64xf32, #tpu.memory_space<vmem_shared>>) dst(%arg10 : memref<128x64xf32, #tpu.memory_space<vmem>>)
      %add3A_304 = arith.constant 4 : i32
      %add3A_305 = arith.addi %mul3A_119, %add3A_304 : i32
      %dma_start3A_306 = arith.constant 0 : i32
      %dma_start3A_307 = tpu.memref_slice %arg9[%add3A_305, %dma_start3A_306] : memref<16x128xi32, #tpu.memory_space<vmem>> -> memref<1x128xi32, #tpu.memory_space<vmem>>
      %dma_start3A_308 = tpu.memref_squeeze %dma_start3A_307 : memref<1x128xi32, #tpu.memory_space<vmem>> -> memref<128xi32, #tpu.memory_space<vmem>>
      %dma_start3A_309 = arith.constant 0 : i32
      %dma_start3A_310 = arith.constant 0 : i32
      %dma_start3A_311 = tpu.memref_slice %arg13[%dma_start3A_309, %dma_start3A_310] : memref<10240x64xf32, #tpu.memory_space<vmem_shared>> -> memref<10240x64xf32, #tpu.memory_space<vmem_shared>>
      tpu.enqueue_indirect_dma source(%arg10 : memref<128x64xf32, #tpu.memory_space<vmem>>) target(%dma_start3A_311 : memref<10240x64xf32, #tpu.memory_space<vmem_shared>>) offsets(%dma_start3A_308 : memref<128xi32, #tpu.memory_space<vmem>>) semaphore(%arg16 : memref<!tpu.dma_semaphore, #tpu.memory_space<semaphore_mem>>) {add = true}
      %add3A_312 = arith.constant 1 : i32
      %add3A_313 = arith.addi %add3A_297, %add3A_312 : i32
      %dma_wait3A_314 = arith.constant 0 : i32
      %dma_wait3A_315 = tpu.memref_slice %arg8[%add3A_313, %dma_wait3A_314] : memref<162x128xi32, #tpu.memory_space<vmem>> -> memref<1x128xi32, #tpu.memory_space<vmem>>
      %dma_wait3A_316 = tpu.memref_squeeze %dma_wait3A_315 : memref<1x128xi32, #tpu.memory_space<vmem>> -> memref<128xi32, #tpu.memory_space<vmem>>
      %dma_wait3A_317 = arith.constant 0 : i32
      %dma_wait3A_318 = arith.constant 0 : i32
      %dma_wait3A_319 = tpu.memref_slice %arg12[%dma_wait3A_317, %dma_wait3A_318] : memref<10240x64xf32, #tpu.memory_space<vmem_shared>> -> memref<10240x64xf32, #tpu.memory_space<vmem_shared>>
      tpu.wait_indirect_dma semaphore(%arg15 : memref<!tpu.dma_semaphore, #tpu.memory_space<semaphore_mem>>) src(%dma_wait3A_319 : memref<10240x64xf32, #tpu.memory_space<vmem_shared>>) dst(%arg11 : memref<128x64xf32, #tpu.memory_space<vmem>>)
      %add3A_320 = arith.constant 4 : i32
      %add3A_321 = arith.addi %mul3A_119, %add3A_320 : i32
      %add3A_322 = arith.constant 1 : i32
      %add3A_323 = arith.addi %add3A_321, %add3A_322 : i32
      %dma_start3A_324 = arith.constant 0 : i32
      %dma_start3A_325 = tpu.memref_slice %arg9[%add3A_323, %dma_start3A_324] : memref<16x128xi32, #tpu.memory_space<vmem>> -> memref<1x128xi32, #tpu.memory_space<vmem>>
      %dma_start3A_326 = tpu.memref_squeeze %dma_start3A_325 : memref<1x128xi32, #tpu.memory_space<vmem>> -> memref<128xi32, #tpu.memory_space<vmem>>
      %dma_start3A_327 = arith.constant 0 : i32
      %dma_start3A_328 = arith.constant 0 : i32
      %dma_start3A_329 = tpu.memref_slice %arg13[%dma_start3A_327, %dma_start3A_328] : memref<10240x64xf32, #tpu.memory_space<vmem_shared>> -> memref<10240x64xf32, #tpu.memory_space<vmem_shared>>
      tpu.enqueue_indirect_dma source(%arg11 : memref<128x64xf32, #tpu.memory_space<vmem>>) target(%dma_start3A_329 : memref<10240x64xf32, #tpu.memory_space<vmem_shared>>) offsets(%dma_start3A_326 : memref<128xi32, #tpu.memory_space<vmem>>) semaphore(%arg17 : memref<!tpu.dma_semaphore, #tpu.memory_space<semaphore_mem>>) {add = true}
      %add3A_330 = arith.constant 4 : i32
      %add3A_331 = arith.addi %mul3A_119, %add3A_330 : i32
      %dma_wait3A_332 = arith.constant 0 : i32
      %dma_wait3A_333 = tpu.memref_slice %arg9[%add3A_331, %dma_wait3A_332] : memref<16x128xi32, #tpu.memory_space<vmem>> -> memref<1x128xi32, #tpu.memory_space<vmem>>
      %dma_wait3A_334 = tpu.memref_squeeze %dma_wait3A_333 : memref<1x128xi32, #tpu.memory_space<vmem>> -> memref<128xi32, #tpu.memory_space<vmem>>
      %dma_wait3A_335 = arith.constant 0 : i32
      %dma_wait3A_336 = arith.constant 0 : i32
      %dma_wait3A_337 = tpu.memref_slice %arg13[%dma_wait3A_335, %dma_wait3A_336] : memref<10240x64xf32, #tpu.memory_space<vmem_shared>> -> memref<10240x64xf32, #tpu.memory_space<vmem_shared>>
      tpu.wait_indirect_dma semaphore(%arg16 : memref<!tpu.dma_semaphore, #tpu.memory_space<semaphore_mem>>) src(%arg10 : memref<128x64xf32, #tpu.memory_space<vmem>>) dst(%dma_wait3A_337 : memref<10240x64xf32, #tpu.memory_space<vmem_shared>>)
      %add3A_338 = arith.constant 2 : i32
      %add3A_339 = arith.addi %add3A_297, %add3A_338 : i32
      %dma_start3A_340 = arith.constant 0 : i32
      %dma_start3A_341 = tpu.memref_slice %arg8[%add3A_339, %dma_start3A_340] : memref<162x128xi32, #tpu.memory_space<vmem>> -> memref<1x128xi32, #tpu.memory_space<vmem>>
      %dma_start3A_342 = tpu.memref_squeeze %dma_start3A_341 : memref<1x128xi32, #tpu.memory_space<vmem>> -> memref<128xi32, #tpu.memory_space<vmem>>
      %dma_start3A_343 = arith.constant 0 : i32
      %dma_start3A_344 = arith.constant 0 : i32
      %dma_start3A_345 = tpu.memref_slice %arg12[%dma_start3A_343, %dma_start3A_344] : memref<10240x64xf32, #tpu.memory_space<vmem_shared>> -> memref<10240x64xf32, #tpu.memory_space<vmem_shared>>
      tpu.enqueue_indirect_dma source(%dma_start3A_345 : memref<10240x64xf32, #tpu.memory_space<vmem_shared>>) target(%arg10 : memref<128x64xf32, #tpu.memory_space<vmem>>) offsets(%dma_start3A_342 : memref<128xi32, #tpu.memory_space<vmem>>) semaphore(%arg14 : memref<!tpu.dma_semaphore, #tpu.memory_space<semaphore_mem>>)
      %add3A_346 = arith.constant 4 : i32
      %add3A_347 = arith.addi %mul3A_119, %add3A_346 : i32
      %add3A_348 = arith.constant 1 : i32
      %add3A_349 = arith.addi %add3A_347, %add3A_348 : i32
      %dma_wait3A_350 = arith.constant 0 : i32
      %dma_wait3A_351 = tpu.memref_slice %arg9[%add3A_349, %dma_wait3A_350] : memref<16x128xi32, #tpu.memory_space<vmem>> -> memref<1x128xi32, #tpu.memory_space<vmem>>
      %dma_wait3A_352 = tpu.memref_squeeze %dma_wait3A_351 : memref<1x128xi32, #tpu.memory_space<vmem>> -> memref<128xi32, #tpu.memory_space<vmem>>
      %dma_wait3A_353 = arith.constant 0 : i32
      %dma_wait3A_354 = arith.constant 0 : i32
      %dma_wait3A_355 = tpu.memref_slice %arg13[%dma_wait3A_353, %dma_wait3A_354] : memref<10240x64xf32, #tpu.memory_space<vmem_shared>> -> memref<10240x64xf32, #tpu.memory_space<vmem_shared>>
      tpu.wait_indirect_dma semaphore(%arg17 : memref<!tpu.dma_semaphore, #tpu.memory_space<semaphore_mem>>) src(%arg11 : memref<128x64xf32, #tpu.memory_space<vmem>>) dst(%dma_wait3A_355 : memref<10240x64xf32, #tpu.memory_space<vmem_shared>>)
      %add3A_356 = arith.constant 3 : i32
      %add3A_357 = arith.addi %add3A_297, %add3A_356 : i32
      %dma_start3A_358 = arith.constant 0 : i32
      %dma_start3A_359 = tpu.memref_slice %arg8[%add3A_357, %dma_start3A_358] : memref<162x128xi32, #tpu.memory_space<vmem>> -> memref<1x128xi32, #tpu.memory_space<vmem>>
      %dma_start3A_360 = tpu.memref_squeeze %dma_start3A_359 : memref<1x128xi32, #tpu.memory_space<vmem>> -> memref<128xi32, #tpu.memory_space<vmem>>
      %dma_start3A_361 = arith.constant 0 : i32
      %dma_start3A_362 = arith.constant 0 : i32
      %dma_start3A_363 = tpu.memref_slice %arg12[%dma_start3A_361, %dma_start3A_362] : memref<10240x64xf32, #tpu.memory_space<vmem_shared>> -> memref<10240x64xf32, #tpu.memory_space<vmem_shared>>
      tpu.enqueue_indirect_dma source(%dma_start3A_363 : memref<10240x64xf32, #tpu.memory_space<vmem_shared>>) target(%arg11 : memref<128x64xf32, #tpu.memory_space<vmem>>) offsets(%dma_start3A_360 : memref<128xi32, #tpu.memory_space<vmem>>) semaphore(%arg15 : memref<!tpu.dma_semaphore, #tpu.memory_space<semaphore_mem>>)
      %mul3A_364 = arith.constant 8 : i32
      %mul3A_365 = arith.muli %scan3A_108, %mul3A_364 : i32
      %add3A_366 = arith.constant 6 : i32
      %add3A_367 = arith.addi %mul3A_365, %add3A_366 : i32
      %dma_wait3A_368 = arith.constant 0 : i32
      %dma_wait3A_369 = tpu.memref_slice %arg8[%add3A_367, %dma_wait3A_368] : memref<162x128xi32, #tpu.memory_space<vmem>> -> memref<1x128xi32, #tpu.memory_space<vmem>>
      %dma_wait3A_370 = tpu.memref_squeeze %dma_wait3A_369 : memref<1x128xi32, #tpu.memory_space<vmem>> -> memref<128xi32, #tpu.memory_space<vmem>>
      %dma_wait3A_371 = arith.constant 0 : i32
      %dma_wait3A_372 = arith.constant 0 : i32
      %dma_wait3A_373 = tpu.memref_slice %arg12[%dma_wait3A_371, %dma_wait3A_372] : memref<10240x64xf32, #tpu.memory_space<vmem_shared>> -> memref<10240x64xf32, #tpu.memory_space<vmem_shared>>
      tpu.wait_indirect_dma semaphore(%arg14 : memref<!tpu.dma_semaphore, #tpu.memory_space<semaphore_mem>>) src(%dma_wait3A_373 : memref<10240x64xf32, #tpu.memory_space<vmem_shared>>) dst(%arg10 : memref<128x64xf32, #tpu.memory_space<vmem>>)
      %add3A_374 = arith.constant 6 : i32
      %add3A_375 = arith.addi %mul3A_119, %add3A_374 : i32
      %dma_start3A_376 = arith.constant 0 : i32
      %dma_start3A_377 = tpu.memref_slice %arg9[%add3A_375, %dma_start3A_376] : memref<16x128xi32, #tpu.memory_space<vmem>> -> memref<1x128xi32, #tpu.memory_space<vmem>>
      %dma_start3A_378 = tpu.memref_squeeze %dma_start3A_377 : memref<1x128xi32, #tpu.memory_space<vmem>> -> memref<128xi32, #tpu.memory_space<vmem>>
      %dma_start3A_379 = arith.constant 0 : i32
      %dma_start3A_380 = arith.constant 0 : i32
      %dma_start3A_381 = tpu.memref_slice %arg13[%dma_start3A_379, %dma_start3A_380] : memref<10240x64xf32, #tpu.memory_space<vmem_shared>> -> memref<10240x64xf32, #tpu.memory_space<vmem_shared>>
      tpu.enqueue_indirect_dma source(%arg10 : memref<128x64xf32, #tpu.memory_space<vmem>>) target(%dma_start3A_381 : memref<10240x64xf32, #tpu.memory_space<vmem_shared>>) offsets(%dma_start3A_378 : memref<128xi32, #tpu.memory_space<vmem>>) semaphore(%arg16 : memref<!tpu.dma_semaphore, #tpu.memory_space<semaphore_mem>>) {add = true}
      %add3A_382 = arith.constant 1 : i32
      %add3A_383 = arith.addi %add3A_367, %add3A_382 : i32
      %dma_wait3A_384 = arith.constant 0 : i32
      %dma_wait3A_385 = tpu.memref_slice %arg8[%add3A_383, %dma_wait3A_384] : memref<162x128xi32, #tpu.memory_space<vmem>> -> memref<1x128xi32, #tpu.memory_space<vmem>>
      %dma_wait3A_386 = tpu.memref_squeeze %dma_wait3A_385 : memref<1x128xi32, #tpu.memory_space<vmem>> -> memref<128xi32, #tpu.memory_space<vmem>>
      %dma_wait3A_387 = arith.constant 0 : i32
      %dma_wait3A_388 = arith.constant 0 : i32
      %dma_wait3A_389 = tpu.memref_slice %arg12[%dma_wait3A_387, %dma_wait3A_388] : memref<10240x64xf32, #tpu.memory_space<vmem_shared>> -> memref<10240x64xf32, #tpu.memory_space<vmem_shared>>
      tpu.wait_indirect_dma semaphore(%arg15 : memref<!tpu.dma_semaphore, #tpu.memory_space<semaphore_mem>>) src(%dma_wait3A_389 : memref<10240x64xf32, #tpu.memory_space<vmem_shared>>) dst(%arg11 : memref<128x64xf32, #tpu.memory_space<vmem>>)
      %add3A_390 = arith.constant 6 : i32
      %add3A_391 = arith.addi %mul3A_119, %add3A_390 : i32
      %add3A_392 = arith.constant 1 : i32
      %add3A_393 = arith.addi %add3A_391, %add3A_392 : i32
      %dma_start3A_394 = arith.constant 0 : i32
      %dma_start3A_395 = tpu.memref_slice %arg9[%add3A_393, %dma_start3A_394] : memref<16x128xi32, #tpu.memory_space<vmem>> -> memref<1x128xi32, #tpu.memory_space<vmem>>
      %dma_start3A_396 = tpu.memref_squeeze %dma_start3A_395 : memref<1x128xi32, #tpu.memory_space<vmem>> -> memref<128xi32, #tpu.memory_space<vmem>>
      %dma_start3A_397 = arith.constant 0 : i32
      %dma_start3A_398 = arith.constant 0 : i32
      %dma_start3A_399 = tpu.memref_slice %arg13[%dma_start3A_397, %dma_start3A_398] : memref<10240x64xf32, #tpu.memory_space<vmem_shared>> -> memref<10240x64xf32, #tpu.memory_space<vmem_shared>>
      tpu.enqueue_indirect_dma source(%arg11 : memref<128x64xf32, #tpu.memory_space<vmem>>) target(%dma_start3A_399 : memref<10240x64xf32, #tpu.memory_space<vmem_shared>>) offsets(%dma_start3A_396 : memref<128xi32, #tpu.memory_space<vmem>>) semaphore(%arg17 : memref<!tpu.dma_semaphore, #tpu.memory_space<semaphore_mem>>) {add = true}
      %add3A_400 = arith.constant 6 : i32
      %add3A_401 = arith.addi %mul3A_119, %add3A_400 : i32
      %dma_wait3A_402 = arith.constant 0 : i32
      %dma_wait3A_403 = tpu.memref_slice %arg9[%add3A_401, %dma_wait3A_402] : memref<16x128xi32, #tpu.memory_space<vmem>> -> memref<1x128xi32, #tpu.memory_space<vmem>>
      %dma_wait3A_404 = tpu.memref_squeeze %dma_wait3A_403 : memref<1x128xi32, #tpu.memory_space<vmem>> -> memref<128xi32, #tpu.memory_space<vmem>>
      %dma_wait3A_405 = arith.constant 0 : i32
      %dma_wait3A_406 = arith.constant 0 : i32
      %dma_wait3A_407 = tpu.memref_slice %arg13[%dma_wait3A_405, %dma_wait3A_406] : memref<10240x64xf32, #tpu.memory_space<vmem_shared>> -> memref<10240x64xf32, #tpu.memory_space<vmem_shared>>
      tpu.wait_indirect_dma semaphore(%arg16 : memref<!tpu.dma_semaphore, #tpu.memory_space<semaphore_mem>>) src(%arg10 : memref<128x64xf32, #tpu.memory_space<vmem>>) dst(%dma_wait3A_407 : memref<10240x64xf32, #tpu.memory_space<vmem_shared>>)
      %add3A_408 = arith.constant 2 : i32
      %add3A_409 = arith.addi %add3A_367, %add3A_408 : i32
      %dma_start3A_410 = arith.constant 0 : i32
      %dma_start3A_411 = tpu.memref_slice %arg8[%add3A_409, %dma_start3A_410] : memref<162x128xi32, #tpu.memory_space<vmem>> -> memref<1x128xi32, #tpu.memory_space<vmem>>
      %dma_start3A_412 = tpu.memref_squeeze %dma_start3A_411 : memref<1x128xi32, #tpu.memory_space<vmem>> -> memref<128xi32, #tpu.memory_space<vmem>>
      %dma_start3A_413 = arith.constant 0 : i32
      %dma_start3A_414 = arith.constant 0 : i32
      %dma_start3A_415 = tpu.memref_slice %arg12[%dma_start3A_413, %dma_start3A_414] : memref<10240x64xf32, #tpu.memory_space<vmem_shared>> -> memref<10240x64xf32, #tpu.memory_space<vmem_shared>>
      tpu.enqueue_indirect_dma source(%dma_start3A_415 : memref<10240x64xf32, #tpu.memory_space<vmem_shared>>) target(%arg10 : memref<128x64xf32, #tpu.memory_space<vmem>>) offsets(%dma_start3A_412 : memref<128xi32, #tpu.memory_space<vmem>>) semaphore(%arg14 : memref<!tpu.dma_semaphore, #tpu.memory_space<semaphore_mem>>)
      %add3A_416 = arith.constant 6 : i32
      %add3A_417 = arith.addi %mul3A_119, %add3A_416 : i32
      %add3A_418 = arith.constant 1 : i32
      %add3A_419 = arith.addi %add3A_417, %add3A_418 : i32
      %dma_wait3A_420 = arith.constant 0 : i32
      %dma_wait3A_421 = tpu.memref_slice %arg9[%add3A_419, %dma_wait3A_420] : memref<16x128xi32, #tpu.memory_space<vmem>> -> memref<1x128xi32, #tpu.memory_space<vmem>>
      %dma_wait3A_422 = tpu.memref_squeeze %dma_wait3A_421 : memref<1x128xi32, #tpu.memory_space<vmem>> -> memref<128xi32, #tpu.memory_space<vmem>>
      %dma_wait3A_423 = arith.constant 0 : i32
      %dma_wait3A_424 = arith.constant 0 : i32
      %dma_wait3A_425 = tpu.memref_slice %arg13[%dma_wait3A_423, %dma_wait3A_424] : memref<10240x64xf32, #tpu.memory_space<vmem_shared>> -> memref<10240x64xf32, #tpu.memory_space<vmem_shared>>
      tpu.wait_indirect_dma semaphore(%arg17 : memref<!tpu.dma_semaphore, #tpu.memory_space<semaphore_mem>>) src(%arg11 : memref<128x64xf32, #tpu.memory_space<vmem>>) dst(%dma_wait3A_425 : memref<10240x64xf32, #tpu.memory_space<vmem_shared>>)
      %add3A_426 = arith.constant 3 : i32
      %add3A_427 = arith.addi %add3A_367, %add3A_426 : i32
      %dma_start3A_428 = arith.constant 0 : i32
      %dma_start3A_429 = tpu.memref_slice %arg8[%add3A_427, %dma_start3A_428] : memref<162x128xi32, #tpu.memory_space<vmem>> -> memref<1x128xi32, #tpu.memory_space<vmem>>
      %dma_start3A_430 = tpu.memref_squeeze %dma_start3A_429 : memref<1x128xi32, #tpu.memory_space<vmem>> -> memref<128xi32, #tpu.memory_space<vmem>>
      %dma_start3A_431 = arith.constant 0 : i32
      %dma_start3A_432 = arith.constant 0 : i32
      %dma_start3A_433 = tpu.memref_slice %arg12[%dma_start3A_431, %dma_start3A_432] : memref<10240x64xf32, #tpu.memory_space<vmem_shared>> -> memref<10240x64xf32, #tpu.memory_space<vmem_shared>>
      tpu.enqueue_indirect_dma source(%dma_start3A_433 : memref<10240x64xf32, #tpu.memory_space<vmem_shared>>) target(%arg11 : memref<128x64xf32, #tpu.memory_space<vmem>>) offsets(%dma_start3A_430 : memref<128xi32, #tpu.memory_space<vmem>>) semaphore(%arg15 : memref<!tpu.dma_semaphore, #tpu.memory_space<semaphore_mem>>)
      %add3A_434 = arith.constant 1 : i32
      %add3A_435 = arith.addi %scan3A_108, %add3A_434 : i32
      %mul3A_436 = arith.constant 8 : i32
      %mul3A_437 = arith.muli %add3A_435, %mul3A_436 : i32
      %dma_wait3A_438 = arith.constant 0 : i32
      %dma_wait3A_439 = tpu.memref_slice %arg9[%mul3A_139, %dma_wait3A_438] : memref<16x128xi32, #tpu.memory_space<vmem>> -> memref<8x128xi32, #tpu.memory_space<vmem>>
      %dma_wait3A_440 = arith.constant 0 : i32
      %dma_wait3A_441 = tpu.memref_slice %arg5[%arg1, %mul3A_437, %dma_wait3A_440] : memref<16x168x128xi32, #tpu.memory_space<hbm>> -> memref<1x8x128xi32, #tpu.memory_space<hbm>>
      %dma_wait3A_442 = tpu.memref_squeeze %dma_wait3A_441 : memref<1x8x128xi32, #tpu.memory_space<hbm>> -> memref<8x128xi32, #tpu.memory_space<hbm>>
      %dma_wait3A_443 = arith.constant 0 : i32
      %dma_wait3A_444 = tpu.memref_slice %arg9[%mul3A_139, %dma_wait3A_443] : memref<16x128xi32, #tpu.memory_space<vmem>> -> memref<8x128xi32, #tpu.memory_space<vmem>>
      %dma_wait3A_445 = arith.constant 0 : i32
      %dma_wait3A_446 = tpu.memref_slice %arg5[%arg1, %mul3A_437, %dma_wait3A_445] : memref<16x168x128xi32, #tpu.memory_space<hbm>> -> memref<1x8x128xi32, #tpu.memory_space<hbm>>
      %dma_wait3A_447 = tpu.memref_squeeze %dma_wait3A_446 : memref<1x8x128xi32, #tpu.memory_space<hbm>> -> memref<8x128xi32, #tpu.memory_space<hbm>>
      tpu.wait_dma2 semaphore(%arg18 : memref<!tpu.dma_semaphore, #tpu.memory_space<semaphore_mem>>) src(%dma_wait3A_447 : memref<8x128xi32, #tpu.memory_space<hbm>>) dst(%dma_wait3A_444 : memref<8x128xi32, #tpu.memory_space<vmem>>)
    }
    %scan3A_29 = arith.constant 20 : i32
    %dma_wait3A = arith.constant 160 : i32
    %dma_wait3A_30 = arith.constant 0 : i32
    %dma_wait3A_31 = tpu.memref_slice %arg8[%dma_wait3A, %dma_wait3A_30] : memref<162x128xi32, #tpu.memory_space<vmem>> -> memref<1x128xi32, #tpu.memory_space<vmem>>
    %dma_wait3A_32 = tpu.memref_squeeze %dma_wait3A_31 : memref<1x128xi32, #tpu.memory_space<vmem>> -> memref<128xi32, #tpu.memory_space<vmem>>
    %dma_wait3A_33 = arith.constant 0 : i32
    %dma_wait3A_34 = arith.constant 0 : i32
    %dma_wait3A_35 = tpu.memref_slice %arg12[%dma_wait3A_33, %dma_wait3A_34] : memref<10240x64xf32, #tpu.memory_space<vmem_shared>> -> memref<10240x64xf32, #tpu.memory_space<vmem_shared>>
    tpu.wait_indirect_dma semaphore(%arg14 : memref<!tpu.dma_semaphore, #tpu.memory_space<semaphore_mem>>) src(%dma_wait3A_35 : memref<10240x64xf32, #tpu.memory_space<vmem_shared>>) dst(%arg10 : memref<128x64xf32, #tpu.memory_space<vmem>>)
    %dma_wait3A_36 = arith.constant 161 : i32
    %dma_wait3A_37 = arith.constant 0 : i32
    %dma_wait3A_38 = tpu.memref_slice %arg8[%dma_wait3A_36, %dma_wait3A_37] : memref<162x128xi32, #tpu.memory_space<vmem>> -> memref<1x128xi32, #tpu.memory_space<vmem>>
    %dma_wait3A_39 = tpu.memref_squeeze %dma_wait3A_38 : memref<1x128xi32, #tpu.memory_space<vmem>> -> memref<128xi32, #tpu.memory_space<vmem>>
    %dma_wait3A_40 = arith.constant 0 : i32
    %dma_wait3A_41 = arith.constant 0 : i32
    %dma_wait3A_42 = tpu.memref_slice %arg12[%dma_wait3A_40, %dma_wait3A_41] : memref<10240x64xf32, #tpu.memory_space<vmem_shared>> -> memref<10240x64xf32, #tpu.memory_space<vmem_shared>>
    tpu.wait_indirect_dma semaphore(%arg15 : memref<!tpu.dma_semaphore, #tpu.memory_space<semaphore_mem>>) src(%dma_wait3A_42 : memref<10240x64xf32, #tpu.memory_space<vmem_shared>>) dst(%arg11 : memref<128x64xf32, #tpu.memory_space<vmem>>)
    %barrier3A_43 = arith.constant 0 : index
    tpu.barrier barrier_id(%barrier3A_43)
    %mul3A_44 = arith.constant 640 : i32
    %mul3A_45 = arith.muli %arg1, %mul3A_44 : i32
    %mul3A_46 = arith.constant 10240 : i32
    %mul3A_47 = arith.muli %arg0, %mul3A_46 : i32
    %mul3A_48 = arith.constant 640 : i32
    %mul3A_49 = arith.muli %arg1, %mul3A_48 : i32
    %add3A_50 = arith.addi %mul3A_47, %mul3A_49 : i32
    "tpu.region"() ({
      %run_scoped3A = tpu.sem_alloc : memref<!tpu.dma_semaphore, #tpu.memory_space<semaphore_mem>>
      %dma_start3A_108 = arith.constant 0 : i32
      %dma_start3A_109 = tpu.memref_slice %arg6[%add3A_50, %dma_start3A_108] : memref<20480x64xf32, #tpu.memory_space<hbm>> -> memref<640x64xf32, #tpu.memory_space<hbm>>
      %dma_start3A_110 = arith.constant 0 : i32
      %dma_start3A_111 = tpu.memref_slice %arg13[%mul3A_45, %dma_start3A_110] : memref<10240x64xf32, #tpu.memory_space<vmem_shared>> -> memref<640x64xf32, #tpu.memory_space<vmem_shared>>
      tpu.enqueue_dma source(%dma_start3A_111 : memref<640x64xf32, #tpu.memory_space<vmem_shared>>) target(%dma_start3A_109 : memref<640x64xf32, #tpu.memory_space<hbm>>) target_semaphore(%run_scoped3A : memref<!tpu.dma_semaphore, #tpu.memory_space<semaphore_mem>>)
      %dma_wait3A_112 = arith.constant 0 : i32
      %dma_wait3A_113 = tpu.memref_slice %arg6[%add3A_50, %dma_wait3A_112] : memref<20480x64xf32, #tpu.memory_space<hbm>> -> memref<640x64xf32, #tpu.memory_space<hbm>>
      %dma_wait3A_114 = arith.constant 0 : i32
      %dma_wait3A_115 = tpu.memref_slice %arg13[%mul3A_45, %dma_wait3A_114] : memref<10240x64xf32, #tpu.memory_space<vmem_shared>> -> memref<640x64xf32, #tpu.memory_space<vmem_shared>>
      tpu.wait_dma2 semaphore(%run_scoped3A : memref<!tpu.dma_semaphore, #tpu.memory_space<semaphore_mem>>) src(%dma_wait3A_115 : memref<640x64xf32, #tpu.memory_space<vmem_shared>>) dst(%dma_wait3A_113 : memref<640x64xf32, #tpu.memory_space<hbm>>)
      tpu.yield
    }) : () -> ()
    "tpu.region"() ({
      %run_scoped3A = tpu.sem_alloc : memref<!tpu.dma_semaphore, #tpu.memory_space<semaphore_mem>>
      %dma_start3A_108 = arith.constant 0 : i32
      %dma_start3A_109 = arith.constant 0 : i32
      %dma_start3A_110 = tpu.memref_slice %arg9[%dma_start3A_108, %dma_start3A_109] : memref<16x128xi32, #tpu.memory_space<vmem>> -> memref<8x128xi32, #tpu.memory_space<vmem>>
      %dma_start3A_111 = arith.constant 0 : i32
      %dma_start3A_112 = arith.constant 0 : i32
      %dma_start3A_113 = tpu.memref_slice %arg5[%arg1, %dma_start3A_111, %dma_start3A_112] : memref<16x168x128xi32, #tpu.memory_space<hbm>> -> memref<1x8x128xi32, #tpu.memory_space<hbm>>
      %dma_start3A_114 = tpu.memref_squeeze %dma_start3A_113 : memref<1x8x128xi32, #tpu.memory_space<hbm>> -> memref<8x128xi32, #tpu.memory_space<hbm>>
      %dma_start3A_115 = arith.constant 0 : i32
      %dma_start3A_116 = arith.constant 0 : i32
      %dma_start3A_117 = tpu.memref_slice %arg9[%dma_start3A_115, %dma_start3A_116] : memref<16x128xi32, #tpu.memory_space<vmem>> -> memref<8x128xi32, #tpu.memory_space<vmem>>
      %dma_start3A_118 = arith.constant 0 : i32
      %dma_start3A_119 = arith.constant 0 : i32
      %dma_start3A_120 = tpu.memref_slice %arg5[%arg1, %dma_start3A_118, %dma_start3A_119] : memref<16x168x128xi32, #tpu.memory_space<hbm>> -> memref<1x8x128xi32, #tpu.memory_space<hbm>>
      %dma_start3A_121 = tpu.memref_squeeze %dma_start3A_120 : memref<1x8x128xi32, #tpu.memory_space<hbm>> -> memref<8x128xi32, #tpu.memory_space<hbm>>
      tpu.enqueue_dma source(%dma_start3A_121 : memref<8x128xi32, #tpu.memory_space<hbm>>) target(%dma_start3A_117 : memref<8x128xi32, #tpu.memory_space<vmem>>) target_semaphore(%run_scoped3A : memref<!tpu.dma_semaphore, #tpu.memory_space<semaphore_mem>>)
      %dma_wait3A_122 = arith.constant 0 : i32
      %dma_wait3A_123 = arith.constant 0 : i32
      %dma_wait3A_124 = tpu.memref_slice %arg9[%dma_wait3A_122, %dma_wait3A_123] : memref<16x128xi32, #tpu.memory_space<vmem>> -> memref<8x128xi32, #tpu.memory_space<vmem>>
      %dma_wait3A_125 = arith.constant 0 : i32
      %dma_wait3A_126 = arith.constant 0 : i32
      %dma_wait3A_127 = tpu.memref_slice %arg5[%arg1, %dma_wait3A_125, %dma_wait3A_126] : memref<16x168x128xi32, #tpu.memory_space<hbm>> -> memref<1x8x128xi32, #tpu.memory_space<hbm>>
      %dma_wait3A_128 = tpu.memref_squeeze %dma_wait3A_127 : memref<1x8x128xi32, #tpu.memory_space<hbm>> -> memref<8x128xi32, #tpu.memory_space<hbm>>
      %dma_wait3A_129 = arith.constant 0 : i32
      %dma_wait3A_130 = arith.constant 0 : i32
      %dma_wait3A_131 = tpu.memref_slice %arg9[%dma_wait3A_129, %dma_wait3A_130] : memref<16x128xi32, #tpu.memory_space<vmem>> -> memref<8x128xi32, #tpu.memory_space<vmem>>
      %dma_wait3A_132 = arith.constant 0 : i32
      %dma_wait3A_133 = arith.constant 0 : i32
      %dma_wait3A_134 = tpu.memref_slice %arg5[%arg1, %dma_wait3A_132, %dma_wait3A_133] : memref<16x168x128xi32, #tpu.memory_space<hbm>> -> memref<1x8x128xi32, #tpu.memory_space<hbm>>
      %dma_wait3A_135 = tpu.memref_squeeze %dma_wait3A_134 : memref<1x8x128xi32, #tpu.memory_space<hbm>> -> memref<8x128xi32, #tpu.memory_space<hbm>>
      tpu.wait_dma2 semaphore(%run_scoped3A : memref<!tpu.dma_semaphore, #tpu.memory_space<semaphore_mem>>) src(%dma_wait3A_135 : memref<8x128xi32, #tpu.memory_space<hbm>>) dst(%dma_wait3A_131 : memref<8x128xi32, #tpu.memory_space<vmem>>)
      tpu.yield
    }) : () -> ()
    %mul3A_51 = arith.constant 10240 : i32
    %mul3A_52 = arith.muli %arg0, %mul3A_51 : i32
    %mul3A_53 = arith.constant 640 : i32
    %mul3A_54 = arith.muli %arg1, %mul3A_53 : i32
    %add3A_55 = arith.addi %mul3A_52, %mul3A_54 : i32
    %mul3A_56 = arith.constant 640 : i32
    %mul3A_57 = arith.muli %arg1, %mul3A_56 : i32
    "tpu.region"() ({
      %run_scoped3A = tpu.sem_alloc : memref<!tpu.dma_semaphore, #tpu.memory_space<semaphore_mem>>
      %dma_start3A_108 = arith.constant 0 : i32
      %dma_start3A_109 = tpu.memref_slice %arg12[%mul3A_57, %dma_start3A_108] : memref<10240x64xf32, #tpu.memory_space<vmem_shared>> -> memref<640x64xf32, #tpu.memory_space<vmem_shared>>
      %dma_start3A_110 = arith.constant 0 : i32
      %dma_start3A_111 = tpu.memref_slice %arg3[%add3A_55, %dma_start3A_110] : memref<20480x64xf32, #tpu.memory_space<hbm>> -> memref<640x64xf32, #tpu.memory_space<hbm>>
      tpu.enqueue_dma source(%dma_start3A_111 : memref<640x64xf32, #tpu.memory_space<hbm>>) target(%dma_start3A_109 : memref<640x64xf32, #tpu.memory_space<vmem_shared>>) target_semaphore(%run_scoped3A : memref<!tpu.dma_semaphore, #tpu.memory_space<semaphore_mem>>)
      %dma_wait3A_112 = arith.constant 0 : i32
      %dma_wait3A_113 = tpu.memref_slice %arg12[%mul3A_57, %dma_wait3A_112] : memref<10240x64xf32, #tpu.memory_space<vmem_shared>> -> memref<640x64xf32, #tpu.memory_space<vmem_shared>>
      %dma_wait3A_114 = arith.constant 0 : i32
      %dma_wait3A_115 = tpu.memref_slice %arg3[%add3A_55, %dma_wait3A_114] : memref<20480x64xf32, #tpu.memory_space<hbm>> -> memref<640x64xf32, #tpu.memory_space<hbm>>
      tpu.wait_dma2 semaphore(%run_scoped3A : memref<!tpu.dma_semaphore, #tpu.memory_space<semaphore_mem>>) src(%dma_wait3A_115 : memref<640x64xf32, #tpu.memory_space<hbm>>) dst(%dma_wait3A_113 : memref<640x64xf32, #tpu.memory_space<vmem_shared>>)
      tpu.yield
    }) : () -> ()
    %mul3A_58 = arith.constant 10240 : i32
    %mul3A_59 = arith.muli %arg0, %mul3A_58 : i32
    %mul3A_60 = arith.constant 640 : i32
    %mul3A_61 = arith.muli %arg1, %mul3A_60 : i32
    %add3A_62 = arith.addi %mul3A_59, %mul3A_61 : i32
    %mul3A_63 = arith.constant 640 : i32
    %mul3A_64 = arith.muli %arg1, %mul3A_63 : i32
    "tpu.region"() ({
      %run_scoped3A = tpu.sem_alloc : memref<!tpu.dma_semaphore, #tpu.memory_space<semaphore_mem>>
      %dma_start3A_108 = arith.constant 0 : i32
      %dma_start3A_109 = tpu.memref_slice %arg13[%mul3A_64, %dma_start3A_108] : memref<10240x64xf32, #tpu.memory_space<vmem_shared>> -> memref<640x64xf32, #tpu.memory_space<vmem_shared>>
      %dma_start3A_110 = arith.constant 0 : i32
      %dma_start3A_111 = tpu.memref_slice %arg3[%add3A_62, %dma_start3A_110] : memref<20480x64xf32, #tpu.memory_space<hbm>> -> memref<640x64xf32, #tpu.memory_space<hbm>>
      tpu.enqueue_dma source(%dma_start3A_111 : memref<640x64xf32, #tpu.memory_space<hbm>>) target(%dma_start3A_109 : memref<640x64xf32, #tpu.memory_space<vmem_shared>>) target_semaphore(%run_scoped3A : memref<!tpu.dma_semaphore, #tpu.memory_space<semaphore_mem>>)
      %dma_wait3A_112 = arith.constant 0 : i32
      %dma_wait3A_113 = tpu.memref_slice %arg13[%mul3A_64, %dma_wait3A_112] : memref<10240x64xf32, #tpu.memory_space<vmem_shared>> -> memref<640x64xf32, #tpu.memory_space<vmem_shared>>
      %dma_wait3A_114 = arith.constant 0 : i32
      %dma_wait3A_115 = tpu.memref_slice %arg3[%add3A_62, %dma_wait3A_114] : memref<20480x64xf32, #tpu.memory_space<hbm>> -> memref<640x64xf32, #tpu.memory_space<hbm>>
      tpu.wait_dma2 semaphore(%run_scoped3A : memref<!tpu.dma_semaphore, #tpu.memory_space<semaphore_mem>>) src(%dma_wait3A_115 : memref<640x64xf32, #tpu.memory_space<hbm>>) dst(%dma_wait3A_113 : memref<640x64xf32, #tpu.memory_space<vmem_shared>>)
      tpu.yield
    }) : () -> ()
    %barrier3A_65 = arith.constant 0 : index
    tpu.barrier barrier_id(%barrier3A_65)
    %dma_start3A_66 = arith.constant 0 : i32
    %dma_start3A_67 = arith.constant 0 : i32
    %dma_start3A_68 = tpu.memref_slice %arg8[%dma_start3A_66, %dma_start3A_67] : memref<162x128xi32, #tpu.memory_space<vmem>> -> memref<1x128xi32, #tpu.memory_space<vmem>>
    %dma_start3A_69 = tpu.memref_squeeze %dma_start3A_68 : memref<1x128xi32, #tpu.memory_space<vmem>> -> memref<128xi32, #tpu.memory_space<vmem>>
    %dma_start3A_70 = arith.constant 0 : i32
    %dma_start3A_71 = arith.constant 0 : i32
    %dma_start3A_72 = tpu.memref_slice %arg12[%dma_start3A_70, %dma_start3A_71] : memref<10240x64xf32, #tpu.memory_space<vmem_shared>> -> memref<10240x64xf32, #tpu.memory_space<vmem_shared>>
    tpu.enqueue_indirect_dma source(%dma_start3A_72 : memref<10240x64xf32, #tpu.memory_space<vmem_shared>>) target(%arg10 : memref<128x64xf32, #tpu.memory_space<vmem>>) offsets(%dma_start3A_69 : memref<128xi32, #tpu.memory_space<vmem>>) semaphore(%arg14 : memref<!tpu.dma_semaphore, #tpu.memory_space<semaphore_mem>>)
    %dma_start3A_73 = arith.constant 1 : i32
    %dma_start3A_74 = arith.constant 0 : i32
    %dma_start3A_75 = tpu.memref_slice %arg8[%dma_start3A_73, %dma_start3A_74] : memref<162x128xi32, #tpu.memory_space<vmem>> -> memref<1x128xi32, #tpu.memory_space<vmem>>
    %dma_start3A_76 = tpu.memref_squeeze %dma_start3A_75 : memref<1x128xi32, #tpu.memory_space<vmem>> -> memref<128xi32, #tpu.memory_space<vmem>>
    %dma_start3A_77 = arith.constant 0 : i32
    %dma_start3A_78 = arith.constant 0 : i32
    %dma_start3A_79 = tpu.memref_slice %arg12[%dma_start3A_77, %dma_start3A_78] : memref<10240x64xf32, #tpu.memory_space<vmem_shared>> -> memref<10240x64xf32, #tpu.memory_space<vmem_shared>>
    tpu.enqueue_indirect_dma source(%dma_start3A_79 : memref<10240x64xf32, #tpu.memory_space<vmem_shared>>) target(%arg11 : memref<128x64xf32, #tpu.memory_space<vmem>>) offsets(%dma_start3A_76 : memref<128xi32, #tpu.memory_space<vmem>>) semaphore(%arg15 : memref<!tpu.dma_semaphore, #tpu.memory_space<semaphore_mem>>)
    %scan3A_80 = arith.constant 0 : i32
    %scan3A_81 = arith.constant 0 : i32
    %scan3A_82 = arith.constant 20 : i32
    %scan3A_83 = arith.addi %scan3A_81, %scan3A_82 : i32
    %scan3A_84 = arith.constant 1 : i32
    scf.for %scan3A_108 = %scan3A_81 to %scan3A_83 step %scan3A_84  : i32 {
      %jit3A = arith.constant 2 : i32
      %eq3A = arith.constant 0 : i32
      %eq3A_109 = arith.cmpi eq, %jit3A, %eq3A : i32
      %jit3A_110 = arith.constant 1 : i32
      %select_n3A = arith.select %eq3A_109, %jit3A_110, %jit3A : i32
      %rem3A = arith.remsi %scan3A_108, %select_n3A : i32
      %ne3A = arith.constant 0 : i32
      %ne3A_111 = arith.cmpi ne, %rem3A, %ne3A : i32
      %lt3A = arith.constant 0 : i32
      %lt3A_112 = arith.cmpi slt, %rem3A, %lt3A : i32
      %lt3A_113 = arith.constant 0 : i32
      %lt3A_114 = arith.cmpi slt, %select_n3A, %lt3A_113 : i32
      %ne3A_115 = arith.xori %lt3A_112, %lt3A_114 : i1
      %and3A = arith.andi %ne3A_115, %ne3A_111 : i1
      %add3A_116 = arith.addi %rem3A, %select_n3A : i32
      %select_n3A_117 = arith.select %and3A, %add3A_116, %rem3A : i32
      %mul3A_118 = arith.constant 8 : i32
      %mul3A_119 = arith.muli %select_n3A_117, %mul3A_118 : i32
      %add3A_120 = arith.constant 1 : i32
      %add3A_121 = arith.addi %scan3A_108, %add3A_120 : i32
      %jit3A_122 = arith.constant 2 : i32
      %eq3A_123 = arith.constant 0 : i32
      %eq3A_124 = arith.cmpi eq, %jit3A_122, %eq3A_123 : i32
      %jit3A_125 = arith.constant 1 : i32
      %select_n3A_126 = arith.select %eq3A_124, %jit3A_125, %jit3A_122 : i32
      %rem3A_127 = arith.remsi %add3A_121, %select_n3A_126 : i32
      %ne3A_128 = arith.constant 0 : i32
      %ne3A_129 = arith.cmpi ne, %rem3A_127, %ne3A_128 : i32
      %lt3A_130 = arith.constant 0 : i32
      %lt3A_131 = arith.cmpi slt, %rem3A_127, %lt3A_130 : i32
      %lt3A_132 = arith.constant 0 : i32
      %lt3A_133 = arith.cmpi slt, %select_n3A_126, %lt3A_132 : i32
      %ne3A_134 = arith.xori %lt3A_131, %lt3A_133 : i1
      %and3A_135 = arith.andi %ne3A_134, %ne3A_129 : i1
      %add3A_136 = arith.addi %rem3A_127, %select_n3A_126 : i32
      %select_n3A_137 = arith.select %and3A_135, %add3A_136, %rem3A_127 : i32
      %mul3A_138 = arith.constant 8 : i32
      %mul3A_139 = arith.muli %select_n3A_137, %mul3A_138 : i32
      %add3A_140 = arith.constant 1 : i32
      %add3A_141 = arith.addi %scan3A_108, %add3A_140 : i32
      %mul3A_142 = arith.constant 8 : i32
      %mul3A_143 = arith.muli %add3A_141, %mul3A_142 : i32
      %dma_start3A_144 = arith.constant 0 : i32
      %dma_start3A_145 = tpu.memref_slice %arg9[%mul3A_139, %dma_start3A_144] : memref<16x128xi32, #tpu.memory_space<vmem>> -> memref<8x128xi32, #tpu.memory_space<vmem>>
      %dma_start3A_146 = arith.constant 0 : i32
      %dma_start3A_147 = tpu.memref_slice %arg5[%arg1, %mul3A_143, %dma_start3A_146] : memref<16x168x128xi32, #tpu.memory_space<hbm>> -> memref<1x8x128xi32, #tpu.memory_space<hbm>>
      %dma_start3A_148 = tpu.memref_squeeze %dma_start3A_147 : memref<1x8x128xi32, #tpu.memory_space<hbm>> -> memref<8x128xi32, #tpu.memory_space<hbm>>
      %dma_start3A_149 = arith.constant 0 : i32
      %dma_start3A_150 = tpu.memref_slice %arg9[%mul3A_139, %dma_start3A_149] : memref<16x128xi32, #tpu.memory_space<vmem>> -> memref<8x128xi32, #tpu.memory_space<vmem>>
      %dma_start3A_151 = arith.constant 0 : i32
      %dma_start3A_152 = tpu.memref_slice %arg5[%arg1, %mul3A_143, %dma_start3A_151] : memref<16x168x128xi32, #tpu.memory_space<hbm>> -> memref<1x8x128xi32, #tpu.memory_space<hbm>>
      %dma_start3A_153 = tpu.memref_squeeze %dma_start3A_152 : memref<1x8x128xi32, #tpu.memory_space<hbm>> -> memref<8x128xi32, #tpu.memory_space<hbm>>
      tpu.enqueue_dma source(%dma_start3A_153 : memref<8x128xi32, #tpu.memory_space<hbm>>) target(%dma_start3A_150 : memref<8x128xi32, #tpu.memory_space<vmem>>) target_semaphore(%arg18 : memref<!tpu.dma_semaphore, #tpu.memory_space<semaphore_mem>>)
      %mul3A_154 = arith.constant 8 : i32
      %mul3A_155 = arith.muli %scan3A_108, %mul3A_154 : i32
      %add3A_156 = arith.constant 0 : i32
      %add3A_157 = arith.addi %mul3A_155, %add3A_156 : i32
      %dma_wait3A_158 = arith.constant 0 : i32
      %dma_wait3A_159 = tpu.memref_slice %arg8[%add3A_157, %dma_wait3A_158] : memref<162x128xi32, #tpu.memory_space<vmem>> -> memref<1x128xi32, #tpu.memory_space<vmem>>
      %dma_wait3A_160 = tpu.memref_squeeze %dma_wait3A_159 : memref<1x128xi32, #tpu.memory_space<vmem>> -> memref<128xi32, #tpu.memory_space<vmem>>
      %dma_wait3A_161 = arith.constant 0 : i32
      %dma_wait3A_162 = arith.constant 0 : i32
      %dma_wait3A_163 = tpu.memref_slice %arg12[%dma_wait3A_161, %dma_wait3A_162] : memref<10240x64xf32, #tpu.memory_space<vmem_shared>> -> memref<10240x64xf32, #tpu.memory_space<vmem_shared>>
      tpu.wait_indirect_dma semaphore(%arg14 : memref<!tpu.dma_semaphore, #tpu.memory_space<semaphore_mem>>) src(%dma_wait3A_163 : memref<10240x64xf32, #tpu.memory_space<vmem_shared>>) dst(%arg10 : memref<128x64xf32, #tpu.memory_space<vmem>>)
      %add3A_164 = arith.constant 0 : i32
      %add3A_165 = arith.addi %mul3A_119, %add3A_164 : i32
      %dma_start3A_166 = arith.constant 0 : i32
      %dma_start3A_167 = tpu.memref_slice %arg9[%add3A_165, %dma_start3A_166] : memref<16x128xi32, #tpu.memory_space<vmem>> -> memref<1x128xi32, #tpu.memory_space<vmem>>
      %dma_start3A_168 = tpu.memref_squeeze %dma_start3A_167 : memref<1x128xi32, #tpu.memory_space<vmem>> -> memref<128xi32, #tpu.memory_space<vmem>>
      %dma_start3A_169 = arith.constant 0 : i32
      %dma_start3A_170 = arith.constant 0 : i32
      %dma_start3A_171 = tpu.memref_slice %arg13[%dma_start3A_169, %dma_start3A_170] : memref<10240x64xf32, #tpu.memory_space<vmem_shared>> -> memref<10240x64xf32, #tpu.memory_space<vmem_shared>>
      tpu.enqueue_indirect_dma source(%arg10 : memref<128x64xf32, #tpu.memory_space<vmem>>) target(%dma_start3A_171 : memref<10240x64xf32, #tpu.memory_space<vmem_shared>>) offsets(%dma_start3A_168 : memref<128xi32, #tpu.memory_space<vmem>>) semaphore(%arg16 : memref<!tpu.dma_semaphore, #tpu.memory_space<semaphore_mem>>) {add = true}
      %add3A_172 = arith.constant 1 : i32
      %add3A_173 = arith.addi %add3A_157, %add3A_172 : i32
      %dma_wait3A_174 = arith.constant 0 : i32
      %dma_wait3A_175 = tpu.memref_slice %arg8[%add3A_173, %dma_wait3A_174] : memref<162x128xi32, #tpu.memory_space<vmem>> -> memref<1x128xi32, #tpu.memory_space<vmem>>
      %dma_wait3A_176 = tpu.memref_squeeze %dma_wait3A_175 : memref<1x128xi32, #tpu.memory_space<vmem>> -> memref<128xi32, #tpu.memory_space<vmem>>
      %dma_wait3A_177 = arith.constant 0 : i32
      %dma_wait3A_178 = arith.constant 0 : i32
      %dma_wait3A_179 = tpu.memref_slice %arg12[%dma_wait3A_177, %dma_wait3A_178] : memref<10240x64xf32, #tpu.memory_space<vmem_shared>> -> memref<10240x64xf32, #tpu.memory_space<vmem_shared>>
      tpu.wait_indirect_dma semaphore(%arg15 : memref<!tpu.dma_semaphore, #tpu.memory_space<semaphore_mem>>) src(%dma_wait3A_179 : memref<10240x64xf32, #tpu.memory_space<vmem_shared>>) dst(%arg11 : memref<128x64xf32, #tpu.memory_space<vmem>>)
      %add3A_180 = arith.constant 0 : i32
      %add3A_181 = arith.addi %mul3A_119, %add3A_180 : i32
      %add3A_182 = arith.constant 1 : i32
      %add3A_183 = arith.addi %add3A_181, %add3A_182 : i32
      %dma_start3A_184 = arith.constant 0 : i32
      %dma_start3A_185 = tpu.memref_slice %arg9[%add3A_183, %dma_start3A_184] : memref<16x128xi32, #tpu.memory_space<vmem>> -> memref<1x128xi32, #tpu.memory_space<vmem>>
      %dma_start3A_186 = tpu.memref_squeeze %dma_start3A_185 : memref<1x128xi32, #tpu.memory_space<vmem>> -> memref<128xi32, #tpu.memory_space<vmem>>
      %dma_start3A_187 = arith.constant 0 : i32
      %dma_start3A_188 = arith.constant 0 : i32
      %dma_start3A_189 = tpu.memref_slice %arg13[%dma_start3A_187, %dma_start3A_188] : memref<10240x64xf32, #tpu.memory_space<vmem_shared>> -> memref<10240x64xf32, #tpu.memory_space<vmem_shared>>
      tpu.enqueue_indirect_dma source(%arg11 : memref<128x64xf32, #tpu.memory_space<vmem>>) target(%dma_start3A_189 : memref<10240x64xf32, #tpu.memory_space<vmem_shared>>) offsets(%dma_start3A_186 : memref<128xi32, #tpu.memory_space<vmem>>) semaphore(%arg17 : memref<!tpu.dma_semaphore, #tpu.memory_space<semaphore_mem>>) {add = true}
      %add3A_190 = arith.constant 0 : i32
      %add3A_191 = arith.addi %mul3A_119, %add3A_190 : i32
      %dma_wait3A_192 = arith.constant 0 : i32
      %dma_wait3A_193 = tpu.memref_slice %arg9[%add3A_191, %dma_wait3A_192] : memref<16x128xi32, #tpu.memory_space<vmem>> -> memref<1x128xi32, #tpu.memory_space<vmem>>
      %dma_wait3A_194 = tpu.memref_squeeze %dma_wait3A_193 : memref<1x128xi32, #tpu.memory_space<vmem>> -> memref<128xi32, #tpu.memory_space<vmem>>
      %dma_wait3A_195 = arith.constant 0 : i32
      %dma_wait3A_196 = arith.constant 0 : i32
      %dma_wait3A_197 = tpu.memref_slice %arg13[%dma_wait3A_195, %dma_wait3A_196] : memref<10240x64xf32, #tpu.memory_space<vmem_shared>> -> memref<10240x64xf32, #tpu.memory_space<vmem_shared>>
      tpu.wait_indirect_dma semaphore(%arg16 : memref<!tpu.dma_semaphore, #tpu.memory_space<semaphore_mem>>) src(%arg10 : memref<128x64xf32, #tpu.memory_space<vmem>>) dst(%dma_wait3A_197 : memref<10240x64xf32, #tpu.memory_space<vmem_shared>>)
      %add3A_198 = arith.constant 2 : i32
      %add3A_199 = arith.addi %add3A_157, %add3A_198 : i32
      %dma_start3A_200 = arith.constant 0 : i32
      %dma_start3A_201 = tpu.memref_slice %arg8[%add3A_199, %dma_start3A_200] : memref<162x128xi32, #tpu.memory_space<vmem>> -> memref<1x128xi32, #tpu.memory_space<vmem>>
      %dma_start3A_202 = tpu.memref_squeeze %dma_start3A_201 : memref<1x128xi32, #tpu.memory_space<vmem>> -> memref<128xi32, #tpu.memory_space<vmem>>
      %dma_start3A_203 = arith.constant 0 : i32
      %dma_start3A_204 = arith.constant 0 : i32
      %dma_start3A_205 = tpu.memref_slice %arg12[%dma_start3A_203, %dma_start3A_204] : memref<10240x64xf32, #tpu.memory_space<vmem_shared>> -> memref<10240x64xf32, #tpu.memory_space<vmem_shared>>
      tpu.enqueue_indirect_dma source(%dma_start3A_205 : memref<10240x64xf32, #tpu.memory_space<vmem_shared>>) target(%arg10 : memref<128x64xf32, #tpu.memory_space<vmem>>) offsets(%dma_start3A_202 : memref<128xi32, #tpu.memory_space<vmem>>) semaphore(%arg14 : memref<!tpu.dma_semaphore, #tpu.memory_space<semaphore_mem>>)
      %add3A_206 = arith.constant 0 : i32
      %add3A_207 = arith.addi %mul3A_119, %add3A_206 : i32
      %add3A_208 = arith.constant 1 : i32
      %add3A_209 = arith.addi %add3A_207, %add3A_208 : i32
      %dma_wait3A_210 = arith.constant 0 : i32
      %dma_wait3A_211 = tpu.memref_slice %arg9[%add3A_209, %dma_wait3A_210] : memref<16x128xi32, #tpu.memory_space<vmem>> -> memref<1x128xi32, #tpu.memory_space<vmem>>
      %dma_wait3A_212 = tpu.memref_squeeze %dma_wait3A_211 : memref<1x128xi32, #tpu.memory_space<vmem>> -> memref<128xi32, #tpu.memory_space<vmem>>
      %dma_wait3A_213 = arith.constant 0 : i32
      %dma_wait3A_214 = arith.constant 0 : i32
      %dma_wait3A_215 = tpu.memref_slice %arg13[%dma_wait3A_213, %dma_wait3A_214] : memref<10240x64xf32, #tpu.memory_space<vmem_shared>> -> memref<10240x64xf32, #tpu.memory_space<vmem_shared>>
      tpu.wait_indirect_dma semaphore(%arg17 : memref<!tpu.dma_semaphore, #tpu.memory_space<semaphore_mem>>) src(%arg11 : memref<128x64xf32, #tpu.memory_space<vmem>>) dst(%dma_wait3A_215 : memref<10240x64xf32, #tpu.memory_space<vmem_shared>>)
      %add3A_216 = arith.constant 3 : i32
      %add3A_217 = arith.addi %add3A_157, %add3A_216 : i32
      %dma_start3A_218 = arith.constant 0 : i32
      %dma_start3A_219 = tpu.memref_slice %arg8[%add3A_217, %dma_start3A_218] : memref<162x128xi32, #tpu.memory_space<vmem>> -> memref<1x128xi32, #tpu.memory_space<vmem>>
      %dma_start3A_220 = tpu.memref_squeeze %dma_start3A_219 : memref<1x128xi32, #tpu.memory_space<vmem>> -> memref<128xi32, #tpu.memory_space<vmem>>
      %dma_start3A_221 = arith.constant 0 : i32
      %dma_start3A_222 = arith.constant 0 : i32
      %dma_start3A_223 = tpu.memref_slice %arg12[%dma_start3A_221, %dma_start3A_222] : memref<10240x64xf32, #tpu.memory_space<vmem_shared>> -> memref<10240x64xf32, #tpu.memory_space<vmem_shared>>
      tpu.enqueue_indirect_dma source(%dma_start3A_223 : memref<10240x64xf32, #tpu.memory_space<vmem_shared>>) target(%arg11 : memref<128x64xf32, #tpu.memory_space<vmem>>) offsets(%dma_start3A_220 : memref<128xi32, #tpu.memory_space<vmem>>) semaphore(%arg15 : memref<!tpu.dma_semaphore, #tpu.memory_space<semaphore_mem>>)
      %mul3A_224 = arith.constant 8 : i32
      %mul3A_225 = arith.muli %scan3A_108, %mul3A_224 : i32
      %add3A_226 = arith.constant 2 : i32
      %add3A_227 = arith.addi %mul3A_225, %add3A_226 : i32
      %dma_wait3A_228 = arith.constant 0 : i32
      %dma_wait3A_229 = tpu.memref_slice %arg8[%add3A_227, %dma_wait3A_228] : memref<162x128xi32, #tpu.memory_space<vmem>> -> memref<1x128xi32, #tpu.memory_space<vmem>>
      %dma_wait3A_230 = tpu.memref_squeeze %dma_wait3A_229 : memref<1x128xi32, #tpu.memory_space<vmem>> -> memref<128xi32, #tpu.memory_space<vmem>>
      %dma_wait3A_231 = arith.constant 0 : i32
      %dma_wait3A_232 = arith.constant 0 : i32
      %dma_wait3A_233 = tpu.memref_slice %arg12[%dma_wait3A_231, %dma_wait3A_232] : memref<10240x64xf32, #tpu.memory_space<vmem_shared>> -> memref<10240x64xf32, #tpu.memory_space<vmem_shared>>
      tpu.wait_indirect_dma semaphore(%arg14 : memref<!tpu.dma_semaphore, #tpu.memory_space<semaphore_mem>>) src(%dma_wait3A_233 : memref<10240x64xf32, #tpu.memory_space<vmem_shared>>) dst(%arg10 : memref<128x64xf32, #tpu.memory_space<vmem>>)
      %add3A_234 = arith.constant 2 : i32
      %add3A_235 = arith.addi %mul3A_119, %add3A_234 : i32
      %dma_start3A_236 = arith.constant 0 : i32
      %dma_start3A_237 = tpu.memref_slice %arg9[%add3A_235, %dma_start3A_236] : memref<16x128xi32, #tpu.memory_space<vmem>> -> memref<1x128xi32, #tpu.memory_space<vmem>>
      %dma_start3A_238 = tpu.memref_squeeze %dma_start3A_237 : memref<1x128xi32, #tpu.memory_space<vmem>> -> memref<128xi32, #tpu.memory_space<vmem>>
      %dma_start3A_239 = arith.constant 0 : i32
      %dma_start3A_240 = arith.constant 0 : i32
      %dma_start3A_241 = tpu.memref_slice %arg13[%dma_start3A_239, %dma_start3A_240] : memref<10240x64xf32, #tpu.memory_space<vmem_shared>> -> memref<10240x64xf32, #tpu.memory_space<vmem_shared>>
      tpu.enqueue_indirect_dma source(%arg10 : memref<128x64xf32, #tpu.memory_space<vmem>>) target(%dma_start3A_241 : memref<10240x64xf32, #tpu.memory_space<vmem_shared>>) offsets(%dma_start3A_238 : memref<128xi32, #tpu.memory_space<vmem>>) semaphore(%arg16 : memref<!tpu.dma_semaphore, #tpu.memory_space<semaphore_mem>>) {add = true}
      %add3A_242 = arith.constant 1 : i32
      %add3A_243 = arith.addi %add3A_227, %add3A_242 : i32
      %dma_wait3A_244 = arith.constant 0 : i32
      %dma_wait3A_245 = tpu.memref_slice %arg8[%add3A_243, %dma_wait3A_244] : memref<162x128xi32, #tpu.memory_space<vmem>> -> memref<1x128xi32, #tpu.memory_space<vmem>>
      %dma_wait3A_246 = tpu.memref_squeeze %dma_wait3A_245 : memref<1x128xi32, #tpu.memory_space<vmem>> -> memref<128xi32, #tpu.memory_space<vmem>>
      %dma_wait3A_247 = arith.constant 0 : i32
      %dma_wait3A_248 = arith.constant 0 : i32
      %dma_wait3A_249 = tpu.memref_slice %arg12[%dma_wait3A_247, %dma_wait3A_248] : memref<10240x64xf32, #tpu.memory_space<vmem_shared>> -> memref<10240x64xf32, #tpu.memory_space<vmem_shared>>
      tpu.wait_indirect_dma semaphore(%arg15 : memref<!tpu.dma_semaphore, #tpu.memory_space<semaphore_mem>>) src(%dma_wait3A_249 : memref<10240x64xf32, #tpu.memory_space<vmem_shared>>) dst(%arg11 : memref<128x64xf32, #tpu.memory_space<vmem>>)
      %add3A_250 = arith.constant 2 : i32
      %add3A_251 = arith.addi %mul3A_119, %add3A_250 : i32
      %add3A_252 = arith.constant 1 : i32
      %add3A_253 = arith.addi %add3A_251, %add3A_252 : i32
      %dma_start3A_254 = arith.constant 0 : i32
      %dma_start3A_255 = tpu.memref_slice %arg9[%add3A_253, %dma_start3A_254] : memref<16x128xi32, #tpu.memory_space<vmem>> -> memref<1x128xi32, #tpu.memory_space<vmem>>
      %dma_start3A_256 = tpu.memref_squeeze %dma_start3A_255 : memref<1x128xi32, #tpu.memory_space<vmem>> -> memref<128xi32, #tpu.memory_space<vmem>>
      %dma_start3A_257 = arith.constant 0 : i32
      %dma_start3A_258 = arith.constant 0 : i32
      %dma_start3A_259 = tpu.memref_slice %arg13[%dma_start3A_257, %dma_start3A_258] : memref<10240x64xf32, #tpu.memory_space<vmem_shared>> -> memref<10240x64xf32, #tpu.memory_space<vmem_shared>>
      tpu.enqueue_indirect_dma source(%arg11 : memref<128x64xf32, #tpu.memory_space<vmem>>) target(%dma_start3A_259 : memref<10240x64xf32, #tpu.memory_space<vmem_shared>>) offsets(%dma_start3A_256 : memref<128xi32, #tpu.memory_space<vmem>>) semaphore(%arg17 : memref<!tpu.dma_semaphore, #tpu.memory_space<semaphore_mem>>) {add = true}
      %add3A_260 = arith.constant 2 : i32
      %add3A_261 = arith.addi %mul3A_119, %add3A_260 : i32
      %dma_wait3A_262 = arith.constant 0 : i32
      %dma_wait3A_263 = tpu.memref_slice %arg9[%add3A_261, %dma_wait3A_262] : memref<16x128xi32, #tpu.memory_space<vmem>> -> memref<1x128xi32, #tpu.memory_space<vmem>>
      %dma_wait3A_264 = tpu.memref_squeeze %dma_wait3A_263 : memref<1x128xi32, #tpu.memory_space<vmem>> -> memref<128xi32, #tpu.memory_space<vmem>>
      %dma_wait3A_265 = arith.constant 0 : i32
      %dma_wait3A_266 = arith.constant 0 : i32
      %dma_wait3A_267 = tpu.memref_slice %arg13[%dma_wait3A_265, %dma_wait3A_266] : memref<10240x64xf32, #tpu.memory_space<vmem_shared>> -> memref<10240x64xf32, #tpu.memory_space<vmem_shared>>
      tpu.wait_indirect_dma semaphore(%arg16 : memref<!tpu.dma_semaphore, #tpu.memory_space<semaphore_mem>>) src(%arg10 : memref<128x64xf32, #tpu.memory_space<vmem>>) dst(%dma_wait3A_267 : memref<10240x64xf32, #tpu.memory_space<vmem_shared>>)
      %add3A_268 = arith.constant 2 : i32
      %add3A_269 = arith.addi %add3A_227, %add3A_268 : i32
      %dma_start3A_270 = arith.constant 0 : i32
      %dma_start3A_271 = tpu.memref_slice %arg8[%add3A_269, %dma_start3A_270] : memref<162x128xi32, #tpu.memory_space<vmem>> -> memref<1x128xi32, #tpu.memory_space<vmem>>
      %dma_start3A_272 = tpu.memref_squeeze %dma_start3A_271 : memref<1x128xi32, #tpu.memory_space<vmem>> -> memref<128xi32, #tpu.memory_space<vmem>>
      %dma_start3A_273 = arith.constant 0 : i32
      %dma_start3A_274 = arith.constant 0 : i32
      %dma_start3A_275 = tpu.memref_slice %arg12[%dma_start3A_273, %dma_start3A_274] : memref<10240x64xf32, #tpu.memory_space<vmem_shared>> -> memref<10240x64xf32, #tpu.memory_space<vmem_shared>>
      tpu.enqueue_indirect_dma source(%dma_start3A_275 : memref<10240x64xf32, #tpu.memory_space<vmem_shared>>) target(%arg10 : memref<128x64xf32, #tpu.memory_space<vmem>>) offsets(%dma_start3A_272 : memref<128xi32, #tpu.memory_space<vmem>>) semaphore(%arg14 : memref<!tpu.dma_semaphore, #tpu.memory_space<semaphore_mem>>)
      %add3A_276 = arith.constant 2 : i32
      %add3A_277 = arith.addi %mul3A_119, %add3A_276 : i32
      %add3A_278 = arith.constant 1 : i32
      %add3A_279 = arith.addi %add3A_277, %add3A_278 : i32
      %dma_wait3A_280 = arith.constant 0 : i32
      %dma_wait3A_281 = tpu.memref_slice %arg9[%add3A_279, %dma_wait3A_280] : memref<16x128xi32, #tpu.memory_space<vmem>> -> memref<1x128xi32, #tpu.memory_space<vmem>>
      %dma_wait3A_282 = tpu.memref_squeeze %dma_wait3A_281 : memref<1x128xi32, #tpu.memory_space<vmem>> -> memref<128xi32, #tpu.memory_space<vmem>>
      %dma_wait3A_283 = arith.constant 0 : i32
      %dma_wait3A_284 = arith.constant 0 : i32
      %dma_wait3A_285 = tpu.memref_slice %arg13[%dma_wait3A_283, %dma_wait3A_284] : memref<10240x64xf32, #tpu.memory_space<vmem_shared>> -> memref<10240x64xf32, #tpu.memory_space<vmem_shared>>
      tpu.wait_indirect_dma semaphore(%arg17 : memref<!tpu.dma_semaphore, #tpu.memory_space<semaphore_mem>>) src(%arg11 : memref<128x64xf32, #tpu.memory_space<vmem>>) dst(%dma_wait3A_285 : memref<10240x64xf32, #tpu.memory_space<vmem_shared>>)
      %add3A_286 = arith.constant 3 : i32
      %add3A_287 = arith.addi %add3A_227, %add3A_286 : i32
      %dma_start3A_288 = arith.constant 0 : i32
      %dma_start3A_289 = tpu.memref_slice %arg8[%add3A_287, %dma_start3A_288] : memref<162x128xi32, #tpu.memory_space<vmem>> -> memref<1x128xi32, #tpu.memory_space<vmem>>
      %dma_start3A_290 = tpu.memref_squeeze %dma_start3A_289 : memref<1x128xi32, #tpu.memory_space<vmem>> -> memref<128xi32, #tpu.memory_space<vmem>>
      %dma_start3A_291 = arith.constant 0 : i32
      %dma_start3A_292 = arith.constant 0 : i32
      %dma_start3A_293 = tpu.memref_slice %arg12[%dma_start3A_291, %dma_start3A_292] : memref<10240x64xf32, #tpu.memory_space<vmem_shared>> -> memref<10240x64xf32, #tpu.memory_space<vmem_shared>>
      tpu.enqueue_indirect_dma source(%dma_start3A_293 : memref<10240x64xf32, #tpu.memory_space<vmem_shared>>) target(%arg11 : memref<128x64xf32, #tpu.memory_space<vmem>>) offsets(%dma_start3A_290 : memref<128xi32, #tpu.memory_space<vmem>>) semaphore(%arg15 : memref<!tpu.dma_semaphore, #tpu.memory_space<semaphore_mem>>)
      %mul3A_294 = arith.constant 8 : i32
      %mul3A_295 = arith.muli %scan3A_108, %mul3A_294 : i32
      %add3A_296 = arith.constant 4 : i32
      %add3A_297 = arith.addi %mul3A_295, %add3A_296 : i32
      %dma_wait3A_298 = arith.constant 0 : i32
      %dma_wait3A_299 = tpu.memref_slice %arg8[%add3A_297, %dma_wait3A_298] : memref<162x128xi32, #tpu.memory_space<vmem>> -> memref<1x128xi32, #tpu.memory_space<vmem>>
      %dma_wait3A_300 = tpu.memref_squeeze %dma_wait3A_299 : memref<1x128xi32, #tpu.memory_space<vmem>> -> memref<128xi32, #tpu.memory_space<vmem>>
      %dma_wait3A_301 = arith.constant 0 : i32
      %dma_wait3A_302 = arith.constant 0 : i32
      %dma_wait3A_303 = tpu.memref_slice %arg12[%dma_wait3A_301, %dma_wait3A_302] : memref<10240x64xf32, #tpu.memory_space<vmem_shared>> -> memref<10240x64xf32, #tpu.memory_space<vmem_shared>>
      tpu.wait_indirect_dma semaphore(%arg14 : memref<!tpu.dma_semaphore, #tpu.memory_space<semaphore_mem>>) src(%dma_wait3A_303 : memref<10240x64xf32, #tpu.memory_space<vmem_shared>>) dst(%arg10 : memref<128x64xf32, #tpu.memory_space<vmem>>)
      %add3A_304 = arith.constant 4 : i32
      %add3A_305 = arith.addi %mul3A_119, %add3A_304 : i32
      %dma_start3A_306 = arith.constant 0 : i32
      %dma_start3A_307 = tpu.memref_slice %arg9[%add3A_305, %dma_start3A_306] : memref<16x128xi32, #tpu.memory_space<vmem>> -> memref<1x128xi32, #tpu.memory_space<vmem>>
      %dma_start3A_308 = tpu.memref_squeeze %dma_start3A_307 : memref<1x128xi32, #tpu.memory_space<vmem>> -> memref<128xi32, #tpu.memory_space<vmem>>
      %dma_start3A_309 = arith.constant 0 : i32
      %dma_start3A_310 = arith.constant 0 : i32
      %dma_start3A_311 = tpu.memref_slice %arg13[%dma_start3A_309, %dma_start3A_310] : memref<10240x64xf32, #tpu.memory_space<vmem_shared>> -> memref<10240x64xf32, #tpu.memory_space<vmem_shared>>
      tpu.enqueue_indirect_dma source(%arg10 : memref<128x64xf32, #tpu.memory_space<vmem>>) target(%dma_start3A_311 : memref<10240x64xf32, #tpu.memory_space<vmem_shared>>) offsets(%dma_start3A_308 : memref<128xi32, #tpu.memory_space<vmem>>) semaphore(%arg16 : memref<!tpu.dma_semaphore, #tpu.memory_space<semaphore_mem>>) {add = true}
      %add3A_312 = arith.constant 1 : i32
      %add3A_313 = arith.addi %add3A_297, %add3A_312 : i32
      %dma_wait3A_314 = arith.constant 0 : i32
      %dma_wait3A_315 = tpu.memref_slice %arg8[%add3A_313, %dma_wait3A_314] : memref<162x128xi32, #tpu.memory_space<vmem>> -> memref<1x128xi32, #tpu.memory_space<vmem>>
      %dma_wait3A_316 = tpu.memref_squeeze %dma_wait3A_315 : memref<1x128xi32, #tpu.memory_space<vmem>> -> memref<128xi32, #tpu.memory_space<vmem>>
      %dma_wait3A_317 = arith.constant 0 : i32
      %dma_wait3A_318 = arith.constant 0 : i32
      %dma_wait3A_319 = tpu.memref_slice %arg12[%dma_wait3A_317, %dma_wait3A_318] : memref<10240x64xf32, #tpu.memory_space<vmem_shared>> -> memref<10240x64xf32, #tpu.memory_space<vmem_shared>>
      tpu.wait_indirect_dma semaphore(%arg15 : memref<!tpu.dma_semaphore, #tpu.memory_space<semaphore_mem>>) src(%dma_wait3A_319 : memref<10240x64xf32, #tpu.memory_space<vmem_shared>>) dst(%arg11 : memref<128x64xf32, #tpu.memory_space<vmem>>)
      %add3A_320 = arith.constant 4 : i32
      %add3A_321 = arith.addi %mul3A_119, %add3A_320 : i32
      %add3A_322 = arith.constant 1 : i32
      %add3A_323 = arith.addi %add3A_321, %add3A_322 : i32
      %dma_start3A_324 = arith.constant 0 : i32
      %dma_start3A_325 = tpu.memref_slice %arg9[%add3A_323, %dma_start3A_324] : memref<16x128xi32, #tpu.memory_space<vmem>> -> memref<1x128xi32, #tpu.memory_space<vmem>>
      %dma_start3A_326 = tpu.memref_squeeze %dma_start3A_325 : memref<1x128xi32, #tpu.memory_space<vmem>> -> memref<128xi32, #tpu.memory_space<vmem>>
      %dma_start3A_327 = arith.constant 0 : i32
      %dma_start3A_328 = arith.constant 0 : i32
      %dma_start3A_329 = tpu.memref_slice %arg13[%dma_start3A_327, %dma_start3A_328] : memref<10240x64xf32, #tpu.memory_space<vmem_shared>> -> memref<10240x64xf32, #tpu.memory_space<vmem_shared>>
      tpu.enqueue_indirect_dma source(%arg11 : memref<128x64xf32, #tpu.memory_space<vmem>>) target(%dma_start3A_329 : memref<10240x64xf32, #tpu.memory_space<vmem_shared>>) offsets(%dma_start3A_326 : memref<128xi32, #tpu.memory_space<vmem>>) semaphore(%arg17 : memref<!tpu.dma_semaphore, #tpu.memory_space<semaphore_mem>>) {add = true}
      %add3A_330 = arith.constant 4 : i32
      %add3A_331 = arith.addi %mul3A_119, %add3A_330 : i32
      %dma_wait3A_332 = arith.constant 0 : i32
      %dma_wait3A_333 = tpu.memref_slice %arg9[%add3A_331, %dma_wait3A_332] : memref<16x128xi32, #tpu.memory_space<vmem>> -> memref<1x128xi32, #tpu.memory_space<vmem>>
      %dma_wait3A_334 = tpu.memref_squeeze %dma_wait3A_333 : memref<1x128xi32, #tpu.memory_space<vmem>> -> memref<128xi32, #tpu.memory_space<vmem>>
      %dma_wait3A_335 = arith.constant 0 : i32
      %dma_wait3A_336 = arith.constant 0 : i32
      %dma_wait3A_337 = tpu.memref_slice %arg13[%dma_wait3A_335, %dma_wait3A_336] : memref<10240x64xf32, #tpu.memory_space<vmem_shared>> -> memref<10240x64xf32, #tpu.memory_space<vmem_shared>>
      tpu.wait_indirect_dma semaphore(%arg16 : memref<!tpu.dma_semaphore, #tpu.memory_space<semaphore_mem>>) src(%arg10 : memref<128x64xf32, #tpu.memory_space<vmem>>) dst(%dma_wait3A_337 : memref<10240x64xf32, #tpu.memory_space<vmem_shared>>)
      %add3A_338 = arith.constant 2 : i32
      %add3A_339 = arith.addi %add3A_297, %add3A_338 : i32
      %dma_start3A_340 = arith.constant 0 : i32
      %dma_start3A_341 = tpu.memref_slice %arg8[%add3A_339, %dma_start3A_340] : memref<162x128xi32, #tpu.memory_space<vmem>> -> memref<1x128xi32, #tpu.memory_space<vmem>>
      %dma_start3A_342 = tpu.memref_squeeze %dma_start3A_341 : memref<1x128xi32, #tpu.memory_space<vmem>> -> memref<128xi32, #tpu.memory_space<vmem>>
      %dma_start3A_343 = arith.constant 0 : i32
      %dma_start3A_344 = arith.constant 0 : i32
      %dma_start3A_345 = tpu.memref_slice %arg12[%dma_start3A_343, %dma_start3A_344] : memref<10240x64xf32, #tpu.memory_space<vmem_shared>> -> memref<10240x64xf32, #tpu.memory_space<vmem_shared>>
      tpu.enqueue_indirect_dma source(%dma_start3A_345 : memref<10240x64xf32, #tpu.memory_space<vmem_shared>>) target(%arg10 : memref<128x64xf32, #tpu.memory_space<vmem>>) offsets(%dma_start3A_342 : memref<128xi32, #tpu.memory_space<vmem>>) semaphore(%arg14 : memref<!tpu.dma_semaphore, #tpu.memory_space<semaphore_mem>>)
      %add3A_346 = arith.constant 4 : i32
      %add3A_347 = arith.addi %mul3A_119, %add3A_346 : i32
      %add3A_348 = arith.constant 1 : i32
      %add3A_349 = arith.addi %add3A_347, %add3A_348 : i32
      %dma_wait3A_350 = arith.constant 0 : i32
      %dma_wait3A_351 = tpu.memref_slice %arg9[%add3A_349, %dma_wait3A_350] : memref<16x128xi32, #tpu.memory_space<vmem>> -> memref<1x128xi32, #tpu.memory_space<vmem>>
      %dma_wait3A_352 = tpu.memref_squeeze %dma_wait3A_351 : memref<1x128xi32, #tpu.memory_space<vmem>> -> memref<128xi32, #tpu.memory_space<vmem>>
      %dma_wait3A_353 = arith.constant 0 : i32
      %dma_wait3A_354 = arith.constant 0 : i32
      %dma_wait3A_355 = tpu.memref_slice %arg13[%dma_wait3A_353, %dma_wait3A_354] : memref<10240x64xf32, #tpu.memory_space<vmem_shared>> -> memref<10240x64xf32, #tpu.memory_space<vmem_shared>>
      tpu.wait_indirect_dma semaphore(%arg17 : memref<!tpu.dma_semaphore, #tpu.memory_space<semaphore_mem>>) src(%arg11 : memref<128x64xf32, #tpu.memory_space<vmem>>) dst(%dma_wait3A_355 : memref<10240x64xf32, #tpu.memory_space<vmem_shared>>)
      %add3A_356 = arith.constant 3 : i32
      %add3A_357 = arith.addi %add3A_297, %add3A_356 : i32
      %dma_start3A_358 = arith.constant 0 : i32
      %dma_start3A_359 = tpu.memref_slice %arg8[%add3A_357, %dma_start3A_358] : memref<162x128xi32, #tpu.memory_space<vmem>> -> memref<1x128xi32, #tpu.memory_space<vmem>>
      %dma_start3A_360 = tpu.memref_squeeze %dma_start3A_359 : memref<1x128xi32, #tpu.memory_space<vmem>> -> memref<128xi32, #tpu.memory_space<vmem>>
      %dma_start3A_361 = arith.constant 0 : i32
      %dma_start3A_362 = arith.constant 0 : i32
      %dma_start3A_363 = tpu.memref_slice %arg12[%dma_start3A_361, %dma_start3A_362] : memref<10240x64xf32, #tpu.memory_space<vmem_shared>> -> memref<10240x64xf32, #tpu.memory_space<vmem_shared>>
      tpu.enqueue_indirect_dma source(%dma_start3A_363 : memref<10240x64xf32, #tpu.memory_space<vmem_shared>>) target(%arg11 : memref<128x64xf32, #tpu.memory_space<vmem>>) offsets(%dma_start3A_360 : memref<128xi32, #tpu.memory_space<vmem>>) semaphore(%arg15 : memref<!tpu.dma_semaphore, #tpu.memory_space<semaphore_mem>>)
      %mul3A_364 = arith.constant 8 : i32
      %mul3A_365 = arith.muli %scan3A_108, %mul3A_364 : i32
      %add3A_366 = arith.constant 6 : i32
      %add3A_367 = arith.addi %mul3A_365, %add3A_366 : i32
      %dma_wait3A_368 = arith.constant 0 : i32
      %dma_wait3A_369 = tpu.memref_slice %arg8[%add3A_367, %dma_wait3A_368] : memref<162x128xi32, #tpu.memory_space<vmem>> -> memref<1x128xi32, #tpu.memory_space<vmem>>
      %dma_wait3A_370 = tpu.memref_squeeze %dma_wait3A_369 : memref<1x128xi32, #tpu.memory_space<vmem>> -> memref<128xi32, #tpu.memory_space<vmem>>
      %dma_wait3A_371 = arith.constant 0 : i32
      %dma_wait3A_372 = arith.constant 0 : i32
      %dma_wait3A_373 = tpu.memref_slice %arg12[%dma_wait3A_371, %dma_wait3A_372] : memref<10240x64xf32, #tpu.memory_space<vmem_shared>> -> memref<10240x64xf32, #tpu.memory_space<vmem_shared>>
      tpu.wait_indirect_dma semaphore(%arg14 : memref<!tpu.dma_semaphore, #tpu.memory_space<semaphore_mem>>) src(%dma_wait3A_373 : memref<10240x64xf32, #tpu.memory_space<vmem_shared>>) dst(%arg10 : memref<128x64xf32, #tpu.memory_space<vmem>>)
      %add3A_374 = arith.constant 6 : i32
      %add3A_375 = arith.addi %mul3A_119, %add3A_374 : i32
      %dma_start3A_376 = arith.constant 0 : i32
      %dma_start3A_377 = tpu.memref_slice %arg9[%add3A_375, %dma_start3A_376] : memref<16x128xi32, #tpu.memory_space<vmem>> -> memref<1x128xi32, #tpu.memory_space<vmem>>
      %dma_start3A_378 = tpu.memref_squeeze %dma_start3A_377 : memref<1x128xi32, #tpu.memory_space<vmem>> -> memref<128xi32, #tpu.memory_space<vmem>>
      %dma_start3A_379 = arith.constant 0 : i32
      %dma_start3A_380 = arith.constant 0 : i32
      %dma_start3A_381 = tpu.memref_slice %arg13[%dma_start3A_379, %dma_start3A_380] : memref<10240x64xf32, #tpu.memory_space<vmem_shared>> -> memref<10240x64xf32, #tpu.memory_space<vmem_shared>>
      tpu.enqueue_indirect_dma source(%arg10 : memref<128x64xf32, #tpu.memory_space<vmem>>) target(%dma_start3A_381 : memref<10240x64xf32, #tpu.memory_space<vmem_shared>>) offsets(%dma_start3A_378 : memref<128xi32, #tpu.memory_space<vmem>>) semaphore(%arg16 : memref<!tpu.dma_semaphore, #tpu.memory_space<semaphore_mem>>) {add = true}
      %add3A_382 = arith.constant 1 : i32
      %add3A_383 = arith.addi %add3A_367, %add3A_382 : i32
      %dma_wait3A_384 = arith.constant 0 : i32
      %dma_wait3A_385 = tpu.memref_slice %arg8[%add3A_383, %dma_wait3A_384] : memref<162x128xi32, #tpu.memory_space<vmem>> -> memref<1x128xi32, #tpu.memory_space<vmem>>
      %dma_wait3A_386 = tpu.memref_squeeze %dma_wait3A_385 : memref<1x128xi32, #tpu.memory_space<vmem>> -> memref<128xi32, #tpu.memory_space<vmem>>
      %dma_wait3A_387 = arith.constant 0 : i32
      %dma_wait3A_388 = arith.constant 0 : i32
      %dma_wait3A_389 = tpu.memref_slice %arg12[%dma_wait3A_387, %dma_wait3A_388] : memref<10240x64xf32, #tpu.memory_space<vmem_shared>> -> memref<10240x64xf32, #tpu.memory_space<vmem_shared>>
      tpu.wait_indirect_dma semaphore(%arg15 : memref<!tpu.dma_semaphore, #tpu.memory_space<semaphore_mem>>) src(%dma_wait3A_389 : memref<10240x64xf32, #tpu.memory_space<vmem_shared>>) dst(%arg11 : memref<128x64xf32, #tpu.memory_space<vmem>>)
      %add3A_390 = arith.constant 6 : i32
      %add3A_391 = arith.addi %mul3A_119, %add3A_390 : i32
      %add3A_392 = arith.constant 1 : i32
      %add3A_393 = arith.addi %add3A_391, %add3A_392 : i32
      %dma_start3A_394 = arith.constant 0 : i32
      %dma_start3A_395 = tpu.memref_slice %arg9[%add3A_393, %dma_start3A_394] : memref<16x128xi32, #tpu.memory_space<vmem>> -> memref<1x128xi32, #tpu.memory_space<vmem>>
      %dma_start3A_396 = tpu.memref_squeeze %dma_start3A_395 : memref<1x128xi32, #tpu.memory_space<vmem>> -> memref<128xi32, #tpu.memory_space<vmem>>
      %dma_start3A_397 = arith.constant 0 : i32
      %dma_start3A_398 = arith.constant 0 : i32
      %dma_start3A_399 = tpu.memref_slice %arg13[%dma_start3A_397, %dma_start3A_398] : memref<10240x64xf32, #tpu.memory_space<vmem_shared>> -> memref<10240x64xf32, #tpu.memory_space<vmem_shared>>
      tpu.enqueue_indirect_dma source(%arg11 : memref<128x64xf32, #tpu.memory_space<vmem>>) target(%dma_start3A_399 : memref<10240x64xf32, #tpu.memory_space<vmem_shared>>) offsets(%dma_start3A_396 : memref<128xi32, #tpu.memory_space<vmem>>) semaphore(%arg17 : memref<!tpu.dma_semaphore, #tpu.memory_space<semaphore_mem>>) {add = true}
      %add3A_400 = arith.constant 6 : i32
      %add3A_401 = arith.addi %mul3A_119, %add3A_400 : i32
      %dma_wait3A_402 = arith.constant 0 : i32
      %dma_wait3A_403 = tpu.memref_slice %arg9[%add3A_401, %dma_wait3A_402] : memref<16x128xi32, #tpu.memory_space<vmem>> -> memref<1x128xi32, #tpu.memory_space<vmem>>
      %dma_wait3A_404 = tpu.memref_squeeze %dma_wait3A_403 : memref<1x128xi32, #tpu.memory_space<vmem>> -> memref<128xi32, #tpu.memory_space<vmem>>
      %dma_wait3A_405 = arith.constant 0 : i32
      %dma_wait3A_406 = arith.constant 0 : i32
      %dma_wait3A_407 = tpu.memref_slice %arg13[%dma_wait3A_405, %dma_wait3A_406] : memref<10240x64xf32, #tpu.memory_space<vmem_shared>> -> memref<10240x64xf32, #tpu.memory_space<vmem_shared>>
      tpu.wait_indirect_dma semaphore(%arg16 : memref<!tpu.dma_semaphore, #tpu.memory_space<semaphore_mem>>) src(%arg10 : memref<128x64xf32, #tpu.memory_space<vmem>>) dst(%dma_wait3A_407 : memref<10240x64xf32, #tpu.memory_space<vmem_shared>>)
      %add3A_408 = arith.constant 2 : i32
      %add3A_409 = arith.addi %add3A_367, %add3A_408 : i32
      %dma_start3A_410 = arith.constant 0 : i32
      %dma_start3A_411 = tpu.memref_slice %arg8[%add3A_409, %dma_start3A_410] : memref<162x128xi32, #tpu.memory_space<vmem>> -> memref<1x128xi32, #tpu.memory_space<vmem>>
      %dma_start3A_412 = tpu.memref_squeeze %dma_start3A_411 : memref<1x128xi32, #tpu.memory_space<vmem>> -> memref<128xi32, #tpu.memory_space<vmem>>
      %dma_start3A_413 = arith.constant 0 : i32
      %dma_start3A_414 = arith.constant 0 : i32
      %dma_start3A_415 = tpu.memref_slice %arg12[%dma_start3A_413, %dma_start3A_414] : memref<10240x64xf32, #tpu.memory_space<vmem_shared>> -> memref<10240x64xf32, #tpu.memory_space<vmem_shared>>
      tpu.enqueue_indirect_dma source(%dma_start3A_415 : memref<10240x64xf32, #tpu.memory_space<vmem_shared>>) target(%arg10 : memref<128x64xf32, #tpu.memory_space<vmem>>) offsets(%dma_start3A_412 : memref<128xi32, #tpu.memory_space<vmem>>) semaphore(%arg14 : memref<!tpu.dma_semaphore, #tpu.memory_space<semaphore_mem>>)
      %add3A_416 = arith.constant 6 : i32
      %add3A_417 = arith.addi %mul3A_119, %add3A_416 : i32
      %add3A_418 = arith.constant 1 : i32
      %add3A_419 = arith.addi %add3A_417, %add3A_418 : i32
      %dma_wait3A_420 = arith.constant 0 : i32
      %dma_wait3A_421 = tpu.memref_slice %arg9[%add3A_419, %dma_wait3A_420] : memref<16x128xi32, #tpu.memory_space<vmem>> -> memref<1x128xi32, #tpu.memory_space<vmem>>
      %dma_wait3A_422 = tpu.memref_squeeze %dma_wait3A_421 : memref<1x128xi32, #tpu.memory_space<vmem>> -> memref<128xi32, #tpu.memory_space<vmem>>
      %dma_wait3A_423 = arith.constant 0 : i32
      %dma_wait3A_424 = arith.constant 0 : i32
      %dma_wait3A_425 = tpu.memref_slice %arg13[%dma_wait3A_423, %dma_wait3A_424] : memref<10240x64xf32, #tpu.memory_space<vmem_shared>> -> memref<10240x64xf32, #tpu.memory_space<vmem_shared>>
      tpu.wait_indirect_dma semaphore(%arg17 : memref<!tpu.dma_semaphore, #tpu.memory_space<semaphore_mem>>) src(%arg11 : memref<128x64xf32, #tpu.memory_space<vmem>>) dst(%dma_wait3A_425 : memref<10240x64xf32, #tpu.memory_space<vmem_shared>>)
      %add3A_426 = arith.constant 3 : i32
      %add3A_427 = arith.addi %add3A_367, %add3A_426 : i32
      %dma_start3A_428 = arith.constant 0 : i32
      %dma_start3A_429 = tpu.memref_slice %arg8[%add3A_427, %dma_start3A_428] : memref<162x128xi32, #tpu.memory_space<vmem>> -> memref<1x128xi32, #tpu.memory_space<vmem>>
      %dma_start3A_430 = tpu.memref_squeeze %dma_start3A_429 : memref<1x128xi32, #tpu.memory_space<vmem>> -> memref<128xi32, #tpu.memory_space<vmem>>
      %dma_start3A_431 = arith.constant 0 : i32
      %dma_start3A_432 = arith.constant 0 : i32
      %dma_start3A_433 = tpu.memref_slice %arg12[%dma_start3A_431, %dma_start3A_432] : memref<10240x64xf32, #tpu.memory_space<vmem_shared>> -> memref<10240x64xf32, #tpu.memory_space<vmem_shared>>
      tpu.enqueue_indirect_dma source(%dma_start3A_433 : memref<10240x64xf32, #tpu.memory_space<vmem_shared>>) target(%arg11 : memref<128x64xf32, #tpu.memory_space<vmem>>) offsets(%dma_start3A_430 : memref<128xi32, #tpu.memory_space<vmem>>) semaphore(%arg15 : memref<!tpu.dma_semaphore, #tpu.memory_space<semaphore_mem>>)
      %add3A_434 = arith.constant 1 : i32
      %add3A_435 = arith.addi %scan3A_108, %add3A_434 : i32
      %mul3A_436 = arith.constant 8 : i32
      %mul3A_437 = arith.muli %add3A_435, %mul3A_436 : i32
      %dma_wait3A_438 = arith.constant 0 : i32
      %dma_wait3A_439 = tpu.memref_slice %arg9[%mul3A_139, %dma_wait3A_438] : memref<16x128xi32, #tpu.memory_space<vmem>> -> memref<8x128xi32, #tpu.memory_space<vmem>>
      %dma_wait3A_440 = arith.constant 0 : i32
      %dma_wait3A_441 = tpu.memref_slice %arg5[%arg1, %mul3A_437, %dma_wait3A_440] : memref<16x168x128xi32, #tpu.memory_space<hbm>> -> memref<1x8x128xi32, #tpu.memory_space<hbm>>
      %dma_wait3A_442 = tpu.memref_squeeze %dma_wait3A_441 : memref<1x8x128xi32, #tpu.memory_space<hbm>> -> memref<8x128xi32, #tpu.memory_space<hbm>>
      %dma_wait3A_443 = arith.constant 0 : i32
      %dma_wait3A_444 = tpu.memref_slice %arg9[%mul3A_139, %dma_wait3A_443] : memref<16x128xi32, #tpu.memory_space<vmem>> -> memref<8x128xi32, #tpu.memory_space<vmem>>
      %dma_wait3A_445 = arith.constant 0 : i32
      %dma_wait3A_446 = tpu.memref_slice %arg5[%arg1, %mul3A_437, %dma_wait3A_445] : memref<16x168x128xi32, #tpu.memory_space<hbm>> -> memref<1x8x128xi32, #tpu.memory_space<hbm>>
      %dma_wait3A_447 = tpu.memref_squeeze %dma_wait3A_446 : memref<1x8x128xi32, #tpu.memory_space<hbm>> -> memref<8x128xi32, #tpu.memory_space<hbm>>
      tpu.wait_dma2 semaphore(%arg18 : memref<!tpu.dma_semaphore, #tpu.memory_space<semaphore_mem>>) src(%dma_wait3A_447 : memref<8x128xi32, #tpu.memory_space<hbm>>) dst(%dma_wait3A_444 : memref<8x128xi32, #tpu.memory_space<vmem>>)
    }
    %scan3A_85 = arith.constant 20 : i32
    %dma_wait3A_86 = arith.constant 160 : i32
    %dma_wait3A_87 = arith.constant 0 : i32
    %dma_wait3A_88 = tpu.memref_slice %arg8[%dma_wait3A_86, %dma_wait3A_87] : memref<162x128xi32, #tpu.memory_space<vmem>> -> memref<1x128xi32, #tpu.memory_space<vmem>>
    %dma_wait3A_89 = tpu.memref_squeeze %dma_wait3A_88 : memref<1x128xi32, #tpu.memory_space<vmem>> -> memref<128xi32, #tpu.memory_space<vmem>>
    %dma_wait3A_90 = arith.constant 0 : i32
    %dma_wait3A_91 = arith.constant 0 : i32
    %dma_wait3A_92 = tpu.memref_slice %arg12[%dma_wait3A_90, %dma_wait3A_91] : memref<10240x64xf32, #tpu.memory_space<vmem_shared>> -> memref<10240x64xf32, #tpu.memory_space<vmem_shared>>
    tpu.wait_indirect_dma semaphore(%arg14 : memref<!tpu.dma_semaphore, #tpu.memory_space<semaphore_mem>>) src(%dma_wait3A_92 : memref<10240x64xf32, #tpu.memory_space<vmem_shared>>) dst(%arg10 : memref<128x64xf32, #tpu.memory_space<vmem>>)
    %dma_wait3A_93 = arith.constant 161 : i32
    %dma_wait3A_94 = arith.constant 0 : i32
    %dma_wait3A_95 = tpu.memref_slice %arg8[%dma_wait3A_93, %dma_wait3A_94] : memref<162x128xi32, #tpu.memory_space<vmem>> -> memref<1x128xi32, #tpu.memory_space<vmem>>
    %dma_wait3A_96 = tpu.memref_squeeze %dma_wait3A_95 : memref<1x128xi32, #tpu.memory_space<vmem>> -> memref<128xi32, #tpu.memory_space<vmem>>
    %dma_wait3A_97 = arith.constant 0 : i32
    %dma_wait3A_98 = arith.constant 0 : i32
    %dma_wait3A_99 = tpu.memref_slice %arg12[%dma_wait3A_97, %dma_wait3A_98] : memref<10240x64xf32, #tpu.memory_space<vmem_shared>> -> memref<10240x64xf32, #tpu.memory_space<vmem_shared>>
    tpu.wait_indirect_dma semaphore(%arg15 : memref<!tpu.dma_semaphore, #tpu.memory_space<semaphore_mem>>) src(%dma_wait3A_99 : memref<10240x64xf32, #tpu.memory_space<vmem_shared>>) dst(%arg11 : memref<128x64xf32, #tpu.memory_space<vmem>>)
    %barrier3A_100 = arith.constant 0 : index
    tpu.barrier barrier_id(%barrier3A_100)
    %mul3A_101 = arith.constant 640 : i32
    %mul3A_102 = arith.muli %arg1, %mul3A_101 : i32
    %mul3A_103 = arith.constant 10240 : i32
    %mul3A_104 = arith.muli %arg0, %mul3A_103 : i32
    %mul3A_105 = arith.constant 640 : i32
    %mul3A_106 = arith.muli %arg1, %mul3A_105 : i32
    %add3A_107 = arith.addi %mul3A_104, %mul3A_106 : i32
    "tpu.region"() ({
      %run_scoped3A = tpu.sem_alloc : memref<!tpu.dma_semaphore, #tpu.memory_space<semaphore_mem>>
      %dma_start3A_108 = arith.constant 0 : i32
      %dma_start3A_109 = tpu.memref_slice %arg7[%add3A_107, %dma_start3A_108] : memref<20480x64xf32, #tpu.memory_space<hbm>> -> memref<640x64xf32, #tpu.memory_space<hbm>>
      %dma_start3A_110 = arith.constant 0 : i32
      %dma_start3A_111 = tpu.memref_slice %arg13[%mul3A_102, %dma_start3A_110] : memref<10240x64xf32, #tpu.memory_space<vmem_shared>> -> memref<640x64xf32, #tpu.memory_space<vmem_shared>>
      tpu.enqueue_dma source(%dma_start3A_111 : memref<640x64xf32, #tpu.memory_space<vmem_shared>>) target(%dma_start3A_109 : memref<640x64xf32, #tpu.memory_space<hbm>>) target_semaphore(%run_scoped3A : memref<!tpu.dma_semaphore, #tpu.memory_space<semaphore_mem>>)
      %dma_wait3A_112 = arith.constant 0 : i32
      %dma_wait3A_113 = tpu.memref_slice %arg7[%add3A_107, %dma_wait3A_112] : memref<20480x64xf32, #tpu.memory_space<hbm>> -> memref<640x64xf32, #tpu.memory_space<hbm>>
      %dma_wait3A_114 = arith.constant 0 : i32
      %dma_wait3A_115 = tpu.memref_slice %arg13[%mul3A_102, %dma_wait3A_114] : memref<10240x64xf32, #tpu.memory_space<vmem_shared>> -> memref<640x64xf32, #tpu.memory_space<vmem_shared>>
      tpu.wait_dma2 semaphore(%run_scoped3A : memref<!tpu.dma_semaphore, #tpu.memory_space<semaphore_mem>>) src(%dma_wait3A_115 : memref<640x64xf32, #tpu.memory_space<vmem_shared>>) dst(%dma_wait3A_113 : memref<640x64xf32, #tpu.memory_space<hbm>>)
      tpu.yield
    }) : () -> ()
    return
  }
}

#map = affine_map<(d0, d1) -> (0, 0)>
#map1 = affine_map<(d0, d1) -> (0, 0, 0)>
module attributes {stable_mosaic.version = 14 : i64} {
  func.func @_agg_kernel(%arg0: i32, %arg1: i32, %arg2: memref<20480x64xf32, #tpu.memory_space<hbm>>, %arg3: memref<20480x64xf32, #tpu.memory_space<hbm>>, %arg4: memref<16x162x128xi32, #tpu.memory_space<hbm>>, %arg5: memref<16x168x128xi32, #tpu.memory_space<hbm>>, %arg6: memref<20480x64xf32, #tpu.memory_space<hbm>>, %arg7: memref<20480x64xf32, #tpu.memory_space<hbm>>, %arg8: memref<162x128xi32, #tpu.memory_space<vmem>>, %arg9: memref<16x128xi32, #tpu.memory_space<vmem>>, %arg10: memref<128x64xf32, #tpu.memory_space<vmem>>, %arg11: memref<128x64xf32, #tpu.memory_space<vmem>>, %arg12: memref<10240x64xf32, #tpu.memory_space<vmem_shared>>, %arg13: memref<10240x64xf32, #tpu.memory_space<vmem_shared>>, %arg14: memref<!tpu.dma_semaphore, #tpu.memory_space<semaphore_mem>>, %arg15: memref<!tpu.dma_semaphore, #tpu.memory_space<semaphore_mem>>, %arg16: memref<!tpu.dma_semaphore, #tpu.memory_space<semaphore_mem>>, %arg17: memref<!tpu.dma_semaphore, #tpu.memory_space<semaphore_mem>>, %arg18: memref<!tpu.dma_semaphore, #tpu.memory_space<semaphore_mem>>) attributes {dimension_semantics = [#tpu.dimension_semantics<core_parallel>, #tpu.dimension_semantics<subcore_parallel>], iteration_bounds = array<i64: 2, 16>, scalar_prefetch = 0 : i64, scratch_operands = 11 : i64, tpu.core_type = #tpu.core_type<sc_vector_subcore>, window_params = [{transform_indices = #map}, {transform_indices = #map}, {transform_indices = #map1}, {transform_indices = #map1}, {transform_indices = #map}, {transform_indices = #map}]} {
    "tpu.region"() ({
      %run_scoped3A = tpu.sem_alloc : memref<!tpu.dma_semaphore, #tpu.memory_space<semaphore_mem>>
      %dma_start3A_108 = arith.constant 0 : i32
      %dma_start3A_109 = arith.constant 0 : i32
      %dma_start3A_110 = tpu.memref_slice %arg4[%arg1, %dma_start3A_108, %dma_start3A_109] : memref<16x162x128xi32, #tpu.memory_space<hbm>> -> memref<1x162x128xi32, #tpu.memory_space<hbm>>
      %dma_start3A_111 = tpu.memref_squeeze %dma_start3A_110 : memref<1x162x128xi32, #tpu.memory_space<hbm>> -> memref<162x128xi32, #tpu.memory_space<hbm>>
      %dma_start3A_112 = arith.constant 0 : i32
      %dma_start3A_113 = arith.constant 0 : i32
      %dma_start3A_114 = tpu.memref_slice %arg4[%arg1, %dma_start3A_112, %dma_start3A_113] : memref<16x162x128xi32, #tpu.memory_space<hbm>> -> memref<1x162x128xi32, #tpu.memory_space<hbm>>
      %dma_start3A_115 = tpu.memref_squeeze %dma_start3A_114 : memref<1x162x128xi32, #tpu.memory_space<hbm>> -> memref<162x128xi32, #tpu.memory_space<hbm>>
      tpu.enqueue_dma source(%dma_start3A_115 : memref<162x128xi32, #tpu.memory_space<hbm>>) target(%arg8 : memref<162x128xi32, #tpu.memory_space<vmem>>) target_semaphore(%run_scoped3A : memref<!tpu.dma_semaphore, #tpu.memory_space<semaphore_mem>>)
      %dma_wait3A_116 = arith.constant 0 : i32
      %dma_wait3A_117 = arith.constant 0 : i32
      %dma_wait3A_118 = tpu.memref_slice %arg4[%arg1, %dma_wait3A_116, %dma_wait3A_117] : memref<16x162x128xi32, #tpu.memory_space<hbm>> -> memref<1x162x128xi32, #tpu.memory_space<hbm>>
      %dma_wait3A_119 = tpu.memref_squeeze %dma_wait3A_118 : memref<1x162x128xi32, #tpu.memory_space<hbm>> -> memref<162x128xi32, #tpu.memory_space<hbm>>
      %dma_wait3A_120 = arith.constant 0 : i32
      %dma_wait3A_121 = arith.constant 0 : i32
      %dma_wait3A_122 = tpu.memref_slice %arg4[%arg1, %dma_wait3A_120, %dma_wait3A_121] : memref<16x162x128xi32, #tpu.memory_space<hbm>> -> memref<1x162x128xi32, #tpu.memory_space<hbm>>
      %dma_wait3A_123 = tpu.memref_squeeze %dma_wait3A_122 : memref<1x162x128xi32, #tpu.memory_space<hbm>> -> memref<162x128xi32, #tpu.memory_space<hbm>>
      tpu.wait_dma2 semaphore(%run_scoped3A : memref<!tpu.dma_semaphore, #tpu.memory_space<semaphore_mem>>) src(%dma_wait3A_123 : memref<162x128xi32, #tpu.memory_space<hbm>>) dst(%arg8 : memref<162x128xi32, #tpu.memory_space<vmem>>)
      tpu.yield
    }) : () -> ()
    "tpu.region"() ({
      %run_scoped3A = tpu.sem_alloc : memref<!tpu.dma_semaphore, #tpu.memory_space<semaphore_mem>>
      %dma_start3A_108 = arith.constant 0 : i32
      %dma_start3A_109 = arith.constant 0 : i32
      %dma_start3A_110 = tpu.memref_slice %arg9[%dma_start3A_108, %dma_start3A_109] : memref<16x128xi32, #tpu.memory_space<vmem>> -> memref<8x128xi32, #tpu.memory_space<vmem>>
      %dma_start3A_111 = arith.constant 0 : i32
      %dma_start3A_112 = arith.constant 0 : i32
      %dma_start3A_113 = tpu.memref_slice %arg5[%arg1, %dma_start3A_111, %dma_start3A_112] : memref<16x168x128xi32, #tpu.memory_space<hbm>> -> memref<1x8x128xi32, #tpu.memory_space<hbm>>
      %dma_start3A_114 = tpu.memref_squeeze %dma_start3A_113 : memref<1x8x128xi32, #tpu.memory_space<hbm>> -> memref<8x128xi32, #tpu.memory_space<hbm>>
      %dma_start3A_115 = arith.constant 0 : i32
      %dma_start3A_116 = arith.constant 0 : i32
      %dma_start3A_117 = tpu.memref_slice %arg9[%dma_start3A_115, %dma_start3A_116] : memref<16x128xi32, #tpu.memory_space<vmem>> -> memref<8x128xi32, #tpu.memory_space<vmem>>
      %dma_start3A_118 = arith.constant 0 : i32
      %dma_start3A_119 = arith.constant 0 : i32
      %dma_start3A_120 = tpu.memref_slice %arg5[%arg1, %dma_start3A_118, %dma_start3A_119] : memref<16x168x128xi32, #tpu.memory_space<hbm>> -> memref<1x8x128xi32, #tpu.memory_space<hbm>>
      %dma_start3A_121 = tpu.memref_squeeze %dma_start3A_120 : memref<1x8x128xi32, #tpu.memory_space<hbm>> -> memref<8x128xi32, #tpu.memory_space<hbm>>
      tpu.enqueue_dma source(%dma_start3A_121 : memref<8x128xi32, #tpu.memory_space<hbm>>) target(%dma_start3A_117 : memref<8x128xi32, #tpu.memory_space<vmem>>) target_semaphore(%run_scoped3A : memref<!tpu.dma_semaphore, #tpu.memory_space<semaphore_mem>>)
      %dma_wait3A_122 = arith.constant 0 : i32
      %dma_wait3A_123 = arith.constant 0 : i32
      %dma_wait3A_124 = tpu.memref_slice %arg9[%dma_wait3A_122, %dma_wait3A_123] : memref<16x128xi32, #tpu.memory_space<vmem>> -> memref<8x128xi32, #tpu.memory_space<vmem>>
      %dma_wait3A_125 = arith.constant 0 : i32
      %dma_wait3A_126 = arith.constant 0 : i32
      %dma_wait3A_127 = tpu.memref_slice %arg5[%arg1, %dma_wait3A_125, %dma_wait3A_126] : memref<16x168x128xi32, #tpu.memory_space<hbm>> -> memref<1x8x128xi32, #tpu.memory_space<hbm>>
      %dma_wait3A_128 = tpu.memref_squeeze %dma_wait3A_127 : memref<1x8x128xi32, #tpu.memory_space<hbm>> -> memref<8x128xi32, #tpu.memory_space<hbm>>
      %dma_wait3A_129 = arith.constant 0 : i32
      %dma_wait3A_130 = arith.constant 0 : i32
      %dma_wait3A_131 = tpu.memref_slice %arg9[%dma_wait3A_129, %dma_wait3A_130] : memref<16x128xi32, #tpu.memory_space<vmem>> -> memref<8x128xi32, #tpu.memory_space<vmem>>
      %dma_wait3A_132 = arith.constant 0 : i32
      %dma_wait3A_133 = arith.constant 0 : i32
      %dma_wait3A_134 = tpu.memref_slice %arg5[%arg1, %dma_wait3A_132, %dma_wait3A_133] : memref<16x168x128xi32, #tpu.memory_space<hbm>> -> memref<1x8x128xi32, #tpu.memory_space<hbm>>
      %dma_wait3A_135 = tpu.memref_squeeze %dma_wait3A_134 : memref<1x8x128xi32, #tpu.memory_space<hbm>> -> memref<8x128xi32, #tpu.memory_space<hbm>>
      tpu.wait_dma2 semaphore(%run_scoped3A : memref<!tpu.dma_semaphore, #tpu.memory_space<semaphore_mem>>) src(%dma_wait3A_135 : memref<8x128xi32, #tpu.memory_space<hbm>>) dst(%dma_wait3A_131 : memref<8x128xi32, #tpu.memory_space<vmem>>)
      tpu.yield
    }) : () -> ()
    %mul3A = arith.constant 10240 : i32
    %mul3A_0 = arith.muli %arg0, %mul3A : i32
    %mul3A_1 = arith.constant 640 : i32
    %mul3A_2 = arith.muli %arg1, %mul3A_1 : i32
    %add3A = arith.addi %mul3A_0, %mul3A_2 : i32
    %mul3A_3 = arith.constant 640 : i32
    %mul3A_4 = arith.muli %arg1, %mul3A_3 : i32
    "tpu.region"() ({
      %run_scoped3A = tpu.sem_alloc : memref<!tpu.dma_semaphore, #tpu.memory_space<semaphore_mem>>
      %dma_start3A_108 = arith.constant 0 : i32
      %dma_start3A_109 = tpu.memref_slice %arg12[%mul3A_4, %dma_start3A_108] : memref<10240x64xf32, #tpu.memory_space<vmem_shared>> -> memref<640x64xf32, #tpu.memory_space<vmem_shared>>
      %dma_start3A_110 = arith.constant 0 : i32
      %dma_start3A_111 = tpu.memref_slice %arg2[%add3A, %dma_start3A_110] : memref<20480x64xf32, #tpu.memory_space<hbm>> -> memref<640x64xf32, #tpu.memory_space<hbm>>
      tpu.enqueue_dma source(%dma_start3A_111 : memref<640x64xf32, #tpu.memory_space<hbm>>) target(%dma_start3A_109 : memref<640x64xf32, #tpu.memory_space<vmem_shared>>) target_semaphore(%run_scoped3A : memref<!tpu.dma_semaphore, #tpu.memory_space<semaphore_mem>>)
      %dma_wait3A_112 = arith.constant 0 : i32
      %dma_wait3A_113 = tpu.memref_slice %arg12[%mul3A_4, %dma_wait3A_112] : memref<10240x64xf32, #tpu.memory_space<vmem_shared>> -> memref<640x64xf32, #tpu.memory_space<vmem_shared>>
      %dma_wait3A_114 = arith.constant 0 : i32
      %dma_wait3A_115 = tpu.memref_slice %arg2[%add3A, %dma_wait3A_114] : memref<20480x64xf32, #tpu.memory_space<hbm>> -> memref<640x64xf32, #tpu.memory_space<hbm>>
      tpu.wait_dma2 semaphore(%run_scoped3A : memref<!tpu.dma_semaphore, #tpu.memory_space<semaphore_mem>>) src(%dma_wait3A_115 : memref<640x64xf32, #tpu.memory_space<hbm>>) dst(%dma_wait3A_113 : memref<640x64xf32, #tpu.memory_space<vmem_shared>>)
      tpu.yield
    }) : () -> ()
    %mul3A_5 = arith.constant 10240 : i32
    %mul3A_6 = arith.muli %arg0, %mul3A_5 : i32
    %mul3A_7 = arith.constant 640 : i32
    %mul3A_8 = arith.muli %arg1, %mul3A_7 : i32
    %add3A_9 = arith.addi %mul3A_6, %mul3A_8 : i32
    %mul3A_10 = arith.constant 640 : i32
    %mul3A_11 = arith.muli %arg1, %mul3A_10 : i32
    "tpu.region"() ({
      %run_scoped3A = tpu.sem_alloc : memref<!tpu.dma_semaphore, #tpu.memory_space<semaphore_mem>>
      %dma_start3A_108 = arith.constant 0 : i32
      %dma_start3A_109 = tpu.memref_slice %arg13[%mul3A_11, %dma_start3A_108] : memref<10240x64xf32, #tpu.memory_space<vmem_shared>> -> memref<640x64xf32, #tpu.memory_space<vmem_shared>>
      %dma_start3A_110 = arith.constant 0 : i32
      %dma_start3A_111 = tpu.memref_slice %arg2[%add3A_9, %dma_start3A_110] : memref<20480x64xf32, #tpu.memory_space<hbm>> -> memref<640x64xf32, #tpu.memory_space<hbm>>
      tpu.enqueue_dma source(%dma_start3A_111 : memref<640x64xf32, #tpu.memory_space<hbm>>) target(%dma_start3A_109 : memref<640x64xf32, #tpu.memory_space<vmem_shared>>) target_semaphore(%run_scoped3A : memref<!tpu.dma_semaphore, #tpu.memory_space<semaphore_mem>>)
      %dma_wait3A_112 = arith.constant 0 : i32
      %dma_wait3A_113 = tpu.memref_slice %arg13[%mul3A_11, %dma_wait3A_112] : memref<10240x64xf32, #tpu.memory_space<vmem_shared>> -> memref<640x64xf32, #tpu.memory_space<vmem_shared>>
      %dma_wait3A_114 = arith.constant 0 : i32
      %dma_wait3A_115 = tpu.memref_slice %arg2[%add3A_9, %dma_wait3A_114] : memref<20480x64xf32, #tpu.memory_space<hbm>> -> memref<640x64xf32, #tpu.memory_space<hbm>>
      tpu.wait_dma2 semaphore(%run_scoped3A : memref<!tpu.dma_semaphore, #tpu.memory_space<semaphore_mem>>) src(%dma_wait3A_115 : memref<640x64xf32, #tpu.memory_space<hbm>>) dst(%dma_wait3A_113 : memref<640x64xf32, #tpu.memory_space<vmem_shared>>)
      tpu.yield
    }) : () -> ()
    %barrier3A = arith.constant 0 : index
    tpu.barrier barrier_id(%barrier3A)
    %dma_start3A = arith.constant 0 : i32
    %dma_start3A_12 = arith.constant 0 : i32
    %dma_start3A_13 = tpu.memref_slice %arg8[%dma_start3A, %dma_start3A_12] : memref<162x128xi32, #tpu.memory_space<vmem>> -> memref<1x128xi32, #tpu.memory_space<vmem>>
    %dma_start3A_14 = tpu.memref_squeeze %dma_start3A_13 : memref<1x128xi32, #tpu.memory_space<vmem>> -> memref<128xi32, #tpu.memory_space<vmem>>
    %dma_start3A_15 = arith.constant 0 : i32
    %dma_start3A_16 = arith.constant 0 : i32
    %dma_start3A_17 = tpu.memref_slice %arg12[%dma_start3A_15, %dma_start3A_16] : memref<10240x64xf32, #tpu.memory_space<vmem_shared>> -> memref<10240x64xf32, #tpu.memory_space<vmem_shared>>
    tpu.enqueue_indirect_dma source(%dma_start3A_17 : memref<10240x64xf32, #tpu.memory_space<vmem_shared>>) target(%arg10 : memref<128x64xf32, #tpu.memory_space<vmem>>) offsets(%dma_start3A_14 : memref<128xi32, #tpu.memory_space<vmem>>) semaphore(%arg14 : memref<!tpu.dma_semaphore, #tpu.memory_space<semaphore_mem>>)
    %dma_start3A_18 = arith.constant 1 : i32
    %dma_start3A_19 = arith.constant 0 : i32
    %dma_start3A_20 = tpu.memref_slice %arg8[%dma_start3A_18, %dma_start3A_19] : memref<162x128xi32, #tpu.memory_space<vmem>> -> memref<1x128xi32, #tpu.memory_space<vmem>>
    %dma_start3A_21 = tpu.memref_squeeze %dma_start3A_20 : memref<1x128xi32, #tpu.memory_space<vmem>> -> memref<128xi32, #tpu.memory_space<vmem>>
    %dma_start3A_22 = arith.constant 0 : i32
    %dma_start3A_23 = arith.constant 0 : i32
    %dma_start3A_24 = tpu.memref_slice %arg12[%dma_start3A_22, %dma_start3A_23] : memref<10240x64xf32, #tpu.memory_space<vmem_shared>> -> memref<10240x64xf32, #tpu.memory_space<vmem_shared>>
    tpu.enqueue_indirect_dma source(%dma_start3A_24 : memref<10240x64xf32, #tpu.memory_space<vmem_shared>>) target(%arg11 : memref<128x64xf32, #tpu.memory_space<vmem>>) offsets(%dma_start3A_21 : memref<128xi32, #tpu.memory_space<vmem>>) semaphore(%arg15 : memref<!tpu.dma_semaphore, #tpu.memory_space<semaphore_mem>>)
    %scan3A = arith.constant 0 : i32
    %scan3A_25 = arith.constant 0 : i32
    %scan3A_26 = arith.constant 20 : i32
    %scan3A_27 = arith.addi %scan3A_25, %scan3A_26 : i32
    %scan3A_28 = arith.constant 1 : i32
    scf.for %scan3A_108 = %scan3A_25 to %scan3A_27 step %scan3A_28  : i32 {
      %jit3A = arith.constant 2 : i32
      %eq3A = arith.constant 0 : i32
      %eq3A_109 = arith.cmpi eq, %jit3A, %eq3A : i32
      %jit3A_110 = arith.constant 1 : i32
      %select_n3A = arith.select %eq3A_109, %jit3A_110, %jit3A : i32
      %rem3A = arith.remsi %scan3A_108, %select_n3A : i32
      %ne3A = arith.constant 0 : i32
      %ne3A_111 = arith.cmpi ne, %rem3A, %ne3A : i32
      %lt3A = arith.constant 0 : i32
      %lt3A_112 = arith.cmpi slt, %rem3A, %lt3A : i32
      %lt3A_113 = arith.constant 0 : i32
      %lt3A_114 = arith.cmpi slt, %select_n3A, %lt3A_113 : i32
      %ne3A_115 = arith.xori %lt3A_112, %lt3A_114 : i1
      %and3A = arith.andi %ne3A_115, %ne3A_111 : i1
      %add3A_116 = arith.addi %rem3A, %select_n3A : i32
      %select_n3A_117 = arith.select %and3A, %add3A_116, %rem3A : i32
      %mul3A_118 = arith.constant 8 : i32
      %mul3A_119 = arith.muli %select_n3A_117, %mul3A_118 : i32
      %add3A_120 = arith.constant 1 : i32
      %add3A_121 = arith.addi %scan3A_108, %add3A_120 : i32
      %jit3A_122 = arith.constant 2 : i32
      %eq3A_123 = arith.constant 0 : i32
      %eq3A_124 = arith.cmpi eq, %jit3A_122, %eq3A_123 : i32
      %jit3A_125 = arith.constant 1 : i32
      %select_n3A_126 = arith.select %eq3A_124, %jit3A_125, %jit3A_122 : i32
      %rem3A_127 = arith.remsi %add3A_121, %select_n3A_126 : i32
      %ne3A_128 = arith.constant 0 : i32
      %ne3A_129 = arith.cmpi ne, %rem3A_127, %ne3A_128 : i32
      %lt3A_130 = arith.constant 0 : i32
      %lt3A_131 = arith.cmpi slt, %rem3A_127, %lt3A_130 : i32
      %lt3A_132 = arith.constant 0 : i32
      %lt3A_133 = arith.cmpi slt, %select_n3A_126, %lt3A_132 : i32
      %ne3A_134 = arith.xori %lt3A_131, %lt3A_133 : i1
      %and3A_135 = arith.andi %ne3A_134, %ne3A_129 : i1
      %add3A_136 = arith.addi %rem3A_127, %select_n3A_126 : i32
      %select_n3A_137 = arith.select %and3A_135, %add3A_136, %rem3A_127 : i32
      %mul3A_138 = arith.constant 8 : i32
      %mul3A_139 = arith.muli %select_n3A_137, %mul3A_138 : i32
      %add3A_140 = arith.constant 1 : i32
      %add3A_141 = arith.addi %scan3A_108, %add3A_140 : i32
      %mul3A_142 = arith.constant 8 : i32
      %mul3A_143 = arith.muli %add3A_141, %mul3A_142 : i32
      %dma_start3A_144 = arith.constant 0 : i32
      %dma_start3A_145 = tpu.memref_slice %arg9[%mul3A_139, %dma_start3A_144] : memref<16x128xi32, #tpu.memory_space<vmem>> -> memref<8x128xi32, #tpu.memory_space<vmem>>
      %dma_start3A_146 = arith.constant 0 : i32
      %dma_start3A_147 = tpu.memref_slice %arg5[%arg1, %mul3A_143, %dma_start3A_146] : memref<16x168x128xi32, #tpu.memory_space<hbm>> -> memref<1x8x128xi32, #tpu.memory_space<hbm>>
      %dma_start3A_148 = tpu.memref_squeeze %dma_start3A_147 : memref<1x8x128xi32, #tpu.memory_space<hbm>> -> memref<8x128xi32, #tpu.memory_space<hbm>>
      %dma_start3A_149 = arith.constant 0 : i32
      %dma_start3A_150 = tpu.memref_slice %arg9[%mul3A_139, %dma_start3A_149] : memref<16x128xi32, #tpu.memory_space<vmem>> -> memref<8x128xi32, #tpu.memory_space<vmem>>
      %dma_start3A_151 = arith.constant 0 : i32
      %dma_start3A_152 = tpu.memref_slice %arg5[%arg1, %mul3A_143, %dma_start3A_151] : memref<16x168x128xi32, #tpu.memory_space<hbm>> -> memref<1x8x128xi32, #tpu.memory_space<hbm>>
      %dma_start3A_153 = tpu.memref_squeeze %dma_start3A_152 : memref<1x8x128xi32, #tpu.memory_space<hbm>> -> memref<8x128xi32, #tpu.memory_space<hbm>>
      tpu.enqueue_dma source(%dma_start3A_153 : memref<8x128xi32, #tpu.memory_space<hbm>>) target(%dma_start3A_150 : memref<8x128xi32, #tpu.memory_space<vmem>>) target_semaphore(%arg18 : memref<!tpu.dma_semaphore, #tpu.memory_space<semaphore_mem>>)
      %mul3A_154 = arith.constant 8 : i32
      %mul3A_155 = arith.muli %scan3A_108, %mul3A_154 : i32
      %add3A_156 = arith.constant 0 : i32
      %add3A_157 = arith.addi %mul3A_155, %add3A_156 : i32
      %dma_wait3A_158 = arith.constant 0 : i32
      %dma_wait3A_159 = tpu.memref_slice %arg8[%add3A_157, %dma_wait3A_158] : memref<162x128xi32, #tpu.memory_space<vmem>> -> memref<1x128xi32, #tpu.memory_space<vmem>>
      %dma_wait3A_160 = tpu.memref_squeeze %dma_wait3A_159 : memref<1x128xi32, #tpu.memory_space<vmem>> -> memref<128xi32, #tpu.memory_space<vmem>>
      %dma_wait3A_161 = arith.constant 0 : i32
      %dma_wait3A_162 = arith.constant 0 : i32
      %dma_wait3A_163 = tpu.memref_slice %arg12[%dma_wait3A_161, %dma_wait3A_162] : memref<10240x64xf32, #tpu.memory_space<vmem_shared>> -> memref<10240x64xf32, #tpu.memory_space<vmem_shared>>
      tpu.wait_indirect_dma semaphore(%arg14 : memref<!tpu.dma_semaphore, #tpu.memory_space<semaphore_mem>>) src(%dma_wait3A_163 : memref<10240x64xf32, #tpu.memory_space<vmem_shared>>) dst(%arg10 : memref<128x64xf32, #tpu.memory_space<vmem>>)
      %add3A_164 = arith.constant 0 : i32
      %add3A_165 = arith.addi %mul3A_119, %add3A_164 : i32
      %dma_start3A_166 = arith.constant 0 : i32
      %dma_start3A_167 = tpu.memref_slice %arg9[%add3A_165, %dma_start3A_166] : memref<16x128xi32, #tpu.memory_space<vmem>> -> memref<1x128xi32, #tpu.memory_space<vmem>>
      %dma_start3A_168 = tpu.memref_squeeze %dma_start3A_167 : memref<1x128xi32, #tpu.memory_space<vmem>> -> memref<128xi32, #tpu.memory_space<vmem>>
      %dma_start3A_169 = arith.constant 0 : i32
      %dma_start3A_170 = arith.constant 0 : i32
      %dma_start3A_171 = tpu.memref_slice %arg13[%dma_start3A_169, %dma_start3A_170] : memref<10240x64xf32, #tpu.memory_space<vmem_shared>> -> memref<10240x64xf32, #tpu.memory_space<vmem_shared>>
      tpu.enqueue_indirect_dma source(%arg10 : memref<128x64xf32, #tpu.memory_space<vmem>>) target(%dma_start3A_171 : memref<10240x64xf32, #tpu.memory_space<vmem_shared>>) offsets(%dma_start3A_168 : memref<128xi32, #tpu.memory_space<vmem>>) semaphore(%arg16 : memref<!tpu.dma_semaphore, #tpu.memory_space<semaphore_mem>>) {add = true}
      %add3A_172 = arith.constant 1 : i32
      %add3A_173 = arith.addi %add3A_157, %add3A_172 : i32
      %dma_wait3A_174 = arith.constant 0 : i32
      %dma_wait3A_175 = tpu.memref_slice %arg8[%add3A_173, %dma_wait3A_174] : memref<162x128xi32, #tpu.memory_space<vmem>> -> memref<1x128xi32, #tpu.memory_space<vmem>>
      %dma_wait3A_176 = tpu.memref_squeeze %dma_wait3A_175 : memref<1x128xi32, #tpu.memory_space<vmem>> -> memref<128xi32, #tpu.memory_space<vmem>>
      %dma_wait3A_177 = arith.constant 0 : i32
      %dma_wait3A_178 = arith.constant 0 : i32
      %dma_wait3A_179 = tpu.memref_slice %arg12[%dma_wait3A_177, %dma_wait3A_178] : memref<10240x64xf32, #tpu.memory_space<vmem_shared>> -> memref<10240x64xf32, #tpu.memory_space<vmem_shared>>
      tpu.wait_indirect_dma semaphore(%arg15 : memref<!tpu.dma_semaphore, #tpu.memory_space<semaphore_mem>>) src(%dma_wait3A_179 : memref<10240x64xf32, #tpu.memory_space<vmem_shared>>) dst(%arg11 : memref<128x64xf32, #tpu.memory_space<vmem>>)
      %add3A_180 = arith.constant 0 : i32
      %add3A_181 = arith.addi %mul3A_119, %add3A_180 : i32
      %add3A_182 = arith.constant 1 : i32
      %add3A_183 = arith.addi %add3A_181, %add3A_182 : i32
      %dma_start3A_184 = arith.constant 0 : i32
      %dma_start3A_185 = tpu.memref_slice %arg9[%add3A_183, %dma_start3A_184] : memref<16x128xi32, #tpu.memory_space<vmem>> -> memref<1x128xi32, #tpu.memory_space<vmem>>
      %dma_start3A_186 = tpu.memref_squeeze %dma_start3A_185 : memref<1x128xi32, #tpu.memory_space<vmem>> -> memref<128xi32, #tpu.memory_space<vmem>>
      %dma_start3A_187 = arith.constant 0 : i32
      %dma_start3A_188 = arith.constant 0 : i32
      %dma_start3A_189 = tpu.memref_slice %arg13[%dma_start3A_187, %dma_start3A_188] : memref<10240x64xf32, #tpu.memory_space<vmem_shared>> -> memref<10240x64xf32, #tpu.memory_space<vmem_shared>>
      tpu.enqueue_indirect_dma source(%arg11 : memref<128x64xf32, #tpu.memory_space<vmem>>) target(%dma_start3A_189 : memref<10240x64xf32, #tpu.memory_space<vmem_shared>>) offsets(%dma_start3A_186 : memref<128xi32, #tpu.memory_space<vmem>>) semaphore(%arg17 : memref<!tpu.dma_semaphore, #tpu.memory_space<semaphore_mem>>) {add = true}
      %add3A_190 = arith.constant 0 : i32
      %add3A_191 = arith.addi %mul3A_119, %add3A_190 : i32
      %dma_wait3A_192 = arith.constant 0 : i32
      %dma_wait3A_193 = tpu.memref_slice %arg9[%add3A_191, %dma_wait3A_192] : memref<16x128xi32, #tpu.memory_space<vmem>> -> memref<1x128xi32, #tpu.memory_space<vmem>>
      %dma_wait3A_194 = tpu.memref_squeeze %dma_wait3A_193 : memref<1x128xi32, #tpu.memory_space<vmem>> -> memref<128xi32, #tpu.memory_space<vmem>>
      %dma_wait3A_195 = arith.constant 0 : i32
      %dma_wait3A_196 = arith.constant 0 : i32
      %dma_wait3A_197 = tpu.memref_slice %arg13[%dma_wait3A_195, %dma_wait3A_196] : memref<10240x64xf32, #tpu.memory_space<vmem_shared>> -> memref<10240x64xf32, #tpu.memory_space<vmem_shared>>
      tpu.wait_indirect_dma semaphore(%arg16 : memref<!tpu.dma_semaphore, #tpu.memory_space<semaphore_mem>>) src(%arg10 : memref<128x64xf32, #tpu.memory_space<vmem>>) dst(%dma_wait3A_197 : memref<10240x64xf32, #tpu.memory_space<vmem_shared>>)
      %add3A_198 = arith.constant 2 : i32
      %add3A_199 = arith.addi %add3A_157, %add3A_198 : i32
      %dma_start3A_200 = arith.constant 0 : i32
      %dma_start3A_201 = tpu.memref_slice %arg8[%add3A_199, %dma_start3A_200] : memref<162x128xi32, #tpu.memory_space<vmem>> -> memref<1x128xi32, #tpu.memory_space<vmem>>
      %dma_start3A_202 = tpu.memref_squeeze %dma_start3A_201 : memref<1x128xi32, #tpu.memory_space<vmem>> -> memref<128xi32, #tpu.memory_space<vmem>>
      %dma_start3A_203 = arith.constant 0 : i32
      %dma_start3A_204 = arith.constant 0 : i32
      %dma_start3A_205 = tpu.memref_slice %arg12[%dma_start3A_203, %dma_start3A_204] : memref<10240x64xf32, #tpu.memory_space<vmem_shared>> -> memref<10240x64xf32, #tpu.memory_space<vmem_shared>>
      tpu.enqueue_indirect_dma source(%dma_start3A_205 : memref<10240x64xf32, #tpu.memory_space<vmem_shared>>) target(%arg10 : memref<128x64xf32, #tpu.memory_space<vmem>>) offsets(%dma_start3A_202 : memref<128xi32, #tpu.memory_space<vmem>>) semaphore(%arg14 : memref<!tpu.dma_semaphore, #tpu.memory_space<semaphore_mem>>)
      %add3A_206 = arith.constant 0 : i32
      %add3A_207 = arith.addi %mul3A_119, %add3A_206 : i32
      %add3A_208 = arith.constant 1 : i32
      %add3A_209 = arith.addi %add3A_207, %add3A_208 : i32
      %dma_wait3A_210 = arith.constant 0 : i32
      %dma_wait3A_211 = tpu.memref_slice %arg9[%add3A_209, %dma_wait3A_210] : memref<16x128xi32, #tpu.memory_space<vmem>> -> memref<1x128xi32, #tpu.memory_space<vmem>>
      %dma_wait3A_212 = tpu.memref_squeeze %dma_wait3A_211 : memref<1x128xi32, #tpu.memory_space<vmem>> -> memref<128xi32, #tpu.memory_space<vmem>>
      %dma_wait3A_213 = arith.constant 0 : i32
      %dma_wait3A_214 = arith.constant 0 : i32
      %dma_wait3A_215 = tpu.memref_slice %arg13[%dma_wait3A_213, %dma_wait3A_214] : memref<10240x64xf32, #tpu.memory_space<vmem_shared>> -> memref<10240x64xf32, #tpu.memory_space<vmem_shared>>
      tpu.wait_indirect_dma semaphore(%arg17 : memref<!tpu.dma_semaphore, #tpu.memory_space<semaphore_mem>>) src(%arg11 : memref<128x64xf32, #tpu.memory_space<vmem>>) dst(%dma_wait3A_215 : memref<10240x64xf32, #tpu.memory_space<vmem_shared>>)
      %add3A_216 = arith.constant 3 : i32
      %add3A_217 = arith.addi %add3A_157, %add3A_216 : i32
      %dma_start3A_218 = arith.constant 0 : i32
      %dma_start3A_219 = tpu.memref_slice %arg8[%add3A_217, %dma_start3A_218] : memref<162x128xi32, #tpu.memory_space<vmem>> -> memref<1x128xi32, #tpu.memory_space<vmem>>
      %dma_start3A_220 = tpu.memref_squeeze %dma_start3A_219 : memref<1x128xi32, #tpu.memory_space<vmem>> -> memref<128xi32, #tpu.memory_space<vmem>>
      %dma_start3A_221 = arith.constant 0 : i32
      %dma_start3A_222 = arith.constant 0 : i32
      %dma_start3A_223 = tpu.memref_slice %arg12[%dma_start3A_221, %dma_start3A_222] : memref<10240x64xf32, #tpu.memory_space<vmem_shared>> -> memref<10240x64xf32, #tpu.memory_space<vmem_shared>>
      tpu.enqueue_indirect_dma source(%dma_start3A_223 : memref<10240x64xf32, #tpu.memory_space<vmem_shared>>) target(%arg11 : memref<128x64xf32, #tpu.memory_space<vmem>>) offsets(%dma_start3A_220 : memref<128xi32, #tpu.memory_space<vmem>>) semaphore(%arg15 : memref<!tpu.dma_semaphore, #tpu.memory_space<semaphore_mem>>)
      %mul3A_224 = arith.constant 8 : i32
      %mul3A_225 = arith.muli %scan3A_108, %mul3A_224 : i32
      %add3A_226 = arith.constant 2 : i32
      %add3A_227 = arith.addi %mul3A_225, %add3A_226 : i32
      %dma_wait3A_228 = arith.constant 0 : i32
      %dma_wait3A_229 = tpu.memref_slice %arg8[%add3A_227, %dma_wait3A_228] : memref<162x128xi32, #tpu.memory_space<vmem>> -> memref<1x128xi32, #tpu.memory_space<vmem>>
      %dma_wait3A_230 = tpu.memref_squeeze %dma_wait3A_229 : memref<1x128xi32, #tpu.memory_space<vmem>> -> memref<128xi32, #tpu.memory_space<vmem>>
      %dma_wait3A_231 = arith.constant 0 : i32
      %dma_wait3A_232 = arith.constant 0 : i32
      %dma_wait3A_233 = tpu.memref_slice %arg12[%dma_wait3A_231, %dma_wait3A_232] : memref<10240x64xf32, #tpu.memory_space<vmem_shared>> -> memref<10240x64xf32, #tpu.memory_space<vmem_shared>>
      tpu.wait_indirect_dma semaphore(%arg14 : memref<!tpu.dma_semaphore, #tpu.memory_space<semaphore_mem>>) src(%dma_wait3A_233 : memref<10240x64xf32, #tpu.memory_space<vmem_shared>>) dst(%arg10 : memref<128x64xf32, #tpu.memory_space<vmem>>)
      %add3A_234 = arith.constant 2 : i32
      %add3A_235 = arith.addi %mul3A_119, %add3A_234 : i32
      %dma_start3A_236 = arith.constant 0 : i32
      %dma_start3A_237 = tpu.memref_slice %arg9[%add3A_235, %dma_start3A_236] : memref<16x128xi32, #tpu.memory_space<vmem>> -> memref<1x128xi32, #tpu.memory_space<vmem>>
      %dma_start3A_238 = tpu.memref_squeeze %dma_start3A_237 : memref<1x128xi32, #tpu.memory_space<vmem>> -> memref<128xi32, #tpu.memory_space<vmem>>
      %dma_start3A_239 = arith.constant 0 : i32
      %dma_start3A_240 = arith.constant 0 : i32
      %dma_start3A_241 = tpu.memref_slice %arg13[%dma_start3A_239, %dma_start3A_240] : memref<10240x64xf32, #tpu.memory_space<vmem_shared>> -> memref<10240x64xf32, #tpu.memory_space<vmem_shared>>
      tpu.enqueue_indirect_dma source(%arg10 : memref<128x64xf32, #tpu.memory_space<vmem>>) target(%dma_start3A_241 : memref<10240x64xf32, #tpu.memory_space<vmem_shared>>) offsets(%dma_start3A_238 : memref<128xi32, #tpu.memory_space<vmem>>) semaphore(%arg16 : memref<!tpu.dma_semaphore, #tpu.memory_space<semaphore_mem>>) {add = true}
      %add3A_242 = arith.constant 1 : i32
      %add3A_243 = arith.addi %add3A_227, %add3A_242 : i32
      %dma_wait3A_244 = arith.constant 0 : i32
      %dma_wait3A_245 = tpu.memref_slice %arg8[%add3A_243, %dma_wait3A_244] : memref<162x128xi32, #tpu.memory_space<vmem>> -> memref<1x128xi32, #tpu.memory_space<vmem>>
      %dma_wait3A_246 = tpu.memref_squeeze %dma_wait3A_245 : memref<1x128xi32, #tpu.memory_space<vmem>> -> memref<128xi32, #tpu.memory_space<vmem>>
      %dma_wait3A_247 = arith.constant 0 : i32
      %dma_wait3A_248 = arith.constant 0 : i32
      %dma_wait3A_249 = tpu.memref_slice %arg12[%dma_wait3A_247, %dma_wait3A_248] : memref<10240x64xf32, #tpu.memory_space<vmem_shared>> -> memref<10240x64xf32, #tpu.memory_space<vmem_shared>>
      tpu.wait_indirect_dma semaphore(%arg15 : memref<!tpu.dma_semaphore, #tpu.memory_space<semaphore_mem>>) src(%dma_wait3A_249 : memref<10240x64xf32, #tpu.memory_space<vmem_shared>>) dst(%arg11 : memref<128x64xf32, #tpu.memory_space<vmem>>)
      %add3A_250 = arith.constant 2 : i32
      %add3A_251 = arith.addi %mul3A_119, %add3A_250 : i32
      %add3A_252 = arith.constant 1 : i32
      %add3A_253 = arith.addi %add3A_251, %add3A_252 : i32
      %dma_start3A_254 = arith.constant 0 : i32
      %dma_start3A_255 = tpu.memref_slice %arg9[%add3A_253, %dma_start3A_254] : memref<16x128xi32, #tpu.memory_space<vmem>> -> memref<1x128xi32, #tpu.memory_space<vmem>>
      %dma_start3A_256 = tpu.memref_squeeze %dma_start3A_255 : memref<1x128xi32, #tpu.memory_space<vmem>> -> memref<128xi32, #tpu.memory_space<vmem>>
      %dma_start3A_257 = arith.constant 0 : i32
      %dma_start3A_258 = arith.constant 0 : i32
      %dma_start3A_259 = tpu.memref_slice %arg13[%dma_start3A_257, %dma_start3A_258] : memref<10240x64xf32, #tpu.memory_space<vmem_shared>> -> memref<10240x64xf32, #tpu.memory_space<vmem_shared>>
      tpu.enqueue_indirect_dma source(%arg11 : memref<128x64xf32, #tpu.memory_space<vmem>>) target(%dma_start3A_259 : memref<10240x64xf32, #tpu.memory_space<vmem_shared>>) offsets(%dma_start3A_256 : memref<128xi32, #tpu.memory_space<vmem>>) semaphore(%arg17 : memref<!tpu.dma_semaphore, #tpu.memory_space<semaphore_mem>>) {add = true}
      %add3A_260 = arith.constant 2 : i32
      %add3A_261 = arith.addi %mul3A_119, %add3A_260 : i32
      %dma_wait3A_262 = arith.constant 0 : i32
      %dma_wait3A_263 = tpu.memref_slice %arg9[%add3A_261, %dma_wait3A_262] : memref<16x128xi32, #tpu.memory_space<vmem>> -> memref<1x128xi32, #tpu.memory_space<vmem>>
      %dma_wait3A_264 = tpu.memref_squeeze %dma_wait3A_263 : memref<1x128xi32, #tpu.memory_space<vmem>> -> memref<128xi32, #tpu.memory_space<vmem>>
      %dma_wait3A_265 = arith.constant 0 : i32
      %dma_wait3A_266 = arith.constant 0 : i32
      %dma_wait3A_267 = tpu.memref_slice %arg13[%dma_wait3A_265, %dma_wait3A_266] : memref<10240x64xf32, #tpu.memory_space<vmem_shared>> -> memref<10240x64xf32, #tpu.memory_space<vmem_shared>>
      tpu.wait_indirect_dma semaphore(%arg16 : memref<!tpu.dma_semaphore, #tpu.memory_space<semaphore_mem>>) src(%arg10 : memref<128x64xf32, #tpu.memory_space<vmem>>) dst(%dma_wait3A_267 : memref<10240x64xf32, #tpu.memory_space<vmem_shared>>)
      %add3A_268 = arith.constant 2 : i32
      %add3A_269 = arith.addi %add3A_227, %add3A_268 : i32
      %dma_start3A_270 = arith.constant 0 : i32
      %dma_start3A_271 = tpu.memref_slice %arg8[%add3A_269, %dma_start3A_270] : memref<162x128xi32, #tpu.memory_space<vmem>> -> memref<1x128xi32, #tpu.memory_space<vmem>>
      %dma_start3A_272 = tpu.memref_squeeze %dma_start3A_271 : memref<1x128xi32, #tpu.memory_space<vmem>> -> memref<128xi32, #tpu.memory_space<vmem>>
      %dma_start3A_273 = arith.constant 0 : i32
      %dma_start3A_274 = arith.constant 0 : i32
      %dma_start3A_275 = tpu.memref_slice %arg12[%dma_start3A_273, %dma_start3A_274] : memref<10240x64xf32, #tpu.memory_space<vmem_shared>> -> memref<10240x64xf32, #tpu.memory_space<vmem_shared>>
      tpu.enqueue_indirect_dma source(%dma_start3A_275 : memref<10240x64xf32, #tpu.memory_space<vmem_shared>>) target(%arg10 : memref<128x64xf32, #tpu.memory_space<vmem>>) offsets(%dma_start3A_272 : memref<128xi32, #tpu.memory_space<vmem>>) semaphore(%arg14 : memref<!tpu.dma_semaphore, #tpu.memory_space<semaphore_mem>>)
      %add3A_276 = arith.constant 2 : i32
      %add3A_277 = arith.addi %mul3A_119, %add3A_276 : i32
      %add3A_278 = arith.constant 1 : i32
      %add3A_279 = arith.addi %add3A_277, %add3A_278 : i32
      %dma_wait3A_280 = arith.constant 0 : i32
      %dma_wait3A_281 = tpu.memref_slice %arg9[%add3A_279, %dma_wait3A_280] : memref<16x128xi32, #tpu.memory_space<vmem>> -> memref<1x128xi32, #tpu.memory_space<vmem>>
      %dma_wait3A_282 = tpu.memref_squeeze %dma_wait3A_281 : memref<1x128xi32, #tpu.memory_space<vmem>> -> memref<128xi32, #tpu.memory_space<vmem>>
      %dma_wait3A_283 = arith.constant 0 : i32
      %dma_wait3A_284 = arith.constant 0 : i32
      %dma_wait3A_285 = tpu.memref_slice %arg13[%dma_wait3A_283, %dma_wait3A_284] : memref<10240x64xf32, #tpu.memory_space<vmem_shared>> -> memref<10240x64xf32, #tpu.memory_space<vmem_shared>>
      tpu.wait_indirect_dma semaphore(%arg17 : memref<!tpu.dma_semaphore, #tpu.memory_space<semaphore_mem>>) src(%arg11 : memref<128x64xf32, #tpu.memory_space<vmem>>) dst(%dma_wait3A_285 : memref<10240x64xf32, #tpu.memory_space<vmem_shared>>)
      %add3A_286 = arith.constant 3 : i32
      %add3A_287 = arith.addi %add3A_227, %add3A_286 : i32
      %dma_start3A_288 = arith.constant 0 : i32
      %dma_start3A_289 = tpu.memref_slice %arg8[%add3A_287, %dma_start3A_288] : memref<162x128xi32, #tpu.memory_space<vmem>> -> memref<1x128xi32, #tpu.memory_space<vmem>>
      %dma_start3A_290 = tpu.memref_squeeze %dma_start3A_289 : memref<1x128xi32, #tpu.memory_space<vmem>> -> memref<128xi32, #tpu.memory_space<vmem>>
      %dma_start3A_291 = arith.constant 0 : i32
      %dma_start3A_292 = arith.constant 0 : i32
      %dma_start3A_293 = tpu.memref_slice %arg12[%dma_start3A_291, %dma_start3A_292] : memref<10240x64xf32, #tpu.memory_space<vmem_shared>> -> memref<10240x64xf32, #tpu.memory_space<vmem_shared>>
      tpu.enqueue_indirect_dma source(%dma_start3A_293 : memref<10240x64xf32, #tpu.memory_space<vmem_shared>>) target(%arg11 : memref<128x64xf32, #tpu.memory_space<vmem>>) offsets(%dma_start3A_290 : memref<128xi32, #tpu.memory_space<vmem>>) semaphore(%arg15 : memref<!tpu.dma_semaphore, #tpu.memory_space<semaphore_mem>>)
      %mul3A_294 = arith.constant 8 : i32
      %mul3A_295 = arith.muli %scan3A_108, %mul3A_294 : i32
      %add3A_296 = arith.constant 4 : i32
      %add3A_297 = arith.addi %mul3A_295, %add3A_296 : i32
      %dma_wait3A_298 = arith.constant 0 : i32
      %dma_wait3A_299 = tpu.memref_slice %arg8[%add3A_297, %dma_wait3A_298] : memref<162x128xi32, #tpu.memory_space<vmem>> -> memref<1x128xi32, #tpu.memory_space<vmem>>
      %dma_wait3A_300 = tpu.memref_squeeze %dma_wait3A_299 : memref<1x128xi32, #tpu.memory_space<vmem>> -> memref<128xi32, #tpu.memory_space<vmem>>
      %dma_wait3A_301 = arith.constant 0 : i32
      %dma_wait3A_302 = arith.constant 0 : i32
      %dma_wait3A_303 = tpu.memref_slice %arg12[%dma_wait3A_301, %dma_wait3A_302] : memref<10240x64xf32, #tpu.memory_space<vmem_shared>> -> memref<10240x64xf32, #tpu.memory_space<vmem_shared>>
      tpu.wait_indirect_dma semaphore(%arg14 : memref<!tpu.dma_semaphore, #tpu.memory_space<semaphore_mem>>) src(%dma_wait3A_303 : memref<10240x64xf32, #tpu.memory_space<vmem_shared>>) dst(%arg10 : memref<128x64xf32, #tpu.memory_space<vmem>>)
      %add3A_304 = arith.constant 4 : i32
      %add3A_305 = arith.addi %mul3A_119, %add3A_304 : i32
      %dma_start3A_306 = arith.constant 0 : i32
      %dma_start3A_307 = tpu.memref_slice %arg9[%add3A_305, %dma_start3A_306] : memref<16x128xi32, #tpu.memory_space<vmem>> -> memref<1x128xi32, #tpu.memory_space<vmem>>
      %dma_start3A_308 = tpu.memref_squeeze %dma_start3A_307 : memref<1x128xi32, #tpu.memory_space<vmem>> -> memref<128xi32, #tpu.memory_space<vmem>>
      %dma_start3A_309 = arith.constant 0 : i32
      %dma_start3A_310 = arith.constant 0 : i32
      %dma_start3A_311 = tpu.memref_slice %arg13[%dma_start3A_309, %dma_start3A_310] : memref<10240x64xf32, #tpu.memory_space<vmem_shared>> -> memref<10240x64xf32, #tpu.memory_space<vmem_shared>>
      tpu.enqueue_indirect_dma source(%arg10 : memref<128x64xf32, #tpu.memory_space<vmem>>) target(%dma_start3A_311 : memref<10240x64xf32, #tpu.memory_space<vmem_shared>>) offsets(%dma_start3A_308 : memref<128xi32, #tpu.memory_space<vmem>>) semaphore(%arg16 : memref<!tpu.dma_semaphore, #tpu.memory_space<semaphore_mem>>) {add = true}
      %add3A_312 = arith.constant 1 : i32
      %add3A_313 = arith.addi %add3A_297, %add3A_312 : i32
      %dma_wait3A_314 = arith.constant 0 : i32
      %dma_wait3A_315 = tpu.memref_slice %arg8[%add3A_313, %dma_wait3A_314] : memref<162x128xi32, #tpu.memory_space<vmem>> -> memref<1x128xi32, #tpu.memory_space<vmem>>
      %dma_wait3A_316 = tpu.memref_squeeze %dma_wait3A_315 : memref<1x128xi32, #tpu.memory_space<vmem>> -> memref<128xi32, #tpu.memory_space<vmem>>
      %dma_wait3A_317 = arith.constant 0 : i32
      %dma_wait3A_318 = arith.constant 0 : i32
      %dma_wait3A_319 = tpu.memref_slice %arg12[%dma_wait3A_317, %dma_wait3A_318] : memref<10240x64xf32, #tpu.memory_space<vmem_shared>> -> memref<10240x64xf32, #tpu.memory_space<vmem_shared>>
      tpu.wait_indirect_dma semaphore(%arg15 : memref<!tpu.dma_semaphore, #tpu.memory_space<semaphore_mem>>) src(%dma_wait3A_319 : memref<10240x64xf32, #tpu.memory_space<vmem_shared>>) dst(%arg11 : memref<128x64xf32, #tpu.memory_space<vmem>>)
      %add3A_320 = arith.constant 4 : i32
      %add3A_321 = arith.addi %mul3A_119, %add3A_320 : i32
      %add3A_322 = arith.constant 1 : i32
      %add3A_323 = arith.addi %add3A_321, %add3A_322 : i32
      %dma_start3A_324 = arith.constant 0 : i32
      %dma_start3A_325 = tpu.memref_slice %arg9[%add3A_323, %dma_start3A_324] : memref<16x128xi32, #tpu.memory_space<vmem>> -> memref<1x128xi32, #tpu.memory_space<vmem>>
      %dma_start3A_326 = tpu.memref_squeeze %dma_start3A_325 : memref<1x128xi32, #tpu.memory_space<vmem>> -> memref<128xi32, #tpu.memory_space<vmem>>
      %dma_start3A_327 = arith.constant 0 : i32
      %dma_start3A_328 = arith.constant 0 : i32
      %dma_start3A_329 = tpu.memref_slice %arg13[%dma_start3A_327, %dma_start3A_328] : memref<10240x64xf32, #tpu.memory_space<vmem_shared>> -> memref<10240x64xf32, #tpu.memory_space<vmem_shared>>
      tpu.enqueue_indirect_dma source(%arg11 : memref<128x64xf32, #tpu.memory_space<vmem>>) target(%dma_start3A_329 : memref<10240x64xf32, #tpu.memory_space<vmem_shared>>) offsets(%dma_start3A_326 : memref<128xi32, #tpu.memory_space<vmem>>) semaphore(%arg17 : memref<!tpu.dma_semaphore, #tpu.memory_space<semaphore_mem>>) {add = true}
      %add3A_330 = arith.constant 4 : i32
      %add3A_331 = arith.addi %mul3A_119, %add3A_330 : i32
      %dma_wait3A_332 = arith.constant 0 : i32
      %dma_wait3A_333 = tpu.memref_slice %arg9[%add3A_331, %dma_wait3A_332] : memref<16x128xi32, #tpu.memory_space<vmem>> -> memref<1x128xi32, #tpu.memory_space<vmem>>
      %dma_wait3A_334 = tpu.memref_squeeze %dma_wait3A_333 : memref<1x128xi32, #tpu.memory_space<vmem>> -> memref<128xi32, #tpu.memory_space<vmem>>
      %dma_wait3A_335 = arith.constant 0 : i32
      %dma_wait3A_336 = arith.constant 0 : i32
      %dma_wait3A_337 = tpu.memref_slice %arg13[%dma_wait3A_335, %dma_wait3A_336] : memref<10240x64xf32, #tpu.memory_space<vmem_shared>> -> memref<10240x64xf32, #tpu.memory_space<vmem_shared>>
      tpu.wait_indirect_dma semaphore(%arg16 : memref<!tpu.dma_semaphore, #tpu.memory_space<semaphore_mem>>) src(%arg10 : memref<128x64xf32, #tpu.memory_space<vmem>>) dst(%dma_wait3A_337 : memref<10240x64xf32, #tpu.memory_space<vmem_shared>>)
      %add3A_338 = arith.constant 2 : i32
      %add3A_339 = arith.addi %add3A_297, %add3A_338 : i32
      %dma_start3A_340 = arith.constant 0 : i32
      %dma_start3A_341 = tpu.memref_slice %arg8[%add3A_339, %dma_start3A_340] : memref<162x128xi32, #tpu.memory_space<vmem>> -> memref<1x128xi32, #tpu.memory_space<vmem>>
      %dma_start3A_342 = tpu.memref_squeeze %dma_start3A_341 : memref<1x128xi32, #tpu.memory_space<vmem>> -> memref<128xi32, #tpu.memory_space<vmem>>
      %dma_start3A_343 = arith.constant 0 : i32
      %dma_start3A_344 = arith.constant 0 : i32
      %dma_start3A_345 = tpu.memref_slice %arg12[%dma_start3A_343, %dma_start3A_344] : memref<10240x64xf32, #tpu.memory_space<vmem_shared>> -> memref<10240x64xf32, #tpu.memory_space<vmem_shared>>
      tpu.enqueue_indirect_dma source(%dma_start3A_345 : memref<10240x64xf32, #tpu.memory_space<vmem_shared>>) target(%arg10 : memref<128x64xf32, #tpu.memory_space<vmem>>) offsets(%dma_start3A_342 : memref<128xi32, #tpu.memory_space<vmem>>) semaphore(%arg14 : memref<!tpu.dma_semaphore, #tpu.memory_space<semaphore_mem>>)
      %add3A_346 = arith.constant 4 : i32
      %add3A_347 = arith.addi %mul3A_119, %add3A_346 : i32
      %add3A_348 = arith.constant 1 : i32
      %add3A_349 = arith.addi %add3A_347, %add3A_348 : i32
      %dma_wait3A_350 = arith.constant 0 : i32
      %dma_wait3A_351 = tpu.memref_slice %arg9[%add3A_349, %dma_wait3A_350] : memref<16x128xi32, #tpu.memory_space<vmem>> -> memref<1x128xi32, #tpu.memory_space<vmem>>
      %dma_wait3A_352 = tpu.memref_squeeze %dma_wait3A_351 : memref<1x128xi32, #tpu.memory_space<vmem>> -> memref<128xi32, #tpu.memory_space<vmem>>
      %dma_wait3A_353 = arith.constant 0 : i32
      %dma_wait3A_354 = arith.constant 0 : i32
      %dma_wait3A_355 = tpu.memref_slice %arg13[%dma_wait3A_353, %dma_wait3A_354] : memref<10240x64xf32, #tpu.memory_space<vmem_shared>> -> memref<10240x64xf32, #tpu.memory_space<vmem_shared>>
      tpu.wait_indirect_dma semaphore(%arg17 : memref<!tpu.dma_semaphore, #tpu.memory_space<semaphore_mem>>) src(%arg11 : memref<128x64xf32, #tpu.memory_space<vmem>>) dst(%dma_wait3A_355 : memref<10240x64xf32, #tpu.memory_space<vmem_shared>>)
      %add3A_356 = arith.constant 3 : i32
      %add3A_357 = arith.addi %add3A_297, %add3A_356 : i32
      %dma_start3A_358 = arith.constant 0 : i32
      %dma_start3A_359 = tpu.memref_slice %arg8[%add3A_357, %dma_start3A_358] : memref<162x128xi32, #tpu.memory_space<vmem>> -> memref<1x128xi32, #tpu.memory_space<vmem>>
      %dma_start3A_360 = tpu.memref_squeeze %dma_start3A_359 : memref<1x128xi32, #tpu.memory_space<vmem>> -> memref<128xi32, #tpu.memory_space<vmem>>
      %dma_start3A_361 = arith.constant 0 : i32
      %dma_start3A_362 = arith.constant 0 : i32
      %dma_start3A_363 = tpu.memref_slice %arg12[%dma_start3A_361, %dma_start3A_362] : memref<10240x64xf32, #tpu.memory_space<vmem_shared>> -> memref<10240x64xf32, #tpu.memory_space<vmem_shared>>
      tpu.enqueue_indirect_dma source(%dma_start3A_363 : memref<10240x64xf32, #tpu.memory_space<vmem_shared>>) target(%arg11 : memref<128x64xf32, #tpu.memory_space<vmem>>) offsets(%dma_start3A_360 : memref<128xi32, #tpu.memory_space<vmem>>) semaphore(%arg15 : memref<!tpu.dma_semaphore, #tpu.memory_space<semaphore_mem>>)
      %mul3A_364 = arith.constant 8 : i32
      %mul3A_365 = arith.muli %scan3A_108, %mul3A_364 : i32
      %add3A_366 = arith.constant 6 : i32
      %add3A_367 = arith.addi %mul3A_365, %add3A_366 : i32
      %dma_wait3A_368 = arith.constant 0 : i32
      %dma_wait3A_369 = tpu.memref_slice %arg8[%add3A_367, %dma_wait3A_368] : memref<162x128xi32, #tpu.memory_space<vmem>> -> memref<1x128xi32, #tpu.memory_space<vmem>>
      %dma_wait3A_370 = tpu.memref_squeeze %dma_wait3A_369 : memref<1x128xi32, #tpu.memory_space<vmem>> -> memref<128xi32, #tpu.memory_space<vmem>>
      %dma_wait3A_371 = arith.constant 0 : i32
      %dma_wait3A_372 = arith.constant 0 : i32
      %dma_wait3A_373 = tpu.memref_slice %arg12[%dma_wait3A_371, %dma_wait3A_372] : memref<10240x64xf32, #tpu.memory_space<vmem_shared>> -> memref<10240x64xf32, #tpu.memory_space<vmem_shared>>
      tpu.wait_indirect_dma semaphore(%arg14 : memref<!tpu.dma_semaphore, #tpu.memory_space<semaphore_mem>>) src(%dma_wait3A_373 : memref<10240x64xf32, #tpu.memory_space<vmem_shared>>) dst(%arg10 : memref<128x64xf32, #tpu.memory_space<vmem>>)
      %add3A_374 = arith.constant 6 : i32
      %add3A_375 = arith.addi %mul3A_119, %add3A_374 : i32
      %dma_start3A_376 = arith.constant 0 : i32
      %dma_start3A_377 = tpu.memref_slice %arg9[%add3A_375, %dma_start3A_376] : memref<16x128xi32, #tpu.memory_space<vmem>> -> memref<1x128xi32, #tpu.memory_space<vmem>>
      %dma_start3A_378 = tpu.memref_squeeze %dma_start3A_377 : memref<1x128xi32, #tpu.memory_space<vmem>> -> memref<128xi32, #tpu.memory_space<vmem>>
      %dma_start3A_379 = arith.constant 0 : i32
      %dma_start3A_380 = arith.constant 0 : i32
      %dma_start3A_381 = tpu.memref_slice %arg13[%dma_start3A_379, %dma_start3A_380] : memref<10240x64xf32, #tpu.memory_space<vmem_shared>> -> memref<10240x64xf32, #tpu.memory_space<vmem_shared>>
      tpu.enqueue_indirect_dma source(%arg10 : memref<128x64xf32, #tpu.memory_space<vmem>>) target(%dma_start3A_381 : memref<10240x64xf32, #tpu.memory_space<vmem_shared>>) offsets(%dma_start3A_378 : memref<128xi32, #tpu.memory_space<vmem>>) semaphore(%arg16 : memref<!tpu.dma_semaphore, #tpu.memory_space<semaphore_mem>>) {add = true}
      %add3A_382 = arith.constant 1 : i32
      %add3A_383 = arith.addi %add3A_367, %add3A_382 : i32
      %dma_wait3A_384 = arith.constant 0 : i32
      %dma_wait3A_385 = tpu.memref_slice %arg8[%add3A_383, %dma_wait3A_384] : memref<162x128xi32, #tpu.memory_space<vmem>> -> memref<1x128xi32, #tpu.memory_space<vmem>>
      %dma_wait3A_386 = tpu.memref_squeeze %dma_wait3A_385 : memref<1x128xi32, #tpu.memory_space<vmem>> -> memref<128xi32, #tpu.memory_space<vmem>>
      %dma_wait3A_387 = arith.constant 0 : i32
      %dma_wait3A_388 = arith.constant 0 : i32
      %dma_wait3A_389 = tpu.memref_slice %arg12[%dma_wait3A_387, %dma_wait3A_388] : memref<10240x64xf32, #tpu.memory_space<vmem_shared>> -> memref<10240x64xf32, #tpu.memory_space<vmem_shared>>
      tpu.wait_indirect_dma semaphore(%arg15 : memref<!tpu.dma_semaphore, #tpu.memory_space<semaphore_mem>>) src(%dma_wait3A_389 : memref<10240x64xf32, #tpu.memory_space<vmem_shared>>) dst(%arg11 : memref<128x64xf32, #tpu.memory_space<vmem>>)
      %add3A_390 = arith.constant 6 : i32
      %add3A_391 = arith.addi %mul3A_119, %add3A_390 : i32
      %add3A_392 = arith.constant 1 : i32
      %add3A_393 = arith.addi %add3A_391, %add3A_392 : i32
      %dma_start3A_394 = arith.constant 0 : i32
      %dma_start3A_395 = tpu.memref_slice %arg9[%add3A_393, %dma_start3A_394] : memref<16x128xi32, #tpu.memory_space<vmem>> -> memref<1x128xi32, #tpu.memory_space<vmem>>
      %dma_start3A_396 = tpu.memref_squeeze %dma_start3A_395 : memref<1x128xi32, #tpu.memory_space<vmem>> -> memref<128xi32, #tpu.memory_space<vmem>>
      %dma_start3A_397 = arith.constant 0 : i32
      %dma_start3A_398 = arith.constant 0 : i32
      %dma_start3A_399 = tpu.memref_slice %arg13[%dma_start3A_397, %dma_start3A_398] : memref<10240x64xf32, #tpu.memory_space<vmem_shared>> -> memref<10240x64xf32, #tpu.memory_space<vmem_shared>>
      tpu.enqueue_indirect_dma source(%arg11 : memref<128x64xf32, #tpu.memory_space<vmem>>) target(%dma_start3A_399 : memref<10240x64xf32, #tpu.memory_space<vmem_shared>>) offsets(%dma_start3A_396 : memref<128xi32, #tpu.memory_space<vmem>>) semaphore(%arg17 : memref<!tpu.dma_semaphore, #tpu.memory_space<semaphore_mem>>) {add = true}
      %add3A_400 = arith.constant 6 : i32
      %add3A_401 = arith.addi %mul3A_119, %add3A_400 : i32
      %dma_wait3A_402 = arith.constant 0 : i32
      %dma_wait3A_403 = tpu.memref_slice %arg9[%add3A_401, %dma_wait3A_402] : memref<16x128xi32, #tpu.memory_space<vmem>> -> memref<1x128xi32, #tpu.memory_space<vmem>>
      %dma_wait3A_404 = tpu.memref_squeeze %dma_wait3A_403 : memref<1x128xi32, #tpu.memory_space<vmem>> -> memref<128xi32, #tpu.memory_space<vmem>>
      %dma_wait3A_405 = arith.constant 0 : i32
      %dma_wait3A_406 = arith.constant 0 : i32
      %dma_wait3A_407 = tpu.memref_slice %arg13[%dma_wait3A_405, %dma_wait3A_406] : memref<10240x64xf32, #tpu.memory_space<vmem_shared>> -> memref<10240x64xf32, #tpu.memory_space<vmem_shared>>
      tpu.wait_indirect_dma semaphore(%arg16 : memref<!tpu.dma_semaphore, #tpu.memory_space<semaphore_mem>>) src(%arg10 : memref<128x64xf32, #tpu.memory_space<vmem>>) dst(%dma_wait3A_407 : memref<10240x64xf32, #tpu.memory_space<vmem_shared>>)
      %add3A_408 = arith.constant 2 : i32
      %add3A_409 = arith.addi %add3A_367, %add3A_408 : i32
      %dma_start3A_410 = arith.constant 0 : i32
      %dma_start3A_411 = tpu.memref_slice %arg8[%add3A_409, %dma_start3A_410] : memref<162x128xi32, #tpu.memory_space<vmem>> -> memref<1x128xi32, #tpu.memory_space<vmem>>
      %dma_start3A_412 = tpu.memref_squeeze %dma_start3A_411 : memref<1x128xi32, #tpu.memory_space<vmem>> -> memref<128xi32, #tpu.memory_space<vmem>>
      %dma_start3A_413 = arith.constant 0 : i32
      %dma_start3A_414 = arith.constant 0 : i32
      %dma_start3A_415 = tpu.memref_slice %arg12[%dma_start3A_413, %dma_start3A_414] : memref<10240x64xf32, #tpu.memory_space<vmem_shared>> -> memref<10240x64xf32, #tpu.memory_space<vmem_shared>>
      tpu.enqueue_indirect_dma source(%dma_start3A_415 : memref<10240x64xf32, #tpu.memory_space<vmem_shared>>) target(%arg10 : memref<128x64xf32, #tpu.memory_space<vmem>>) offsets(%dma_start3A_412 : memref<128xi32, #tpu.memory_space<vmem>>) semaphore(%arg14 : memref<!tpu.dma_semaphore, #tpu.memory_space<semaphore_mem>>)
      %add3A_416 = arith.constant 6 : i32
      %add3A_417 = arith.addi %mul3A_119, %add3A_416 : i32
      %add3A_418 = arith.constant 1 : i32
      %add3A_419 = arith.addi %add3A_417, %add3A_418 : i32
      %dma_wait3A_420 = arith.constant 0 : i32
      %dma_wait3A_421 = tpu.memref_slice %arg9[%add3A_419, %dma_wait3A_420] : memref<16x128xi32, #tpu.memory_space<vmem>> -> memref<1x128xi32, #tpu.memory_space<vmem>>
      %dma_wait3A_422 = tpu.memref_squeeze %dma_wait3A_421 : memref<1x128xi32, #tpu.memory_space<vmem>> -> memref<128xi32, #tpu.memory_space<vmem>>
      %dma_wait3A_423 = arith.constant 0 : i32
      %dma_wait3A_424 = arith.constant 0 : i32
      %dma_wait3A_425 = tpu.memref_slice %arg13[%dma_wait3A_423, %dma_wait3A_424] : memref<10240x64xf32, #tpu.memory_space<vmem_shared>> -> memref<10240x64xf32, #tpu.memory_space<vmem_shared>>
      tpu.wait_indirect_dma semaphore(%arg17 : memref<!tpu.dma_semaphore, #tpu.memory_space<semaphore_mem>>) src(%arg11 : memref<128x64xf32, #tpu.memory_space<vmem>>) dst(%dma_wait3A_425 : memref<10240x64xf32, #tpu.memory_space<vmem_shared>>)
      %add3A_426 = arith.constant 3 : i32
      %add3A_427 = arith.addi %add3A_367, %add3A_426 : i32
      %dma_start3A_428 = arith.constant 0 : i32
      %dma_start3A_429 = tpu.memref_slice %arg8[%add3A_427, %dma_start3A_428] : memref<162x128xi32, #tpu.memory_space<vmem>> -> memref<1x128xi32, #tpu.memory_space<vmem>>
      %dma_start3A_430 = tpu.memref_squeeze %dma_start3A_429 : memref<1x128xi32, #tpu.memory_space<vmem>> -> memref<128xi32, #tpu.memory_space<vmem>>
      %dma_start3A_431 = arith.constant 0 : i32
      %dma_start3A_432 = arith.constant 0 : i32
      %dma_start3A_433 = tpu.memref_slice %arg12[%dma_start3A_431, %dma_start3A_432] : memref<10240x64xf32, #tpu.memory_space<vmem_shared>> -> memref<10240x64xf32, #tpu.memory_space<vmem_shared>>
      tpu.enqueue_indirect_dma source(%dma_start3A_433 : memref<10240x64xf32, #tpu.memory_space<vmem_shared>>) target(%arg11 : memref<128x64xf32, #tpu.memory_space<vmem>>) offsets(%dma_start3A_430 : memref<128xi32, #tpu.memory_space<vmem>>) semaphore(%arg15 : memref<!tpu.dma_semaphore, #tpu.memory_space<semaphore_mem>>)
      %add3A_434 = arith.constant 1 : i32
      %add3A_435 = arith.addi %scan3A_108, %add3A_434 : i32
      %mul3A_436 = arith.constant 8 : i32
      %mul3A_437 = arith.muli %add3A_435, %mul3A_436 : i32
      %dma_wait3A_438 = arith.constant 0 : i32
      %dma_wait3A_439 = tpu.memref_slice %arg9[%mul3A_139, %dma_wait3A_438] : memref<16x128xi32, #tpu.memory_space<vmem>> -> memref<8x128xi32, #tpu.memory_space<vmem>>
      %dma_wait3A_440 = arith.constant 0 : i32
      %dma_wait3A_441 = tpu.memref_slice %arg5[%arg1, %mul3A_437, %dma_wait3A_440] : memref<16x168x128xi32, #tpu.memory_space<hbm>> -> memref<1x8x128xi32, #tpu.memory_space<hbm>>
      %dma_wait3A_442 = tpu.memref_squeeze %dma_wait3A_441 : memref<1x8x128xi32, #tpu.memory_space<hbm>> -> memref<8x128xi32, #tpu.memory_space<hbm>>
      %dma_wait3A_443 = arith.constant 0 : i32
      %dma_wait3A_444 = tpu.memref_slice %arg9[%mul3A_139, %dma_wait3A_443] : memref<16x128xi32, #tpu.memory_space<vmem>> -> memref<8x128xi32, #tpu.memory_space<vmem>>
      %dma_wait3A_445 = arith.constant 0 : i32
      %dma_wait3A_446 = tpu.memref_slice %arg5[%arg1, %mul3A_437, %dma_wait3A_445] : memref<16x168x128xi32, #tpu.memory_space<hbm>> -> memref<1x8x128xi32, #tpu.memory_space<hbm>>
      %dma_wait3A_447 = tpu.memref_squeeze %dma_wait3A_446 : memref<1x8x128xi32, #tpu.memory_space<hbm>> -> memref<8x128xi32, #tpu.memory_space<hbm>>
      tpu.wait_dma2 semaphore(%arg18 : memref<!tpu.dma_semaphore, #tpu.memory_space<semaphore_mem>>) src(%dma_wait3A_447 : memref<8x128xi32, #tpu.memory_space<hbm>>) dst(%dma_wait3A_444 : memref<8x128xi32, #tpu.memory_space<vmem>>)
    }
    %scan3A_29 = arith.constant 20 : i32
    %dma_wait3A = arith.constant 160 : i32
    %dma_wait3A_30 = arith.constant 0 : i32
    %dma_wait3A_31 = tpu.memref_slice %arg8[%dma_wait3A, %dma_wait3A_30] : memref<162x128xi32, #tpu.memory_space<vmem>> -> memref<1x128xi32, #tpu.memory_space<vmem>>
    %dma_wait3A_32 = tpu.memref_squeeze %dma_wait3A_31 : memref<1x128xi32, #tpu.memory_space<vmem>> -> memref<128xi32, #tpu.memory_space<vmem>>
    %dma_wait3A_33 = arith.constant 0 : i32
    %dma_wait3A_34 = arith.constant 0 : i32
    %dma_wait3A_35 = tpu.memref_slice %arg12[%dma_wait3A_33, %dma_wait3A_34] : memref<10240x64xf32, #tpu.memory_space<vmem_shared>> -> memref<10240x64xf32, #tpu.memory_space<vmem_shared>>
    tpu.wait_indirect_dma semaphore(%arg14 : memref<!tpu.dma_semaphore, #tpu.memory_space<semaphore_mem>>) src(%dma_wait3A_35 : memref<10240x64xf32, #tpu.memory_space<vmem_shared>>) dst(%arg10 : memref<128x64xf32, #tpu.memory_space<vmem>>)
    %dma_wait3A_36 = arith.constant 161 : i32
    %dma_wait3A_37 = arith.constant 0 : i32
    %dma_wait3A_38 = tpu.memref_slice %arg8[%dma_wait3A_36, %dma_wait3A_37] : memref<162x128xi32, #tpu.memory_space<vmem>> -> memref<1x128xi32, #tpu.memory_space<vmem>>
    %dma_wait3A_39 = tpu.memref_squeeze %dma_wait3A_38 : memref<1x128xi32, #tpu.memory_space<vmem>> -> memref<128xi32, #tpu.memory_space<vmem>>
    %dma_wait3A_40 = arith.constant 0 : i32
    %dma_wait3A_41 = arith.constant 0 : i32
    %dma_wait3A_42 = tpu.memref_slice %arg12[%dma_wait3A_40, %dma_wait3A_41] : memref<10240x64xf32, #tpu.memory_space<vmem_shared>> -> memref<10240x64xf32, #tpu.memory_space<vmem_shared>>
    tpu.wait_indirect_dma semaphore(%arg15 : memref<!tpu.dma_semaphore, #tpu.memory_space<semaphore_mem>>) src(%dma_wait3A_42 : memref<10240x64xf32, #tpu.memory_space<vmem_shared>>) dst(%arg11 : memref<128x64xf32, #tpu.memory_space<vmem>>)
    %barrier3A_43 = arith.constant 0 : index
    tpu.barrier barrier_id(%barrier3A_43)
    %mul3A_44 = arith.constant 640 : i32
    %mul3A_45 = arith.muli %arg1, %mul3A_44 : i32
    %mul3A_46 = arith.constant 10240 : i32
    %mul3A_47 = arith.muli %arg0, %mul3A_46 : i32
    %mul3A_48 = arith.constant 640 : i32
    %mul3A_49 = arith.muli %arg1, %mul3A_48 : i32
    %add3A_50 = arith.addi %mul3A_47, %mul3A_49 : i32
    "tpu.region"() ({
      %run_scoped3A = tpu.sem_alloc : memref<!tpu.dma_semaphore, #tpu.memory_space<semaphore_mem>>
      %dma_start3A_108 = arith.constant 0 : i32
      %dma_start3A_109 = tpu.memref_slice %arg6[%add3A_50, %dma_start3A_108] : memref<20480x64xf32, #tpu.memory_space<hbm>> -> memref<640x64xf32, #tpu.memory_space<hbm>>
      %dma_start3A_110 = arith.constant 0 : i32
      %dma_start3A_111 = tpu.memref_slice %arg13[%mul3A_45, %dma_start3A_110] : memref<10240x64xf32, #tpu.memory_space<vmem_shared>> -> memref<640x64xf32, #tpu.memory_space<vmem_shared>>
      tpu.enqueue_dma source(%dma_start3A_111 : memref<640x64xf32, #tpu.memory_space<vmem_shared>>) target(%dma_start3A_109 : memref<640x64xf32, #tpu.memory_space<hbm>>) target_semaphore(%run_scoped3A : memref<!tpu.dma_semaphore, #tpu.memory_space<semaphore_mem>>)
      %dma_wait3A_112 = arith.constant 0 : i32
      %dma_wait3A_113 = tpu.memref_slice %arg6[%add3A_50, %dma_wait3A_112] : memref<20480x64xf32, #tpu.memory_space<hbm>> -> memref<640x64xf32, #tpu.memory_space<hbm>>
      %dma_wait3A_114 = arith.constant 0 : i32
      %dma_wait3A_115 = tpu.memref_slice %arg13[%mul3A_45, %dma_wait3A_114] : memref<10240x64xf32, #tpu.memory_space<vmem_shared>> -> memref<640x64xf32, #tpu.memory_space<vmem_shared>>
      tpu.wait_dma2 semaphore(%run_scoped3A : memref<!tpu.dma_semaphore, #tpu.memory_space<semaphore_mem>>) src(%dma_wait3A_115 : memref<640x64xf32, #tpu.memory_space<vmem_shared>>) dst(%dma_wait3A_113 : memref<640x64xf32, #tpu.memory_space<hbm>>)
      tpu.yield
    }) : () -> ()
    "tpu.region"() ({
      %run_scoped3A = tpu.sem_alloc : memref<!tpu.dma_semaphore, #tpu.memory_space<semaphore_mem>>
      %dma_start3A_108 = arith.constant 0 : i32
      %dma_start3A_109 = arith.constant 0 : i32
      %dma_start3A_110 = tpu.memref_slice %arg9[%dma_start3A_108, %dma_start3A_109] : memref<16x128xi32, #tpu.memory_space<vmem>> -> memref<8x128xi32, #tpu.memory_space<vmem>>
      %dma_start3A_111 = arith.constant 0 : i32
      %dma_start3A_112 = arith.constant 0 : i32
      %dma_start3A_113 = tpu.memref_slice %arg5[%arg1, %dma_start3A_111, %dma_start3A_112] : memref<16x168x128xi32, #tpu.memory_space<hbm>> -> memref<1x8x128xi32, #tpu.memory_space<hbm>>
      %dma_start3A_114 = tpu.memref_squeeze %dma_start3A_113 : memref<1x8x128xi32, #tpu.memory_space<hbm>> -> memref<8x128xi32, #tpu.memory_space<hbm>>
      %dma_start3A_115 = arith.constant 0 : i32
      %dma_start3A_116 = arith.constant 0 : i32
      %dma_start3A_117 = tpu.memref_slice %arg9[%dma_start3A_115, %dma_start3A_116] : memref<16x128xi32, #tpu.memory_space<vmem>> -> memref<8x128xi32, #tpu.memory_space<vmem>>
      %dma_start3A_118 = arith.constant 0 : i32
      %dma_start3A_119 = arith.constant 0 : i32
      %dma_start3A_120 = tpu.memref_slice %arg5[%arg1, %dma_start3A_118, %dma_start3A_119] : memref<16x168x128xi32, #tpu.memory_space<hbm>> -> memref<1x8x128xi32, #tpu.memory_space<hbm>>
      %dma_start3A_121 = tpu.memref_squeeze %dma_start3A_120 : memref<1x8x128xi32, #tpu.memory_space<hbm>> -> memref<8x128xi32, #tpu.memory_space<hbm>>
      tpu.enqueue_dma source(%dma_start3A_121 : memref<8x128xi32, #tpu.memory_space<hbm>>) target(%dma_start3A_117 : memref<8x128xi32, #tpu.memory_space<vmem>>) target_semaphore(%run_scoped3A : memref<!tpu.dma_semaphore, #tpu.memory_space<semaphore_mem>>)
      %dma_wait3A_122 = arith.constant 0 : i32
      %dma_wait3A_123 = arith.constant 0 : i32
      %dma_wait3A_124 = tpu.memref_slice %arg9[%dma_wait3A_122, %dma_wait3A_123] : memref<16x128xi32, #tpu.memory_space<vmem>> -> memref<8x128xi32, #tpu.memory_space<vmem>>
      %dma_wait3A_125 = arith.constant 0 : i32
      %dma_wait3A_126 = arith.constant 0 : i32
      %dma_wait3A_127 = tpu.memref_slice %arg5[%arg1, %dma_wait3A_125, %dma_wait3A_126] : memref<16x168x128xi32, #tpu.memory_space<hbm>> -> memref<1x8x128xi32, #tpu.memory_space<hbm>>
      %dma_wait3A_128 = tpu.memref_squeeze %dma_wait3A_127 : memref<1x8x128xi32, #tpu.memory_space<hbm>> -> memref<8x128xi32, #tpu.memory_space<hbm>>
      %dma_wait3A_129 = arith.constant 0 : i32
      %dma_wait3A_130 = arith.constant 0 : i32
      %dma_wait3A_131 = tpu.memref_slice %arg9[%dma_wait3A_129, %dma_wait3A_130] : memref<16x128xi32, #tpu.memory_space<vmem>> -> memref<8x128xi32, #tpu.memory_space<vmem>>
      %dma_wait3A_132 = arith.constant 0 : i32
      %dma_wait3A_133 = arith.constant 0 : i32
      %dma_wait3A_134 = tpu.memref_slice %arg5[%arg1, %dma_wait3A_132, %dma_wait3A_133] : memref<16x168x128xi32, #tpu.memory_space<hbm>> -> memref<1x8x128xi32, #tpu.memory_space<hbm>>
      %dma_wait3A_135 = tpu.memref_squeeze %dma_wait3A_134 : memref<1x8x128xi32, #tpu.memory_space<hbm>> -> memref<8x128xi32, #tpu.memory_space<hbm>>
      tpu.wait_dma2 semaphore(%run_scoped3A : memref<!tpu.dma_semaphore, #tpu.memory_space<semaphore_mem>>) src(%dma_wait3A_135 : memref<8x128xi32, #tpu.memory_space<hbm>>) dst(%dma_wait3A_131 : memref<8x128xi32, #tpu.memory_space<vmem>>)
      tpu.yield
    }) : () -> ()
    %mul3A_51 = arith.constant 10240 : i32
    %mul3A_52 = arith.muli %arg0, %mul3A_51 : i32
    %mul3A_53 = arith.constant 640 : i32
    %mul3A_54 = arith.muli %arg1, %mul3A_53 : i32
    %add3A_55 = arith.addi %mul3A_52, %mul3A_54 : i32
    %mul3A_56 = arith.constant 640 : i32
    %mul3A_57 = arith.muli %arg1, %mul3A_56 : i32
    "tpu.region"() ({
      %run_scoped3A = tpu.sem_alloc : memref<!tpu.dma_semaphore, #tpu.memory_space<semaphore_mem>>
      %dma_start3A_108 = arith.constant 0 : i32
      %dma_start3A_109 = tpu.memref_slice %arg12[%mul3A_57, %dma_start3A_108] : memref<10240x64xf32, #tpu.memory_space<vmem_shared>> -> memref<640x64xf32, #tpu.memory_space<vmem_shared>>
      %dma_start3A_110 = arith.constant 0 : i32
      %dma_start3A_111 = tpu.memref_slice %arg3[%add3A_55, %dma_start3A_110] : memref<20480x64xf32, #tpu.memory_space<hbm>> -> memref<640x64xf32, #tpu.memory_space<hbm>>
      tpu.enqueue_dma source(%dma_start3A_111 : memref<640x64xf32, #tpu.memory_space<hbm>>) target(%dma_start3A_109 : memref<640x64xf32, #tpu.memory_space<vmem_shared>>) target_semaphore(%run_scoped3A : memref<!tpu.dma_semaphore, #tpu.memory_space<semaphore_mem>>)
      %dma_wait3A_112 = arith.constant 0 : i32
      %dma_wait3A_113 = tpu.memref_slice %arg12[%mul3A_57, %dma_wait3A_112] : memref<10240x64xf32, #tpu.memory_space<vmem_shared>> -> memref<640x64xf32, #tpu.memory_space<vmem_shared>>
      %dma_wait3A_114 = arith.constant 0 : i32
      %dma_wait3A_115 = tpu.memref_slice %arg3[%add3A_55, %dma_wait3A_114] : memref<20480x64xf32, #tpu.memory_space<hbm>> -> memref<640x64xf32, #tpu.memory_space<hbm>>
      tpu.wait_dma2 semaphore(%run_scoped3A : memref<!tpu.dma_semaphore, #tpu.memory_space<semaphore_mem>>) src(%dma_wait3A_115 : memref<640x64xf32, #tpu.memory_space<hbm>>) dst(%dma_wait3A_113 : memref<640x64xf32, #tpu.memory_space<vmem_shared>>)
      tpu.yield
    }) : () -> ()
    %mul3A_58 = arith.constant 10240 : i32
    %mul3A_59 = arith.muli %arg0, %mul3A_58 : i32
    %mul3A_60 = arith.constant 640 : i32
    %mul3A_61 = arith.muli %arg1, %mul3A_60 : i32
    %add3A_62 = arith.addi %mul3A_59, %mul3A_61 : i32
    %mul3A_63 = arith.constant 640 : i32
    %mul3A_64 = arith.muli %arg1, %mul3A_63 : i32
    "tpu.region"() ({
      %run_scoped3A = tpu.sem_alloc : memref<!tpu.dma_semaphore, #tpu.memory_space<semaphore_mem>>
      %dma_start3A_108 = arith.constant 0 : i32
      %dma_start3A_109 = tpu.memref_slice %arg13[%mul3A_64, %dma_start3A_108] : memref<10240x64xf32, #tpu.memory_space<vmem_shared>> -> memref<640x64xf32, #tpu.memory_space<vmem_shared>>
      %dma_start3A_110 = arith.constant 0 : i32
      %dma_start3A_111 = tpu.memref_slice %arg3[%add3A_62, %dma_start3A_110] : memref<20480x64xf32, #tpu.memory_space<hbm>> -> memref<640x64xf32, #tpu.memory_space<hbm>>
      tpu.enqueue_dma source(%dma_start3A_111 : memref<640x64xf32, #tpu.memory_space<hbm>>) target(%dma_start3A_109 : memref<640x64xf32, #tpu.memory_space<vmem_shared>>) target_semaphore(%run_scoped3A : memref<!tpu.dma_semaphore, #tpu.memory_space<semaphore_mem>>)
      %dma_wait3A_112 = arith.constant 0 : i32
      %dma_wait3A_113 = tpu.memref_slice %arg13[%mul3A_64, %dma_wait3A_112] : memref<10240x64xf32, #tpu.memory_space<vmem_shared>> -> memref<640x64xf32, #tpu.memory_space<vmem_shared>>
      %dma_wait3A_114 = arith.constant 0 : i32
      %dma_wait3A_115 = tpu.memref_slice %arg3[%add3A_62, %dma_wait3A_114] : memref<20480x64xf32, #tpu.memory_space<hbm>> -> memref<640x64xf32, #tpu.memory_space<hbm>>
      tpu.wait_dma2 semaphore(%run_scoped3A : memref<!tpu.dma_semaphore, #tpu.memory_space<semaphore_mem>>) src(%dma_wait3A_115 : memref<640x64xf32, #tpu.memory_space<hbm>>) dst(%dma_wait3A_113 : memref<640x64xf32, #tpu.memory_space<vmem_shared>>)
      tpu.yield
    }) : () -> ()
    %barrier3A_65 = arith.constant 0 : index
    tpu.barrier barrier_id(%barrier3A_65)
    %dma_start3A_66 = arith.constant 0 : i32
    %dma_start3A_67 = arith.constant 0 : i32
    %dma_start3A_68 = tpu.memref_slice %arg8[%dma_start3A_66, %dma_start3A_67] : memref<162x128xi32, #tpu.memory_space<vmem>> -> memref<1x128xi32, #tpu.memory_space<vmem>>
    %dma_start3A_69 = tpu.memref_squeeze %dma_start3A_68 : memref<1x128xi32, #tpu.memory_space<vmem>> -> memref<128xi32, #tpu.memory_space<vmem>>
    %dma_start3A_70 = arith.constant 0 : i32
    %dma_start3A_71 = arith.constant 0 : i32
    %dma_start3A_72 = tpu.memref_slice %arg12[%dma_start3A_70, %dma_start3A_71] : memref<10240x64xf32, #tpu.memory_space<vmem_shared>> -> memref<10240x64xf32, #tpu.memory_space<vmem_shared>>
    tpu.enqueue_indirect_dma source(%dma_start3A_72 : memref<10240x64xf32, #tpu.memory_space<vmem_shared>>) target(%arg10 : memref<128x64xf32, #tpu.memory_space<vmem>>) offsets(%dma_start3A_69 : memref<128xi32, #tpu.memory_space<vmem>>) semaphore(%arg14 : memref<!tpu.dma_semaphore, #tpu.memory_space<semaphore_mem>>)
    %dma_start3A_73 = arith.constant 1 : i32
    %dma_start3A_74 = arith.constant 0 : i32
    %dma_start3A_75 = tpu.memref_slice %arg8[%dma_start3A_73, %dma_start3A_74] : memref<162x128xi32, #tpu.memory_space<vmem>> -> memref<1x128xi32, #tpu.memory_space<vmem>>
    %dma_start3A_76 = tpu.memref_squeeze %dma_start3A_75 : memref<1x128xi32, #tpu.memory_space<vmem>> -> memref<128xi32, #tpu.memory_space<vmem>>
    %dma_start3A_77 = arith.constant 0 : i32
    %dma_start3A_78 = arith.constant 0 : i32
    %dma_start3A_79 = tpu.memref_slice %arg12[%dma_start3A_77, %dma_start3A_78] : memref<10240x64xf32, #tpu.memory_space<vmem_shared>> -> memref<10240x64xf32, #tpu.memory_space<vmem_shared>>
    tpu.enqueue_indirect_dma source(%dma_start3A_79 : memref<10240x64xf32, #tpu.memory_space<vmem_shared>>) target(%arg11 : memref<128x64xf32, #tpu.memory_space<vmem>>) offsets(%dma_start3A_76 : memref<128xi32, #tpu.memory_space<vmem>>) semaphore(%arg15 : memref<!tpu.dma_semaphore, #tpu.memory_space<semaphore_mem>>)
    %scan3A_80 = arith.constant 0 : i32
    %scan3A_81 = arith.constant 0 : i32
    %scan3A_82 = arith.constant 20 : i32
    %scan3A_83 = arith.addi %scan3A_81, %scan3A_82 : i32
    %scan3A_84 = arith.constant 1 : i32
    scf.for %scan3A_108 = %scan3A_81 to %scan3A_83 step %scan3A_84  : i32 {
      %jit3A = arith.constant 2 : i32
      %eq3A = arith.constant 0 : i32
      %eq3A_109 = arith.cmpi eq, %jit3A, %eq3A : i32
      %jit3A_110 = arith.constant 1 : i32
      %select_n3A = arith.select %eq3A_109, %jit3A_110, %jit3A : i32
      %rem3A = arith.remsi %scan3A_108, %select_n3A : i32
      %ne3A = arith.constant 0 : i32
      %ne3A_111 = arith.cmpi ne, %rem3A, %ne3A : i32
      %lt3A = arith.constant 0 : i32
      %lt3A_112 = arith.cmpi slt, %rem3A, %lt3A : i32
      %lt3A_113 = arith.constant 0 : i32
      %lt3A_114 = arith.cmpi slt, %select_n3A, %lt3A_113 : i32
      %ne3A_115 = arith.xori %lt3A_112, %lt3A_114 : i1
      %and3A = arith.andi %ne3A_115, %ne3A_111 : i1
      %add3A_116 = arith.addi %rem3A, %select_n3A : i32
      %select_n3A_117 = arith.select %and3A, %add3A_116, %rem3A : i32
      %mul3A_118 = arith.constant 8 : i32
      %mul3A_119 = arith.muli %select_n3A_117, %mul3A_118 : i32
      %add3A_120 = arith.constant 1 : i32
      %add3A_121 = arith.addi %scan3A_108, %add3A_120 : i32
      %jit3A_122 = arith.constant 2 : i32
      %eq3A_123 = arith.constant 0 : i32
      %eq3A_124 = arith.cmpi eq, %jit3A_122, %eq3A_123 : i32
      %jit3A_125 = arith.constant 1 : i32
      %select_n3A_126 = arith.select %eq3A_124, %jit3A_125, %jit3A_122 : i32
      %rem3A_127 = arith.remsi %add3A_121, %select_n3A_126 : i32
      %ne3A_128 = arith.constant 0 : i32
      %ne3A_129 = arith.cmpi ne, %rem3A_127, %ne3A_128 : i32
      %lt3A_130 = arith.constant 0 : i32
      %lt3A_131 = arith.cmpi slt, %rem3A_127, %lt3A_130 : i32
      %lt3A_132 = arith.constant 0 : i32
      %lt3A_133 = arith.cmpi slt, %select_n3A_126, %lt3A_132 : i32
      %ne3A_134 = arith.xori %lt3A_131, %lt3A_133 : i1
      %and3A_135 = arith.andi %ne3A_134, %ne3A_129 : i1
      %add3A_136 = arith.addi %rem3A_127, %select_n3A_126 : i32
      %select_n3A_137 = arith.select %and3A_135, %add3A_136, %rem3A_127 : i32
      %mul3A_138 = arith.constant 8 : i32
      %mul3A_139 = arith.muli %select_n3A_137, %mul3A_138 : i32
      %add3A_140 = arith.constant 1 : i32
      %add3A_141 = arith.addi %scan3A_108, %add3A_140 : i32
      %mul3A_142 = arith.constant 8 : i32
      %mul3A_143 = arith.muli %add3A_141, %mul3A_142 : i32
      %dma_start3A_144 = arith.constant 0 : i32
      %dma_start3A_145 = tpu.memref_slice %arg9[%mul3A_139, %dma_start3A_144] : memref<16x128xi32, #tpu.memory_space<vmem>> -> memref<8x128xi32, #tpu.memory_space<vmem>>
      %dma_start3A_146 = arith.constant 0 : i32
      %dma_start3A_147 = tpu.memref_slice %arg5[%arg1, %mul3A_143, %dma_start3A_146] : memref<16x168x128xi32, #tpu.memory_space<hbm>> -> memref<1x8x128xi32, #tpu.memory_space<hbm>>
      %dma_start3A_148 = tpu.memref_squeeze %dma_start3A_147 : memref<1x8x128xi32, #tpu.memory_space<hbm>> -> memref<8x128xi32, #tpu.memory_space<hbm>>
      %dma_start3A_149 = arith.constant 0 : i32
      %dma_start3A_150 = tpu.memref_slice %arg9[%mul3A_139, %dma_start3A_149] : memref<16x128xi32, #tpu.memory_space<vmem>> -> memref<8x128xi32, #tpu.memory_space<vmem>>
      %dma_start3A_151 = arith.constant 0 : i32
      %dma_start3A_152 = tpu.memref_slice %arg5[%arg1, %mul3A_143, %dma_start3A_151] : memref<16x168x128xi32, #tpu.memory_space<hbm>> -> memref<1x8x128xi32, #tpu.memory_space<hbm>>
      %dma_start3A_153 = tpu.memref_squeeze %dma_start3A_152 : memref<1x8x128xi32, #tpu.memory_space<hbm>> -> memref<8x128xi32, #tpu.memory_space<hbm>>
      tpu.enqueue_dma source(%dma_start3A_153 : memref<8x128xi32, #tpu.memory_space<hbm>>) target(%dma_start3A_150 : memref<8x128xi32, #tpu.memory_space<vmem>>) target_semaphore(%arg18 : memref<!tpu.dma_semaphore, #tpu.memory_space<semaphore_mem>>)
      %mul3A_154 = arith.constant 8 : i32
      %mul3A_155 = arith.muli %scan3A_108, %mul3A_154 : i32
      %add3A_156 = arith.constant 0 : i32
      %add3A_157 = arith.addi %mul3A_155, %add3A_156 : i32
      %dma_wait3A_158 = arith.constant 0 : i32
      %dma_wait3A_159 = tpu.memref_slice %arg8[%add3A_157, %dma_wait3A_158] : memref<162x128xi32, #tpu.memory_space<vmem>> -> memref<1x128xi32, #tpu.memory_space<vmem>>
      %dma_wait3A_160 = tpu.memref_squeeze %dma_wait3A_159 : memref<1x128xi32, #tpu.memory_space<vmem>> -> memref<128xi32, #tpu.memory_space<vmem>>
      %dma_wait3A_161 = arith.constant 0 : i32
      %dma_wait3A_162 = arith.constant 0 : i32
      %dma_wait3A_163 = tpu.memref_slice %arg12[%dma_wait3A_161, %dma_wait3A_162] : memref<10240x64xf32, #tpu.memory_space<vmem_shared>> -> memref<10240x64xf32, #tpu.memory_space<vmem_shared>>
      tpu.wait_indirect_dma semaphore(%arg14 : memref<!tpu.dma_semaphore, #tpu.memory_space<semaphore_mem>>) src(%dma_wait3A_163 : memref<10240x64xf32, #tpu.memory_space<vmem_shared>>) dst(%arg10 : memref<128x64xf32, #tpu.memory_space<vmem>>)
      %add3A_164 = arith.constant 0 : i32
      %add3A_165 = arith.addi %mul3A_119, %add3A_164 : i32
      %dma_start3A_166 = arith.constant 0 : i32
      %dma_start3A_167 = tpu.memref_slice %arg9[%add3A_165, %dma_start3A_166] : memref<16x128xi32, #tpu.memory_space<vmem>> -> memref<1x128xi32, #tpu.memory_space<vmem>>
      %dma_start3A_168 = tpu.memref_squeeze %dma_start3A_167 : memref<1x128xi32, #tpu.memory_space<vmem>> -> memref<128xi32, #tpu.memory_space<vmem>>
      %dma_start3A_169 = arith.constant 0 : i32
      %dma_start3A_170 = arith.constant 0 : i32
      %dma_start3A_171 = tpu.memref_slice %arg13[%dma_start3A_169, %dma_start3A_170] : memref<10240x64xf32, #tpu.memory_space<vmem_shared>> -> memref<10240x64xf32, #tpu.memory_space<vmem_shared>>
      tpu.enqueue_indirect_dma source(%arg10 : memref<128x64xf32, #tpu.memory_space<vmem>>) target(%dma_start3A_171 : memref<10240x64xf32, #tpu.memory_space<vmem_shared>>) offsets(%dma_start3A_168 : memref<128xi32, #tpu.memory_space<vmem>>) semaphore(%arg16 : memref<!tpu.dma_semaphore, #tpu.memory_space<semaphore_mem>>) {add = true}
      %add3A_172 = arith.constant 1 : i32
      %add3A_173 = arith.addi %add3A_157, %add3A_172 : i32
      %dma_wait3A_174 = arith.constant 0 : i32
      %dma_wait3A_175 = tpu.memref_slice %arg8[%add3A_173, %dma_wait3A_174] : memref<162x128xi32, #tpu.memory_space<vmem>> -> memref<1x128xi32, #tpu.memory_space<vmem>>
      %dma_wait3A_176 = tpu.memref_squeeze %dma_wait3A_175 : memref<1x128xi32, #tpu.memory_space<vmem>> -> memref<128xi32, #tpu.memory_space<vmem>>
      %dma_wait3A_177 = arith.constant 0 : i32
      %dma_wait3A_178 = arith.constant 0 : i32
      %dma_wait3A_179 = tpu.memref_slice %arg12[%dma_wait3A_177, %dma_wait3A_178] : memref<10240x64xf32, #tpu.memory_space<vmem_shared>> -> memref<10240x64xf32, #tpu.memory_space<vmem_shared>>
      tpu.wait_indirect_dma semaphore(%arg15 : memref<!tpu.dma_semaphore, #tpu.memory_space<semaphore_mem>>) src(%dma_wait3A_179 : memref<10240x64xf32, #tpu.memory_space<vmem_shared>>) dst(%arg11 : memref<128x64xf32, #tpu.memory_space<vmem>>)
      %add3A_180 = arith.constant 0 : i32
      %add3A_181 = arith.addi %mul3A_119, %add3A_180 : i32
      %add3A_182 = arith.constant 1 : i32
      %add3A_183 = arith.addi %add3A_181, %add3A_182 : i32
      %dma_start3A_184 = arith.constant 0 : i32
      %dma_start3A_185 = tpu.memref_slice %arg9[%add3A_183, %dma_start3A_184] : memref<16x128xi32, #tpu.memory_space<vmem>> -> memref<1x128xi32, #tpu.memory_space<vmem>>
      %dma_start3A_186 = tpu.memref_squeeze %dma_start3A_185 : memref<1x128xi32, #tpu.memory_space<vmem>> -> memref<128xi32, #tpu.memory_space<vmem>>
      %dma_start3A_187 = arith.constant 0 : i32
      %dma_start3A_188 = arith.constant 0 : i32
      %dma_start3A_189 = tpu.memref_slice %arg13[%dma_start3A_187, %dma_start3A_188] : memref<10240x64xf32, #tpu.memory_space<vmem_shared>> -> memref<10240x64xf32, #tpu.memory_space<vmem_shared>>
      tpu.enqueue_indirect_dma source(%arg11 : memref<128x64xf32, #tpu.memory_space<vmem>>) target(%dma_start3A_189 : memref<10240x64xf32, #tpu.memory_space<vmem_shared>>) offsets(%dma_start3A_186 : memref<128xi32, #tpu.memory_space<vmem>>) semaphore(%arg17 : memref<!tpu.dma_semaphore, #tpu.memory_space<semaphore_mem>>) {add = true}
      %add3A_190 = arith.constant 0 : i32
      %add3A_191 = arith.addi %mul3A_119, %add3A_190 : i32
      %dma_wait3A_192 = arith.constant 0 : i32
      %dma_wait3A_193 = tpu.memref_slice %arg9[%add3A_191, %dma_wait3A_192] : memref<16x128xi32, #tpu.memory_space<vmem>> -> memref<1x128xi32, #tpu.memory_space<vmem>>
      %dma_wait3A_194 = tpu.memref_squeeze %dma_wait3A_193 : memref<1x128xi32, #tpu.memory_space<vmem>> -> memref<128xi32, #tpu.memory_space<vmem>>
      %dma_wait3A_195 = arith.constant 0 : i32
      %dma_wait3A_196 = arith.constant 0 : i32
      %dma_wait3A_197 = tpu.memref_slice %arg13[%dma_wait3A_195, %dma_wait3A_196] : memref<10240x64xf32, #tpu.memory_space<vmem_shared>> -> memref<10240x64xf32, #tpu.memory_space<vmem_shared>>
      tpu.wait_indirect_dma semaphore(%arg16 : memref<!tpu.dma_semaphore, #tpu.memory_space<semaphore_mem>>) src(%arg10 : memref<128x64xf32, #tpu.memory_space<vmem>>) dst(%dma_wait3A_197 : memref<10240x64xf32, #tpu.memory_space<vmem_shared>>)
      %add3A_198 = arith.constant 2 : i32
      %add3A_199 = arith.addi %add3A_157, %add3A_198 : i32
      %dma_start3A_200 = arith.constant 0 : i32
      %dma_start3A_201 = tpu.memref_slice %arg8[%add3A_199, %dma_start3A_200] : memref<162x128xi32, #tpu.memory_space<vmem>> -> memref<1x128xi32, #tpu.memory_space<vmem>>
      %dma_start3A_202 = tpu.memref_squeeze %dma_start3A_201 : memref<1x128xi32, #tpu.memory_space<vmem>> -> memref<128xi32, #tpu.memory_space<vmem>>
      %dma_start3A_203 = arith.constant 0 : i32
      %dma_start3A_204 = arith.constant 0 : i32
      %dma_start3A_205 = tpu.memref_slice %arg12[%dma_start3A_203, %dma_start3A_204] : memref<10240x64xf32, #tpu.memory_space<vmem_shared>> -> memref<10240x64xf32, #tpu.memory_space<vmem_shared>>
      tpu.enqueue_indirect_dma source(%dma_start3A_205 : memref<10240x64xf32, #tpu.memory_space<vmem_shared>>) target(%arg10 : memref<128x64xf32, #tpu.memory_space<vmem>>) offsets(%dma_start3A_202 : memref<128xi32, #tpu.memory_space<vmem>>) semaphore(%arg14 : memref<!tpu.dma_semaphore, #tpu.memory_space<semaphore_mem>>)
      %add3A_206 = arith.constant 0 : i32
      %add3A_207 = arith.addi %mul3A_119, %add3A_206 : i32
      %add3A_208 = arith.constant 1 : i32
      %add3A_209 = arith.addi %add3A_207, %add3A_208 : i32
      %dma_wait3A_210 = arith.constant 0 : i32
      %dma_wait3A_211 = tpu.memref_slice %arg9[%add3A_209, %dma_wait3A_210] : memref<16x128xi32, #tpu.memory_space<vmem>> -> memref<1x128xi32, #tpu.memory_space<vmem>>
      %dma_wait3A_212 = tpu.memref_squeeze %dma_wait3A_211 : memref<1x128xi32, #tpu.memory_space<vmem>> -> memref<128xi32, #tpu.memory_space<vmem>>
      %dma_wait3A_213 = arith.constant 0 : i32
      %dma_wait3A_214 = arith.constant 0 : i32
      %dma_wait3A_215 = tpu.memref_slice %arg13[%dma_wait3A_213, %dma_wait3A_214] : memref<10240x64xf32, #tpu.memory_space<vmem_shared>> -> memref<10240x64xf32, #tpu.memory_space<vmem_shared>>
      tpu.wait_indirect_dma semaphore(%arg17 : memref<!tpu.dma_semaphore, #tpu.memory_space<semaphore_mem>>) src(%arg11 : memref<128x64xf32, #tpu.memory_space<vmem>>) dst(%dma_wait3A_215 : memref<10240x64xf32, #tpu.memory_space<vmem_shared>>)
      %add3A_216 = arith.constant 3 : i32
      %add3A_217 = arith.addi %add3A_157, %add3A_216 : i32
      %dma_start3A_218 = arith.constant 0 : i32
      %dma_start3A_219 = tpu.memref_slice %arg8[%add3A_217, %dma_start3A_218] : memref<162x128xi32, #tpu.memory_space<vmem>> -> memref<1x128xi32, #tpu.memory_space<vmem>>
      %dma_start3A_220 = tpu.memref_squeeze %dma_start3A_219 : memref<1x128xi32, #tpu.memory_space<vmem>> -> memref<128xi32, #tpu.memory_space<vmem>>
      %dma_start3A_221 = arith.constant 0 : i32
      %dma_start3A_222 = arith.constant 0 : i32
      %dma_start3A_223 = tpu.memref_slice %arg12[%dma_start3A_221, %dma_start3A_222] : memref<10240x64xf32, #tpu.memory_space<vmem_shared>> -> memref<10240x64xf32, #tpu.memory_space<vmem_shared>>
      tpu.enqueue_indirect_dma source(%dma_start3A_223 : memref<10240x64xf32, #tpu.memory_space<vmem_shared>>) target(%arg11 : memref<128x64xf32, #tpu.memory_space<vmem>>) offsets(%dma_start3A_220 : memref<128xi32, #tpu.memory_space<vmem>>) semaphore(%arg15 : memref<!tpu.dma_semaphore, #tpu.memory_space<semaphore_mem>>)
      %mul3A_224 = arith.constant 8 : i32
      %mul3A_225 = arith.muli %scan3A_108, %mul3A_224 : i32
      %add3A_226 = arith.constant 2 : i32
      %add3A_227 = arith.addi %mul3A_225, %add3A_226 : i32
      %dma_wait3A_228 = arith.constant 0 : i32
      %dma_wait3A_229 = tpu.memref_slice %arg8[%add3A_227, %dma_wait3A_228] : memref<162x128xi32, #tpu.memory_space<vmem>> -> memref<1x128xi32, #tpu.memory_space<vmem>>
      %dma_wait3A_230 = tpu.memref_squeeze %dma_wait3A_229 : memref<1x128xi32, #tpu.memory_space<vmem>> -> memref<128xi32, #tpu.memory_space<vmem>>
      %dma_wait3A_231 = arith.constant 0 : i32
      %dma_wait3A_232 = arith.constant 0 : i32
      %dma_wait3A_233 = tpu.memref_slice %arg12[%dma_wait3A_231, %dma_wait3A_232] : memref<10240x64xf32, #tpu.memory_space<vmem_shared>> -> memref<10240x64xf32, #tpu.memory_space<vmem_shared>>
      tpu.wait_indirect_dma semaphore(%arg14 : memref<!tpu.dma_semaphore, #tpu.memory_space<semaphore_mem>>) src(%dma_wait3A_233 : memref<10240x64xf32, #tpu.memory_space<vmem_shared>>) dst(%arg10 : memref<128x64xf32, #tpu.memory_space<vmem>>)
      %add3A_234 = arith.constant 2 : i32
      %add3A_235 = arith.addi %mul3A_119, %add3A_234 : i32
      %dma_start3A_236 = arith.constant 0 : i32
      %dma_start3A_237 = tpu.memref_slice %arg9[%add3A_235, %dma_start3A_236] : memref<16x128xi32, #tpu.memory_space<vmem>> -> memref<1x128xi32, #tpu.memory_space<vmem>>
      %dma_start3A_238 = tpu.memref_squeeze %dma_start3A_237 : memref<1x128xi32, #tpu.memory_space<vmem>> -> memref<128xi32, #tpu.memory_space<vmem>>
      %dma_start3A_239 = arith.constant 0 : i32
      %dma_start3A_240 = arith.constant 0 : i32
      %dma_start3A_241 = tpu.memref_slice %arg13[%dma_start3A_239, %dma_start3A_240] : memref<10240x64xf32, #tpu.memory_space<vmem_shared>> -> memref<10240x64xf32, #tpu.memory_space<vmem_shared>>
      tpu.enqueue_indirect_dma source(%arg10 : memref<128x64xf32, #tpu.memory_space<vmem>>) target(%dma_start3A_241 : memref<10240x64xf32, #tpu.memory_space<vmem_shared>>) offsets(%dma_start3A_238 : memref<128xi32, #tpu.memory_space<vmem>>) semaphore(%arg16 : memref<!tpu.dma_semaphore, #tpu.memory_space<semaphore_mem>>) {add = true}
      %add3A_242 = arith.constant 1 : i32
      %add3A_243 = arith.addi %add3A_227, %add3A_242 : i32
      %dma_wait3A_244 = arith.constant 0 : i32
      %dma_wait3A_245 = tpu.memref_slice %arg8[%add3A_243, %dma_wait3A_244] : memref<162x128xi32, #tpu.memory_space<vmem>> -> memref<1x128xi32, #tpu.memory_space<vmem>>
      %dma_wait3A_246 = tpu.memref_squeeze %dma_wait3A_245 : memref<1x128xi32, #tpu.memory_space<vmem>> -> memref<128xi32, #tpu.memory_space<vmem>>
      %dma_wait3A_247 = arith.constant 0 : i32
      %dma_wait3A_248 = arith.constant 0 : i32
      %dma_wait3A_249 = tpu.memref_slice %arg12[%dma_wait3A_247, %dma_wait3A_248] : memref<10240x64xf32, #tpu.memory_space<vmem_shared>> -> memref<10240x64xf32, #tpu.memory_space<vmem_shared>>
      tpu.wait_indirect_dma semaphore(%arg15 : memref<!tpu.dma_semaphore, #tpu.memory_space<semaphore_mem>>) src(%dma_wait3A_249 : memref<10240x64xf32, #tpu.memory_space<vmem_shared>>) dst(%arg11 : memref<128x64xf32, #tpu.memory_space<vmem>>)
      %add3A_250 = arith.constant 2 : i32
      %add3A_251 = arith.addi %mul3A_119, %add3A_250 : i32
      %add3A_252 = arith.constant 1 : i32
      %add3A_253 = arith.addi %add3A_251, %add3A_252 : i32
      %dma_start3A_254 = arith.constant 0 : i32
      %dma_start3A_255 = tpu.memref_slice %arg9[%add3A_253, %dma_start3A_254] : memref<16x128xi32, #tpu.memory_space<vmem>> -> memref<1x128xi32, #tpu.memory_space<vmem>>
      %dma_start3A_256 = tpu.memref_squeeze %dma_start3A_255 : memref<1x128xi32, #tpu.memory_space<vmem>> -> memref<128xi32, #tpu.memory_space<vmem>>
      %dma_start3A_257 = arith.constant 0 : i32
      %dma_start3A_258 = arith.constant 0 : i32
      %dma_start3A_259 = tpu.memref_slice %arg13[%dma_start3A_257, %dma_start3A_258] : memref<10240x64xf32, #tpu.memory_space<vmem_shared>> -> memref<10240x64xf32, #tpu.memory_space<vmem_shared>>
      tpu.enqueue_indirect_dma source(%arg11 : memref<128x64xf32, #tpu.memory_space<vmem>>) target(%dma_start3A_259 : memref<10240x64xf32, #tpu.memory_space<vmem_shared>>) offsets(%dma_start3A_256 : memref<128xi32, #tpu.memory_space<vmem>>) semaphore(%arg17 : memref<!tpu.dma_semaphore, #tpu.memory_space<semaphore_mem>>) {add = true}
      %add3A_260 = arith.constant 2 : i32
      %add3A_261 = arith.addi %mul3A_119, %add3A_260 : i32
      %dma_wait3A_262 = arith.constant 0 : i32
      %dma_wait3A_263 = tpu.memref_slice %arg9[%add3A_261, %dma_wait3A_262] : memref<16x128xi32, #tpu.memory_space<vmem>> -> memref<1x128xi32, #tpu.memory_space<vmem>>
      %dma_wait3A_264 = tpu.memref_squeeze %dma_wait3A_263 : memref<1x128xi32, #tpu.memory_space<vmem>> -> memref<128xi32, #tpu.memory_space<vmem>>
      %dma_wait3A_265 = arith.constant 0 : i32
      %dma_wait3A_266 = arith.constant 0 : i32
      %dma_wait3A_267 = tpu.memref_slice %arg13[%dma_wait3A_265, %dma_wait3A_266] : memref<10240x64xf32, #tpu.memory_space<vmem_shared>> -> memref<10240x64xf32, #tpu.memory_space<vmem_shared>>
      tpu.wait_indirect_dma semaphore(%arg16 : memref<!tpu.dma_semaphore, #tpu.memory_space<semaphore_mem>>) src(%arg10 : memref<128x64xf32, #tpu.memory_space<vmem>>) dst(%dma_wait3A_267 : memref<10240x64xf32, #tpu.memory_space<vmem_shared>>)
      %add3A_268 = arith.constant 2 : i32
      %add3A_269 = arith.addi %add3A_227, %add3A_268 : i32
      %dma_start3A_270 = arith.constant 0 : i32
      %dma_start3A_271 = tpu.memref_slice %arg8[%add3A_269, %dma_start3A_270] : memref<162x128xi32, #tpu.memory_space<vmem>> -> memref<1x128xi32, #tpu.memory_space<vmem>>
      %dma_start3A_272 = tpu.memref_squeeze %dma_start3A_271 : memref<1x128xi32, #tpu.memory_space<vmem>> -> memref<128xi32, #tpu.memory_space<vmem>>
      %dma_start3A_273 = arith.constant 0 : i32
      %dma_start3A_274 = arith.constant 0 : i32
      %dma_start3A_275 = tpu.memref_slice %arg12[%dma_start3A_273, %dma_start3A_274] : memref<10240x64xf32, #tpu.memory_space<vmem_shared>> -> memref<10240x64xf32, #tpu.memory_space<vmem_shared>>
      tpu.enqueue_indirect_dma source(%dma_start3A_275 : memref<10240x64xf32, #tpu.memory_space<vmem_shared>>) target(%arg10 : memref<128x64xf32, #tpu.memory_space<vmem>>) offsets(%dma_start3A_272 : memref<128xi32, #tpu.memory_space<vmem>>) semaphore(%arg14 : memref<!tpu.dma_semaphore, #tpu.memory_space<semaphore_mem>>)
      %add3A_276 = arith.constant 2 : i32
      %add3A_277 = arith.addi %mul3A_119, %add3A_276 : i32
      %add3A_278 = arith.constant 1 : i32
      %add3A_279 = arith.addi %add3A_277, %add3A_278 : i32
      %dma_wait3A_280 = arith.constant 0 : i32
      %dma_wait3A_281 = tpu.memref_slice %arg9[%add3A_279, %dma_wait3A_280] : memref<16x128xi32, #tpu.memory_space<vmem>> -> memref<1x128xi32, #tpu.memory_space<vmem>>
      %dma_wait3A_282 = tpu.memref_squeeze %dma_wait3A_281 : memref<1x128xi32, #tpu.memory_space<vmem>> -> memref<128xi32, #tpu.memory_space<vmem>>
      %dma_wait3A_283 = arith.constant 0 : i32
      %dma_wait3A_284 = arith.constant 0 : i32
      %dma_wait3A_285 = tpu.memref_slice %arg13[%dma_wait3A_283, %dma_wait3A_284] : memref<10240x64xf32, #tpu.memory_space<vmem_shared>> -> memref<10240x64xf32, #tpu.memory_space<vmem_shared>>
      tpu.wait_indirect_dma semaphore(%arg17 : memref<!tpu.dma_semaphore, #tpu.memory_space<semaphore_mem>>) src(%arg11 : memref<128x64xf32, #tpu.memory_space<vmem>>) dst(%dma_wait3A_285 : memref<10240x64xf32, #tpu.memory_space<vmem_shared>>)
      %add3A_286 = arith.constant 3 : i32
      %add3A_287 = arith.addi %add3A_227, %add3A_286 : i32
      %dma_start3A_288 = arith.constant 0 : i32
      %dma_start3A_289 = tpu.memref_slice %arg8[%add3A_287, %dma_start3A_288] : memref<162x128xi32, #tpu.memory_space<vmem>> -> memref<1x128xi32, #tpu.memory_space<vmem>>
      %dma_start3A_290 = tpu.memref_squeeze %dma_start3A_289 : memref<1x128xi32, #tpu.memory_space<vmem>> -> memref<128xi32, #tpu.memory_space<vmem>>
      %dma_start3A_291 = arith.constant 0 : i32
      %dma_start3A_292 = arith.constant 0 : i32
      %dma_start3A_293 = tpu.memref_slice %arg12[%dma_start3A_291, %dma_start3A_292] : memref<10240x64xf32, #tpu.memory_space<vmem_shared>> -> memref<10240x64xf32, #tpu.memory_space<vmem_shared>>
      tpu.enqueue_indirect_dma source(%dma_start3A_293 : memref<10240x64xf32, #tpu.memory_space<vmem_shared>>) target(%arg11 : memref<128x64xf32, #tpu.memory_space<vmem>>) offsets(%dma_start3A_290 : memref<128xi32, #tpu.memory_space<vmem>>) semaphore(%arg15 : memref<!tpu.dma_semaphore, #tpu.memory_space<semaphore_mem>>)
      %mul3A_294 = arith.constant 8 : i32
      %mul3A_295 = arith.muli %scan3A_108, %mul3A_294 : i32
      %add3A_296 = arith.constant 4 : i32
      %add3A_297 = arith.addi %mul3A_295, %add3A_296 : i32
      %dma_wait3A_298 = arith.constant 0 : i32
      %dma_wait3A_299 = tpu.memref_slice %arg8[%add3A_297, %dma_wait3A_298] : memref<162x128xi32, #tpu.memory_space<vmem>> -> memref<1x128xi32, #tpu.memory_space<vmem>>
      %dma_wait3A_300 = tpu.memref_squeeze %dma_wait3A_299 : memref<1x128xi32, #tpu.memory_space<vmem>> -> memref<128xi32, #tpu.memory_space<vmem>>
      %dma_wait3A_301 = arith.constant 0 : i32
      %dma_wait3A_302 = arith.constant 0 : i32
      %dma_wait3A_303 = tpu.memref_slice %arg12[%dma_wait3A_301, %dma_wait3A_302] : memref<10240x64xf32, #tpu.memory_space<vmem_shared>> -> memref<10240x64xf32, #tpu.memory_space<vmem_shared>>
      tpu.wait_indirect_dma semaphore(%arg14 : memref<!tpu.dma_semaphore, #tpu.memory_space<semaphore_mem>>) src(%dma_wait3A_303 : memref<10240x64xf32, #tpu.memory_space<vmem_shared>>) dst(%arg10 : memref<128x64xf32, #tpu.memory_space<vmem>>)
      %add3A_304 = arith.constant 4 : i32
      %add3A_305 = arith.addi %mul3A_119, %add3A_304 : i32
      %dma_start3A_306 = arith.constant 0 : i32
      %dma_start3A_307 = tpu.memref_slice %arg9[%add3A_305, %dma_start3A_306] : memref<16x128xi32, #tpu.memory_space<vmem>> -> memref<1x128xi32, #tpu.memory_space<vmem>>
      %dma_start3A_308 = tpu.memref_squeeze %dma_start3A_307 : memref<1x128xi32, #tpu.memory_space<vmem>> -> memref<128xi32, #tpu.memory_space<vmem>>
      %dma_start3A_309 = arith.constant 0 : i32
      %dma_start3A_310 = arith.constant 0 : i32
      %dma_start3A_311 = tpu.memref_slice %arg13[%dma_start3A_309, %dma_start3A_310] : memref<10240x64xf32, #tpu.memory_space<vmem_shared>> -> memref<10240x64xf32, #tpu.memory_space<vmem_shared>>
      tpu.enqueue_indirect_dma source(%arg10 : memref<128x64xf32, #tpu.memory_space<vmem>>) target(%dma_start3A_311 : memref<10240x64xf32, #tpu.memory_space<vmem_shared>>) offsets(%dma_start3A_308 : memref<128xi32, #tpu.memory_space<vmem>>) semaphore(%arg16 : memref<!tpu.dma_semaphore, #tpu.memory_space<semaphore_mem>>) {add = true}
      %add3A_312 = arith.constant 1 : i32
      %add3A_313 = arith.addi %add3A_297, %add3A_312 : i32
      %dma_wait3A_314 = arith.constant 0 : i32
      %dma_wait3A_315 = tpu.memref_slice %arg8[%add3A_313, %dma_wait3A_314] : memref<162x128xi32, #tpu.memory_space<vmem>> -> memref<1x128xi32, #tpu.memory_space<vmem>>
      %dma_wait3A_316 = tpu.memref_squeeze %dma_wait3A_315 : memref<1x128xi32, #tpu.memory_space<vmem>> -> memref<128xi32, #tpu.memory_space<vmem>>
      %dma_wait3A_317 = arith.constant 0 : i32
      %dma_wait3A_318 = arith.constant 0 : i32
      %dma_wait3A_319 = tpu.memref_slice %arg12[%dma_wait3A_317, %dma_wait3A_318] : memref<10240x64xf32, #tpu.memory_space<vmem_shared>> -> memref<10240x64xf32, #tpu.memory_space<vmem_shared>>
      tpu.wait_indirect_dma semaphore(%arg15 : memref<!tpu.dma_semaphore, #tpu.memory_space<semaphore_mem>>) src(%dma_wait3A_319 : memref<10240x64xf32, #tpu.memory_space<vmem_shared>>) dst(%arg11 : memref<128x64xf32, #tpu.memory_space<vmem>>)
      %add3A_320 = arith.constant 4 : i32
      %add3A_321 = arith.addi %mul3A_119, %add3A_320 : i32
      %add3A_322 = arith.constant 1 : i32
      %add3A_323 = arith.addi %add3A_321, %add3A_322 : i32
      %dma_start3A_324 = arith.constant 0 : i32
      %dma_start3A_325 = tpu.memref_slice %arg9[%add3A_323, %dma_start3A_324] : memref<16x128xi32, #tpu.memory_space<vmem>> -> memref<1x128xi32, #tpu.memory_space<vmem>>
      %dma_start3A_326 = tpu.memref_squeeze %dma_start3A_325 : memref<1x128xi32, #tpu.memory_space<vmem>> -> memref<128xi32, #tpu.memory_space<vmem>>
      %dma_start3A_327 = arith.constant 0 : i32
      %dma_start3A_328 = arith.constant 0 : i32
      %dma_start3A_329 = tpu.memref_slice %arg13[%dma_start3A_327, %dma_start3A_328] : memref<10240x64xf32, #tpu.memory_space<vmem_shared>> -> memref<10240x64xf32, #tpu.memory_space<vmem_shared>>
      tpu.enqueue_indirect_dma source(%arg11 : memref<128x64xf32, #tpu.memory_space<vmem>>) target(%dma_start3A_329 : memref<10240x64xf32, #tpu.memory_space<vmem_shared>>) offsets(%dma_start3A_326 : memref<128xi32, #tpu.memory_space<vmem>>) semaphore(%arg17 : memref<!tpu.dma_semaphore, #tpu.memory_space<semaphore_mem>>) {add = true}
      %add3A_330 = arith.constant 4 : i32
      %add3A_331 = arith.addi %mul3A_119, %add3A_330 : i32
      %dma_wait3A_332 = arith.constant 0 : i32
      %dma_wait3A_333 = tpu.memref_slice %arg9[%add3A_331, %dma_wait3A_332] : memref<16x128xi32, #tpu.memory_space<vmem>> -> memref<1x128xi32, #tpu.memory_space<vmem>>
      %dma_wait3A_334 = tpu.memref_squeeze %dma_wait3A_333 : memref<1x128xi32, #tpu.memory_space<vmem>> -> memref<128xi32, #tpu.memory_space<vmem>>
      %dma_wait3A_335 = arith.constant 0 : i32
      %dma_wait3A_336 = arith.constant 0 : i32
      %dma_wait3A_337 = tpu.memref_slice %arg13[%dma_wait3A_335, %dma_wait3A_336] : memref<10240x64xf32, #tpu.memory_space<vmem_shared>> -> memref<10240x64xf32, #tpu.memory_space<vmem_shared>>
      tpu.wait_indirect_dma semaphore(%arg16 : memref<!tpu.dma_semaphore, #tpu.memory_space<semaphore_mem>>) src(%arg10 : memref<128x64xf32, #tpu.memory_space<vmem>>) dst(%dma_wait3A_337 : memref<10240x64xf32, #tpu.memory_space<vmem_shared>>)
      %add3A_338 = arith.constant 2 : i32
      %add3A_339 = arith.addi %add3A_297, %add3A_338 : i32
      %dma_start3A_340 = arith.constant 0 : i32
      %dma_start3A_341 = tpu.memref_slice %arg8[%add3A_339, %dma_start3A_340] : memref<162x128xi32, #tpu.memory_space<vmem>> -> memref<1x128xi32, #tpu.memory_space<vmem>>
      %dma_start3A_342 = tpu.memref_squeeze %dma_start3A_341 : memref<1x128xi32, #tpu.memory_space<vmem>> -> memref<128xi32, #tpu.memory_space<vmem>>
      %dma_start3A_343 = arith.constant 0 : i32
      %dma_start3A_344 = arith.constant 0 : i32
      %dma_start3A_345 = tpu.memref_slice %arg12[%dma_start3A_343, %dma_start3A_344] : memref<10240x64xf32, #tpu.memory_space<vmem_shared>> -> memref<10240x64xf32, #tpu.memory_space<vmem_shared>>
      tpu.enqueue_indirect_dma source(%dma_start3A_345 : memref<10240x64xf32, #tpu.memory_space<vmem_shared>>) target(%arg10 : memref<128x64xf32, #tpu.memory_space<vmem>>) offsets(%dma_start3A_342 : memref<128xi32, #tpu.memory_space<vmem>>) semaphore(%arg14 : memref<!tpu.dma_semaphore, #tpu.memory_space<semaphore_mem>>)
      %add3A_346 = arith.constant 4 : i32
      %add3A_347 = arith.addi %mul3A_119, %add3A_346 : i32
      %add3A_348 = arith.constant 1 : i32
      %add3A_349 = arith.addi %add3A_347, %add3A_348 : i32
      %dma_wait3A_350 = arith.constant 0 : i32
      %dma_wait3A_351 = tpu.memref_slice %arg9[%add3A_349, %dma_wait3A_350] : memref<16x128xi32, #tpu.memory_space<vmem>> -> memref<1x128xi32, #tpu.memory_space<vmem>>
      %dma_wait3A_352 = tpu.memref_squeeze %dma_wait3A_351 : memref<1x128xi32, #tpu.memory_space<vmem>> -> memref<128xi32, #tpu.memory_space<vmem>>
      %dma_wait3A_353 = arith.constant 0 : i32
      %dma_wait3A_354 = arith.constant 0 : i32
      %dma_wait3A_355 = tpu.memref_slice %arg13[%dma_wait3A_353, %dma_wait3A_354] : memref<10240x64xf32, #tpu.memory_space<vmem_shared>> -> memref<10240x64xf32, #tpu.memory_space<vmem_shared>>
      tpu.wait_indirect_dma semaphore(%arg17 : memref<!tpu.dma_semaphore, #tpu.memory_space<semaphore_mem>>) src(%arg11 : memref<128x64xf32, #tpu.memory_space<vmem>>) dst(%dma_wait3A_355 : memref<10240x64xf32, #tpu.memory_space<vmem_shared>>)
      %add3A_356 = arith.constant 3 : i32
      %add3A_357 = arith.addi %add3A_297, %add3A_356 : i32
      %dma_start3A_358 = arith.constant 0 : i32
      %dma_start3A_359 = tpu.memref_slice %arg8[%add3A_357, %dma_start3A_358] : memref<162x128xi32, #tpu.memory_space<vmem>> -> memref<1x128xi32, #tpu.memory_space<vmem>>
      %dma_start3A_360 = tpu.memref_squeeze %dma_start3A_359 : memref<1x128xi32, #tpu.memory_space<vmem>> -> memref<128xi32, #tpu.memory_space<vmem>>
      %dma_start3A_361 = arith.constant 0 : i32
      %dma_start3A_362 = arith.constant 0 : i32
      %dma_start3A_363 = tpu.memref_slice %arg12[%dma_start3A_361, %dma_start3A_362] : memref<10240x64xf32, #tpu.memory_space<vmem_shared>> -> memref<10240x64xf32, #tpu.memory_space<vmem_shared>>
      tpu.enqueue_indirect_dma source(%dma_start3A_363 : memref<10240x64xf32, #tpu.memory_space<vmem_shared>>) target(%arg11 : memref<128x64xf32, #tpu.memory_space<vmem>>) offsets(%dma_start3A_360 : memref<128xi32, #tpu.memory_space<vmem>>) semaphore(%arg15 : memref<!tpu.dma_semaphore, #tpu.memory_space<semaphore_mem>>)
      %mul3A_364 = arith.constant 8 : i32
      %mul3A_365 = arith.muli %scan3A_108, %mul3A_364 : i32
      %add3A_366 = arith.constant 6 : i32
      %add3A_367 = arith.addi %mul3A_365, %add3A_366 : i32
      %dma_wait3A_368 = arith.constant 0 : i32
      %dma_wait3A_369 = tpu.memref_slice %arg8[%add3A_367, %dma_wait3A_368] : memref<162x128xi32, #tpu.memory_space<vmem>> -> memref<1x128xi32, #tpu.memory_space<vmem>>
      %dma_wait3A_370 = tpu.memref_squeeze %dma_wait3A_369 : memref<1x128xi32, #tpu.memory_space<vmem>> -> memref<128xi32, #tpu.memory_space<vmem>>
      %dma_wait3A_371 = arith.constant 0 : i32
      %dma_wait3A_372 = arith.constant 0 : i32
      %dma_wait3A_373 = tpu.memref_slice %arg12[%dma_wait3A_371, %dma_wait3A_372] : memref<10240x64xf32, #tpu.memory_space<vmem_shared>> -> memref<10240x64xf32, #tpu.memory_space<vmem_shared>>
      tpu.wait_indirect_dma semaphore(%arg14 : memref<!tpu.dma_semaphore, #tpu.memory_space<semaphore_mem>>) src(%dma_wait3A_373 : memref<10240x64xf32, #tpu.memory_space<vmem_shared>>) dst(%arg10 : memref<128x64xf32, #tpu.memory_space<vmem>>)
      %add3A_374 = arith.constant 6 : i32
      %add3A_375 = arith.addi %mul3A_119, %add3A_374 : i32
      %dma_start3A_376 = arith.constant 0 : i32
      %dma_start3A_377 = tpu.memref_slice %arg9[%add3A_375, %dma_start3A_376] : memref<16x128xi32, #tpu.memory_space<vmem>> -> memref<1x128xi32, #tpu.memory_space<vmem>>
      %dma_start3A_378 = tpu.memref_squeeze %dma_start3A_377 : memref<1x128xi32, #tpu.memory_space<vmem>> -> memref<128xi32, #tpu.memory_space<vmem>>
      %dma_start3A_379 = arith.constant 0 : i32
      %dma_start3A_380 = arith.constant 0 : i32
      %dma_start3A_381 = tpu.memref_slice %arg13[%dma_start3A_379, %dma_start3A_380] : memref<10240x64xf32, #tpu.memory_space<vmem_shared>> -> memref<10240x64xf32, #tpu.memory_space<vmem_shared>>
      tpu.enqueue_indirect_dma source(%arg10 : memref<128x64xf32, #tpu.memory_space<vmem>>) target(%dma_start3A_381 : memref<10240x64xf32, #tpu.memory_space<vmem_shared>>) offsets(%dma_start3A_378 : memref<128xi32, #tpu.memory_space<vmem>>) semaphore(%arg16 : memref<!tpu.dma_semaphore, #tpu.memory_space<semaphore_mem>>) {add = true}
      %add3A_382 = arith.constant 1 : i32
      %add3A_383 = arith.addi %add3A_367, %add3A_382 : i32
      %dma_wait3A_384 = arith.constant 0 : i32
      %dma_wait3A_385 = tpu.memref_slice %arg8[%add3A_383, %dma_wait3A_384] : memref<162x128xi32, #tpu.memory_space<vmem>> -> memref<1x128xi32, #tpu.memory_space<vmem>>
      %dma_wait3A_386 = tpu.memref_squeeze %dma_wait3A_385 : memref<1x128xi32, #tpu.memory_space<vmem>> -> memref<128xi32, #tpu.memory_space<vmem>>
      %dma_wait3A_387 = arith.constant 0 : i32
      %dma_wait3A_388 = arith.constant 0 : i32
      %dma_wait3A_389 = tpu.memref_slice %arg12[%dma_wait3A_387, %dma_wait3A_388] : memref<10240x64xf32, #tpu.memory_space<vmem_shared>> -> memref<10240x64xf32, #tpu.memory_space<vmem_shared>>
      tpu.wait_indirect_dma semaphore(%arg15 : memref<!tpu.dma_semaphore, #tpu.memory_space<semaphore_mem>>) src(%dma_wait3A_389 : memref<10240x64xf32, #tpu.memory_space<vmem_shared>>) dst(%arg11 : memref<128x64xf32, #tpu.memory_space<vmem>>)
      %add3A_390 = arith.constant 6 : i32
      %add3A_391 = arith.addi %mul3A_119, %add3A_390 : i32
      %add3A_392 = arith.constant 1 : i32
      %add3A_393 = arith.addi %add3A_391, %add3A_392 : i32
      %dma_start3A_394 = arith.constant 0 : i32
      %dma_start3A_395 = tpu.memref_slice %arg9[%add3A_393, %dma_start3A_394] : memref<16x128xi32, #tpu.memory_space<vmem>> -> memref<1x128xi32, #tpu.memory_space<vmem>>
      %dma_start3A_396 = tpu.memref_squeeze %dma_start3A_395 : memref<1x128xi32, #tpu.memory_space<vmem>> -> memref<128xi32, #tpu.memory_space<vmem>>
      %dma_start3A_397 = arith.constant 0 : i32
      %dma_start3A_398 = arith.constant 0 : i32
      %dma_start3A_399 = tpu.memref_slice %arg13[%dma_start3A_397, %dma_start3A_398] : memref<10240x64xf32, #tpu.memory_space<vmem_shared>> -> memref<10240x64xf32, #tpu.memory_space<vmem_shared>>
      tpu.enqueue_indirect_dma source(%arg11 : memref<128x64xf32, #tpu.memory_space<vmem>>) target(%dma_start3A_399 : memref<10240x64xf32, #tpu.memory_space<vmem_shared>>) offsets(%dma_start3A_396 : memref<128xi32, #tpu.memory_space<vmem>>) semaphore(%arg17 : memref<!tpu.dma_semaphore, #tpu.memory_space<semaphore_mem>>) {add = true}
      %add3A_400 = arith.constant 6 : i32
      %add3A_401 = arith.addi %mul3A_119, %add3A_400 : i32
      %dma_wait3A_402 = arith.constant 0 : i32
      %dma_wait3A_403 = tpu.memref_slice %arg9[%add3A_401, %dma_wait3A_402] : memref<16x128xi32, #tpu.memory_space<vmem>> -> memref<1x128xi32, #tpu.memory_space<vmem>>
      %dma_wait3A_404 = tpu.memref_squeeze %dma_wait3A_403 : memref<1x128xi32, #tpu.memory_space<vmem>> -> memref<128xi32, #tpu.memory_space<vmem>>
      %dma_wait3A_405 = arith.constant 0 : i32
      %dma_wait3A_406 = arith.constant 0 : i32
      %dma_wait3A_407 = tpu.memref_slice %arg13[%dma_wait3A_405, %dma_wait3A_406] : memref<10240x64xf32, #tpu.memory_space<vmem_shared>> -> memref<10240x64xf32, #tpu.memory_space<vmem_shared>>
      tpu.wait_indirect_dma semaphore(%arg16 : memref<!tpu.dma_semaphore, #tpu.memory_space<semaphore_mem>>) src(%arg10 : memref<128x64xf32, #tpu.memory_space<vmem>>) dst(%dma_wait3A_407 : memref<10240x64xf32, #tpu.memory_space<vmem_shared>>)
      %add3A_408 = arith.constant 2 : i32
      %add3A_409 = arith.addi %add3A_367, %add3A_408 : i32
      %dma_start3A_410 = arith.constant 0 : i32
      %dma_start3A_411 = tpu.memref_slice %arg8[%add3A_409, %dma_start3A_410] : memref<162x128xi32, #tpu.memory_space<vmem>> -> memref<1x128xi32, #tpu.memory_space<vmem>>
      %dma_start3A_412 = tpu.memref_squeeze %dma_start3A_411 : memref<1x128xi32, #tpu.memory_space<vmem>> -> memref<128xi32, #tpu.memory_space<vmem>>
      %dma_start3A_413 = arith.constant 0 : i32
      %dma_start3A_414 = arith.constant 0 : i32
      %dma_start3A_415 = tpu.memref_slice %arg12[%dma_start3A_413, %dma_start3A_414] : memref<10240x64xf32, #tpu.memory_space<vmem_shared>> -> memref<10240x64xf32, #tpu.memory_space<vmem_shared>>
      tpu.enqueue_indirect_dma source(%dma_start3A_415 : memref<10240x64xf32, #tpu.memory_space<vmem_shared>>) target(%arg10 : memref<128x64xf32, #tpu.memory_space<vmem>>) offsets(%dma_start3A_412 : memref<128xi32, #tpu.memory_space<vmem>>) semaphore(%arg14 : memref<!tpu.dma_semaphore, #tpu.memory_space<semaphore_mem>>)
      %add3A_416 = arith.constant 6 : i32
      %add3A_417 = arith.addi %mul3A_119, %add3A_416 : i32
      %add3A_418 = arith.constant 1 : i32
      %add3A_419 = arith.addi %add3A_417, %add3A_418 : i32
      %dma_wait3A_420 = arith.constant 0 : i32
      %dma_wait3A_421 = tpu.memref_slice %arg9[%add3A_419, %dma_wait3A_420] : memref<16x128xi32, #tpu.memory_space<vmem>> -> memref<1x128xi32, #tpu.memory_space<vmem>>
      %dma_wait3A_422 = tpu.memref_squeeze %dma_wait3A_421 : memref<1x128xi32, #tpu.memory_space<vmem>> -> memref<128xi32, #tpu.memory_space<vmem>>
      %dma_wait3A_423 = arith.constant 0 : i32
      %dma_wait3A_424 = arith.constant 0 : i32
      %dma_wait3A_425 = tpu.memref_slice %arg13[%dma_wait3A_423, %dma_wait3A_424] : memref<10240x64xf32, #tpu.memory_space<vmem_shared>> -> memref<10240x64xf32, #tpu.memory_space<vmem_shared>>
      tpu.wait_indirect_dma semaphore(%arg17 : memref<!tpu.dma_semaphore, #tpu.memory_space<semaphore_mem>>) src(%arg11 : memref<128x64xf32, #tpu.memory_space<vmem>>) dst(%dma_wait3A_425 : memref<10240x64xf32, #tpu.memory_space<vmem_shared>>)
      %add3A_426 = arith.constant 3 : i32
      %add3A_427 = arith.addi %add3A_367, %add3A_426 : i32
      %dma_start3A_428 = arith.constant 0 : i32
      %dma_start3A_429 = tpu.memref_slice %arg8[%add3A_427, %dma_start3A_428] : memref<162x128xi32, #tpu.memory_space<vmem>> -> memref<1x128xi32, #tpu.memory_space<vmem>>
      %dma_start3A_430 = tpu.memref_squeeze %dma_start3A_429 : memref<1x128xi32, #tpu.memory_space<vmem>> -> memref<128xi32, #tpu.memory_space<vmem>>
      %dma_start3A_431 = arith.constant 0 : i32
      %dma_start3A_432 = arith.constant 0 : i32
      %dma_start3A_433 = tpu.memref_slice %arg12[%dma_start3A_431, %dma_start3A_432] : memref<10240x64xf32, #tpu.memory_space<vmem_shared>> -> memref<10240x64xf32, #tpu.memory_space<vmem_shared>>
      tpu.enqueue_indirect_dma source(%dma_start3A_433 : memref<10240x64xf32, #tpu.memory_space<vmem_shared>>) target(%arg11 : memref<128x64xf32, #tpu.memory_space<vmem>>) offsets(%dma_start3A_430 : memref<128xi32, #tpu.memory_space<vmem>>) semaphore(%arg15 : memref<!tpu.dma_semaphore, #tpu.memory_space<semaphore_mem>>)
      %add3A_434 = arith.constant 1 : i32
      %add3A_435 = arith.addi %scan3A_108, %add3A_434 : i32
      %mul3A_436 = arith.constant 8 : i32
      %mul3A_437 = arith.muli %add3A_435, %mul3A_436 : i32
      %dma_wait3A_438 = arith.constant 0 : i32
      %dma_wait3A_439 = tpu.memref_slice %arg9[%mul3A_139, %dma_wait3A_438] : memref<16x128xi32, #tpu.memory_space<vmem>> -> memref<8x128xi32, #tpu.memory_space<vmem>>
      %dma_wait3A_440 = arith.constant 0 : i32
      %dma_wait3A_441 = tpu.memref_slice %arg5[%arg1, %mul3A_437, %dma_wait3A_440] : memref<16x168x128xi32, #tpu.memory_space<hbm>> -> memref<1x8x128xi32, #tpu.memory_space<hbm>>
      %dma_wait3A_442 = tpu.memref_squeeze %dma_wait3A_441 : memref<1x8x128xi32, #tpu.memory_space<hbm>> -> memref<8x128xi32, #tpu.memory_space<hbm>>
      %dma_wait3A_443 = arith.constant 0 : i32
      %dma_wait3A_444 = tpu.memref_slice %arg9[%mul3A_139, %dma_wait3A_443] : memref<16x128xi32, #tpu.memory_space<vmem>> -> memref<8x128xi32, #tpu.memory_space<vmem>>
      %dma_wait3A_445 = arith.constant 0 : i32
      %dma_wait3A_446 = tpu.memref_slice %arg5[%arg1, %mul3A_437, %dma_wait3A_445] : memref<16x168x128xi32, #tpu.memory_space<hbm>> -> memref<1x8x128xi32, #tpu.memory_space<hbm>>
      %dma_wait3A_447 = tpu.memref_squeeze %dma_wait3A_446 : memref<1x8x128xi32, #tpu.memory_space<hbm>> -> memref<8x128xi32, #tpu.memory_space<hbm>>
      tpu.wait_dma2 semaphore(%arg18 : memref<!tpu.dma_semaphore, #tpu.memory_space<semaphore_mem>>) src(%dma_wait3A_447 : memref<8x128xi32, #tpu.memory_space<hbm>>) dst(%dma_wait3A_444 : memref<8x128xi32, #tpu.memory_space<vmem>>)
    }
    %scan3A_85 = arith.constant 20 : i32
    %dma_wait3A_86 = arith.constant 160 : i32
    %dma_wait3A_87 = arith.constant 0 : i32
    %dma_wait3A_88 = tpu.memref_slice %arg8[%dma_wait3A_86, %dma_wait3A_87] : memref<162x128xi32, #tpu.memory_space<vmem>> -> memref<1x128xi32, #tpu.memory_space<vmem>>
    %dma_wait3A_89 = tpu.memref_squeeze %dma_wait3A_88 : memref<1x128xi32, #tpu.memory_space<vmem>> -> memref<128xi32, #tpu.memory_space<vmem>>
    %dma_wait3A_90 = arith.constant 0 : i32
    %dma_wait3A_91 = arith.constant 0 : i32
    %dma_wait3A_92 = tpu.memref_slice %arg12[%dma_wait3A_90, %dma_wait3A_91] : memref<10240x64xf32, #tpu.memory_space<vmem_shared>> -> memref<10240x64xf32, #tpu.memory_space<vmem_shared>>
    tpu.wait_indirect_dma semaphore(%arg14 : memref<!tpu.dma_semaphore, #tpu.memory_space<semaphore_mem>>) src(%dma_wait3A_92 : memref<10240x64xf32, #tpu.memory_space<vmem_shared>>) dst(%arg10 : memref<128x64xf32, #tpu.memory_space<vmem>>)
    %dma_wait3A_93 = arith.constant 161 : i32
    %dma_wait3A_94 = arith.constant 0 : i32
    %dma_wait3A_95 = tpu.memref_slice %arg8[%dma_wait3A_93, %dma_wait3A_94] : memref<162x128xi32, #tpu.memory_space<vmem>> -> memref<1x128xi32, #tpu.memory_space<vmem>>
    %dma_wait3A_96 = tpu.memref_squeeze %dma_wait3A_95 : memref<1x128xi32, #tpu.memory_space<vmem>> -> memref<128xi32, #tpu.memory_space<vmem>>
    %dma_wait3A_97 = arith.constant 0 : i32
    %dma_wait3A_98 = arith.constant 0 : i32
    %dma_wait3A_99 = tpu.memref_slice %arg12[%dma_wait3A_97, %dma_wait3A_98] : memref<10240x64xf32, #tpu.memory_space<vmem_shared>> -> memref<10240x64xf32, #tpu.memory_space<vmem_shared>>
    tpu.wait_indirect_dma semaphore(%arg15 : memref<!tpu.dma_semaphore, #tpu.memory_space<semaphore_mem>>) src(%dma_wait3A_99 : memref<10240x64xf32, #tpu.memory_space<vmem_shared>>) dst(%arg11 : memref<128x64xf32, #tpu.memory_space<vmem>>)
    %barrier3A_100 = arith.constant 0 : index
    tpu.barrier barrier_id(%barrier3A_100)
    %mul3A_101 = arith.constant 640 : i32
    %mul3A_102 = arith.muli %arg1, %mul3A_101 : i32
    %mul3A_103 = arith.constant 10240 : i32
    %mul3A_104 = arith.muli %arg0, %mul3A_103 : i32
    %mul3A_105 = arith.constant 640 : i32
    %mul3A_106 = arith.muli %arg1, %mul3A_105 : i32
    %add3A_107 = arith.addi %mul3A_104, %mul3A_106 : i32
    "tpu.region"() ({
      %run_scoped3A = tpu.sem_alloc : memref<!tpu.dma_semaphore, #tpu.memory_space<semaphore_mem>>
      %dma_start3A_108 = arith.constant 0 : i32
      %dma_start3A_109 = tpu.memref_slice %arg7[%add3A_107, %dma_start3A_108] : memref<20480x64xf32, #tpu.memory_space<hbm>> -> memref<640x64xf32, #tpu.memory_space<hbm>>
      %dma_start3A_110 = arith.constant 0 : i32
      %dma_start3A_111 = tpu.memref_slice %arg13[%mul3A_102, %dma_start3A_110] : memref<10240x64xf32, #tpu.memory_space<vmem_shared>> -> memref<640x64xf32, #tpu.memory_space<vmem_shared>>
      tpu.enqueue_dma source(%dma_start3A_111 : memref<640x64xf32, #tpu.memory_space<vmem_shared>>) target(%dma_start3A_109 : memref<640x64xf32, #tpu.memory_space<hbm>>) target_semaphore(%run_scoped3A : memref<!tpu.dma_semaphore, #tpu.memory_space<semaphore_mem>>)
      %dma_wait3A_112 = arith.constant 0 : i32
      %dma_wait3A_113 = tpu.memref_slice %arg7[%add3A_107, %dma_wait3A_112] : memref<20480x64xf32, #tpu.memory_space<hbm>> -> memref<640x64xf32, #tpu.memory_space<hbm>>
      %dma_wait3A_114 = arith.constant 0 : i32
      %dma_wait3A_115 = tpu.memref_slice %arg13[%mul3A_102, %dma_wait3A_114] : memref<10240x64xf32, #tpu.memory_space<vmem_shared>> -> memref<640x64xf32, #tpu.memory_space<vmem_shared>>
      tpu.wait_dma2 semaphore(%run_scoped3A : memref<!tpu.dma_semaphore, #tpu.memory_space<semaphore_mem>>) src(%dma_wait3A_115 : memref<640x64xf32, #tpu.memory_space<vmem_shared>>) dst(%dma_wait3A_113 : memref<640x64xf32, #tpu.memory_space<hbm>>)
      tpu.yield
    }) : () -> ()
    return
  }
}

module attributes {stable_mosaic.version = 14 : i64} {
  func.func @_mm1_body(%arg0: i32, %arg1: i32, %arg2: memref<512x128xf32, #tpu.memory_space<vmem>>, %arg3: memref<128x128xf32, #tpu.memory_space<vmem>>, %arg4: memref<512x16xf32, #tpu.memory_space<vmem>>, %arg5: memref<512x64xf32, #tpu.memory_space<vmem>>, %arg6: memref<512x64xf32, #tpu.memory_space<vmem>>) attributes {dimension_semantics = [#tpu.dimension_semantics<arbitrary>, #tpu.dimension_semantics<arbitrary>], iteration_bounds = array<i64: 20, 2>, scalar_prefetch = 0 : i64, scratch_operands = 0 : i64, tpu.core_type = #tpu.core_type<tc>, window_params = [{transform_indices = @transform_0, window_bounds = array<i64: 512, 128>}, {transform_indices = @transform_1, window_bounds = array<i64: 128, 128>}, {transform_indices = @transform_2, window_bounds = array<i64: 512, 16>}, {transform_indices = @transform_3, window_bounds = array<i64: 512, 64>}, {transform_indices = @transform_4, window_bounds = array<i64: 512, 64>}]} {
    %get3A = arith.constant 0 : index
    %get3A_0 = arith.constant 0 : index
    %get3A_1 = vector.load %arg4[%get3A, %get3A_0] : memref<512x16xf32, #tpu.memory_space<vmem>>, vector<512x1xf32>
    %add3A = arith.constant 1.000000e+00 : f32
    %add3A_2 = vector.broadcast %add3A : f32 to vector<512x1xf32>
    %add3A_3 = arith.addf %get3A_1, %add3A_2 : vector<512x1xf32>
    %rsqrt3A = math.rsqrt %add3A_3 : vector<512x1xf32>
    %get3A_4 = arith.constant 0 : index
    %get3A_5 = arith.constant 0 : index
    %get3A_6 = vector.load %arg2[%get3A_4, %get3A_5] : memref<512x128xf32, #tpu.memory_space<vmem>>, vector<512x128xf32>
    %get3A_7 = arith.constant 0 : index
    %get3A_8 = arith.constant 0 : index
    %get3A_9 = vector.load %arg3[%get3A_7, %get3A_8] : memref<128x128xf32, #tpu.memory_space<vmem>>, vector<128x128xf32>
    %dot_general3A = arith.constant dense<0.000000e+00> : vector<512x128xf32>
    %dot_general3A_10 = tpu.matmul %get3A_6, %get3A_9, %dot_general3A {dimension_numbers = #tpu.dot_dimension_numbers<[1], [0], [0], [1], [0, 0, 1, 1], [], []>, transpose_lhs_hint = false} : vector<512x128xf32>, vector<128x128xf32>, vector<512x128xf32> -> vector<512x128xf32>
    %mul3A = vector.broadcast %rsqrt3A : vector<512x1xf32> to vector<512x128xf32>
    %mul3A_11 = arith.mulf %dot_general3A_10, %mul3A : vector<512x128xf32>
    %slice3A = vector.extract_strided_slice %mul3A_11 {offsets = [0, 0], sizes = [512, 64], strides = [1, 1]} : vector<512x128xf32> to vector<512x64xf32>
    %swap3A = arith.constant 0 : index
    %swap3A_12 = arith.constant 0 : index
    %swap3A_13 = vector.load %arg5[%swap3A, %swap3A_12] : memref<512x64xf32, #tpu.memory_space<vmem>>, vector<512x64xf32>
    tpu.vector_store %arg5[%swap3A, %swap3A_12], %slice3A {strides = array<i32>} : memref<512x64xf32, #tpu.memory_space<vmem>>, vector<512x64xf32>,
    %slice3A_14 = vector.extract_strided_slice %mul3A_11 {offsets = [0, 64], sizes = [512, 64], strides = [1, 1]} : vector<512x128xf32> to vector<512x64xf32>
    %swap3A_15 = arith.constant 0 : index
    %swap3A_16 = arith.constant 0 : index
    %swap3A_17 = vector.load %arg6[%swap3A_15, %swap3A_16] : memref<512x64xf32, #tpu.memory_space<vmem>>, vector<512x64xf32>
    tpu.vector_store %arg6[%swap3A_15, %swap3A_16], %slice3A_14 {strides = array<i32>} : memref<512x64xf32, #tpu.memory_space<vmem>>, vector<512x64xf32>,
    return
  }
  func.func @transform_0(%arg0: i32, %arg1: i32) -> (i32, i32) {
    %c0_i32 = arith.constant 0 : i32
    %c0_i32_0 = arith.constant 0 : i32
    return %arg0, %c0_i32 : i32, i32
  }
  func.func @transform_1(%arg0: i32, %arg1: i32) -> (i32, i32) {
    %c0_i32 = arith.constant 0 : i32
    %c0_i32_0 = arith.constant 0 : i32
    return %c0_i32, %arg1 : i32, i32
  }
  func.func @transform_2(%arg0: i32, %arg1: i32) -> (i32, i32) {
    %c0_i32 = arith.constant 0 : i32
    %c0_i32_0 = arith.constant 0 : i32
    return %arg0, %c0_i32 : i32, i32
  }
  func.func @transform_3(%arg0: i32, %arg1: i32) -> (i32, i32) {
    %mul3A = arith.constant 20 : i32
    %mul3A_0 = arith.muli %arg1, %mul3A : i32
    %add3A = arith.addi %mul3A_0, %arg0 : i32
    %c0_i32 = arith.constant 0 : i32
    %c0_i32_1 = arith.constant 0 : i32
    return %add3A, %c0_i32 : i32, i32
  }
  func.func @transform_4(%arg0: i32, %arg1: i32) -> (i32, i32) {
    %mul3A = arith.constant 20 : i32
    %mul3A_0 = arith.muli %arg1, %mul3A : i32
    %add3A = arith.addi %mul3A_0, %arg0 : i32
    %c0_i32 = arith.constant 0 : i32
    %c0_i32_1 = arith.constant 0 : i32
    return %add3A, %c0_i32 : i32, i32
  }
}

module attributes {stable_mosaic.version = 14 : i64} {
  func.func @_mm2_body(%arg0: i32, %arg1: i32, %arg2: memref<512x64xf32, #tpu.memory_space<vmem>>, %arg3: memref<512x64xf32, #tpu.memory_space<vmem>>, %arg4: memref<512x64xf32, #tpu.memory_space<vmem>>, %arg5: memref<512x64xf32, #tpu.memory_space<vmem>>, %arg6: memref<512x16xf32, #tpu.memory_space<vmem>>, %arg7: memref<4x1x64xf32, #tpu.memory_space<vmem>>, %arg8: memref<256x128xf32, #tpu.memory_space<vmem>>, %arg9: memref<512x64xf32, #tpu.memory_space<vmem>>, %arg10: memref<512x64xf32, #tpu.memory_space<vmem>>) attributes {dimension_semantics = [#tpu.dimension_semantics<arbitrary>, #tpu.dimension_semantics<arbitrary>], iteration_bounds = array<i64: 20, 2>, scalar_prefetch = 0 : i64, scratch_operands = 0 : i64, tpu.core_type = #tpu.core_type<tc>, window_params = [{transform_indices = @transform_0, window_bounds = array<i64: 512, 64>}, {transform_indices = @transform_1, window_bounds = array<i64: 512, 64>}, {transform_indices = @transform_2, window_bounds = array<i64: 512, 64>}, {transform_indices = @transform_3, window_bounds = array<i64: 512, 64>}, {transform_indices = @transform_4, window_bounds = array<i64: 512, 16>}, {pipeline_mode = #tpu.pipeline_mode<synchronous>, transform_indices = @transform_5, window_bounds = array<i64: 4, 1, 64>}, {transform_indices = @transform_6, window_bounds = array<i64: 256, 128>}, {transform_indices = @transform_7, window_bounds = array<i64: 512, 64>}, {transform_indices = @transform_8, window_bounds = array<i64: 512, 64>}]} {
    %get3A = arith.constant 0 : index
    %get3A_0 = arith.constant 0 : index
    %get3A_1 = vector.load %arg6[%get3A, %get3A_0] : memref<512x16xf32, #tpu.memory_space<vmem>>, vector<512x1xf32>
    %add3A = arith.constant 1.000000e+00 : f32
    %add3A_2 = vector.broadcast %add3A : f32 to vector<512x1xf32>
    %add3A_3 = arith.addf %get3A_1, %add3A_2 : vector<512x1xf32>
    %rsqrt3A = math.rsqrt %add3A_3 : vector<512x1xf32>
    %get3A_4 = arith.constant 0 : index
    %get3A_5 = arith.constant 0 : index
    %get3A_6 = arith.constant 0 : index
    %get3A_7 = vector.load %arg7[%get3A_4, %get3A_5, %get3A_6] : memref<4x1x64xf32, #tpu.memory_space<vmem>>, vector<4x1x64xf32>
    %get3A_8 = arith.constant 0 : index
    %get3A_9 = arith.constant 0 : index
    %get3A_10 = vector.load %arg2[%get3A_8, %get3A_9] : memref<512x64xf32, #tpu.memory_space<vmem>>, vector<512x64xf32>
    %mul3A = vector.broadcast %rsqrt3A : vector<512x1xf32> to vector<512x64xf32>
    %mul3A_11 = arith.mulf %get3A_10, %mul3A : vector<512x64xf32>
    %slice3A = vector.extract_strided_slice %get3A_7 {offsets = [0, 0, 0], sizes = [1, 1, 64], strides = [1, 1, 1]} : vector<4x1x64xf32> to vector<1x1x64xf32>
    %squeeze3A = vector.shape_cast %slice3A : vector<1x1x64xf32> to vector<1x64xf32>
    %add3A_12 = vector.broadcast %squeeze3A : vector<1x64xf32> to vector<512x64xf32>
    %add3A_13 = arith.addf %mul3A_11, %add3A_12 : vector<512x64xf32>
    %max3A = arith.constant 0.000000e+00 : f32
    %max3A_14 = vector.broadcast %max3A : f32 to vector<512x64xf32>
    %max3A_15 = arith.maximumf %add3A_13, %max3A_14 : vector<512x64xf32>
    %get3A_16 = arith.constant 0 : index
    %get3A_17 = arith.constant 0 : index
    %get3A_18 = vector.load %arg8[%get3A_16, %get3A_17] : memref<256x128xf32, #tpu.memory_space<vmem>>, vector<64x128xf32>
    %dot_general3A = arith.constant dense<0.000000e+00> : vector<512x128xf32>
    %dot_general3A_19 = tpu.matmul %max3A_15, %get3A_18, %dot_general3A {dimension_numbers = #tpu.dot_dimension_numbers<[1], [0], [0], [1], [0, 0, 1, 1], [], []>, transpose_lhs_hint = false} : vector<512x64xf32>, vector<64x128xf32>, vector<512x128xf32> -> vector<512x128xf32>
    %get3A_20 = arith.constant 0 : index
    %get3A_21 = arith.constant 0 : index
    %get3A_22 = vector.load %arg3[%get3A_20, %get3A_21] : memref<512x64xf32, #tpu.memory_space<vmem>>, vector<512x64xf32>
    %mul3A_23 = vector.broadcast %rsqrt3A : vector<512x1xf32> to vector<512x64xf32>
    %mul3A_24 = arith.mulf %get3A_22, %mul3A_23 : vector<512x64xf32>
    %slice3A_25 = vector.extract_strided_slice %get3A_7 {offsets = [1, 0, 0], sizes = [1, 1, 64], strides = [1, 1, 1]} : vector<4x1x64xf32> to vector<1x1x64xf32>
    %squeeze3A_26 = vector.shape_cast %slice3A_25 : vector<1x1x64xf32> to vector<1x64xf32>
    %add3A_27 = vector.broadcast %squeeze3A_26 : vector<1x64xf32> to vector<512x64xf32>
    %add3A_28 = arith.addf %mul3A_24, %add3A_27 : vector<512x64xf32>
    %max3A_29 = arith.constant 0.000000e+00 : f32
    %max3A_30 = vector.broadcast %max3A_29 : f32 to vector<512x64xf32>
    %max3A_31 = arith.maximumf %add3A_28, %max3A_30 : vector<512x64xf32>
    %get3A_32 = arith.constant 64 : index
    %get3A_33 = arith.constant 0 : index
    %get3A_34 = vector.load %arg8[%get3A_32, %get3A_33] : memref<256x128xf32, #tpu.memory_space<vmem>>, vector<64x128xf32>
    %dot_general3A_35 = arith.constant dense<0.000000e+00> : vector<512x128xf32>
    %dot_general3A_36 = tpu.matmul %max3A_31, %get3A_34, %dot_general3A_35 {dimension_numbers = #tpu.dot_dimension_numbers<[1], [0], [0], [1], [0, 0, 1, 1], [], []>, transpose_lhs_hint = false} : vector<512x64xf32>, vector<64x128xf32>, vector<512x128xf32> -> vector<512x128xf32>
    %add3A_37 = arith.addf %dot_general3A_19, %dot_general3A_36 : vector<512x128xf32>
    %get3A_38 = arith.constant 0 : index
    %get3A_39 = arith.constant 0 : index
    %get3A_40 = vector.load %arg4[%get3A_38, %get3A_39] : memref<512x64xf32, #tpu.memory_space<vmem>>, vector<512x64xf32>
    %mul3A_41 = vector.broadcast %rsqrt3A : vector<512x1xf32> to vector<512x64xf32>
    %mul3A_42 = arith.mulf %get3A_40, %mul3A_41 : vector<512x64xf32>
    %slice3A_43 = vector.extract_strided_slice %get3A_7 {offsets = [2, 0, 0], sizes = [1, 1, 64], strides = [1, 1, 1]} : vector<4x1x64xf32> to vector<1x1x64xf32>
    %squeeze3A_44 = vector.shape_cast %slice3A_43 : vector<1x1x64xf32> to vector<1x64xf32>
    %add3A_45 = vector.broadcast %squeeze3A_44 : vector<1x64xf32> to vector<512x64xf32>
    %add3A_46 = arith.addf %mul3A_42, %add3A_45 : vector<512x64xf32>
    %max3A_47 = arith.constant 0.000000e+00 : f32
    %max3A_48 = vector.broadcast %max3A_47 : f32 to vector<512x64xf32>
    %max3A_49 = arith.maximumf %add3A_46, %max3A_48 : vector<512x64xf32>
    %get3A_50 = arith.constant 128 : index
    %get3A_51 = arith.constant 0 : index
    %get3A_52 = vector.load %arg8[%get3A_50, %get3A_51] : memref<256x128xf32, #tpu.memory_space<vmem>>, vector<64x128xf32>
    %dot_general3A_53 = arith.constant dense<0.000000e+00> : vector<512x128xf32>
    %dot_general3A_54 = tpu.matmul %max3A_49, %get3A_52, %dot_general3A_53 {dimension_numbers = #tpu.dot_dimension_numbers<[1], [0], [0], [1], [0, 0, 1, 1], [], []>, transpose_lhs_hint = false} : vector<512x64xf32>, vector<64x128xf32>, vector<512x128xf32> -> vector<512x128xf32>
    %add3A_55 = arith.addf %add3A_37, %dot_general3A_54 : vector<512x128xf32>
    %get3A_56 = arith.constant 0 : index
    %get3A_57 = arith.constant 0 : index
    %get3A_58 = vector.load %arg5[%get3A_56, %get3A_57] : memref<512x64xf32, #tpu.memory_space<vmem>>, vector<512x64xf32>
    %mul3A_59 = vector.broadcast %rsqrt3A : vector<512x1xf32> to vector<512x64xf32>
    %mul3A_60 = arith.mulf %get3A_58, %mul3A_59 : vector<512x64xf32>
    %slice3A_61 = vector.extract_strided_slice %get3A_7 {offsets = [3, 0, 0], sizes = [1, 1, 64], strides = [1, 1, 1]} : vector<4x1x64xf32> to vector<1x1x64xf32>
    %squeeze3A_62 = vector.shape_cast %slice3A_61 : vector<1x1x64xf32> to vector<1x64xf32>
    %add3A_63 = vector.broadcast %squeeze3A_62 : vector<1x64xf32> to vector<512x64xf32>
    %add3A_64 = arith.addf %mul3A_60, %add3A_63 : vector<512x64xf32>
    %max3A_65 = arith.constant 0.000000e+00 : f32
    %max3A_66 = vector.broadcast %max3A_65 : f32 to vector<512x64xf32>
    %max3A_67 = arith.maximumf %add3A_64, %max3A_66 : vector<512x64xf32>
    %get3A_68 = arith.constant 192 : index
    %get3A_69 = arith.constant 0 : index
    %get3A_70 = vector.load %arg8[%get3A_68, %get3A_69] : memref<256x128xf32, #tpu.memory_space<vmem>>, vector<64x128xf32>
    %dot_general3A_71 = arith.constant dense<0.000000e+00> : vector<512x128xf32>
    %dot_general3A_72 = tpu.matmul %max3A_67, %get3A_70, %dot_general3A_71 {dimension_numbers = #tpu.dot_dimension_numbers<[1], [0], [0], [1], [0, 0, 1, 1], [], []>, transpose_lhs_hint = false} : vector<512x64xf32>, vector<64x128xf32>, vector<512x128xf32> -> vector<512x128xf32>
    %add3A_73 = arith.addf %add3A_55, %dot_general3A_72 : vector<512x128xf32>
    %mul3A_74 = vector.broadcast %rsqrt3A : vector<512x1xf32> to vector<512x128xf32>
    %mul3A_75 = arith.mulf %add3A_73, %mul3A_74 : vector<512x128xf32>
    %slice3A_76 = vector.extract_strided_slice %mul3A_75 {offsets = [0, 0], sizes = [512, 64], strides = [1, 1]} : vector<512x128xf32> to vector<512x64xf32>
    %swap3A = arith.constant 0 : index
    %swap3A_77 = arith.constant 0 : index
    %swap3A_78 = vector.load %arg9[%swap3A, %swap3A_77] : memref<512x64xf32, #tpu.memory_space<vmem>>, vector<512x64xf32>
    tpu.vector_store %arg9[%swap3A, %swap3A_77], %slice3A_76 {strides = array<i32>} : memref<512x64xf32, #tpu.memory_space<vmem>>, vector<512x64xf32>,
    %slice3A_79 = vector.extract_strided_slice %mul3A_75 {offsets = [0, 64], sizes = [512, 64], strides = [1, 1]} : vector<512x128xf32> to vector<512x64xf32>
    %swap3A_80 = arith.constant 0 : index
    %swap3A_81 = arith.constant 0 : index
    %swap3A_82 = vector.load %arg10[%swap3A_80, %swap3A_81] : memref<512x64xf32, #tpu.memory_space<vmem>>, vector<512x64xf32>
    tpu.vector_store %arg10[%swap3A_80, %swap3A_81], %slice3A_79 {strides = array<i32>} : memref<512x64xf32, #tpu.memory_space<vmem>>, vector<512x64xf32>,
    return
  }
  func.func @transform_0(%arg0: i32, %arg1: i32) -> (i32, i32) {
    %c0_i32 = arith.constant 0 : i32
    %c0_i32_0 = arith.constant 0 : i32
    return %arg0, %c0_i32 : i32, i32
  }
  func.func @transform_1(%arg0: i32, %arg1: i32) -> (i32, i32) {
    %c0_i32 = arith.constant 0 : i32
    %c0_i32_0 = arith.constant 0 : i32
    return %arg0, %c0_i32 : i32, i32
  }
  func.func @transform_2(%arg0: i32, %arg1: i32) -> (i32, i32) {
    %add3A = arith.constant 20 : i32
    %add3A_0 = arith.addi %add3A, %arg0 : i32
    %c0_i32 = arith.constant 0 : i32
    %c0_i32_1 = arith.constant 0 : i32
    return %add3A_0, %c0_i32 : i32, i32
  }
  func.func @transform_3(%arg0: i32, %arg1: i32) -> (i32, i32) {
    %add3A = arith.constant 20 : i32
    %add3A_0 = arith.addi %add3A, %arg0 : i32
    %c0_i32 = arith.constant 0 : i32
    %c0_i32_1 = arith.constant 0 : i32
    return %add3A_0, %c0_i32 : i32, i32
  }
  func.func @transform_4(%arg0: i32, %arg1: i32) -> (i32, i32) {
    %c0_i32 = arith.constant 0 : i32
    %c0_i32_0 = arith.constant 0 : i32
    return %arg0, %c0_i32 : i32, i32
  }
  func.func @transform_5(%arg0: i32, %arg1: i32) -> (i32, i32, i32) {
    %c0_i32 = arith.constant 0 : i32
    %c0_i32_0 = arith.constant 0 : i32
    %c0_i32_1 = arith.constant 0 : i32
    %c0_i32_2 = arith.constant 0 : i32
    return %c0_i32, %c0_i32_0, %c0_i32_1 : i32, i32, i32
  }
  func.func @transform_6(%arg0: i32, %arg1: i32) -> (i32, i32) {
    %c0_i32 = arith.constant 0 : i32
    %c0_i32_0 = arith.constant 0 : i32
    return %c0_i32, %arg1 : i32, i32
  }
  func.func @transform_7(%arg0: i32, %arg1: i32) -> (i32, i32) {
    %mul3A = arith.constant 20 : i32
    %mul3A_0 = arith.muli %arg1, %mul3A : i32
    %add3A = arith.addi %mul3A_0, %arg0 : i32
    %c0_i32 = arith.constant 0 : i32
    %c0_i32_1 = arith.constant 0 : i32
    return %add3A, %c0_i32 : i32, i32
  }
  func.func @transform_8(%arg0: i32, %arg1: i32) -> (i32, i32) {
    %mul3A = arith.constant 20 : i32
    %mul3A_0 = arith.muli %arg1, %mul3A : i32
    %add3A = arith.addi %mul3A_0, %arg0 : i32
    %c0_i32 = arith.constant 0 : i32
    %c0_i32_1 = arith.constant 0 : i32
    return %add3A, %c0_i32 : i32, i32
  }
}

module attributes {stable_mosaic.version = 14 : i64} {
  func.func @_mmc_body(%arg0: i32, %arg1: memref<512x64xf32, #tpu.memory_space<vmem>>, %arg2: memref<512x64xf32, #tpu.memory_space<vmem>>, %arg3: memref<512x64xf32, #tpu.memory_space<vmem>>, %arg4: memref<512x64xf32, #tpu.memory_space<vmem>>, %arg5: memref<512x16xf32, #tpu.memory_space<vmem>>, %arg6: memref<4x1x64xf32, #tpu.memory_space<vmem>>, %arg7: memref<256x32xf32, #tpu.memory_space<vmem>>, %arg8: memref<1x32xf32, #tpu.memory_space<vmem>>, %arg9: memref<512x32xf32, #tpu.memory_space<vmem>>) attributes {dimension_semantics = [#tpu.dimension_semantics<arbitrary>], iteration_bounds = array<i64: 20>, scalar_prefetch = 0 : i64, scratch_operands = 0 : i64, tpu.core_type = #tpu.core_type<tc>, window_params = [{transform_indices = @transform_0, window_bounds = array<i64: 512, 64>}, {transform_indices = @transform_1, window_bounds = array<i64: 512, 64>}, {transform_indices = @transform_2, window_bounds = array<i64: 512, 64>}, {transform_indices = @transform_3, window_bounds = array<i64: 512, 64>}, {transform_indices = @transform_4, window_bounds = array<i64: 512, 16>}, {pipeline_mode = #tpu.pipeline_mode<synchronous>, transform_indices = @transform_5, window_bounds = array<i64: 4, 1, 64>}, {pipeline_mode = #tpu.pipeline_mode<synchronous>, transform_indices = @transform_6, window_bounds = array<i64: 256, 32>}, {pipeline_mode = #tpu.pipeline_mode<synchronous>, transform_indices = @transform_7, window_bounds = array<i64: 1, 32>}, {transform_indices = @transform_8, window_bounds = array<i64: 512, 32>}]} {
    %get3A = arith.constant 0 : index
    %get3A_0 = arith.constant 0 : index
    %get3A_1 = vector.load %arg5[%get3A, %get3A_0] : memref<512x16xf32, #tpu.memory_space<vmem>>, vector<512x1xf32>
    %add3A = arith.constant 1.000000e+00 : f32
    %add3A_2 = vector.broadcast %add3A : f32 to vector<512x1xf32>
    %add3A_3 = arith.addf %get3A_1, %add3A_2 : vector<512x1xf32>
    %rsqrt3A = math.rsqrt %add3A_3 : vector<512x1xf32>
    %get3A_4 = arith.constant 0 : index
    %get3A_5 = arith.constant 0 : index
    %get3A_6 = arith.constant 0 : index
    %get3A_7 = vector.load %arg6[%get3A_4, %get3A_5, %get3A_6] : memref<4x1x64xf32, #tpu.memory_space<vmem>>, vector<4x1x64xf32>
    %get3A_8 = arith.constant 0 : index
    %get3A_9 = arith.constant 0 : index
    %get3A_10 = vector.load %arg1[%get3A_8, %get3A_9] : memref<512x64xf32, #tpu.memory_space<vmem>>, vector<512x64xf32>
    %mul3A = vector.broadcast %rsqrt3A : vector<512x1xf32> to vector<512x64xf32>
    %mul3A_11 = arith.mulf %get3A_10, %mul3A : vector<512x64xf32>
    %slice3A = vector.extract_strided_slice %get3A_7 {offsets = [0, 0, 0], sizes = [1, 1, 64], strides = [1, 1, 1]} : vector<4x1x64xf32> to vector<1x1x64xf32>
    %squeeze3A = vector.shape_cast %slice3A : vector<1x1x64xf32> to vector<1x64xf32>
    %add3A_12 = vector.broadcast %squeeze3A : vector<1x64xf32> to vector<512x64xf32>
    %add3A_13 = arith.addf %mul3A_11, %add3A_12 : vector<512x64xf32>
    %max3A = arith.constant 0.000000e+00 : f32
    %max3A_14 = vector.broadcast %max3A : f32 to vector<512x64xf32>
    %max3A_15 = arith.maximumf %add3A_13, %max3A_14 : vector<512x64xf32>
    %get3A_16 = arith.constant 0 : index
    %get3A_17 = arith.constant 0 : index
    %get3A_18 = vector.load %arg7[%get3A_16, %get3A_17] : memref<256x32xf32, #tpu.memory_space<vmem>>, vector<64x32xf32>
    %dot_general3A = arith.constant dense<0.000000e+00> : vector<512x32xf32>
    %dot_general3A_19 = tpu.matmul %max3A_15, %get3A_18, %dot_general3A {dimension_numbers = #tpu.dot_dimension_numbers<[1], [0], [0], [1], [0, 0, 1, 1], [], []>, transpose_lhs_hint = false} : vector<512x64xf32>, vector<64x32xf32>, vector<512x32xf32> -> vector<512x32xf32>
    %get3A_20 = arith.constant 0 : index
    %get3A_21 = arith.constant 0 : index
    %get3A_22 = vector.load %arg2[%get3A_20, %get3A_21] : memref<512x64xf32, #tpu.memory_space<vmem>>, vector<512x64xf32>
    %mul3A_23 = vector.broadcast %rsqrt3A : vector<512x1xf32> to vector<512x64xf32>
    %mul3A_24 = arith.mulf %get3A_22, %mul3A_23 : vector<512x64xf32>
    %slice3A_25 = vector.extract_strided_slice %get3A_7 {offsets = [1, 0, 0], sizes = [1, 1, 64], strides = [1, 1, 1]} : vector<4x1x64xf32> to vector<1x1x64xf32>
    %squeeze3A_26 = vector.shape_cast %slice3A_25 : vector<1x1x64xf32> to vector<1x64xf32>
    %add3A_27 = vector.broadcast %squeeze3A_26 : vector<1x64xf32> to vector<512x64xf32>
    %add3A_28 = arith.addf %mul3A_24, %add3A_27 : vector<512x64xf32>
    %max3A_29 = arith.constant 0.000000e+00 : f32
    %max3A_30 = vector.broadcast %max3A_29 : f32 to vector<512x64xf32>
    %max3A_31 = arith.maximumf %add3A_28, %max3A_30 : vector<512x64xf32>
    %get3A_32 = arith.constant 64 : index
    %get3A_33 = arith.constant 0 : index
    %get3A_34 = vector.load %arg7[%get3A_32, %get3A_33] : memref<256x32xf32, #tpu.memory_space<vmem>>, vector<64x32xf32>
    %dot_general3A_35 = arith.constant dense<0.000000e+00> : vector<512x32xf32>
    %dot_general3A_36 = tpu.matmul %max3A_31, %get3A_34, %dot_general3A_35 {dimension_numbers = #tpu.dot_dimension_numbers<[1], [0], [0], [1], [0, 0, 1, 1], [], []>, transpose_lhs_hint = false} : vector<512x64xf32>, vector<64x32xf32>, vector<512x32xf32> -> vector<512x32xf32>
    %add3A_37 = arith.addf %dot_general3A_19, %dot_general3A_36 : vector<512x32xf32>
    %get3A_38 = arith.constant 0 : index
    %get3A_39 = arith.constant 0 : index
    %get3A_40 = vector.load %arg3[%get3A_38, %get3A_39] : memref<512x64xf32, #tpu.memory_space<vmem>>, vector<512x64xf32>
    %mul3A_41 = vector.broadcast %rsqrt3A : vector<512x1xf32> to vector<512x64xf32>
    %mul3A_42 = arith.mulf %get3A_40, %mul3A_41 : vector<512x64xf32>
    %slice3A_43 = vector.extract_strided_slice %get3A_7 {offsets = [2, 0, 0], sizes = [1, 1, 64], strides = [1, 1, 1]} : vector<4x1x64xf32> to vector<1x1x64xf32>
    %squeeze3A_44 = vector.shape_cast %slice3A_43 : vector<1x1x64xf32> to vector<1x64xf32>
    %add3A_45 = vector.broadcast %squeeze3A_44 : vector<1x64xf32> to vector<512x64xf32>
    %add3A_46 = arith.addf %mul3A_42, %add3A_45 : vector<512x64xf32>
    %max3A_47 = arith.constant 0.000000e+00 : f32
    %max3A_48 = vector.broadcast %max3A_47 : f32 to vector<512x64xf32>
    %max3A_49 = arith.maximumf %add3A_46, %max3A_48 : vector<512x64xf32>
    %get3A_50 = arith.constant 128 : index
    %get3A_51 = arith.constant 0 : index
    %get3A_52 = vector.load %arg7[%get3A_50, %get3A_51] : memref<256x32xf32, #tpu.memory_space<vmem>>, vector<64x32xf32>
    %dot_general3A_53 = arith.constant dense<0.000000e+00> : vector<512x32xf32>
    %dot_general3A_54 = tpu.matmul %max3A_49, %get3A_52, %dot_general3A_53 {dimension_numbers = #tpu.dot_dimension_numbers<[1], [0], [0], [1], [0, 0, 1, 1], [], []>, transpose_lhs_hint = false} : vector<512x64xf32>, vector<64x32xf32>, vector<512x32xf32> -> vector<512x32xf32>
    %add3A_55 = arith.addf %add3A_37, %dot_general3A_54 : vector<512x32xf32>
    %get3A_56 = arith.constant 0 : index
    %get3A_57 = arith.constant 0 : index
    %get3A_58 = vector.load %arg4[%get3A_56, %get3A_57] : memref<512x64xf32, #tpu.memory_space<vmem>>, vector<512x64xf32>
    %mul3A_59 = vector.broadcast %rsqrt3A : vector<512x1xf32> to vector<512x64xf32>
    %mul3A_60 = arith.mulf %get3A_58, %mul3A_59 : vector<512x64xf32>
    %slice3A_61 = vector.extract_strided_slice %get3A_7 {offsets = [3, 0, 0], sizes = [1, 1, 64], strides = [1, 1, 1]} : vector<4x1x64xf32> to vector<1x1x64xf32>
    %squeeze3A_62 = vector.shape_cast %slice3A_61 : vector<1x1x64xf32> to vector<1x64xf32>
    %add3A_63 = vector.broadcast %squeeze3A_62 : vector<1x64xf32> to vector<512x64xf32>
    %add3A_64 = arith.addf %mul3A_60, %add3A_63 : vector<512x64xf32>
    %max3A_65 = arith.constant 0.000000e+00 : f32
    %max3A_66 = vector.broadcast %max3A_65 : f32 to vector<512x64xf32>
    %max3A_67 = arith.maximumf %add3A_64, %max3A_66 : vector<512x64xf32>
    %get3A_68 = arith.constant 192 : index
    %get3A_69 = arith.constant 0 : index
    %get3A_70 = vector.load %arg7[%get3A_68, %get3A_69] : memref<256x32xf32, #tpu.memory_space<vmem>>, vector<64x32xf32>
    %dot_general3A_71 = arith.constant dense<0.000000e+00> : vector<512x32xf32>
    %dot_general3A_72 = tpu.matmul %max3A_67, %get3A_70, %dot_general3A_71 {dimension_numbers = #tpu.dot_dimension_numbers<[1], [0], [0], [1], [0, 0, 1, 1], [], []>, transpose_lhs_hint = false} : vector<512x64xf32>, vector<64x32xf32>, vector<512x32xf32> -> vector<512x32xf32>
    %add3A_73 = arith.addf %add3A_55, %dot_general3A_72 : vector<512x32xf32>
    %get3A_74 = arith.constant 0 : index
    %get3A_75 = arith.constant 0 : index
    %get3A_76 = vector.load %arg8[%get3A_74, %get3A_75] : memref<1x32xf32, #tpu.memory_space<vmem>>, vector<1x32xf32>
    %add3A_77 = vector.broadcast %get3A_76 : vector<1x32xf32> to vector<512x32xf32>
    %add3A_78 = arith.addf %add3A_73, %add3A_77 : vector<512x32xf32>
    %swap3A = arith.constant 0 : index
    %swap3A_79 = arith.constant 0 : index
    %swap3A_80 = vector.load %arg9[%swap3A, %swap3A_79] : memref<512x32xf32, #tpu.memory_space<vmem>>, vector<512x32xf32>
    tpu.vector_store %arg9[%swap3A, %swap3A_79], %add3A_78 {strides = array<i32>} : memref<512x32xf32, #tpu.memory_space<vmem>>, vector<512x32xf32>,
    return
  }
  func.func @transform_0(%arg0: i32) -> (i32, i32) {
    %c0_i32 = arith.constant 0 : i32
    %c0_i32_0 = arith.constant 0 : i32
    return %arg0, %c0_i32 : i32, i32
  }
  func.func @transform_1(%arg0: i32) -> (i32, i32) {
    %c0_i32 = arith.constant 0 : i32
    %c0_i32_0 = arith.constant 0 : i32
    return %arg0, %c0_i32 : i32, i32
  }
  func.func @transform_2(%arg0: i32) -> (i32, i32) {
    %add3A = arith.constant 20 : i32
    %add3A_0 = arith.addi %add3A, %arg0 : i32
    %c0_i32 = arith.constant 0 : i32
    %c0_i32_1 = arith.constant 0 : i32
    return %add3A_0, %c0_i32 : i32, i32
  }
  func.func @transform_3(%arg0: i32) -> (i32, i32) {
    %add3A = arith.constant 20 : i32
    %add3A_0 = arith.addi %add3A, %arg0 : i32
    %c0_i32 = arith.constant 0 : i32
    %c0_i32_1 = arith.constant 0 : i32
    return %add3A_0, %c0_i32 : i32, i32
  }
  func.func @transform_4(%arg0: i32) -> (i32, i32) {
    %c0_i32 = arith.constant 0 : i32
    %c0_i32_0 = arith.constant 0 : i32
    return %arg0, %c0_i32 : i32, i32
  }
  func.func @transform_5(%arg0: i32) -> (i32, i32, i32) {
    %c0_i32 = arith.constant 0 : i32
    %c0_i32_0 = arith.constant 0 : i32
    %c0_i32_1 = arith.constant 0 : i32
    %c0_i32_2 = arith.constant 0 : i32
    return %c0_i32, %c0_i32_0, %c0_i32_1 : i32, i32, i32
  }
  func.func @transform_6(%arg0: i32) -> (i32, i32) {
    %c0_i32 = arith.constant 0 : i32
    %c0_i32_0 = arith.constant 0 : i32
    %c0_i32_1 = arith.constant 0 : i32
    return %c0_i32, %c0_i32_0 : i32, i32
  }
  func.func @transform_7(%arg0: i32) -> (i32, i32) {
    %c0_i32 = arith.constant 0 : i32
    %c0_i32_0 = arith.constant 0 : i32
    %c0_i32_1 = arith.constant 0 : i32
    return %c0_i32, %c0_i32_0 : i32, i32
  }
  func.func @transform_8(%arg0: i32) -> (i32, i32) {
    %c0_i32 = arith.constant 0 : i32
    %c0_i32_0 = arith.constant 0 : i32
    return %arg0, %c0_i32 : i32, i32
  }
}

</mosaic_0001>

<sc_bundles>
// kernel: kernel.11.cloned.1.call-start
scs
__scs_entry_jumppad:
0x0: {  	(pc) =	sbr.rel $0x88, $3  }
0x1: {  	(tag) =	ssettag $0x0;
	lr =	simm.s32 $0x1  }
0x2: {  	[smem:$0x3F99] =	sst lr;
	_ =	strace $0xD0000000  }
0x3: {  	_ = 	snop  }
0x4: {  	_ = 	snop  }
0x5: {  	_ = 	snop  }
0x6: {  	_ = 	snop  }
0x7: {  	_ = 	snop  }
__scs_overlays_trampoline_lowered:
0x8: {  	[smem:$0x3FA8] =	sst s0  }
0x9: {  	[smem:$0x3FA9] =	sst s1  }
0xa: {  	[smem:$0x3FAA] =	sst s2  }
0xb: {  	[smem:$0x3FAB] =	sst s3  }
0xc: {  	[smem:$0x3FAC] =	sst s4  }
0xd: {  	[smem:$0x3FAD] =	sst s5  }
0xe: {  	[smem:$0x3FAE] =	sst s6  }
0xf: {  	[smem:$0x3FAF] =	sst s7  }
0x10: {  	[smem:$0x3FB0] =	sst s8  }
0x11: {  	[smem:$0x3FB1] =	sst s9;
	s0 =	simm.s32 @!p0 $0x0  }
0x12: {  	s1 =	sld [smem:$0x3F97];
	s0 =	simm.s32 @p0 $0x1  }
0x13: {  	[smem:$0x3FB2] =	sst s0;
	s0 =	simm.s32 @!p1 $0x0  }
0x14: {  	s2 =	sld [smem:$0x3F96];
	s0 =	simm.s32 @p1 $0x1  }
0x15: {  	[smem:$0x3FB3] =	sst s0;
	s0 =	simm.s32 @!p2 $0x0  }
0x16: {  	s3 =	sld [smem:$0x3FDB];
	s0 =	simm.s32 @p2 $0x1  }
0x17: {  	s4 =	simm.s32 $0x1BF5;
	[smem:$0x3FB5] =	sst s0  }
0x18: {  	s0 =	sld [smem:$0x3F98];
	_ =	swait.ge [sflag:s4], $0x0  }
0x19: {  	s7 =	sld [smem:$0x3F99]  }
0x1a: {  	s8 =	sadd.s32 $0xFFFFE003, lr  }
0x1b: {  	s9 =	sadd.s32 $0xFFFFFEF7, lr;
	s5 =	simm.s32 $0xFFFFFFFF;
	p2 =	slt.u32 s8, $0xFFFFF086  }
0x1c: {  	p1 =	slt.u32 s9, $0xF7A;
	s5 =	simm.s32 @!p2 $0x0  }
0x1d: {  	s5 =	simm.s32 @p1 $0x1;
	p0 =	seq.s32 s7, s2  }
0x1e: {  	s7 =	smul.u32 @!p0 $0xF7A, s2;
	p2 =	seq.s32 @!p0 s5, $0x0  }
0x1f: {  	s9 =	smul.u32 $0xF7A, s1;
	s8 =	simm.s32 @!p0 $0x1BF5;
	p2 =	por !p2, p0  }
0x20: {  	[sflag:s8] =	ssyncset.s32 @!p0 $0xFFFFF086;
	s6 =	sadd.s32 @!p0 s3, s7;
	s7 =	simm.s32 @!p0 $0x108  }
0x21: {  	s3 =	sadd.s32 s3, s9;
	s6 =	sadd.s32 @!p0 $0x88, s6;
	s7 =	simm.s32 @p2 $0x1082  }
0x22: {  	[simem:s7], [sflag:s8] =	dma.local @!p0 [hbm:s6], $0xF7A  }
0x23: {  	s9 =	sor.u32 $0xD0000000, s2;
	s6 =	simm.s32 $0x108;
	_ =	swait.ge @!p0 [sflag:s8], $0x0  }
0x24: {  	s3 =	sadd.s32 $0x88, s3;
	s6 =	simm.s32 @!p1 $0x1082;
	[sflag:s4] =	ssyncset.s32 $0xFFFFF086  }
0x25: {  	[simem:s6], [sflag:s4] =	dma.local [hbm:s3], $0xF7A  }
0x26: {  	[smem:$0x3F99] =	sst s1;
	(tag) =	ssettag s2;
	_ =	strace s9  }
0x27: {  	s1 =	sld [smem:$0x3FA9]  }
0x28: {  	s2 =	sld [smem:$0x3FAA]  }
0x29: {  	s4 =	sld [smem:$0x3FAC]  }
0x2a: {  	p0 =	seq.s32 s5, $0x0;
	s5 =	sld [smem:$0x3FAD]  }
0x2b: {  	s6 =	sld [smem:$0x3FAE]  }
0x2c: {  	s7 =	sld [smem:$0x3FAF]  }
0x2d: {  	s3 =	simm.s32 $0x108;
	s8 =	sld [smem:$0x3FB0]  }
0x2e: {  	s3 =	simm.s32 @!p0 $0x1082;
	s9 =	sld [smem:$0x3FB1]  }
0x2f: {  	lr =	sadd.s32 s0, s3;
	s0 =	sld [smem:$0x3FA8]  }
0x30: {  	s3 =	sld [smem:$0x3FAB]  }
0x31: {  	[smem:$0x3FB4] =	sst s10  }
0x32: {  	s10 =	sld [smem:$0x3FB2];
	_ =	sdelay $0x3  }
0x33: {  	p0 =	seq.s32 s10, $0x1;
	s10 =	sld [smem:$0x3FB4];
	_ =	sdelay $0x3  }
0x34: {  	[smem:$0x3FB4] =	sst s10  }
0x35: {  	s10 =	sld [smem:$0x3FB3];
	_ =	sdelay $0x3  }
0x36: {  	p1 =	seq.s32 s10, $0x1;
	s10 =	sld [smem:$0x3FB4];
	_ =	sdelay $0x3  }
0x37: {  	[smem:$0x3FB4] =	sst s10  }
0x38: {  	s10 =	sld [smem:$0x3FB5]  }
0x39: {  	_ = 	snop;
	(pc) =	sbr.ind lr, $3  }
0x3a: {  	_ = 	snop  }
0x3b: {  	_ = 	snop  }
0x3c: {  	p2 =	seq.s32 s10, $0x1;
	s10 =	sld [smem:$0x3FB4]  }
0x3d: {  	_ =	shalt  }
0x3e: {  	_ =	shalt  }
0x3f: {  	_ =	shalt  }
0x40: {  	_ =	shalt  }
0x41: {  	_ =	shalt  }
0x42: {  	_ =	shalt  }
0x43: {  	_ =	shalt  }
0x44: {  	_ =	shalt  }
0x45: {  	_ =	shalt  }
0x46: {  	_ =	shalt  }
0x47: {  	_ =	shalt  }
0x48: {  	_ =	shalt  }
0x49: {  	_ =	shalt  }
0x4a: {  	_ =	shalt  }
0x4b: {  	_ =	shalt  }
0x4c: {  	_ =	shalt  }
0x4d: {  	_ =	shalt  }
0x4e: {  	_ =	shalt  }
0x4f: {  	_ =	shalt  }
0x50: {  	_ =	shalt  }
0x51: {  	_ =	shalt  }
0x52: {  	_ =	shalt  }
0x53: {  	_ =	shalt  }
0x54: {  	_ =	shalt  }
0x55: {  	_ =	shalt  }
0x56: {  	_ =	shalt  }
0x57: {  	_ =	shalt  }
0x58: {  	_ =	shalt  }
0x59: {  	_ =	shalt  }
0x5a: {  	_ =	shalt  }
0x5b: {  	_ =	shalt  }
0x5c: {  	_ =	shalt  }
0x5d: {  	_ =	shalt  }
0x5e: {  	_ =	shalt  }
0x5f: {  	_ =	shalt  }
0x60: {  	_ =	shalt  }
0x61: {  	_ =	shalt  }
0x62: {  	_ =	shalt  }
0x63: {  	_ =	shalt  }
0x64: {  	_ =	shalt  }
0x65: {  	_ =	shalt  }
0x66: {  	_ =	shalt  }
0x67: {  	_ =	shalt  }
0x68: {  	_ =	shalt  }
0x69: {  	_ =	shalt  }
0x6a: {  	_ =	shalt  }
0x6b: {  	_ =	shalt  }
0x6c: {  	_ =	shalt  }
0x6d: {  	_ =	shalt  }
0x6e: {  	_ =	shalt  }
0x6f: {  	_ =	shalt  }
0x70: {  	_ =	shalt  }
0x71: {  	_ =	shalt  }
0x72: {  	_ =	shalt  }
0x73: {  	_ =	shalt  }
0x74: {  	_ =	shalt  }
0x75: {  	_ =	shalt  }
0x76: {  	_ =	shalt  }
0x77: {  	_ =	shalt  }
0x78: {  	_ =	shalt  }
0x79: {  	_ =	shalt  }
0x7a: {  	_ =	shalt  }
0x7b: {  	_ =	shalt  }
0x7c: {  	_ =	shalt  }
0x7d: {  	_ =	shalt  }
0x7e: {  	_ =	shalt  }
0x7f: {  	_ =	shalt  }
0x80: {  	_ =	shalt  }
0x81: {  	_ =	shalt  }
0x82: {  	_ =	shalt  }
0x83: {  	_ =	shalt  }
0x84: {  	_ =	shalt  }
0x85: {  	_ =	shalt  }
0x86: {  	_ =	shalt  }
0x87: {  	_ =	shalt  }
.Lfunc_end0:
.L_simem_size_0:
called_computation.1_lowered:
.L_overlay_start_0:
0x88: {  	s2 =	sld [smem:$0x3FD9]  }
0x89: {  	s3 =	sld [smem:$0x3FFE];
	_ =	sdelay $0x1  }
0x8a: {  	s1 =	srdreg.scid  }
0x8b: {  	s0 =	sand.u32 $0x1, s1  }
0x8c: {  	s16 =	sshll.u32 s0, $0xA;
	s2 =	sadd.s32 s3, s2  }
0x8d: {  	s2 =	sadd.s32 s2, s16  }
0x8e: {  	[smem:$0x3FC0] =	sst s2  }
0x8f: {  	_ = 	snop  }
0x90: {  	(tm) =	ssettm $0x1  }
0x91: {  	s17 =	sld [smem:$0x3FFB];
	_ =	sdelay $0x3  }
0x92: {  	_ =	strace s17  }
0x93: {  	s2 =	sld [smem:$0x3FFC];
	_ =	sdelay $0x3  }
0x94: {  	_ =	strace s2  }
0x95: {  	s2 =	sld [smem:$0x3FFD];
	_ =	sdelay $0x3  }
0x96: {  	_ =	strace s2  }
0x97: {  	_ =	strace $0x8FFFFFFF  }
0x98: {  	s18 =	sld [smem:$0x3FDB];
	_ =	sdelay $0x1  }
0x99: {  	s19 =	simm.s32 $_scs_section_size  }
0x9a: {  	s4 =	simm.s32 $_size__tile_overlayer_lowered;
	s5 =	simm.s32 $_tile_overlayer_lowered  }
0x9b: {  	s22 =	simm.s32 $0x1BFF;
	s21 =	sshll.u32 s5, $0x1;
	s2 =	sadd.s32 s19, s18  }
0x9c: {  	s6 =	simm.s32 $0x0;
	s20 =	sshll.u32 s4, $0x1;
	s4 =	sadd.s32 s21, s2  }
0x9d: {  	[timem:s6], [sflag:s22] =	dma.local [hbm:s4], s20  }
0x9e: {  	_ =	swait.ge [sflag:s22], s20  }
0x9f: {  	s3 =	ssub.s32 $0x0, s20;
	[sflag:s22] =	ssyncset.done $0x0  }
0xa0: {  	[sflag:s22] =	ssyncadd.s32 s3;
	_ =	sdelay $0x1  }
0xa1: {  	s23 =	simm.s32 $0x1B8B  }
0xa2: {  	_ =	swait.ge [sflag:s23], $0x1  }
0xa3: {  	[sflag:s23] =	ssyncset.done $0x0  }
0xa4: {  	s25 =	simm.s32 $0x1B8E;
	s24 =	sld [smem:$0x3FFE];
	[sflag:s23] =	ssyncadd.s32 $0xFFFFFFFF  }
0xa5: {  	s26 =	simm.s32 $execute0_lowered;
	[smem:$0x3FD2] =	sst s25  }
0xa6: {  	s4 =	sshll.u32 s26, $0x1;
	_ =	strace $0x80000049;
	[dreg:$0x1] =	wrdreg $0xFFFFFFFF  }
0xa7: {  	s28 =	simm.s32 $_size_execute0_lowered;
	s2 =	sadd.s32 s2, s4;
	[dreg:$0x0] =	wrdreg $0x0  }
0xa8: {  	s4 =	sshll.u32 s28, $0x1;
	[dreg:$0x2] =	wrdreg s2  }
0xa9: {  	[dreg:$0x3] =	wrdreg s4  }
0xaa: {  	[dreg:$0x4] =	wrdreg $0xC0  }
0xab: {  	_ =	task [dreg:s6], $0x5FFFF  }
0xac: {  	[dreg:$0x1] =	wrdreg $0xFFFFFFFF  }
0xad: {  	[dreg:$0x0] =	wrdreg $0x60  }
0xae: {  	[dreg:$0x2] =	wrdreg s24  }
0xaf: {  	[dreg:$0x3] =	wrdreg $0x99000  }
0xb0: {  	[dreg:$0x4] =	wrdreg $0x139000  }
0xb1: {  	[dreg:$0x5] =	wrdreg $0x9  }
0xb2: {  	_ =	task.clear_ibuf [dreg:s6], $0x6FFFF;
	_ =	strace $0x90000049  }
0xb3: {  	s29 =	simm.s32 $0x9;
	_ =	strace $0x8000004B  }
0xb4: {  	_ =	swait.ge [sflag:s29], $0x1  }
0xb5: {  	[sflag:s29] =	ssyncadd.s32 $0xFFFFFFFF  }
0xb6: {  	_ =	strace $0x9000004B  }
0xb7: {  	_ =	sfence  }
0xb8: {  	s30 =	sld [smem:$0x0];
	_ =	sdelay $0x2  }
0xb9: {  	s31 =	sshll.u32 s1, $0xD;
	s1 =	sshrl.u32 s1, $0x2  }
0xba: {  	s3 =	sand.u32 $0x4000, s31;
	s1 =	sadd.s32 s1, s30  }
0xbb: {  	s0 =	sor.u32 s3, s0;
	s1 =	sshll.u32 s1, $0x11  }
0xbc: {  	s0 =	sor.u32 s1, s0  }
0xbd: {  	s0 =	sadd.s32 $0x8F2B, s0  }
0xbe: {  	[sflag:s0] =	ssyncadd.remote.s32 $0x1  }
0xbf: {  	_ =	sfence.sel $0xFFFF  }
0xc0: {  	[dreg:$0x0] =	wrdreg $0xFFFFFFFF;
	(pc) =	sbr.abs _section_cstart, $3  }
0xc1: {  	[dreg:$0x1] =	wrdreg $0xFFFFFFFF  }
0xc2: {  	_ =	task.clear_ibuf [dreg:s6], $0x2FFFF;
	_ =	strace $0x9FFFFFFF  }
0xc3: {  	(tm) =	ssettm $0x7FFFFFFF  }
tec
execute0_lowered:
.L_overlay_start_1:
0x0: {  	(tag) =	ssettag $0x1  }
0x1: {  	s0 =	rddreg [dreg:$0x0]  }
0x2: {  	s15 =	stileid.u32;
	s2 =	rddreg [dreg:$0x1]  }
0x3: {  	s1 =	srdreg.scid;
	s3 =	rddreg [dreg:$0x2];
	s4 =	simm.s32 $0x0  }
0x4: {  	s13 =	simm.s32 $0x6;
	s14 =	simm.s32 $0x5100;
	s18 =	simm.s32 $0x80  }
0x5: {  	s19 =	simm.s32 $0x5900;
	s20 =	simm.s32 $0x7900;
	s5 =	smul.u32 $0xA20, s15  }
0x6: {  	s21 =	simm.s32 $0x1;
	s22 =	simm.s32 $0x2;
	s7 =	smul.u32 $0x280, s15  }
0x7: {  	s23 =	simm.s32 $0x3;
	s24 =	simm.s32 $0x4;
	s28 =	smul.u32 $0x5400, s15  }
0x8: {  	s25 =	simm.s32 $0x5;
	s26 =	simm.s32 $0x0;
	s8 =	smul.u32 $0xA000, s15  }
0x9: {  	s1 =	sand.u32 $0x1, s1;
	[smem:$0x7FF] =	sst s4;
	s11 =	smul.u32 $0xA80, s15  }
0xa: {  	s10 =	sadd.s32 $0x2800, s0;
	s31 =	sshll.u32 s15, $0x6;
	s6 =	smul.u32 $0x2800, s1  }
0xb: {  	_ =	strace $0x8000004A;
	s1 =	ssub.s32 $0x2, s1;
	s15 =	sor.u32 $0x1C06, s31  }
0xc: {  	s5 =	sadd.s32 s5, s0;
	s29 =	sshrl.u32 s1, $0x1;
	s30 =	sshrl.u32 s28, $0x3  }
0xd: {  	s16 =	sadd.s32 s8, s2;
	s17 =	sadd.s32 s8, s3;
	s12 =	sadd.s32 s11, s10  }
0xe: {  	s6 =	sadd.s32 s7, s6;
	s1 =	ssub.s32 s1, s29;
	s5 =	sadd.s32 $0x17200, s5  }
0xf: {  	s12 =	sadd.s32 $0x80, s12;
	s16 =	sshrl.u32 s16, $0x3;
	s6 =	sshll.u32 s6, $0x3  }
0x10: {  	s17 =	sshrl.u32 s17, $0x3;
	[dreg:$0x4] =	wrdreg s5;
	s0 =	sadd.s32 s6, s0  }
0x11: {  	s11 =	smax.u32 s1, $0x1;
	s6 =	sadd.s32 s10, s30;
	s7 =	sadd.s32 $0x71400, s0  }
0x12: {  	s8 =	sadd.s32 $0xE9400, s0;
	s9 =	sadd.s32 $0xC1400, s0;
	s10 =	sadd.s32 $0x99400, s0  }
.LBB2_1:
0x13: {  	s0 =	rddreg [dreg:$0x4]  }
0x14: {  	[tilespmem:s4], [sflag:$0x6] =	stream.linear.gather [hbm4b:s0+s4], $0x5100, $0x38;
	[tilespmem:$0x1D900] =	vst v63  }
0x15: {  	_ =	swait.ge [sflag:s13], $0x5100  }
0x16: {  	[sflag:s13] =	ssyncset.done $0x0  }
0x17: {  	[sflag:s13] =	ssyncadd.s32 $0xFFFFAF00  }
0x18: {  	[tilespmem:s14], [sflag:$0x6] =	stream.linear.gather [hbm4b:s6+s4], $0x400, $0x38;
	[tilespmem:$0x1D900] =	vst v63  }
0x19: {  	_ =	swait.ge [sflag:s13], $0x400  }
0x1a: {  	[sflag:s13] =	ssyncset.done $0x0  }
0x1b: {  	[sflag:s13] =	ssyncadd.s32 $0xFFFFFC00  }
0x1c: {  	[spmem:s16], [sflag:s15] =	dma.local [hbm:s7], $0x1400  }
0x1d: {  	_ =	swait.ge [sflag:s13], $0x1400  }
0x1e: {  	[sflag:s13] =	ssyncset.done $0x0  }
0x1f: {  	[sflag:s13] =	ssyncadd.s32 $0xFFFFEC00  }
0x20: {  	[spmem:s17], [sflag:s15] =	dma.local [hbm:s7], $0x1400  }
0x21: {  	_ =	swait.ge [sflag:s13], $0x1400  }
0x22: {  	[sflag:s13] =	ssyncset.done $0x0  }
0x23: {  	[sflag:s13] =	ssyncadd.s32 $0xFFFFEC00  }
0x24: {  	s5 =	simm.s32 $0x400;
	[bflag:$0x0] =	sbarrier.arrive $0xFFFF  }
0x25: {  	[tilespmem:s19], [sflag:$0x1] =	stream.indirect.gather [spmem:s2], $0x40, s4, s18, $0xb8;
	[tilespmem:$0x1D900] =	vst v63  }
0x26: {  	s0 =	sand.u32 $0x400, s5  }
0x27: {  	[tilespmem:s20], [sflag:$0x2] =	stream.indirect.gather [spmem:s2], $0x40, s18, s18, $0xb8;
	[tilespmem:$0x1D900] =	vst v63  }
0x28: {  	s0 =	sor.u32 $0x5100, s0  }
0x29: {  	[tilespmem:s0], [sflag:$0x5] =	stream.linear.gather [hbm4b:s12+s4], $0x400, $0x38;
	[tilespmem:$0x1D900] =	vst v63  }
0x2a: {  	s1 =	simm.s32 $0x0;
	_ =	swait.ge [sflag:s21], $0x2000  }
0x2b: {  	s0 =	sand.u32 $0x400, s1;
	[sflag:s21] =	ssyncset.done $0x0  }
0x2c: {  	s1 =	sor.u32 $0x5100, s0;
	[sflag:s21] =	ssyncadd.s32 $0xFFFFE000  }
0x2d: {  	[spmem:s3] =	stream.indirect.scatter.add.f32 [tilespmem:s19], [sflag:$0x3], $0x40, s1, s18, $0xb8;
	[tilespmem:$0x1D900] =	vst v63  }
0x2e: {  	_ =	swait.ge [sflag:s22], $0x2000  }
0x2f: {  	[sflag:s22] =	ssyncset.done $0x0  }
0x30: {  	s5 =	sor.u32 $0x5180, s0;
	[sflag:s22] =	ssyncadd.s32 $0xFFFFE000  }
0x31: {  	[spmem:s3] =	stream.indirect.scatter.add.f32 [tilespmem:s20], [sflag:$0x4], $0x40, s5, s18, $0xb8;
	[tilespmem:$0x1D900] =	vst v63  }
0x32: {  	_ =	swait.ge [sflag:s23], $0x2000  }
0x33: {  	[sflag:s23] =	ssyncset.done $0x0  }
0x34: {  	s5 =	simm.s32 $0x100;
	[sflag:s23] =	ssyncadd.s32 $0xFFFFE000  }
0x35: {  	[tilespmem:s19], [sflag:$0x1] =	stream.indirect.gather [spmem:s2], $0x40, s5, s18, $0xb8;
	[tilespmem:$0x1D900] =	vst v63  }
0x36: {  	_ =	swait.ge [sflag:s24], $0x2000  }
0x37: {  	[sflag:s24] =	ssyncset.done $0x0  }
0x38: {  	s5 =	simm.s32 $0x180;
	[sflag:s24] =	ssyncadd.s32 $0xFFFFE000  }
0x39: {  	[tilespmem:s20], [sflag:$0x2] =	stream.indirect.gather [spmem:s2], $0x40, s5, s18, $0xb8;
	[tilespmem:$0x1D900] =	vst v63  }
0x3a: {  	_ =	swait.ge [sflag:s21], $0x2000  }
0x3b: {  	[sflag:s21] =	ssyncset.done $0x0  }
0x3c: {  	s5 =	sor.u32 $0x5200, s0;
	[sflag:s21] =	ssyncadd.s32 $0xFFFFE000  }
0x3d: {  	[spmem:s3] =	stream.indirect.scatter.add.f32 [tilespmem:s19], [sflag:$0x3], $0x40, s5, s18, $0xb8;
	[tilespmem:$0x1D900] =	vst v63  }
0x3e: {  	_ =	swait.ge [sflag:s22], $0x2000  }
0x3f: {  	[sflag:s22] =	ssyncset.done $0x0  }
0x40: {  	s5 =	sor.u32 $0x5280, s0;
	[sflag:s22] =	ssyncadd.s32 $0xFFFFE000  }
0x41: {  	[spmem:s3] =	stream.indirect.scatter.add.f32 [tilespmem:s20], [sflag:$0x4], $0x40, s5, s18, $0xb8;
	[tilespmem:$0x1D900] =	vst v63  }
0x42: {  	_ =	swait.ge [sflag:s23], $0x2000  }
0x43: {  	[sflag:s23] =	ssyncset.done $0x0  }
0x44: {  	s5 =	simm.s32 $0x200;
	[sflag:s23] =	ssyncadd.s32 $0xFFFFE000  }
0x45: {  	[tilespmem:s19], [sflag:$0x1] =	stream.indirect.gather [spmem:s2], $0x40, s5, s18, $0xb8;
	[tilespmem:$0x1D900] =	vst v63  }
0x46: {  	_ =	swait.ge [sflag:s24], $0x2000  }
0x47: {  	[sflag:s24] =	ssyncset.done $0x0  }
0x48: {  	s5 =	simm.s32 $0x280;
	[sflag:s24] =	ssyncadd.s32 $0xFFFFE000  }
0x49: {  	[tilespmem:s20], [sflag:$0x2] =	stream.indirect.gather [spmem:s2], $0x40, s5, s18, $0xb8;
	[tilespmem:$0x1D900] =	vst v63  }
0x4a: {  	_ =	swait.ge [sflag:s21], $0x2000  }
0x4b: {  	[sflag:s21] =	ssyncset.done $0x0  }
0x4c: {  	s5 =	sor.u32 $0x5300, s0;
	[sflag:s21] =	ssyncadd.s32 $0xFFFFE000  }
0x4d: {  	[spmem:s3] =	stream.indirect.scatter.add.f32 [tilespmem:s19], [sflag:$0x3], $0x40, s5, s18, $0xb8;
	[tilespmem:$0x1D900] =	vst v63  }
0x4e: {  	_ =	swait.ge [sflag:s22], $0x2000  }
0x4f: {  	[sflag:s22] =	ssyncset.done $0x0  }
0x50: {  	s5 =	sor.u32 $0x5380, s0;
	[sflag:s22] =	ssyncadd.s32 $0xFFFFE000  }
0x51: {  	[spmem:s3] =	stream.indirect.scatter.add.f32 [tilespmem:s20], [sflag:$0x4], $0x40, s5, s18, $0xb8;
	[tilespmem:$0x1D900] =	vst v63  }
0x52: {  	_ =	swait.ge [sflag:s23], $0x2000  }
0x53: {  	[sflag:s23] =	ssyncset.done $0x0  }
0x54: {  	s5 =	simm.s32 $0x300;
	[sflag:s23] =	ssyncadd.s32 $0xFFFFE000  }
0x55: {  	[tilespmem:s19], [sflag:$0x1] =	stream.indirect.gather [spmem:s2], $0x40, s5, s18, $0xb8;
	[tilespmem:$0x1D900] =	vst v63  }
0x56: {  	_ =	swait.ge [sflag:s24], $0x2000  }
0x57: {  	[sflag:s24] =	ssyncset.done $0x0  }
0x58: {  	s5 =	simm.s32 $0x380;
	[sflag:s24] =	ssyncadd.s32 $0xFFFFE000  }
0x59: {  	[tilespmem:s20], [sflag:$0x2] =	stream.indirect.gather [spmem:s2], $0x40, s5, s18, $0xb8;
	[tilespmem:$0x1D900] =	vst v63  }
0x5a: {  	_ =	swait.ge [sflag:s21], $0x2000  }
0x5b: {  	[sflag:s21] =	ssyncset.done $0x0  }
0x5c: {  	s5 =	sadd.s32 $0x5400, s0;
	[sflag:s21] =	ssyncadd.s32 $0xFFFFE000  }
0x5d: {  	[spmem:s3] =	stream.indirect.scatter.add.f32 [tilespmem:s19], [sflag:$0x3], $0x40, s5, s18, $0xb8;
	[tilespmem:$0x1D900] =	vst v63  }
0x5e: {  	_ =	swait.ge [sflag:s22], $0x2000  }
0x5f: {  	[sflag:s22] =	ssyncset.done $0x0  }
0x60: {  	s0 =	sadd.s32 $0x5480, s0;
	[sflag:s22] =	ssyncadd.s32 $0xFFFFE000  }
0x61: {  	[spmem:s3] =	stream.indirect.scatter.add.f32 [tilespmem:s20], [sflag:$0x4], $0x40, s0, s18, $0xb8;
	[tilespmem:$0x1D900] =	vst v63  }
0x62: {  	_ =	swait.ge [sflag:s23], $0x2000  }
0x63: {  	[sflag:s23] =	ssyncset.done $0x0  }
0x64: {  	s1 =	simm.s32 $0x400;
	[sflag:s23] =	ssyncadd.s32 $0xFFFFE000  }
0x65: {  	[tilespmem:s19], [sflag:$0x1] =	stream.indirect.gather [spmem:s2], $0x40, s1, s18, $0xb8;
	[tilespmem:$0x1D900] =	vst v63  }
0x66: {  	_ =	swait.ge [sflag:s24], $0x2000  }
0x67: {  	[sflag:s24] =	ssyncset.done $0x0  }
0x68: {  	s28 =	simm.s32 $0x1000;
	s5 =	simm.s32 $0x480;
	[sflag:s24] =	ssyncadd.s32 $0xFFFFE000  }
0x69: {  	[tilespmem:s20], [sflag:$0x2] =	stream.indirect.gather [spmem:s2], $0x40, s5, s18, $0xb8;
	[tilespmem:$0x1D900] =	vst v63  }
0x6a: {  	s29 =	simm.s32 $0x800;
	s31 =	simm.s32 $0x2000;
	_ =	swait.ge [sflag:s25], $0x400  }
0x6b: {  	s30 =	smov.u32 s12;
	s0 =	sand.u32 $0x400, s29;
	[sflag:s25] =	ssyncset.done $0x0  }
.LBB2_2:
0x6c: {  	s0 =	sor.u32 $0x5100, s0  }
0x6d: {  	[sflag:s25] =	ssyncadd.s32 $0xFFFFFC00;
	s30 =	sadd.s32 $0x80, s30;
	s5 =	smov.u32 s31  }
0x6e: {  	[tilespmem:s0], [sflag:$0x5] =	stream.linear.gather [hbm4b:s30+s4], $0x400, $0x38;
	[tilespmem:$0x1D900] =	vst v63  }
0x6f: {  	p0 =	sne.s32 s31, $0x13000;
	s0 =	sshrl.u32 s28, $0x2;
	_ =	swait.ge [sflag:s21], $0x2000  }
0x70: {  	s31 =	sadd.s32 $0x1000, s31;
	s1 =	sand.u32 $0x400, s0;
	[sflag:s21] =	ssyncset.done $0x0  }
0x71: {  	s0 =	sor.u32 $0x5100, s1;
	[sflag:s21] =	ssyncadd.s32 $0xFFFFE000  }
0x72: {  	[spmem:s3] =	stream.indirect.scatter.add.f32 [tilespmem:s19], [sflag:$0x3], $0x40, s0, s18, $0xb8;
	[tilespmem:$0x1D900] =	vst v63  }
0x73: {  	_ =	swait.ge [sflag:s22], $0x2000  }
0x74: {  	[sflag:s22] =	ssyncset.done $0x0  }
0x75: {  	s0 =	sor.u32 $0x5180, s1;
	[sflag:s22] =	ssyncadd.s32 $0xFFFFE000  }
0x76: {  	[spmem:s3] =	stream.indirect.scatter.add.f32 [tilespmem:s20], [sflag:$0x4], $0x40, s0, s18, $0xb8;
	[tilespmem:$0x1D900] =	vst v63  }
0x77: {  	_ =	swait.ge [sflag:s23], $0x2000  }
0x78: {  	s0 =	sshra.s32 s28, $0x2;
	s28 =	smov.u32 s5;
	[sflag:s23] =	ssyncset.done $0x0  }
0x79: {  	s5 =	sadd.s32 $0x100, s0;
	[sflag:s23] =	ssyncadd.s32 $0xFFFFE000  }
0x7a: {  	[tilespmem:s19], [sflag:$0x1] =	stream.indirect.gather [spmem:s2], $0x40, s5, s18, $0xb8;
	[tilespmem:$0x1D900] =	vst v63  }
0x7b: {  	_ =	swait.ge [sflag:s24], $0x2000  }
0x7c: {  	[sflag:s24] =	ssyncset.done $0x0  }
0x7d: {  	s5 =	sadd.s32 $0x180, s0;
	[sflag:s24] =	ssyncadd.s32 $0xFFFFE000  }
0x7e: {  	[tilespmem:s20], [sflag:$0x2] =	stream.indirect.gather [spmem:s2], $0x40, s5, s18, $0xb8;
	[tilespmem:$0x1D900] =	vst v63  }
0x7f: {  	_ =	swait.ge [sflag:s21], $0x2000  }
0x80: {  	[sflag:s21] =	ssyncset.done $0x0  }
0x81: {  	s5 =	sor.u32 $0x5200, s1;
	[sflag:s21] =	ssyncadd.s32 $0xFFFFE000  }
0x82: {  	[spmem:s3] =	stream.indirect.scatter.add.f32 [tilespmem:s19], [sflag:$0x3], $0x40, s5, s18, $0xb8;
	[tilespmem:$0x1D900] =	vst v63  }
0x83: {  	_ =	swait.ge [sflag:s22], $0x2000  }
0x84: {  	[sflag:s22] =	ssyncset.done $0x0  }
0x85: {  	s5 =	sor.u32 $0x5280, s1;
	[sflag:s22] =	ssyncadd.s32 $0xFFFFE000  }
0x86: {  	[spmem:s3] =	stream.indirect.scatter.add.f32 [tilespmem:s20], [sflag:$0x4], $0x40, s5, s18, $0xb8;
	[tilespmem:$0x1D900] =	vst v63  }
0x87: {  	_ =	swait.ge [sflag:s23], $0x2000  }
0x88: {  	[sflag:s23] =	ssyncset.done $0x0  }
0x89: {  	s5 =	sadd.s32 $0x200, s0;
	[sflag:s23] =	ssyncadd.s32 $0xFFFFE000  }
0x8a: {  	[tilespmem:s19], [sflag:$0x1] =	stream.indirect.gather [spmem:s2], $0x40, s5, s18, $0xb8;
	[tilespmem:$0x1D900] =	vst v63  }
0x8b: {  	_ =	swait.ge [sflag:s24], $0x2000  }
0x8c: {  	[sflag:s24] =	ssyncset.done $0x0  }
0x8d: {  	s5 =	sadd.s32 $0x280, s0;
	[sflag:s24] =	ssyncadd.s32 $0xFFFFE000  }
0x8e: {  	[tilespmem:s20], [sflag:$0x2] =	stream.indirect.gather [spmem:s2], $0x40, s5, s18, $0xb8;
	[tilespmem:$0x1D900] =	vst v63  }
0x8f: {  	_ =	swait.ge [sflag:s21], $0x2000  }
0x90: {  	[sflag:s21] =	ssyncset.done $0x0  }
0x91: {  	s5 =	sor.u32 $0x5300, s1;
	[sflag:s21] =	ssyncadd.s32 $0xFFFFE000  }
0x92: {  	[spmem:s3] =	stream.indirect.scatter.add.f32 [tilespmem:s19], [sflag:$0x3], $0x40, s5, s18, $0xb8;
	[tilespmem:$0x1D900] =	vst v63  }
0x93: {  	_ =	swait.ge [sflag:s22], $0x2000  }
0x94: {  	[sflag:s22] =	ssyncset.done $0x0  }
0x95: {  	s5 =	sor.u32 $0x5380, s1;
	[sflag:s22] =	ssyncadd.s32 $0xFFFFE000  }
0x96: {  	[spmem:s3] =	stream.indirect.scatter.add.f32 [tilespmem:s20], [sflag:$0x4], $0x40, s5, s18, $0xb8;
	[tilespmem:$0x1D900] =	vst v63  }
0x97: {  	_ =	swait.ge [sflag:s23], $0x2000  }
0x98: {  	[sflag:s23] =	ssyncset.done $0x0  }
0x99: {  	s5 =	sadd.s32 $0x300, s0;
	[sflag:s23] =	ssyncadd.s32 $0xFFFFE000  }
0x9a: {  	[tilespmem:s19], [sflag:$0x1] =	stream.indirect.gather [spmem:s2], $0x40, s5, s18, $0xb8;
	[tilespmem:$0x1D900] =	vst v63  }
0x9b: {  	_ =	swait.ge [sflag:s24], $0x2000  }
0x9c: {  	[sflag:s24] =	ssyncset.done $0x0  }
0x9d: {  	s5 =	sadd.s32 $0x380, s0;
	[sflag:s24] =	ssyncadd.s32 $0xFFFFE000  }
0x9e: {  	[tilespmem:s20], [sflag:$0x2] =	stream.indirect.gather [spmem:s2], $0x40, s5, s18, $0xb8;
	[tilespmem:$0x1D900] =	vst v63  }
0x9f: {  	_ =	swait.ge [sflag:s21], $0x2000  }
0xa0: {  	[sflag:s21] =	ssyncset.done $0x0  }
0xa1: {  	s5 =	sadd.s32 $0x5400, s1;
	[sflag:s21] =	ssyncadd.s32 $0xFFFFE000  }
0xa2: {  	[spmem:s3] =	stream.indirect.scatter.add.f32 [tilespmem:s19], [sflag:$0x3], $0x40, s5, s18, $0xb8;
	[tilespmem:$0x1D900] =	vst v63  }
0xa3: {  	_ =	swait.ge [sflag:s22], $0x2000  }
0xa4: {  	[sflag:s22] =	ssyncset.done $0x0  }
0xa5: {  	s1 =	sadd.s32 $0x5480, s1;
	[sflag:s22] =	ssyncadd.s32 $0xFFFFE000  }
0xa6: {  	[spmem:s3] =	stream.indirect.scatter.add.f32 [tilespmem:s20], [sflag:$0x4], $0x40, s1, s18, $0xb8;
	[tilespmem:$0x1D900] =	vst v63  }
0xa7: {  	_ =	swait.ge [sflag:s23], $0x2000  }
0xa8: {  	[sflag:s23] =	ssyncset.done $0x0  }
0xa9: {  	s1 =	sadd.s32 $0x400, s0;
	[sflag:s23] =	ssyncadd.s32 $0xFFFFE000  }
0xaa: {  	[tilespmem:s19], [sflag:$0x1] =	stream.indirect.gather [spmem:s2], $0x40, s1, s18, $0xb8;
	[tilespmem:$0x1D900] =	vst v63  }
0xab: {  	_ =	swait.ge [sflag:s24], $0x2000  }
.Ltmp0:
0xac: {  	[sflag:s24] =	ssyncset.done $0x0;
	(pc) =	sbr.rel @p0 .LBB2_2-.Ltmp0, $4  }
0xad: {  	s0 =	sadd.s32 $0x480, s0;
	[sflag:s24] =	ssyncadd.s32 $0xFFFFE000  }
0xae: {  	[tilespmem:s20], [sflag:$0x2] =	stream.indirect.gather [spmem:s2], $0x40, s0, s18, $0xb8;
	[tilespmem:$0x1D900] =	vst v63  }
0xaf: {  	s29 =	sadd.s32 $0x400, s29;
	_ =	swait.ge [sflag:s25], $0x400  }
0xb0: {  	s0 =	sand.u32 $0x400, s29;
	[sflag:s25] =	ssyncset.done $0x0  }
0xb1: {  	s0 =	sor.u32 $0x5100, s0;
	[sflag:s25] =	ssyncadd.s32 $0xFFFFFC00;
	s1 =	sadd.s32 $0x80, s30  }
0xb2: {  	[tilespmem:s0], [sflag:$0x5] =	stream.linear.gather [hbm4b:s1+s4], $0x400, $0x38;
	[tilespmem:$0x1D900] =	vst v63  }
0xb3: {  	s1 =	sshrl.u32 s28, $0x2;
	_ =	swait.ge [sflag:s21], $0x2000  }
0xb4: {  	s0 =	sand.u32 $0x400, s1;
	[sflag:s21] =	ssyncset.done $0x0  }
0xb5: {  	s5 =	sor.u32 $0x5100, s0;
	[sflag:s21] =	ssyncadd.s32 $0xFFFFE000  }
0xb6: {  	[spmem:s3] =	stream.indirect.scatter.add.f32 [tilespmem:s19], [sflag:$0x3], $0x40, s5, s18, $0xb8;
	[tilespmem:$0x1D900] =	vst v63  }
0xb7: {  	_ =	swait.ge [sflag:s22], $0x2000  }
0xb8: {  	[sflag:s22] =	ssyncset.done $0x0  }
0xb9: {  	s5 =	sor.u32 $0x5180, s0;
	[sflag:s22] =	ssyncadd.s32 $0xFFFFE000  }
0xba: {  	[spmem:s3] =	stream.indirect.scatter.add.f32 [tilespmem:s20], [sflag:$0x4], $0x40, s5, s18, $0xb8;
	[tilespmem:$0x1D900] =	vst v63  }
0xbb: {  	_ =	swait.ge [sflag:s23], $0x2000  }
0xbc: {  	s1 =	sshra.s32 s28, $0x2;
	[sflag:s23] =	ssyncset.done $0x0  }
0xbd: {  	s5 =	sadd.s32 $0x100, s1;
	[sflag:s23] =	ssyncadd.s32 $0xFFFFE000  }
0xbe: {  	[tilespmem:s19], [sflag:$0x1] =	stream.indirect.gather [spmem:s2], $0x40, s5, s18, $0xb8;
	[tilespmem:$0x1D900] =	vst v63  }
0xbf: {  	_ =	swait.ge [sflag:s24], $0x2000  }
0xc0: {  	[sflag:s24] =	ssyncset.done $0x0  }
0xc1: {  	s5 =	sadd.s32 $0x180, s1;
	[sflag:s24] =	ssyncadd.s32 $0xFFFFE000  }
0xc2: {  	[tilespmem:s20], [sflag:$0x2] =	stream.indirect.gather [spmem:s2], $0x40, s5, s18, $0xb8;
	[tilespmem:$0x1D900] =	vst v63  }
0xc3: {  	_ =	swait.ge [sflag:s21], $0x2000  }
0xc4: {  	[sflag:s21] =	ssyncset.done $0x0  }
0xc5: {  	s5 =	sor.u32 $0x5200, s0;
	[sflag:s21] =	ssyncadd.s32 $0xFFFFE000  }
0xc6: {  	[spmem:s3] =	stream.indirect.scatter.add.f32 [tilespmem:s19], [sflag:$0x3], $0x40, s5, s18, $0xb8;
	[tilespmem:$0x1D900] =	vst v63  }
0xc7: {  	_ =	swait.ge [sflag:s22], $0x2000  }
0xc8: {  	[sflag:s22] =	ssyncset.done $0x0  }
0xc9: {  	s5 =	sor.u32 $0x5280, s0;
	[sflag:s22] =	ssyncadd.s32 $0xFFFFE000  }
0xca: {  	[spmem:s3] =	stream.indirect.scatter.add.f32 [tilespmem:s20], [sflag:$0x4], $0x40, s5, s18, $0xb8;
	[tilespmem:$0x1D900] =	vst v63  }
0xcb: {  	_ =	swait.ge [sflag:s23], $0x2000  }
0xcc: {  	[sflag:s23] =	ssyncset.done $0x0  }
0xcd: {  	s5 =	sadd.s32 $0x200, s1;
	[sflag:s23] =	ssyncadd.s32 $0xFFFFE000  }
0xce: {  	[tilespmem:s19], [sflag:$0x1] =	stream.indirect.gather [spmem:s2], $0x40, s5, s18, $0xb8;
	[tilespmem:$0x1D900] =	vst v63  }
0xcf: {  	_ =	swait.ge [sflag:s24], $0x2000  }
0xd0: {  	[sflag:s24] =	ssyncset.done $0x0  }
0xd1: {  	s5 =	sadd.s32 $0x280, s1;
	[sflag:s24] =	ssyncadd.s32 $0xFFFFE000  }
0xd2: {  	[tilespmem:s20], [sflag:$0x2] =	stream.indirect.gather [spmem:s2], $0x40, s5, s18, $0xb8;
	[tilespmem:$0x1D900] =	vst v63  }
0xd3: {  	_ =	swait.ge [sflag:s21], $0x2000  }
0xd4: {  	[sflag:s21] =	ssyncset.done $0x0  }
0xd5: {  	s5 =	sor.u32 $0x5300, s0;
	[sflag:s21] =	ssyncadd.s32 $0xFFFFE000  }
0xd6: {  	[spmem:s3] =	stream.indirect.scatter.add.f32 [tilespmem:s19], [sflag:$0x3], $0x40, s5, s18, $0xb8;
	[tilespmem:$0x1D900] =	vst v63  }
0xd7: {  	_ =	swait.ge [sflag:s22], $0x2000  }
0xd8: {  	[sflag:s22] =	ssyncset.done $0x0  }
0xd9: {  	s5 =	sor.u32 $0x5380, s0;
	[sflag:s22] =	ssyncadd.s32 $0xFFFFE000  }
0xda: {  	[spmem:s3] =	stream.indirect.scatter.add.f32 [tilespmem:s20], [sflag:$0x4], $0x40, s5, s18, $0xb8;
	[tilespmem:$0x1D900] =	vst v63  }
0xdb: {  	_ =	swait.ge [sflag:s23], $0x2000  }
0xdc: {  	[sflag:s23] =	ssyncset.done $0x0  }
0xdd: {  	s5 =	sadd.s32 $0x300, s1;
	[sflag:s23] =	ssyncadd.s32 $0xFFFFE000  }
0xde: {  	[tilespmem:s19], [sflag:$0x1] =	stream.indirect.gather [spmem:s2], $0x40, s5, s18, $0xb8;
	[tilespmem:$0x1D900] =	vst v63  }
0xdf: {  	_ =	swait.ge [sflag:s24], $0x2000  }
0xe0: {  	[sflag:s24] =	ssyncset.done $0x0  }
0xe1: {  	s5 =	sadd.s32 $0x380, s1;
	[sflag:s24] =	ssyncadd.s32 $0xFFFFE000  }
0xe2: {  	[tilespmem:s20], [sflag:$0x2] =	stream.indirect.gather [spmem:s2], $0x40, s5, s18, $0xb8;
	[tilespmem:$0x1D900] =	vst v63  }
0xe3: {  	_ =	swait.ge [sflag:s21], $0x2000  }
0xe4: {  	[sflag:s21] =	ssyncset.done $0x0  }
0xe5: {  	s5 =	sadd.s32 $0x5400, s0;
	[sflag:s21] =	ssyncadd.s32 $0xFFFFE000  }
0xe6: {  	[spmem:s3] =	stream.indirect.scatter.add.f32 [tilespmem:s19], [sflag:$0x3], $0x40, s5, s18, $0xb8;
	[tilespmem:$0x1D900] =	vst v63  }
0xe7: {  	_ =	swait.ge [sflag:s22], $0x2000  }
0xe8: {  	[sflag:s22] =	ssyncset.done $0x0  }
0xe9: {  	s0 =	sadd.s32 $0x5480, s0;
	[sflag:s22] =	ssyncadd.s32 $0xFFFFE000  }
0xea: {  	[spmem:s3] =	stream.indirect.scatter.add.f32 [tilespmem:s20], [sflag:$0x4], $0x40, s0, s18, $0xb8;
	[tilespmem:$0x1D900] =	vst v63  }
0xeb: {  	_ =	swait.ge [sflag:s23], $0x2000  }
0xec: {  	[sflag:s23] =	ssyncset.done $0x0  }
0xed: {  	s5 =	sadd.s32 $0x400, s1;
	[sflag:s23] =	ssyncadd.s32 $0xFFFFE000  }
0xee: {  	[tilespmem:s19], [sflag:$0x1] =	stream.indirect.gather [spmem:s2], $0x40, s5, s18, $0xb8;
	[tilespmem:$0x1D900] =	vst v63  }
0xef: {  	_ =	swait.ge [sflag:s24], $0x2000  }
0xf0: {  	[sflag:s24] =	ssyncset.done $0x0  }
0xf1: {  	s5 =	sadd.s32 $0x480, s1;
	[sflag:s24] =	ssyncadd.s32 $0xFFFFE000  }
0xf2: {  	[tilespmem:s20], [sflag:$0x2] =	stream.indirect.gather [spmem:s2], $0x40, s5, s18, $0xb8;
	[tilespmem:$0x1D900] =	vst v63  }
0xf3: {  	_ =	swait.ge [sflag:s25], $0x400  }
0xf4: {  	[sflag:s25] =	ssyncset.done $0x0  }
0xf5: {  	[sflag:s25] =	ssyncadd.s32 $0xFFFFFC00  }
0xf6: {  	_ =	swait.ge [sflag:s21], $0x2000  }
0xf7: {  	[sflag:s21] =	ssyncset.done $0x0  }
0xf8: {  	[sflag:s21] =	ssyncadd.s32 $0xFFFFE000  }
0xf9: {  	_ =	swait.ge [sflag:s22], $0x2000  }
0xfa: {  	[sflag:s22] =	ssyncset.done $0x0  }
0xfb: {  	[sflag:s22] =	ssyncadd.s32 $0xFFFFE000  }
0xfc: {  	[bflag:$0x0] =	sbarrier.arrive $0xFFFF  }
0xfd: {  	[hbm:s8], [sflag:s15] =	dma.local [spmem:s17], $0x1400  }
0xfe: {  	_ =	swait.ge [sflag:s13], $0x1400  }
0xff: {  	[sflag:s13] =	ssyncset.done $0x0  }
0x100: {  	s1 =	simm.s32 $0x0;
	[sflag:s13] =	ssyncadd.s32 $0xFFFFEC00  }
0x101: {  	[tilespmem:s14], [sflag:$0x6] =	stream.linear.gather [hbm4b:s6+s1], $0x400, $0x38;
	[tilespmem:$0x1D900] =	vst v63  }
0x102: {  	_ =	swait.ge [sflag:s13], $0x400  }
0x103: {  	[sflag:s13] =	ssyncset.done $0x0  }
0x104: {  	[sflag:s13] =	ssyncadd.s32 $0xFFFFFC00  }
0x105: {  	[spmem:s16], [sflag:s15] =	dma.local [hbm:s9], $0x1400  }
0x106: {  	_ =	swait.ge [sflag:s13], $0x1400  }
0x107: {  	[sflag:s13] =	ssyncset.done $0x0  }
0x108: {  	[sflag:s13] =	ssyncadd.s32 $0xFFFFEC00  }
0x109: {  	[spmem:s17], [sflag:s15] =	dma.local [hbm:s9], $0x1400  }
0x10a: {  	_ =	swait.ge [sflag:s13], $0x1400  }
0x10b: {  	[sflag:s13] =	ssyncset.done $0x0  }
0x10c: {  	[sflag:s13] =	ssyncadd.s32 $0xFFFFEC00  }
0x10d: {  	s5 =	simm.s32 $0x400;
	[bflag:$0x0] =	sbarrier.arrive $0xFFFF  }
0x10e: {  	[tilespmem:s19], [sflag:$0x1] =	stream.indirect.gather [spmem:s2], $0x40, s1, s18, $0xb8;
	[tilespmem:$0x1D900] =	vst v63  }
0x10f: {  	s0 =	sand.u32 $0x400, s5  }
0x110: {  	[tilespmem:s20], [sflag:$0x2] =	stream.indirect.gather [spmem:s2], $0x40, s18, s18, $0xb8;
	[tilespmem:$0x1D900] =	vst v63  }
0x111: {  	s0 =	sor.u32 $0x5100, s0  }
0x112: {  	[tilespmem:s0], [sflag:$0x5] =	stream.linear.gather [hbm4b:s12+s4], $0x400, $0x38;
	[tilespmem:$0x1D900] =	vst v63  }
0x113: {  	s1 =	simm.s32 $0x0;
	_ =	swait.ge [sflag:s21], $0x2000  }
0x114: {  	s0 =	sand.u32 $0x400, s1;
	[sflag:s21] =	ssyncset.done $0x0  }
0x115: {  	s5 =	sor.u32 $0x5100, s0;
	[sflag:s21] =	ssyncadd.s32 $0xFFFFE000  }
0x116: {  	[spmem:s3] =	stream.indirect.scatter.add.f32 [tilespmem:s19], [sflag:$0x3], $0x40, s5, s18, $0xb8;
	[tilespmem:$0x1D900] =	vst v63  }
0x117: {  	_ =	swait.ge [sflag:s22], $0x2000  }
0x118: {  	[sflag:s22] =	ssyncset.done $0x0  }
0x119: {  	s5 =	sor.u32 $0x5180, s0;
	[sflag:s22] =	ssyncadd.s32 $0xFFFFE000  }
0x11a: {  	[spmem:s3] =	stream.indirect.scatter.add.f32 [tilespmem:s20], [sflag:$0x4], $0x40, s5, s18, $0xb8;
	[tilespmem:$0x1D900] =	vst v63  }
0x11b: {  	_ =	swait.ge [sflag:s23], $0x2000  }
0x11c: {  	[sflag:s23] =	ssyncset.done $0x0  }
0x11d: {  	s5 =	simm.s32 $0x100;
	[sflag:s23] =	ssyncadd.s32 $0xFFFFE000  }
0x11e: {  	[tilespmem:s19], [sflag:$0x1] =	stream.indirect.gather [spmem:s2], $0x40, s5, s18, $0xb8;
	[tilespmem:$0x1D900] =	vst v63  }
0x11f: {  	_ =	swait.ge [sflag:s24], $0x2000  }
0x120: {  	[sflag:s24] =	ssyncset.done $0x0  }
0x121: {  	s5 =	simm.s32 $0x180;
	[sflag:s24] =	ssyncadd.s32 $0xFFFFE000  }
0x122: {  	[tilespmem:s20], [sflag:$0x2] =	stream.indirect.gather [spmem:s2], $0x40, s5, s18, $0xb8;
	[tilespmem:$0x1D900] =	vst v63  }
0x123: {  	_ =	swait.ge [sflag:s21], $0x2000  }
0x124: {  	[sflag:s21] =	ssyncset.done $0x0  }
0x125: {  	s5 =	sor.u32 $0x5200, s0;
	[sflag:s21] =	ssyncadd.s32 $0xFFFFE000  }
0x126: {  	[spmem:s3] =	stream.indirect.scatter.add.f32 [tilespmem:s19], [sflag:$0x3], $0x40, s5, s18, $0xb8;
	[tilespmem:$0x1D900] =	vst v63  }
0x127: {  	_ =	swait.ge [sflag:s22], $0x2000  }
0x128: {  	[sflag:s22] =	ssyncset.done $0x0  }
0x129: {  	s5 =	sor.u32 $0x5280, s0;
	[sflag:s22] =	ssyncadd.s32 $0xFFFFE000  }
0x12a: {  	[spmem:s3] =	stream.indirect.scatter.add.f32 [tilespmem:s20], [sflag:$0x4], $0x40, s5, s18, $0xb8;
	[tilespmem:$0x1D900] =	vst v63  }
0x12b: {  	_ =	swait.ge [sflag:s23], $0x2000  }
0x12c: {  	[sflag:s23] =	ssyncset.done $0x0  }
0x12d: {  	s5 =	simm.s32 $0x200;
	[sflag:s23] =	ssyncadd.s32 $0xFFFFE000  }
0x12e: {  	[tilespmem:s19], [sflag:$0x1] =	stream.indirect.gather [spmem:s2], $0x40, s5, s18, $0xb8;
	[tilespmem:$0x1D900] =	vst v63  }
0x12f: {  	_ =	swait.ge [sflag:s24], $0x2000  }
0x130: {  	[sflag:s24] =	ssyncset.done $0x0  }
0x131: {  	s5 =	simm.s32 $0x280;
	[sflag:s24] =	ssyncadd.s32 $0xFFFFE000  }
0x132: {  	[tilespmem:s20], [sflag:$0x2] =	stream.indirect.gather [spmem:s2], $0x40, s5, s18, $0xb8;
	[tilespmem:$0x1D900] =	vst v63  }
0x133: {  	_ =	swait.ge [sflag:s21], $0x2000  }
0x134: {  	[sflag:s21] =	ssyncset.done $0x0  }
0x135: {  	s5 =	sor.u32 $0x5300, s0;
	[sflag:s21] =	ssyncadd.s32 $0xFFFFE000  }
0x136: {  	[spmem:s3] =	stream.indirect.scatter.add.f32 [tilespmem:s19], [sflag:$0x3], $0x40, s5, s18, $0xb8;
	[tilespmem:$0x1D900] =	vst v63  }
0x137: {  	_ =	swait.ge [sflag:s22], $0x2000  }
0x138: {  	[sflag:s22] =	ssyncset.done $0x0  }
0x139: {  	s5 =	sor.u32 $0x5380, s0;
	[sflag:s22] =	ssyncadd.s32 $0xFFFFE000  }
0x13a: {  	[spmem:s3] =	stream.indirect.scatter.add.f32 [tilespmem:s20], [sflag:$0x4], $0x40, s5, s18, $0xb8;
	[tilespmem:$0x1D900] =	vst v63  }
0x13b: {  	_ =	swait.ge [sflag:s23], $0x2000  }
0x13c: {  	[sflag:s23] =	ssyncset.done $0x0  }
0x13d: {  	s5 =	simm.s32 $0x300;
	[sflag:s23] =	ssyncadd.s32 $0xFFFFE000  }
0x13e: {  	[tilespmem:s19], [sflag:$0x1] =	stream.indirect.gather [spmem:s2], $0x40, s5, s18, $0xb8;
	[tilespmem:$0x1D900] =	vst v63  }
0x13f: {  	_ =	swait.ge [sflag:s24], $0x2000  }
0x140: {  	[sflag:s24] =	ssyncset.done $0x0  }
0x141: {  	s5 =	simm.s32 $0x380;
	[sflag:s24] =	ssyncadd.s32 $0xFFFFE000  }
0x142: {  	[tilespmem:s20], [sflag:$0x2] =	stream.indirect.gather [spmem:s2], $0x40, s5, s18, $0xb8;
	[tilespmem:$0x1D900] =	vst v63  }
0x143: {  	_ =	swait.ge [sflag:s21], $0x2000  }
0x144: {  	[sflag:s21] =	ssyncset.done $0x0  }
0x145: {  	s5 =	sadd.s32 $0x5400, s0;
	[sflag:s21] =	ssyncadd.s32 $0xFFFFE000  }
0x146: {  	[spmem:s3] =	stream.indirect.scatter.add.f32 [tilespmem:s19], [sflag:$0x3], $0x40, s5, s18, $0xb8;
	[tilespmem:$0x1D900] =	vst v63  }
0x147: {  	_ =	swait.ge [sflag:s22], $0x2000  }
0x148: {  	[sflag:s22] =	ssyncset.done $0x0  }
0x149: {  	s0 =	sadd.s32 $0x5480, s0;
	[sflag:s22] =	ssyncadd.s32 $0xFFFFE000  }
0x14a: {  	[spmem:s3] =	stream.indirect.scatter.add.f32 [tilespmem:s20], [sflag:$0x4], $0x40, s0, s18, $0xb8;
	[tilespmem:$0x1D900] =	vst v63  }
0x14b: {  	_ =	swait.ge [sflag:s23], $0x2000  }
0x14c: {  	[sflag:s23] =	ssyncset.done $0x0  }
0x14d: {  	s1 =	simm.s32 $0x400;
	[sflag:s23] =	ssyncadd.s32 $0xFFFFE000  }
0x14e: {  	[tilespmem:s19], [sflag:$0x1] =	stream.indirect.gather [spmem:s2], $0x40, s1, s18, $0xb8;
	[tilespmem:$0x1D900] =	vst v63  }
0x14f: {  	_ =	swait.ge [sflag:s24], $0x2000  }
0x150: {  	[sflag:s24] =	ssyncset.done $0x0  }
0x151: {  	s29 =	simm.s32 $0x800;
	s5 =	simm.s32 $0x480;
	[sflag:s24] =	ssyncadd.s32 $0xFFFFE000  }
0x152: {  	[tilespmem:s20], [sflag:$0x2] =	stream.indirect.gather [spmem:s2], $0x40, s5, s18, $0xb8;
	[tilespmem:$0x1D900] =	vst v63  }
0x153: {  	s31 =	simm.s32 $0x2000;
	s30 =	smov.u32 s12;
	_ =	swait.ge [sflag:s25], $0x400  }
0x154: {  	s28 =	simm.s32 $0x1000;
	s0 =	sand.u32 $0x400, s29;
	[sflag:s25] =	ssyncset.done $0x0  }
.LBB2_4:
0x155: {  	s0 =	sor.u32 $0x5100, s0  }
0x156: {  	[sflag:s25] =	ssyncadd.s32 $0xFFFFFC00;
	s30 =	sadd.s32 $0x80, s30;
	s5 =	smov.u32 s31  }
0x157: {  	[tilespmem:s0], [sflag:$0x5] =	stream.linear.gather [hbm4b:s30+s4], $0x400, $0x38;
	[tilespmem:$0x1D900] =	vst v63  }
0x158: {  	p0 =	sne.s32 s31, $0x13000;
	s0 =	sshrl.u32 s28, $0x2;
	_ =	swait.ge [sflag:s21], $0x2000  }
0x159: {  	s31 =	sadd.s32 $0x1000, s31;
	s1 =	sand.u32 $0x400, s0;
	[sflag:s21] =	ssyncset.done $0x0  }
0x15a: {  	s0 =	sor.u32 $0x5100, s1;
	[sflag:s21] =	ssyncadd.s32 $0xFFFFE000  }
0x15b: {  	[spmem:s3] =	stream.indirect.scatter.add.f32 [tilespmem:s19], [sflag:$0x3], $0x40, s0, s18, $0xb8;
	[tilespmem:$0x1D900] =	vst v63  }
0x15c: {  	_ =	swait.ge [sflag:s22], $0x2000  }
0x15d: {  	[sflag:s22] =	ssyncset.done $0x0  }
0x15e: {  	s0 =	sor.u32 $0x5180, s1;
	[sflag:s22] =	ssyncadd.s32 $0xFFFFE000  }
0x15f: {  	[spmem:s3] =	stream.indirect.scatter.add.f32 [tilespmem:s20], [sflag:$0x4], $0x40, s0, s18, $0xb8;
	[tilespmem:$0x1D900] =	vst v63  }
0x160: {  	_ =	swait.ge [sflag:s23], $0x2000  }
0x161: {  	s0 =	sshra.s32 s28, $0x2;
	s28 =	smov.u32 s5;
	[sflag:s23] =	ssyncset.done $0x0  }
0x162: {  	s5 =	sadd.s32 $0x100, s0;
	[sflag:s23] =	ssyncadd.s32 $0xFFFFE000  }
0x163: {  	[tilespmem:s19], [sflag:$0x1] =	stream.indirect.gather [spmem:s2], $0x40, s5, s18, $0xb8;
	[tilespmem:$0x1D900] =	vst v63  }
0x164: {  	_ =	swait.ge [sflag:s24], $0x2000  }
0x165: {  	[sflag:s24] =	ssyncset.done $0x0  }
0x166: {  	s5 =	sadd.s32 $0x180, s0;
	[sflag:s24] =	ssyncadd.s32 $0xFFFFE000  }
0x167: {  	[tilespmem:s20], [sflag:$0x2] =	stream.indirect.gather [spmem:s2], $0x40, s5, s18, $0xb8;
	[tilespmem:$0x1D900] =	vst v63  }
0x168: {  	_ =	swait.ge [sflag:s21], $0x2000  }
0x169: {  	[sflag:s21] =	ssyncset.done $0x0  }
0x16a: {  	s5 =	sor.u32 $0x5200, s1;
	[sflag:s21] =	ssyncadd.s32 $0xFFFFE000  }
0x16b: {  	[spmem:s3] =	stream.indirect.scatter.add.f32 [tilespmem:s19], [sflag:$0x3], $0x40, s5, s18, $0xb8;
	[tilespmem:$0x1D900] =	vst v63  }
0x16c: {  	_ =	swait.ge [sflag:s22], $0x2000  }
0x16d: {  	[sflag:s22] =	ssyncset.done $0x0  }
0x16e: {  	s5 =	sor.u32 $0x5280, s1;
	[sflag:s22] =	ssyncadd.s32 $0xFFFFE000  }
0x16f: {  	[spmem:s3] =	stream.indirect.scatter.add.f32 [tilespmem:s20], [sflag:$0x4], $0x40, s5, s18, $0xb8;
	[tilespmem:$0x1D900] =	vst v63  }
0x170: {  	_ =	swait.ge [sflag:s23], $0x2000  }
0x171: {  	[sflag:s23] =	ssyncset.done $0x0  }
0x172: {  	s5 =	sadd.s32 $0x200, s0;
	[sflag:s23] =	ssyncadd.s32 $0xFFFFE000  }
0x173: {  	[tilespmem:s19], [sflag:$0x1] =	stream.indirect.gather [spmem:s2], $0x40, s5, s18, $0xb8;
	[tilespmem:$0x1D900] =	vst v63  }
0x174: {  	_ =	swait.ge [sflag:s24], $0x2000  }
0x175: {  	[sflag:s24] =	ssyncset.done $0x0  }
0x176: {  	s5 =	sadd.s32 $0x280, s0;
	[sflag:s24] =	ssyncadd.s32 $0xFFFFE000  }
0x177: {  	[tilespmem:s20], [sflag:$0x2] =	stream.indirect.gather [spmem:s2], $0x40, s5, s18, $0xb8;
	[tilespmem:$0x1D900] =	vst v63  }
0x178: {  	_ =	swait.ge [sflag:s21], $0x2000  }
0x179: {  	[sflag:s21] =	ssyncset.done $0x0  }
0x17a: {  	s5 =	sor.u32 $0x5300, s1;
	[sflag:s21] =	ssyncadd.s32 $0xFFFFE000  }
0x17b: {  	[spmem:s3] =	stream.indirect.scatter.add.f32 [tilespmem:s19], [sflag:$0x3], $0x40, s5, s18, $0xb8;
	[tilespmem:$0x1D900] =	vst v63  }
0x17c: {  	_ =	swait.ge [sflag:s22], $0x2000  }
0x17d: {  	[sflag:s22] =	ssyncset.done $0x0  }
0x17e: {  	s5 =	sor.u32 $0x5380, s1;
	[sflag:s22] =	ssyncadd.s32 $0xFFFFE000  }
0x17f: {  	[spmem:s3] =	stream.indirect.scatter.add.f32 [tilespmem:s20], [sflag:$0x4], $0x40, s5, s18, $0xb8;
	[tilespmem:$0x1D900] =	vst v63  }
0x180: {  	_ =	swait.ge [sflag:s23], $0x2000  }
0x181: {  	[sflag:s23] =	ssyncset.done $0x0  }
0x182: {  	s5 =	sadd.s32 $0x300, s0;
	[sflag:s23] =	ssyncadd.s32 $0xFFFFE000  }
0x183: {  	[tilespmem:s19], [sflag:$0x1] =	stream.indirect.gather [spmem:s2], $0x40, s5, s18, $0xb8;
	[tilespmem:$0x1D900] =	vst v63  }
0x184: {  	_ =	swait.ge [sflag:s24], $0x2000  }
0x185: {  	[sflag:s24] =	ssyncset.done $0x0  }
0x186: {  	s5 =	sadd.s32 $0x380, s0;
	[sflag:s24] =	ssyncadd.s32 $0xFFFFE000  }
0x187: {  	[tilespmem:s20], [sflag:$0x2] =	stream.indirect.gather [spmem:s2], $0x40, s5, s18, $0xb8;
	[tilespmem:$0x1D900] =	vst v63  }
0x188: {  	_ =	swait.ge [sflag:s21], $0x2000  }
0x189: {  	[sflag:s21] =	ssyncset.done $0x0  }
0x18a: {  	s5 =	sadd.s32 $0x5400, s1;
	[sflag:s21] =	ssyncadd.s32 $0xFFFFE000  }
0x18b: {  	[spmem:s3] =	stream.indirect.scatter.add.f32 [tilespmem:s19], [sflag:$0x3], $0x40, s5, s18, $0xb8;
	[tilespmem:$0x1D900] =	vst v63  }
0x18c: {  	_ =	swait.ge [sflag:s22], $0x2000  }
0x18d: {  	[sflag:s22] =	ssyncset.done $0x0  }
0x18e: {  	s1 =	sadd.s32 $0x5480, s1;
	[sflag:s22] =	ssyncadd.s32 $0xFFFFE000  }
0x18f: {  	[spmem:s3] =	stream.indirect.scatter.add.f32 [tilespmem:s20], [sflag:$0x4], $0x40, s1, s18, $0xb8;
	[tilespmem:$0x1D900] =	vst v63  }
0x190: {  	_ =	swait.ge [sflag:s23], $0x2000  }
0x191: {  	[sflag:s23] =	ssyncset.done $0x0  }
0x192: {  	s1 =	sadd.s32 $0x400, s0;
	[sflag:s23] =	ssyncadd.s32 $0xFFFFE000  }
0x193: {  	[tilespmem:s19], [sflag:$0x1] =	stream.indirect.gather [spmem:s2], $0x40, s1, s18, $0xb8;
	[tilespmem:$0x1D900] =	vst v63  }
0x194: {  	_ =	swait.ge [sflag:s24], $0x2000  }
.Ltmp1:
0x195: {  	[sflag:s24] =	ssyncset.done $0x0;
	(pc) =	sbr.rel @p0 .LBB2_4-.Ltmp1, $4  }
0x196: {  	s0 =	sadd.s32 $0x480, s0;
	[sflag:s24] =	ssyncadd.s32 $0xFFFFE000  }
0x197: {  	[tilespmem:s20], [sflag:$0x2] =	stream.indirect.gather [spmem:s2], $0x40, s0, s18, $0xb8;
	[tilespmem:$0x1D900] =	vst v63  }
0x198: {  	s29 =	sadd.s32 $0x400, s29;
	_ =	swait.ge [sflag:s25], $0x400  }
0x199: {  	s0 =	sand.u32 $0x400, s29;
	[sflag:s25] =	ssyncset.done $0x0  }
0x19a: {  	s0 =	sor.u32 $0x5100, s0;
	[sflag:s25] =	ssyncadd.s32 $0xFFFFFC00;
	s1 =	sadd.s32 $0x80, s30  }
0x19b: {  	[tilespmem:s0], [sflag:$0x5] =	stream.linear.gather [hbm4b:s1+s4], $0x400, $0x38;
	[tilespmem:$0x1D900] =	vst v63  }
0x19c: {  	s30 =	sshrl.u32 s28, $0x2;
	_ =	swait.ge [sflag:s21], $0x2000  }
0x19d: {  	s0 =	sand.u32 $0x400, s30;
	[sflag:s21] =	ssyncset.done $0x0  }
0x19e: {  	s31 =	sor.u32 $0x5100, s0;
	[sflag:s21] =	ssyncadd.s32 $0xFFFFE000  }
0x19f: {  	[spmem:s3] =	stream.indirect.scatter.add.f32 [tilespmem:s19], [sflag:$0x3], $0x40, s31, s18, $0xb8;
	[tilespmem:$0x1D900] =	vst v63  }
0x1a0: {  	_ =	swait.ge [sflag:s22], $0x2000  }
0x1a1: {  	[sflag:s22] =	ssyncset.done $0x0  }
0x1a2: {  	s5 =	sor.u32 $0x5180, s0;
	[sflag:s22] =	ssyncadd.s32 $0xFFFFE000  }
0x1a3: {  	[spmem:s3] =	stream.indirect.scatter.add.f32 [tilespmem:s20], [sflag:$0x4], $0x40, s5, s18, $0xb8;
	[tilespmem:$0x1D900] =	vst v63  }
0x1a4: {  	_ =	swait.ge [sflag:s23], $0x2000  }
0x1a5: {  	s1 =	sshra.s32 s28, $0x2;
	[sflag:s23] =	ssyncset.done $0x0  }
0x1a6: {  	s5 =	sadd.s32 $0x100, s1;
	[sflag:s23] =	ssyncadd.s32 $0xFFFFE000  }
0x1a7: {  	[tilespmem:s19], [sflag:$0x1] =	stream.indirect.gather [spmem:s2], $0x40, s5, s18, $0xb8;
	[tilespmem:$0x1D900] =	vst v63  }
0x1a8: {  	_ =	swait.ge [sflag:s24], $0x2000  }
0x1a9: {  	[sflag:s24] =	ssyncset.done $0x0  }
0x1aa: {  	s28 =	sadd.s32 $0x180, s1;
	[sflag:s24] =	ssyncadd.s32 $0xFFFFE000  }
0x1ab: {  	[tilespmem:s20], [sflag:$0x2] =	stream.indirect.gather [spmem:s2], $0x40, s28, s18, $0xb8;
	[tilespmem:$0x1D900] =	vst v63  }
0x1ac: {  	_ =	swait.ge [sflag:s21], $0x2000  }
0x1ad: {  	[sflag:s21] =	ssyncset.done $0x0  }
0x1ae: {  	s29 =	sor.u32 $0x5200, s0;
	[sflag:s21] =	ssyncadd.s32 $0xFFFFE000  }
0x1af: {  	[spmem:s3] =	stream.indirect.scatter.add.f32 [tilespmem:s19], [sflag:$0x3], $0x40, s29, s18, $0xb8;
	[tilespmem:$0x1D900] =	vst v63  }
0x1b0: {  	_ =	swait.ge [sflag:s22], $0x2000  }
0x1b1: {  	[sflag:s22] =	ssyncset.done $0x0  }
0x1b2: {  	s30 =	sor.u32 $0x5280, s0;
	[sflag:s22] =	ssyncadd.s32 $0xFFFFE000  }
0x1b3: {  	[spmem:s3] =	stream.indirect.scatter.add.f32 [tilespmem:s20], [sflag:$0x4], $0x40, s30, s18, $0xb8;
	[tilespmem:$0x1D900] =	vst v63  }
0x1b4: {  	_ =	swait.ge [sflag:s23], $0x2000  }
0x1b5: {  	[sflag:s23] =	ssyncset.done $0x0  }
0x1b6: {  	s31 =	sadd.s32 $0x200, s1;
	[sflag:s23] =	ssyncadd.s32 $0xFFFFE000  }
0x1b7: {  	[tilespmem:s19], [sflag:$0x1] =	stream.indirect.gather [spmem:s2], $0x40, s31, s18, $0xb8;
	[tilespmem:$0x1D900] =	vst v63  }
0x1b8: {  	_ =	swait.ge [sflag:s24], $0x2000  }
0x1b9: {  	[sflag:s24] =	ssyncset.done $0x0  }
0x1ba: {  	s28 =	sadd.s32 $0x280, s1;
	[sflag:s24] =	ssyncadd.s32 $0xFFFFE000  }
0x1bb: {  	[tilespmem:s20], [sflag:$0x2] =	stream.indirect.gather [spmem:s2], $0x40, s28, s18, $0xb8;
	[tilespmem:$0x1D900] =	vst v63  }
0x1bc: {  	_ =	swait.ge [sflag:s21], $0x2000  }
0x1bd: {  	[sflag:s21] =	ssyncset.done $0x0  }
0x1be: {  	s29 =	sor.u32 $0x5300, s0;
	[sflag:s21] =	ssyncadd.s32 $0xFFFFE000  }
0x1bf: {  	[spmem:s3] =	stream.indirect.scatter.add.f32 [tilespmem:s19], [sflag:$0x3], $0x40, s29, s18, $0xb8;
	[tilespmem:$0x1D900] =	vst v63  }
0x1c0: {  	_ =	swait.ge [sflag:s22], $0x2000  }
0x1c1: {  	[sflag:s22] =	ssyncset.done $0x0  }
0x1c2: {  	s30 =	sor.u32 $0x5380, s0;
	[sflag:s22] =	ssyncadd.s32 $0xFFFFE000  }
0x1c3: {  	[spmem:s3] =	stream.indirect.scatter.add.f32 [tilespmem:s20], [sflag:$0x4], $0x40, s30, s18, $0xb8;
	[tilespmem:$0x1D900] =	vst v63  }
0x1c4: {  	_ =	swait.ge [sflag:s23], $0x2000  }
0x1c5: {  	[sflag:s23] =	ssyncset.done $0x0  }
0x1c6: {  	s31 =	sadd.s32 $0x300, s1;
	[sflag:s23] =	ssyncadd.s32 $0xFFFFE000  }
0x1c7: {  	[tilespmem:s19], [sflag:$0x1] =	stream.indirect.gather [spmem:s2], $0x40, s31, s18, $0xb8;
	[tilespmem:$0x1D900] =	vst v63  }
0x1c8: {  	_ =	swait.ge [sflag:s24], $0x2000  }
0x1c9: {  	[sflag:s24] =	ssyncset.done $0x0  }
0x1ca: {  	s28 =	sadd.s32 $0x380, s1;
	[sflag:s24] =	ssyncadd.s32 $0xFFFFE000  }
0x1cb: {  	[tilespmem:s20], [sflag:$0x2] =	stream.indirect.gather [spmem:s2], $0x40, s28, s18, $0xb8;
	[tilespmem:$0x1D900] =	vst v63  }
0x1cc: {  	_ =	swait.ge [sflag:s21], $0x2000  }
0x1cd: {  	[sflag:s21] =	ssyncset.done $0x0  }
0x1ce: {  	s29 =	sadd.s32 $0x5400, s0;
	[sflag:s21] =	ssyncadd.s32 $0xFFFFE000  }
0x1cf: {  	[spmem:s3] =	stream.indirect.scatter.add.f32 [tilespmem:s19], [sflag:$0x3], $0x40, s29, s18, $0xb8;
	[tilespmem:$0x1D900] =	vst v63  }
0x1d0: {  	_ =	swait.ge [sflag:s22], $0x2000  }
0x1d1: {  	[sflag:s22] =	ssyncset.done $0x0  }
0x1d2: {  	s0 =	sadd.s32 $0x5480, s0;
	[sflag:s22] =	ssyncadd.s32 $0xFFFFE000  }
0x1d3: {  	[spmem:s3] =	stream.indirect.scatter.add.f32 [tilespmem:s20], [sflag:$0x4], $0x40, s0, s18, $0xb8;
	[tilespmem:$0x1D900] =	vst v63  }
0x1d4: {  	_ =	swait.ge [sflag:s23], $0x2000  }
0x1d5: {  	[sflag:s23] =	ssyncset.done $0x0  }
0x1d6: {  	s30 =	sadd.s32 $0x400, s1;
	[sflag:s23] =	ssyncadd.s32 $0xFFFFE000  }
0x1d7: {  	[tilespmem:s19], [sflag:$0x1] =	stream.indirect.gather [spmem:s2], $0x40, s30, s18, $0xb8;
	[tilespmem:$0x1D900] =	vst v63  }
0x1d8: {  	_ =	swait.ge [sflag:s24], $0x2000  }
0x1d9: {  	[sflag:s24] =	ssyncset.done $0x0  }
0x1da: {  	s31 =	sadd.s32 $0x480, s1;
	[sflag:s24] =	ssyncadd.s32 $0xFFFFE000  }
0x1db: {  	[tilespmem:s20], [sflag:$0x2] =	stream.indirect.gather [spmem:s2], $0x40, s31, s18, $0xb8;
	[tilespmem:$0x1D900] =	vst v63  }
0x1dc: {  	_ =	swait.ge [sflag:s25], $0x400  }
0x1dd: {  	[sflag:s25] =	ssyncset.done $0x0  }
0x1de: {  	[sflag:s25] =	ssyncadd.s32 $0xFFFFFC00  }
0x1df: {  	_ =	swait.ge [sflag:s21], $0x2000  }
0x1e0: {  	[sflag:s21] =	ssyncset.done $0x0  }
0x1e1: {  	[sflag:s21] =	ssyncadd.s32 $0xFFFFE000  }
0x1e2: {  	_ =	swait.ge [sflag:s22], $0x2000  }
0x1e3: {  	s26 =	sadd.s32 $0x1, s26;
	[sflag:s22] =	ssyncset.done $0x0  }
0x1e4: {  	p0 =	sne.s32 s26, s11;
	[sflag:s22] =	ssyncadd.s32 $0xFFFFE000  }
.Ltmp2:
0x1e5: {  	[bflag:$0x0] =	sbarrier.arrive $0xFFFF;
	(pc) =	sbr.rel @p0 .LBB2_1-.Ltmp2, $4  }
0x1e6: {  	[hbm:s10], [sflag:s15] =	dma.local [spmem:s17], $0x1400  }
0x1e7: {  	_ =	swait.ge [sflag:s13], $0x1400  }
0x1e8: {  	[sflag:s13] =	ssyncset.done $0x0  }
0x1e9: {  	[sflag:s13] =	ssyncadd.s32 $0xFFFFEC00  }
0x1ea: {  	_ =	sfence.sel $0x180000  }
0x1eb: {  	[bflag:$0x0] =	sbarrier.arrive $0xFFFF  }
0x1ec: {  	_ =	strace $0x9000004A  }
0x1ed: {  	s0 =	stileid.u32;
	[bflag:$0x2] =	sbarrier.arrive $0xFFFF  }
0x1ee: {  	p0 =	sne.s32 s0, $0x0;
	s0 =	rddreg [dreg:$0x3]  }
0x1ef: {  	s0 =	sadd.s32 @!p0 $0x100000, s0  }
0x1f0: {  	[sflag:s0] =	ssyncadd.tile.s32 @!p0 $0x1;
	_ =	shalt  }
.Lfunc_end2:
_tile_overlayer_lowered:
.L_overlay_start_2:
0x1f1: {  	(tag) =	ssettag $0x2  }
0x1f2: {  	s0 =	rddreg [dreg:$0x0];
	s2 =	stileid.u32  }
0x1f3: {  	s1 =	rddreg [dreg:$0x1];
	p0 =	sne.s32 s2, $0x0  }
0x1f4: {  	s3 =	rddreg [dreg:$0x2];
	[bflag:$0x3] =	sbarrier.arrive $0xFFFF;
	s2 =	simm.s32 @!p0 $0x1C06  }
0x1f5: {  	[timem:s3], [sflag:s2] =	dma.local @!p0 [hbm:s0], s1  }
0x1f6: {  	s0 =	simm.s32 @!p0 $0x6  }
0x1f7: {  	_ =	swait.ge @!p0 [sflag:s0], s1  }
0x1f8: {  	s1 =	ssub.s32 @!p0 $0x0, s1;
	[sflag:s0] =	ssyncset.done @!p0 $0x0  }
0x1f9: {  	[sflag:s0] =	ssyncadd.s32 @!p0 s1  }
0x1fa: {  	[bflag:$0x3] =	sbarrier.arrive $0xFFFF  }
0x1fb: {  	_ =	shalt  }

// kernel: kernel.14.cloned.1.call-start
scs
__scs_entry_jumppad:
0x0: {  	(pc) =	sbr.rel $0x88, $3  }
0x1: {  	(tag) =	ssettag $0x0;
	lr =	simm.s32 $0x1  }
0x2: {  	[smem:$0x3F99] =	sst lr;
	_ =	strace $0xD0000000  }
0x3: {  	_ = 	snop  }
0x4: {  	_ = 	snop  }
0x5: {  	_ = 	snop  }
0x6: {  	_ = 	snop  }
0x7: {  	_ = 	snop  }
__scs_overlays_trampoline_lowered:
0x8: {  	[smem:$0x3FA8] =	sst s0  }
0x9: {  	[smem:$0x3FA9] =	sst s1  }
0xa: {  	[smem:$0x3FAA] =	sst s2  }
0xb: {  	[smem:$0x3FAB] =	sst s3  }
0xc: {  	[smem:$0x3FAC] =	sst s4  }
0xd: {  	[smem:$0x3FAD] =	sst s5  }
0xe: {  	[smem:$0x3FAE] =	sst s6  }
0xf: {  	[smem:$0x3FAF] =	sst s7  }
0x10: {  	[smem:$0x3FB0] =	sst s8  }
0x11: {  	[smem:$0x3FB1] =	sst s9;
	s0 =	simm.s32 @!p0 $0x0  }
0x12: {  	s1 =	sld [smem:$0x3F97];
	s0 =	simm.s32 @p0 $0x1  }
0x13: {  	[smem:$0x3FB2] =	sst s0;
	s0 =	simm.s32 @!p1 $0x0  }
0x14: {  	s2 =	sld [smem:$0x3F96];
	s0 =	simm.s32 @p1 $0x1  }
0x15: {  	[smem:$0x3FB3] =	sst s0;
	s0 =	simm.s32 @!p2 $0x0  }
0x16: {  	s3 =	sld [smem:$0x3FDB];
	s0 =	simm.s32 @p2 $0x1  }
0x17: {  	s4 =	simm.s32 $0x1BF5;
	[smem:$0x3FB5] =	sst s0  }
0x18: {  	s0 =	sld [smem:$0x3F98];
	_ =	swait.ge [sflag:s4], $0x0  }
0x19: {  	s7 =	sld [smem:$0x3F99]  }
0x1a: {  	s8 =	sadd.s32 $0xFFFFE003, lr  }
0x1b: {  	s9 =	sadd.s32 $0xFFFFFEF7, lr;
	s5 =	simm.s32 $0xFFFFFFFF;
	p2 =	slt.u32 s8, $0xFFFFF086  }
0x1c: {  	p1 =	slt.u32 s9, $0xF7A;
	s5 =	simm.s32 @!p2 $0x0  }
0x1d: {  	s5 =	simm.s32 @p1 $0x1;
	p0 =	seq.s32 s7, s2  }
0x1e: {  	s7 =	smul.u32 @!p0 $0xF7A, s2;
	p2 =	seq.s32 @!p0 s5, $0x0  }
0x1f: {  	s9 =	smul.u32 $0xF7A, s1;
	s8 =	simm.s32 @!p0 $0x1BF5;
	p2 =	por !p2, p0  }
0x20: {  	[sflag:s8] =	ssyncset.s32 @!p0 $0xFFFFF086;
	s6 =	sadd.s32 @!p0 s3, s7;
	s7 =	simm.s32 @!p0 $0x108  }
0x21: {  	s3 =	sadd.s32 s3, s9;
	s6 =	sadd.s32 @!p0 $0x88, s6;
	s7 =	simm.s32 @p2 $0x1082  }
0x22: {  	[simem:s7], [sflag:s8] =	dma.local @!p0 [hbm:s6], $0xF7A  }
0x23: {  	s9 =	sor.u32 $0xD0000000, s2;
	s6 =	simm.s32 $0x108;
	_ =	swait.ge @!p0 [sflag:s8], $0x0  }
0x24: {  	s3 =	sadd.s32 $0x88, s3;
	s6 =	simm.s32 @!p1 $0x1082;
	[sflag:s4] =	ssyncset.s32 $0xFFFFF086  }
0x25: {  	[simem:s6], [sflag:s4] =	dma.local [hbm:s3], $0xF7A  }
0x26: {  	[smem:$0x3F99] =	sst s1;
	(tag) =	ssettag s2;
	_ =	strace s9  }
0x27: {  	s1 =	sld [smem:$0x3FA9]  }
0x28: {  	s2 =	sld [smem:$0x3FAA]  }
0x29: {  	s4 =	sld [smem:$0x3FAC]  }
0x2a: {  	p0 =	seq.s32 s5, $0x0;
	s5 =	sld [smem:$0x3FAD]  }
0x2b: {  	s6 =	sld [smem:$0x3FAE]  }
0x2c: {  	s7 =	sld [smem:$0x3FAF]  }
0x2d: {  	s3 =	simm.s32 $0x108;
	s8 =	sld [smem:$0x3FB0]  }
0x2e: {  	s3 =	simm.s32 @!p0 $0x1082;
	s9 =	sld [smem:$0x3FB1]  }
0x2f: {  	lr =	sadd.s32 s0, s3;
	s0 =	sld [smem:$0x3FA8]  }
0x30: {  	s3 =	sld [smem:$0x3FAB]  }
0x31: {  	[smem:$0x3FB4] =	sst s10  }
0x32: {  	s10 =	sld [smem:$0x3FB2];
	_ =	sdelay $0x3  }
0x33: {  	p0 =	seq.s32 s10, $0x1;
	s10 =	sld [smem:$0x3FB4];
	_ =	sdelay $0x3  }
0x34: {  	[smem:$0x3FB4] =	sst s10  }
0x35: {  	s10 =	sld [smem:$0x3FB3];
	_ =	sdelay $0x3  }
0x36: {  	p1 =	seq.s32 s10, $0x1;
	s10 =	sld [smem:$0x3FB4];
	_ =	sdelay $0x3  }
0x37: {  	[smem:$0x3FB4] =	sst s10  }
0x38: {  	s10 =	sld [smem:$0x3FB5]  }
0x39: {  	_ = 	snop;
	(pc) =	sbr.ind lr, $3  }
0x3a: {  	_ = 	snop  }
0x3b: {  	_ = 	snop  }
0x3c: {  	p2 =	seq.s32 s10, $0x1;
	s10 =	sld [smem:$0x3FB4]  }
0x3d: {  	_ =	shalt  }
0x3e: {  	_ =	shalt  }
0x3f: {  	_ =	shalt  }
0x40: {  	_ =	shalt  }
0x41: {  	_ =	shalt  }
0x42: {  	_ =	shalt  }
0x43: {  	_ =	shalt  }
0x44: {  	_ =	shalt  }
0x45: {  	_ =	shalt  }
0x46: {  	_ =	shalt  }
0x47: {  	_ =	shalt  }
0x48: {  	_ =	shalt  }
0x49: {  	_ =	shalt  }
0x4a: {  	_ =	shalt  }
0x4b: {  	_ =	shalt  }
0x4c: {  	_ =	shalt  }
0x4d: {  	_ =	shalt  }
0x4e: {  	_ =	shalt  }
0x4f: {  	_ =	shalt  }
0x50: {  	_ =	shalt  }
0x51: {  	_ =	shalt  }
0x52: {  	_ =	shalt  }
0x53: {  	_ =	shalt  }
0x54: {  	_ =	shalt  }
0x55: {  	_ =	shalt  }
0x56: {  	_ =	shalt  }
0x57: {  	_ =	shalt  }
0x58: {  	_ =	shalt  }
0x59: {  	_ =	shalt  }
0x5a: {  	_ =	shalt  }
0x5b: {  	_ =	shalt  }
0x5c: {  	_ =	shalt  }
0x5d: {  	_ =	shalt  }
0x5e: {  	_ =	shalt  }
0x5f: {  	_ =	shalt  }
0x60: {  	_ =	shalt  }
0x61: {  	_ =	shalt  }
0x62: {  	_ =	shalt  }
0x63: {  	_ =	shalt  }
0x64: {  	_ =	shalt  }
0x65: {  	_ =	shalt  }
0x66: {  	_ =	shalt  }
0x67: {  	_ =	shalt  }
0x68: {  	_ =	shalt  }
0x69: {  	_ =	shalt  }
0x6a: {  	_ =	shalt  }
0x6b: {  	_ =	shalt  }
0x6c: {  	_ =	shalt  }
0x6d: {  	_ =	shalt  }
0x6e: {  	_ =	shalt  }
0x6f: {  	_ =	shalt  }
0x70: {  	_ =	shalt  }
0x71: {  	_ =	shalt  }
0x72: {  	_ =	shalt  }
0x73: {  	_ =	shalt  }
0x74: {  	_ =	shalt  }
0x75: {  	_ =	shalt  }
0x76: {  	_ =	shalt  }
0x77: {  	_ =	shalt  }
0x78: {  	_ =	shalt  }
0x79: {  	_ =	shalt  }
0x7a: {  	_ =	shalt  }
0x7b: {  	_ =	shalt  }
0x7c: {  	_ =	shalt  }
0x7d: {  	_ =	shalt  }
0x7e: {  	_ =	shalt  }
0x7f: {  	_ =	shalt  }
0x80: {  	_ =	shalt  }
0x81: {  	_ =	shalt  }
0x82: {  	_ =	shalt  }
0x83: {  	_ =	shalt  }
0x84: {  	_ =	shalt  }
0x85: {  	_ =	shalt  }
0x86: {  	_ =	shalt  }
0x87: {  	_ =	shalt  }
.Lfunc_end0:
.L_simem_size_0:
called_computation.2_lowered:
.L_overlay_start_0:
0x88: {  	s2 =	sld [smem:$0x3FD9]  }
0x89: {  	s3 =	sld [smem:$0x3FFE];
	_ =	sdelay $0x1  }
0x8a: {  	s1 =	srdreg.scid  }
0x8b: {  	s0 =	sand.u32 $0x1, s1  }
0x8c: {  	s16 =	sshll.u32 s0, $0xA;
	s2 =	sadd.s32 s3, s2  }
0x8d: {  	s2 =	sadd.s32 s2, s16  }
0x8e: {  	[smem:$0x3FC0] =	sst s2  }
0x8f: {  	_ = 	snop  }
0x90: {  	(tm) =	ssettm $0x1  }
0x91: {  	s17 =	sld [smem:$0x3FFB];
	_ =	sdelay $0x3  }
0x92: {  	_ =	strace s17  }
0x93: {  	s2 =	sld [smem:$0x3FFC];
	_ =	sdelay $0x3  }
0x94: {  	_ =	strace s2  }
0x95: {  	s2 =	sld [smem:$0x3FFD];
	_ =	sdelay $0x3  }
0x96: {  	_ =	strace s2  }
0x97: {  	_ =	strace $0x8FFFFFFF  }
0x98: {  	s18 =	sld [smem:$0x3FDB];
	_ =	sdelay $0x1  }
0x99: {  	s19 =	simm.s32 $_scs_section_size  }
0x9a: {  	s4 =	simm.s32 $_size__tile_overlayer_lowered;
	s5 =	simm.s32 $_tile_overlayer_lowered  }
0x9b: {  	s22 =	simm.s32 $0x1BFF;
	s21 =	sshll.u32 s5, $0x1;
	s2 =	sadd.s32 s19, s18  }
0x9c: {  	s6 =	simm.s32 $0x0;
	s20 =	sshll.u32 s4, $0x1;
	s4 =	sadd.s32 s21, s2  }
0x9d: {  	[timem:s6], [sflag:s22] =	dma.local [hbm:s4], s20  }
0x9e: {  	_ =	swait.ge [sflag:s22], s20  }
0x9f: {  	s3 =	ssub.s32 $0x0, s20;
	[sflag:s22] =	ssyncset.done $0x0  }
0xa0: {  	[sflag:s22] =	ssyncadd.s32 s3;
	_ =	sdelay $0x1  }
0xa1: {  	s23 =	simm.s32 $0x1B8B  }
0xa2: {  	_ =	swait.ge [sflag:s23], $0x1  }
0xa3: {  	[sflag:s23] =	ssyncset.done $0x0  }
0xa4: {  	s25 =	simm.s32 $0x1B8E;
	s24 =	sld [smem:$0x3FFE];
	[sflag:s23] =	ssyncadd.s32 $0xFFFFFFFF  }
0xa5: {  	s26 =	simm.s32 $execute0_lowered;
	[smem:$0x3FD2] =	sst s25  }
0xa6: {  	s4 =	sshll.u32 s26, $0x1;
	_ =	strace $0x8000004C;
	[dreg:$0x1] =	wrdreg $0xFFFFFFFF  }
0xa7: {  	s28 =	simm.s32 $_size_execute0_lowered;
	s2 =	sadd.s32 s2, s4;
	[dreg:$0x0] =	wrdreg $0x0  }
0xa8: {  	s4 =	sshll.u32 s28, $0x1;
	[dreg:$0x2] =	wrdreg s2  }
0xa9: {  	[dreg:$0x3] =	wrdreg s4  }
0xaa: {  	[dreg:$0x4] =	wrdreg $0xC0  }
0xab: {  	_ =	task [dreg:s6], $0x5FFFF  }
0xac: {  	[dreg:$0x1] =	wrdreg $0xFFFFFFFF  }
0xad: {  	[dreg:$0x0] =	wrdreg $0x60  }
0xae: {  	[dreg:$0x2] =	wrdreg s24  }
0xaf: {  	[dreg:$0x3] =	wrdreg $0x99000  }
0xb0: {  	[dreg:$0x4] =	wrdreg $0x139000  }
0xb1: {  	[dreg:$0x5] =	wrdreg $0x9  }
0xb2: {  	_ =	task.clear_ibuf [dreg:s6], $0x6FFFF;
	_ =	strace $0x9000004C  }
0xb3: {  	s29 =	simm.s32 $0x9;
	_ =	strace $0x8000004E  }
0xb4: {  	_ =	swait.ge [sflag:s29], $0x1  }
0xb5: {  	[sflag:s29] =	ssyncadd.s32 $0xFFFFFFFF  }
0xb6: {  	_ =	strace $0x9000004E  }
0xb7: {  	_ =	sfence  }
0xb8: {  	s30 =	sld [smem:$0x0];
	_ =	sdelay $0x2  }
0xb9: {  	s31 =	sshll.u32 s1, $0xD;
	s1 =	sshrl.u32 s1, $0x2  }
0xba: {  	s3 =	sand.u32 $0x4000, s31;
	s1 =	sadd.s32 s1, s30  }
0xbb: {  	s0 =	sor.u32 s3, s0;
	s1 =	sshll.u32 s1, $0x11  }
0xbc: {  	s0 =	sor.u32 s1, s0  }
0xbd: {  	s0 =	sadd.s32 $0x8F2B, s0  }
0xbe: {  	[sflag:s0] =	ssyncadd.remote.s32 $0x1  }
0xbf: {  	_ =	sfence.sel $0xFFFF  }
0xc0: {  	[dreg:$0x0] =	wrdreg $0xFFFFFFFF;
	(pc) =	sbr.abs _section_cstart, $3  }
0xc1: {  	[dreg:$0x1] =	wrdreg $0xFFFFFFFF  }
0xc2: {  	_ =	task.clear_ibuf [dreg:s6], $0x2FFFF;
	_ =	strace $0x9FFFFFFF  }
0xc3: {  	(tm) =	ssettm $0x7FFFFFFF  }
tec
execute0_lowered:
.L_overlay_start_1:
0x0: {  	(tag) =	ssettag $0x1  }
0x1: {  	s0 =	rddreg [dreg:$0x0]  }
0x2: {  	s15 =	stileid.u32;
	s2 =	rddreg [dreg:$0x1]  }
0x3: {  	s1 =	srdreg.scid;
	s3 =	rddreg [dreg:$0x2];
	s4 =	simm.s32 $0x0  }
0x4: {  	s13 =	simm.s32 $0x6;
	s14 =	simm.s32 $0x5100;
	s18 =	simm.s32 $0x80  }
0x5: {  	s19 =	simm.s32 $0x5900;
	s20 =	simm.s32 $0x7900;
	s5 =	smul.u32 $0xA20, s15  }
0x6: {  	s21 =	simm.s32 $0x1;
	s22 =	simm.s32 $0x2;
	s7 =	smul.u32 $0x280, s15  }
0x7: {  	s23 =	simm.s32 $0x3;
	s24 =	simm.s32 $0x4;
	s28 =	smul.u32 $0x5400, s15  }
0x8: {  	s25 =	simm.s32 $0x5;
	s26 =	simm.s32 $0x0;
	s8 =	smul.u32 $0xA000, s15  }
0x9: {  	s1 =	sand.u32 $0x1, s1;
	[smem:$0x7FF] =	sst s4;
	s11 =	smul.u32 $0xA80, s15  }
0xa: {  	s10 =	sadd.s32 $0x2800, s0;
	s31 =	sshll.u32 s15, $0x6;
	s6 =	smul.u32 $0x2800, s1  }
0xb: {  	_ =	strace $0x8000004D;
	s1 =	ssub.s32 $0x2, s1;
	s15 =	sor.u32 $0x1C06, s31  }
0xc: {  	s5 =	sadd.s32 s5, s0;
	s29 =	sshrl.u32 s1, $0x1;
	s30 =	sshrl.u32 s28, $0x3  }
0xd: {  	s16 =	sadd.s32 s8, s2;
	s17 =	sadd.s32 s8, s3;
	s12 =	sadd.s32 s11, s10  }
0xe: {  	s6 =	sadd.s32 s7, s6;
	s1 =	ssub.s32 s1, s29;
	s5 =	sadd.s32 $0x17200, s5  }
0xf: {  	s12 =	sadd.s32 $0x80, s12;
	s16 =	sshrl.u32 s16, $0x3;
	s6 =	sshll.u32 s6, $0x3  }
0x10: {  	s17 =	sshrl.u32 s17, $0x3;
	[dreg:$0x4] =	wrdreg s5;
	s0 =	sadd.s32 s6, s0  }
0x11: {  	s11 =	smax.u32 s1, $0x1;
	s6 =	sadd.s32 s10, s30;
	s7 =	sadd.s32 $0x99400, s0  }
0x12: {  	s8 =	sadd.s32 $0xE9400, s0;
	s9 =	sadd.s32 $0x71400, s0;
	s10 =	sadd.s32 $0xC1400, s0  }
.LBB2_1:
0x13: {  	s0 =	rddreg [dreg:$0x4]  }
0x14: {  	[tilespmem:s4], [sflag:$0x6] =	stream.linear.gather [hbm4b:s0+s4], $0x5100, $0x38;
	[tilespmem:$0x1D900] =	vst v63  }
0x15: {  	_ =	swait.ge [sflag:s13], $0x5100  }
0x16: {  	[sflag:s13] =	ssyncset.done $0x0  }
0x17: {  	[sflag:s13] =	ssyncadd.s32 $0xFFFFAF00  }
0x18: {  	[tilespmem:s14], [sflag:$0x6] =	stream.linear.gather [hbm4b:s6+s4], $0x400, $0x38;
	[tilespmem:$0x1D900] =	vst v63  }
0x19: {  	_ =	swait.ge [sflag:s13], $0x400  }
0x1a: {  	[sflag:s13] =	ssyncset.done $0x0  }
0x1b: {  	[sflag:s13] =	ssyncadd.s32 $0xFFFFFC00  }
0x1c: {  	[spmem:s16], [sflag:s15] =	dma.local [hbm:s7], $0x1400  }
0x1d: {  	_ =	swait.ge [sflag:s13], $0x1400  }
0x1e: {  	[sflag:s13] =	ssyncset.done $0x0  }
0x1f: {  	[sflag:s13] =	ssyncadd.s32 $0xFFFFEC00  }
0x20: {  	[spmem:s17], [sflag:s15] =	dma.local [hbm:s7], $0x1400  }
0x21: {  	_ =	swait.ge [sflag:s13], $0x1400  }
0x22: {  	[sflag:s13] =	ssyncset.done $0x0  }
0x23: {  	[sflag:s13] =	ssyncadd.s32 $0xFFFFEC00  }
0x24: {  	s5 =	simm.s32 $0x400;
	[bflag:$0x0] =	sbarrier.arrive $0xFFFF  }
0x25: {  	[tilespmem:s19], [sflag:$0x1] =	stream.indirect.gather [spmem:s2], $0x40, s4, s18, $0xb8;
	[tilespmem:$0x1D900] =	vst v63  }
0x26: {  	s0 =	sand.u32 $0x400, s5  }
0x27: {  	[tilespmem:s20], [sflag:$0x2] =	stream.indirect.gather [spmem:s2], $0x40, s18, s18, $0xb8;
	[tilespmem:$0x1D900] =	vst v63  }
0x28: {  	s0 =	sor.u32 $0x5100, s0  }
0x29: {  	[tilespmem:s0], [sflag:$0x5] =	stream.linear.gather [hbm4b:s12+s4], $0x400, $0x38;
	[tilespmem:$0x1D900] =	vst v63  }
0x2a: {  	s1 =	simm.s32 $0x0;
	_ =	swait.ge [sflag:s21], $0x2000  }
0x2b: {  	s0 =	sand.u32 $0x400, s1;
	[sflag:s21] =	ssyncset.done $0x0  }
0x2c: {  	s1 =	sor.u32 $0x5100, s0;
	[sflag:s21] =	ssyncadd.s32 $0xFFFFE000  }
0x2d: {  	[spmem:s3] =	stream.indirect.scatter.add.f32 [tilespmem:s19], [sflag:$0x3], $0x40, s1, s18, $0xb8;
	[tilespmem:$0x1D900] =	vst v63  }
0x2e: {  	_ =	swait.ge [sflag:s22], $0x2000  }
0x2f: {  	[sflag:s22] =	ssyncset.done $0x0  }
0x30: {  	s5 =	sor.u32 $0x5180, s0;
	[sflag:s22] =	ssyncadd.s32 $0xFFFFE000  }
0x31: {  	[spmem:s3] =	stream.indirect.scatter.add.f32 [tilespmem:s20], [sflag:$0x4], $0x40, s5, s18, $0xb8;
	[tilespmem:$0x1D900] =	vst v63  }
0x32: {  	_ =	swait.ge [sflag:s23], $0x2000  }
0x33: {  	[sflag:s23] =	ssyncset.done $0x0  }
0x34: {  	s5 =	simm.s32 $0x100;
	[sflag:s23] =	ssyncadd.s32 $0xFFFFE000  }
0x35: {  	[tilespmem:s19], [sflag:$0x1] =	stream.indirect.gather [spmem:s2], $0x40, s5, s18, $0xb8;
	[tilespmem:$0x1D900] =	vst v63  }
0x36: {  	_ =	swait.ge [sflag:s24], $0x2000  }
0x37: {  	[sflag:s24] =	ssyncset.done $0x0  }
0x38: {  	s5 =	simm.s32 $0x180;
	[sflag:s24] =	ssyncadd.s32 $0xFFFFE000  }
0x39: {  	[tilespmem:s20], [sflag:$0x2] =	stream.indirect.gather [spmem:s2], $0x40, s5, s18, $0xb8;
	[tilespmem:$0x1D900] =	vst v63  }
0x3a: {  	_ =	swait.ge [sflag:s21], $0x2000  }
0x3b: {  	[sflag:s21] =	ssyncset.done $0x0  }
0x3c: {  	s5 =	sor.u32 $0x5200, s0;
	[sflag:s21] =	ssyncadd.s32 $0xFFFFE000  }
0x3d: {  	[spmem:s3] =	stream.indirect.scatter.add.f32 [tilespmem:s19], [sflag:$0x3], $0x40, s5, s18, $0xb8;
	[tilespmem:$0x1D900] =	vst v63  }
0x3e: {  	_ =	swait.ge [sflag:s22], $0x2000  }
0x3f: {  	[sflag:s22] =	ssyncset.done $0x0  }
0x40: {  	s5 =	sor.u32 $0x5280, s0;
	[sflag:s22] =	ssyncadd.s32 $0xFFFFE000  }
0x41: {  	[spmem:s3] =	stream.indirect.scatter.add.f32 [tilespmem:s20], [sflag:$0x4], $0x40, s5, s18, $0xb8;
	[tilespmem:$0x1D900] =	vst v63  }
0x42: {  	_ =	swait.ge [sflag:s23], $0x2000  }
0x43: {  	[sflag:s23] =	ssyncset.done $0x0  }
0x44: {  	s5 =	simm.s32 $0x200;
	[sflag:s23] =	ssyncadd.s32 $0xFFFFE000  }
0x45: {  	[tilespmem:s19], [sflag:$0x1] =	stream.indirect.gather [spmem:s2], $0x40, s5, s18, $0xb8;
	[tilespmem:$0x1D900] =	vst v63  }
0x46: {  	_ =	swait.ge [sflag:s24], $0x2000  }
0x47: {  	[sflag:s24] =	ssyncset.done $0x0  }
0x48: {  	s5 =	simm.s32 $0x280;
	[sflag:s24] =	ssyncadd.s32 $0xFFFFE000  }
0x49: {  	[tilespmem:s20], [sflag:$0x2] =	stream.indirect.gather [spmem:s2], $0x40, s5, s18, $0xb8;
	[tilespmem:$0x1D900] =	vst v63  }
0x4a: {  	_ =	swait.ge [sflag:s21], $0x2000  }
0x4b: {  	[sflag:s21] =	ssyncset.done $0x0  }
0x4c: {  	s5 =	sor.u32 $0x5300, s0;
	[sflag:s21] =	ssyncadd.s32 $0xFFFFE000  }
0x4d: {  	[spmem:s3] =	stream.indirect.scatter.add.f32 [tilespmem:s19], [sflag:$0x3], $0x40, s5, s18, $0xb8;
	[tilespmem:$0x1D900] =	vst v63  }
0x4e: {  	_ =	swait.ge [sflag:s22], $0x2000  }
0x4f: {  	[sflag:s22] =	ssyncset.done $0x0  }
0x50: {  	s5 =	sor.u32 $0x5380, s0;
	[sflag:s22] =	ssyncadd.s32 $0xFFFFE000  }
0x51: {  	[spmem:s3] =	stream.indirect.scatter.add.f32 [tilespmem:s20], [sflag:$0x4], $0x40, s5, s18, $0xb8;
	[tilespmem:$0x1D900] =	vst v63  }
0x52: {  	_ =	swait.ge [sflag:s23], $0x2000  }
0x53: {  	[sflag:s23] =	ssyncset.done $0x0  }
0x54: {  	s5 =	simm.s32 $0x300;
	[sflag:s23] =	ssyncadd.s32 $0xFFFFE000  }
0x55: {  	[tilespmem:s19], [sflag:$0x1] =	stream.indirect.gather [spmem:s2], $0x40, s5, s18, $0xb8;
	[tilespmem:$0x1D900] =	vst v63  }
0x56: {  	_ =	swait.ge [sflag:s24], $0x2000  }
0x57: {  	[sflag:s24] =	ssyncset.done $0x0  }
0x58: {  	s5 =	simm.s32 $0x380;
	[sflag:s24] =	ssyncadd.s32 $0xFFFFE000  }
0x59: {  	[tilespmem:s20], [sflag:$0x2] =	stream.indirect.gather [spmem:s2], $0x40, s5, s18, $0xb8;
	[tilespmem:$0x1D900] =	vst v63  }
0x5a: {  	_ =	swait.ge [sflag:s21], $0x2000  }
0x5b: {  	[sflag:s21] =	ssyncset.done $0x0  }
0x5c: {  	s5 =	sadd.s32 $0x5400, s0;
	[sflag:s21] =	ssyncadd.s32 $0xFFFFE000  }
0x5d: {  	[spmem:s3] =	stream.indirect.scatter.add.f32 [tilespmem:s19], [sflag:$0x3], $0x40, s5, s18, $0xb8;
	[tilespmem:$0x1D900] =	vst v63  }
0x5e: {  	_ =	swait.ge [sflag:s22], $0x2000  }
0x5f: {  	[sflag:s22] =	ssyncset.done $0x0  }
0x60: {  	s0 =	sadd.s32 $0x5480, s0;
	[sflag:s22] =	ssyncadd.s32 $0xFFFFE000  }
0x61: {  	[spmem:s3] =	stream.indirect.scatter.add.f32 [tilespmem:s20], [sflag:$0x4], $0x40, s0, s18, $0xb8;
	[tilespmem:$0x1D900] =	vst v63  }
0x62: {  	_ =	swait.ge [sflag:s23], $0x2000  }
0x63: {  	[sflag:s23] =	ssyncset.done $0x0  }
0x64: {  	s1 =	simm.s32 $0x400;
	[sflag:s23] =	ssyncadd.s32 $0xFFFFE000  }
0x65: {  	[tilespmem:s19], [sflag:$0x1] =	stream.indirect.gather [spmem:s2], $0x40, s1, s18, $0xb8;
	[tilespmem:$0x1D900] =	vst v63  }
0x66: {  	_ =	swait.ge [sflag:s24], $0x2000  }
0x67: {  	[sflag:s24] =	ssyncset.done $0x0  }
0x68: {  	s28 =	simm.s32 $0x1000;
	s5 =	simm.s32 $0x480;
	[sflag:s24] =	ssyncadd.s32 $0xFFFFE000  }
0x69: {  	[tilespmem:s20], [sflag:$0x2] =	stream.indirect.gather [spmem:s2], $0x40, s5, s18, $0xb8;
	[tilespmem:$0x1D900] =	vst v63  }
0x6a: {  	s29 =	simm.s32 $0x800;
	s31 =	simm.s32 $0x2000;
	_ =	swait.ge [sflag:s25], $0x400  }
0x6b: {  	s30 =	smov.u32 s12;
	s0 =	sand.u32 $0x400, s29;
	[sflag:s25] =	ssyncset.done $0x0  }
.LBB2_2:
0x6c: {  	s0 =	sor.u32 $0x5100, s0  }
0x6d: {  	[sflag:s25] =	ssyncadd.s32 $0xFFFFFC00;
	s30 =	sadd.s32 $0x80, s30;
	s5 =	smov.u32 s31  }
0x6e: {  	[tilespmem:s0], [sflag:$0x5] =	stream.linear.gather [hbm4b:s30+s4], $0x400, $0x38;
	[tilespmem:$0x1D900] =	vst v63  }
0x6f: {  	p0 =	sne.s32 s31, $0x13000;
	s0 =	sshrl.u32 s28, $0x2;
	_ =	swait.ge [sflag:s21], $0x2000  }
0x70: {  	s31 =	sadd.s32 $0x1000, s31;
	s1 =	sand.u32 $0x400, s0;
	[sflag:s21] =	ssyncset.done $0x0  }
0x71: {  	s0 =	sor.u32 $0x5100, s1;
	[sflag:s21] =	ssyncadd.s32 $0xFFFFE000  }
0x72: {  	[spmem:s3] =	stream.indirect.scatter.add.f32 [tilespmem:s19], [sflag:$0x3], $0x40, s0, s18, $0xb8;
	[tilespmem:$0x1D900] =	vst v63  }
0x73: {  	_ =	swait.ge [sflag:s22], $0x2000  }
0x74: {  	[sflag:s22] =	ssyncset.done $0x0  }
0x75: {  	s0 =	sor.u32 $0x5180, s1;
	[sflag:s22] =	ssyncadd.s32 $0xFFFFE000  }
0x76: {  	[spmem:s3] =	stream.indirect.scatter.add.f32 [tilespmem:s20], [sflag:$0x4], $0x40, s0, s18, $0xb8;
	[tilespmem:$0x1D900] =	vst v63  }
0x77: {  	_ =	swait.ge [sflag:s23], $0x2000  }
0x78: {  	s0 =	sshra.s32 s28, $0x2;
	s28 =	smov.u32 s5;
	[sflag:s23] =	ssyncset.done $0x0  }
0x79: {  	s5 =	sadd.s32 $0x100, s0;
	[sflag:s23] =	ssyncadd.s32 $0xFFFFE000  }
0x7a: {  	[tilespmem:s19], [sflag:$0x1] =	stream.indirect.gather [spmem:s2], $0x40, s5, s18, $0xb8;
	[tilespmem:$0x1D900] =	vst v63  }
0x7b: {  	_ =	swait.ge [sflag:s24], $0x2000  }
0x7c: {  	[sflag:s24] =	ssyncset.done $0x0  }
0x7d: {  	s5 =	sadd.s32 $0x180, s0;
	[sflag:s24] =	ssyncadd.s32 $0xFFFFE000  }
0x7e: {  	[tilespmem:s20], [sflag:$0x2] =	stream.indirect.gather [spmem:s2], $0x40, s5, s18, $0xb8;
	[tilespmem:$0x1D900] =	vst v63  }
0x7f: {  	_ =	swait.ge [sflag:s21], $0x2000  }
0x80: {  	[sflag:s21] =	ssyncset.done $0x0  }
0x81: {  	s5 =	sor.u32 $0x5200, s1;
	[sflag:s21] =	ssyncadd.s32 $0xFFFFE000  }
0x82: {  	[spmem:s3] =	stream.indirect.scatter.add.f32 [tilespmem:s19], [sflag:$0x3], $0x40, s5, s18, $0xb8;
	[tilespmem:$0x1D900] =	vst v63  }
0x83: {  	_ =	swait.ge [sflag:s22], $0x2000  }
0x84: {  	[sflag:s22] =	ssyncset.done $0x0  }
0x85: {  	s5 =	sor.u32 $0x5280, s1;
	[sflag:s22] =	ssyncadd.s32 $0xFFFFE000  }
0x86: {  	[spmem:s3] =	stream.indirect.scatter.add.f32 [tilespmem:s20], [sflag:$0x4], $0x40, s5, s18, $0xb8;
	[tilespmem:$0x1D900] =	vst v63  }
0x87: {  	_ =	swait.ge [sflag:s23], $0x2000  }
0x88: {  	[sflag:s23] =	ssyncset.done $0x0  }
0x89: {  	s5 =	sadd.s32 $0x200, s0;
	[sflag:s23] =	ssyncadd.s32 $0xFFFFE000  }
0x8a: {  	[tilespmem:s19], [sflag:$0x1] =	stream.indirect.gather [spmem:s2], $0x40, s5, s18, $0xb8;
	[tilespmem:$0x1D900] =	vst v63  }
0x8b: {  	_ =	swait.ge [sflag:s24], $0x2000  }
0x8c: {  	[sflag:s24] =	ssyncset.done $0x0  }
0x8d: {  	s5 =	sadd.s32 $0x280, s0;
	[sflag:s24] =	ssyncadd.s32 $0xFFFFE000  }
0x8e: {  	[tilespmem:s20], [sflag:$0x2] =	stream.indirect.gather [spmem:s2], $0x40, s5, s18, $0xb8;
	[tilespmem:$0x1D900] =	vst v63  }
0x8f: {  	_ =	swait.ge [sflag:s21], $0x2000  }
0x90: {  	[sflag:s21] =	ssyncset.done $0x0  }
0x91: {  	s5 =	sor.u32 $0x5300, s1;
	[sflag:s21] =	ssyncadd.s32 $0xFFFFE000  }
0x92: {  	[spmem:s3] =	stream.indirect.scatter.add.f32 [tilespmem:s19], [sflag:$0x3], $0x40, s5, s18, $0xb8;
	[tilespmem:$0x1D900] =	vst v63  }
0x93: {  	_ =	swait.ge [sflag:s22], $0x2000  }
0x94: {  	[sflag:s22] =	ssyncset.done $0x0  }
0x95: {  	s5 =	sor.u32 $0x5380, s1;
	[sflag:s22] =	ssyncadd.s32 $0xFFFFE000  }
0x96: {  	[spmem:s3] =	stream.indirect.scatter.add.f32 [tilespmem:s20], [sflag:$0x4], $0x40, s5, s18, $0xb8;
	[tilespmem:$0x1D900] =	vst v63  }
0x97: {  	_ =	swait.ge [sflag:s23], $0x2000  }
0x98: {  	[sflag:s23] =	ssyncset.done $0x0  }
0x99: {  	s5 =	sadd.s32 $0x300, s0;
	[sflag:s23] =	ssyncadd.s32 $0xFFFFE000  }
0x9a: {  	[tilespmem:s19], [sflag:$0x1] =	stream.indirect.gather [spmem:s2], $0x40, s5, s18, $0xb8;
	[tilespmem:$0x1D900] =	vst v63  }
0x9b: {  	_ =	swait.ge [sflag:s24], $0x2000  }
0x9c: {  	[sflag:s24] =	ssyncset.done $0x0  }
0x9d: {  	s5 =	sadd.s32 $0x380, s0;
	[sflag:s24] =	ssyncadd.s32 $0xFFFFE000  }
0x9e: {  	[tilespmem:s20], [sflag:$0x2] =	stream.indirect.gather [spmem:s2], $0x40, s5, s18, $0xb8;
	[tilespmem:$0x1D900] =	vst v63  }
0x9f: {  	_ =	swait.ge [sflag:s21], $0x2000  }
0xa0: {  	[sflag:s21] =	ssyncset.done $0x0  }
0xa1: {  	s5 =	sadd.s32 $0x5400, s1;
	[sflag:s21] =	ssyncadd.s32 $0xFFFFE000  }
0xa2: {  	[spmem:s3] =	stream.indirect.scatter.add.f32 [tilespmem:s19], [sflag:$0x3], $0x40, s5, s18, $0xb8;
	[tilespmem:$0x1D900] =	vst v63  }
0xa3: {  	_ =	swait.ge [sflag:s22], $0x2000  }
0xa4: {  	[sflag:s22] =	ssyncset.done $0x0  }
0xa5: {  	s1 =	sadd.s32 $0x5480, s1;
	[sflag:s22] =	ssyncadd.s32 $0xFFFFE000  }
0xa6: {  	[spmem:s3] =	stream.indirect.scatter.add.f32 [tilespmem:s20], [sflag:$0x4], $0x40, s1, s18, $0xb8;
	[tilespmem:$0x1D900] =	vst v63  }
0xa7: {  	_ =	swait.ge [sflag:s23], $0x2000  }
0xa8: {  	[sflag:s23] =	ssyncset.done $0x0  }
0xa9: {  	s1 =	sadd.s32 $0x400, s0;
	[sflag:s23] =	ssyncadd.s32 $0xFFFFE000  }
0xaa: {  	[tilespmem:s19], [sflag:$0x1] =	stream.indirect.gather [spmem:s2], $0x40, s1, s18, $0xb8;
	[tilespmem:$0x1D900] =	vst v63  }
0xab: {  	_ =	swait.ge [sflag:s24], $0x2000  }
.Ltmp0:
0xac: {  	[sflag:s24] =	ssyncset.done $0x0;
	(pc) =	sbr.rel @p0 .LBB2_2-.Ltmp0, $4  }
0xad: {  	s0 =	sadd.s32 $0x480, s0;
	[sflag:s24] =	ssyncadd.s32 $0xFFFFE000  }
0xae: {  	[tilespmem:s20], [sflag:$0x2] =	stream.indirect.gather [spmem:s2], $0x40, s0, s18, $0xb8;
	[tilespmem:$0x1D900] =	vst v63  }
0xaf: {  	s29 =	sadd.s32 $0x400, s29;
	_ =	swait.ge [sflag:s25], $0x400  }
0xb0: {  	s0 =	sand.u32 $0x400, s29;
	[sflag:s25] =	ssyncset.done $0x0  }
0xb1: {  	s0 =	sor.u32 $0x5100, s0;
	[sflag:s25] =	ssyncadd.s32 $0xFFFFFC00;
	s1 =	sadd.s32 $0x80, s30  }
0xb2: {  	[tilespmem:s0], [sflag:$0x5] =	stream.linear.gather [hbm4b:s1+s4], $0x400, $0x38;
	[tilespmem:$0x1D900] =	vst v63  }
0xb3: {  	s1 =	sshrl.u32 s28, $0x2;
	_ =	swait.ge [sflag:s21], $0x2000  }
0xb4: {  	s0 =	sand.u32 $0x400, s1;
	[sflag:s21] =	ssyncset.done $0x0  }
0xb5: {  	s5 =	sor.u32 $0x5100, s0;
	[sflag:s21] =	ssyncadd.s32 $0xFFFFE000  }
0xb6: {  	[spmem:s3] =	stream.indirect.scatter.add.f32 [tilespmem:s19], [sflag:$0x3], $0x40, s5, s18, $0xb8;
	[tilespmem:$0x1D900] =	vst v63  }
0xb7: {  	_ =	swait.ge [sflag:s22], $0x2000  }
0xb8: {  	[sflag:s22] =	ssyncset.done $0x0  }
0xb9: {  	s5 =	sor.u32 $0x5180, s0;
	[sflag:s22] =	ssyncadd.s32 $0xFFFFE000  }
0xba: {  	[spmem:s3] =	stream.indirect.scatter.add.f32 [tilespmem:s20], [sflag:$0x4], $0x40, s5, s18, $0xb8;
	[tilespmem:$0x1D900] =	vst v63  }
0xbb: {  	_ =	swait.ge [sflag:s23], $0x2000  }
0xbc: {  	s1 =	sshra.s32 s28, $0x2;
	[sflag:s23] =	ssyncset.done $0x0  }
0xbd: {  	s5 =	sadd.s32 $0x100, s1;
	[sflag:s23] =	ssyncadd.s32 $0xFFFFE000  }
0xbe: {  	[tilespmem:s19], [sflag:$0x1] =	stream.indirect.gather [spmem:s2], $0x40, s5, s18, $0xb8;
	[tilespmem:$0x1D900] =	vst v63  }
0xbf: {  	_ =	swait.ge [sflag:s24], $0x2000  }
0xc0: {  	[sflag:s24] =	ssyncset.done $0x0  }
0xc1: {  	s5 =	sadd.s32 $0x180, s1;
	[sflag:s24] =	ssyncadd.s32 $0xFFFFE000  }
0xc2: {  	[tilespmem:s20], [sflag:$0x2] =	stream.indirect.gather [spmem:s2], $0x40, s5, s18, $0xb8;
	[tilespmem:$0x1D900] =	vst v63  }
0xc3: {  	_ =	swait.ge [sflag:s21], $0x2000  }
0xc4: {  	[sflag:s21] =	ssyncset.done $0x0  }
0xc5: {  	s5 =	sor.u32 $0x5200, s0;
	[sflag:s21] =	ssyncadd.s32 $0xFFFFE000  }
0xc6: {  	[spmem:s3] =	stream.indirect.scatter.add.f32 [tilespmem:s19], [sflag:$0x3], $0x40, s5, s18, $0xb8;
	[tilespmem:$0x1D900] =	vst v63  }
0xc7: {  	_ =	swait.ge [sflag:s22], $0x2000  }
0xc8: {  	[sflag:s22] =	ssyncset.done $0x0  }
0xc9: {  	s5 =	sor.u32 $0x5280, s0;
	[sflag:s22] =	ssyncadd.s32 $0xFFFFE000  }
0xca: {  	[spmem:s3] =	stream.indirect.scatter.add.f32 [tilespmem:s20], [sflag:$0x4], $0x40, s5, s18, $0xb8;
	[tilespmem:$0x1D900] =	vst v63  }
0xcb: {  	_ =	swait.ge [sflag:s23], $0x2000  }
0xcc: {  	[sflag:s23] =	ssyncset.done $0x0  }
0xcd: {  	s5 =	sadd.s32 $0x200, s1;
	[sflag:s23] =	ssyncadd.s32 $0xFFFFE000  }
0xce: {  	[tilespmem:s19], [sflag:$0x1] =	stream.indirect.gather [spmem:s2], $0x40, s5, s18, $0xb8;
	[tilespmem:$0x1D900] =	vst v63  }
0xcf: {  	_ =	swait.ge [sflag:s24], $0x2000  }
0xd0: {  	[sflag:s24] =	ssyncset.done $0x0  }
0xd1: {  	s5 =	sadd.s32 $0x280, s1;
	[sflag:s24] =	ssyncadd.s32 $0xFFFFE000  }
0xd2: {  	[tilespmem:s20], [sflag:$0x2] =	stream.indirect.gather [spmem:s2], $0x40, s5, s18, $0xb8;
	[tilespmem:$0x1D900] =	vst v63  }
0xd3: {  	_ =	swait.ge [sflag:s21], $0x2000  }
0xd4: {  	[sflag:s21] =	ssyncset.done $0x0  }
0xd5: {  	s5 =	sor.u32 $0x5300, s0;
	[sflag:s21] =	ssyncadd.s32 $0xFFFFE000  }
0xd6: {  	[spmem:s3] =	stream.indirect.scatter.add.f32 [tilespmem:s19], [sflag:$0x3], $0x40, s5, s18, $0xb8;
	[tilespmem:$0x1D900] =	vst v63  }
0xd7: {  	_ =	swait.ge [sflag:s22], $0x2000  }
0xd8: {  	[sflag:s22] =	ssyncset.done $0x0  }
0xd9: {  	s5 =	sor.u32 $0x5380, s0;
	[sflag:s22] =	ssyncadd.s32 $0xFFFFE000  }
0xda: {  	[spmem:s3] =	stream.indirect.scatter.add.f32 [tilespmem:s20], [sflag:$0x4], $0x40, s5, s18, $0xb8;
	[tilespmem:$0x1D900] =	vst v63  }
0xdb: {  	_ =	swait.ge [sflag:s23], $0x2000  }
0xdc: {  	[sflag:s23] =	ssyncset.done $0x0  }
0xdd: {  	s5 =	sadd.s32 $0x300, s1;
	[sflag:s23] =	ssyncadd.s32 $0xFFFFE000  }
0xde: {  	[tilespmem:s19], [sflag:$0x1] =	stream.indirect.gather [spmem:s2], $0x40, s5, s18, $0xb8;
	[tilespmem:$0x1D900] =	vst v63  }
0xdf: {  	_ =	swait.ge [sflag:s24], $0x2000  }
0xe0: {  	[sflag:s24] =	ssyncset.done $0x0  }
0xe1: {  	s5 =	sadd.s32 $0x380, s1;
	[sflag:s24] =	ssyncadd.s32 $0xFFFFE000  }
0xe2: {  	[tilespmem:s20], [sflag:$0x2] =	stream.indirect.gather [spmem:s2], $0x40, s5, s18, $0xb8;
	[tilespmem:$0x1D900] =	vst v63  }
0xe3: {  	_ =	swait.ge [sflag:s21], $0x2000  }
0xe4: {  	[sflag:s21] =	ssyncset.done $0x0  }
0xe5: {  	s5 =	sadd.s32 $0x5400, s0;
	[sflag:s21] =	ssyncadd.s32 $0xFFFFE000  }
0xe6: {  	[spmem:s3] =	stream.indirect.scatter.add.f32 [tilespmem:s19], [sflag:$0x3], $0x40, s5, s18, $0xb8;
	[tilespmem:$0x1D900] =	vst v63  }
0xe7: {  	_ =	swait.ge [sflag:s22], $0x2000  }
0xe8: {  	[sflag:s22] =	ssyncset.done $0x0  }
0xe9: {  	s0 =	sadd.s32 $0x5480, s0;
	[sflag:s22] =	ssyncadd.s32 $0xFFFFE000  }
0xea: {  	[spmem:s3] =	stream.indirect.scatter.add.f32 [tilespmem:s20], [sflag:$0x4], $0x40, s0, s18, $0xb8;
	[tilespmem:$0x1D900] =	vst v63  }
0xeb: {  	_ =	swait.ge [sflag:s23], $0x2000  }
0xec: {  	[sflag:s23] =	ssyncset.done $0x0  }
0xed: {  	s5 =	sadd.s32 $0x400, s1;
	[sflag:s23] =	ssyncadd.s32 $0xFFFFE000  }
0xee: {  	[tilespmem:s19], [sflag:$0x1] =	stream.indirect.gather [spmem:s2], $0x40, s5, s18, $0xb8;
	[tilespmem:$0x1D900] =	vst v63  }
0xef: {  	_ =	swait.ge [sflag:s24], $0x2000  }
0xf0: {  	[sflag:s24] =	ssyncset.done $0x0  }
0xf1: {  	s5 =	sadd.s32 $0x480, s1;
	[sflag:s24] =	ssyncadd.s32 $0xFFFFE000  }
0xf2: {  	[tilespmem:s20], [sflag:$0x2] =	stream.indirect.gather [spmem:s2], $0x40, s5, s18, $0xb8;
	[tilespmem:$0x1D900] =	vst v63  }
0xf3: {  	_ =	swait.ge [sflag:s25], $0x400  }
0xf4: {  	[sflag:s25] =	ssyncset.done $0x0  }
0xf5: {  	[sflag:s25] =	ssyncadd.s32 $0xFFFFFC00  }
0xf6: {  	_ =	swait.ge [sflag:s21], $0x2000  }
0xf7: {  	[sflag:s21] =	ssyncset.done $0x0  }
0xf8: {  	[sflag:s21] =	ssyncadd.s32 $0xFFFFE000  }
0xf9: {  	_ =	swait.ge [sflag:s22], $0x2000  }
0xfa: {  	[sflag:s22] =	ssyncset.done $0x0  }
0xfb: {  	[sflag:s22] =	ssyncadd.s32 $0xFFFFE000  }
0xfc: {  	[bflag:$0x0] =	sbarrier.arrive $0xFFFF  }
0xfd: {  	[hbm:s8], [sflag:s15] =	dma.local [spmem:s17], $0x1400  }
0xfe: {  	_ =	swait.ge [sflag:s13], $0x1400  }
0xff: {  	[sflag:s13] =	ssyncset.done $0x0  }
0x100: {  	s1 =	simm.s32 $0x0;
	[sflag:s13] =	ssyncadd.s32 $0xFFFFEC00  }
0x101: {  	[tilespmem:s14], [sflag:$0x6] =	stream.linear.gather [hbm4b:s6+s1], $0x400, $0x38;
	[tilespmem:$0x1D900] =	vst v63  }
0x102: {  	_ =	swait.ge [sflag:s13], $0x400  }
0x103: {  	[sflag:s13] =	ssyncset.done $0x0  }
0x104: {  	[sflag:s13] =	ssyncadd.s32 $0xFFFFFC00  }
0x105: {  	[spmem:s16], [sflag:s15] =	dma.local [hbm:s9], $0x1400  }
0x106: {  	_ =	swait.ge [sflag:s13], $0x1400  }
0x107: {  	[sflag:s13] =	ssyncset.done $0x0  }
0x108: {  	[sflag:s13] =	ssyncadd.s32 $0xFFFFEC00  }
0x109: {  	[spmem:s17], [sflag:s15] =	dma.local [hbm:s9], $0x1400  }
0x10a: {  	_ =	swait.ge [sflag:s13], $0x1400  }
0x10b: {  	[sflag:s13] =	ssyncset.done $0x0  }
0x10c: {  	[sflag:s13] =	ssyncadd.s32 $0xFFFFEC00  }
0x10d: {  	s5 =	simm.s32 $0x400;
	[bflag:$0x0] =	sbarrier.arrive $0xFFFF  }
0x10e: {  	[tilespmem:s19], [sflag:$0x1] =	stream.indirect.gather [spmem:s2], $0x40, s1, s18, $0xb8;
	[tilespmem:$0x1D900] =	vst v63  }
0x10f: {  	s0 =	sand.u32 $0x400, s5  }
0x110: {  	[tilespmem:s20], [sflag:$0x2] =	stream.indirect.gather [spmem:s2], $0x40, s18, s18, $0xb8;
	[tilespmem:$0x1D900] =	vst v63  }
0x111: {  	s0 =	sor.u32 $0x5100, s0  }
0x112: {  	[tilespmem:s0], [sflag:$0x5] =	stream.linear.gather [hbm4b:s12+s4], $0x400, $0x38;
	[tilespmem:$0x1D900] =	vst v63  }
0x113: {  	s1 =	simm.s32 $0x0;
	_ =	swait.ge [sflag:s21], $0x2000  }
0x114: {  	s0 =	sand.u32 $0x400, s1;
	[sflag:s21] =	ssyncset.done $0x0  }
0x115: {  	s5 =	sor.u32 $0x5100, s0;
	[sflag:s21] =	ssyncadd.s32 $0xFFFFE000  }
0x116: {  	[spmem:s3] =	stream.indirect.scatter.add.f32 [tilespmem:s19], [sflag:$0x3], $0x40, s5, s18, $0xb8;
	[tilespmem:$0x1D900] =	vst v63  }
0x117: {  	_ =	swait.ge [sflag:s22], $0x2000  }
0x118: {  	[sflag:s22] =	ssyncset.done $0x0  }
0x119: {  	s5 =	sor.u32 $0x5180, s0;
	[sflag:s22] =	ssyncadd.s32 $0xFFFFE000  }
0x11a: {  	[spmem:s3] =	stream.indirect.scatter.add.f32 [tilespmem:s20], [sflag:$0x4], $0x40, s5, s18, $0xb8;
	[tilespmem:$0x1D900] =	vst v63  }
0x11b: {  	_ =	swait.ge [sflag:s23], $0x2000  }
0x11c: {  	[sflag:s23] =	ssyncset.done $0x0  }
0x11d: {  	s5 =	simm.s32 $0x100;
	[sflag:s23] =	ssyncadd.s32 $0xFFFFE000  }
0x11e: {  	[tilespmem:s19], [sflag:$0x1] =	stream.indirect.gather [spmem:s2], $0x40, s5, s18, $0xb8;
	[tilespmem:$0x1D900] =	vst v63  }
0x11f: {  	_ =	swait.ge [sflag:s24], $0x2000  }
0x120: {  	[sflag:s24] =	ssyncset.done $0x0  }
0x121: {  	s5 =	simm.s32 $0x180;
	[sflag:s24] =	ssyncadd.s32 $0xFFFFE000  }
0x122: {  	[tilespmem:s20], [sflag:$0x2] =	stream.indirect.gather [spmem:s2], $0x40, s5, s18, $0xb8;
	[tilespmem:$0x1D900] =	vst v63  }
0x123: {  	_ =	swait.ge [sflag:s21], $0x2000  }
0x124: {  	[sflag:s21] =	ssyncset.done $0x0  }
0x125: {  	s5 =	sor.u32 $0x5200, s0;
	[sflag:s21] =	ssyncadd.s32 $0xFFFFE000  }
0x126: {  	[spmem:s3] =	stream.indirect.scatter.add.f32 [tilespmem:s19], [sflag:$0x3], $0x40, s5, s18, $0xb8;
	[tilespmem:$0x1D900] =	vst v63  }
0x127: {  	_ =	swait.ge [sflag:s22], $0x2000  }
0x128: {  	[sflag:s22] =	ssyncset.done $0x0  }
0x129: {  	s5 =	sor.u32 $0x5280, s0;
	[sflag:s22] =	ssyncadd.s32 $0xFFFFE000  }
0x12a: {  	[spmem:s3] =	stream.indirect.scatter.add.f32 [tilespmem:s20], [sflag:$0x4], $0x40, s5, s18, $0xb8;
	[tilespmem:$0x1D900] =	vst v63  }
0x12b: {  	_ =	swait.ge [sflag:s23], $0x2000  }
0x12c: {  	[sflag:s23] =	ssyncset.done $0x0  }
0x12d: {  	s5 =	simm.s32 $0x200;
	[sflag:s23] =	ssyncadd.s32 $0xFFFFE000  }
0x12e: {  	[tilespmem:s19], [sflag:$0x1] =	stream.indirect.gather [spmem:s2], $0x40, s5, s18, $0xb8;
	[tilespmem:$0x1D900] =	vst v63  }
0x12f: {  	_ =	swait.ge [sflag:s24], $0x2000  }
0x130: {  	[sflag:s24] =	ssyncset.done $0x0  }
0x131: {  	s5 =	simm.s32 $0x280;
	[sflag:s24] =	ssyncadd.s32 $0xFFFFE000  }
0x132: {  	[tilespmem:s20], [sflag:$0x2] =	stream.indirect.gather [spmem:s2], $0x40, s5, s18, $0xb8;
	[tilespmem:$0x1D900] =	vst v63  }
0x133: {  	_ =	swait.ge [sflag:s21], $0x2000  }
0x134: {  	[sflag:s21] =	ssyncset.done $0x0  }
0x135: {  	s5 =	sor.u32 $0x5300, s0;
	[sflag:s21] =	ssyncadd.s32 $0xFFFFE000  }
0x136: {  	[spmem:s3] =	stream.indirect.scatter.add.f32 [tilespmem:s19], [sflag:$0x3], $0x40, s5, s18, $0xb8;
	[tilespmem:$0x1D900] =	vst v63  }
0x137: {  	_ =	swait.ge [sflag:s22], $0x2000  }
0x138: {  	[sflag:s22] =	ssyncset.done $0x0  }
0x139: {  	s5 =	sor.u32 $0x5380, s0;
	[sflag:s22] =	ssyncadd.s32 $0xFFFFE000  }
0x13a: {  	[spmem:s3] =	stream.indirect.scatter.add.f32 [tilespmem:s20], [sflag:$0x4], $0x40, s5, s18, $0xb8;
	[tilespmem:$0x1D900] =	vst v63  }
0x13b: {  	_ =	swait.ge [sflag:s23], $0x2000  }
0x13c: {  	[sflag:s23] =	ssyncset.done $0x0  }
0x13d: {  	s5 =	simm.s32 $0x300;
	[sflag:s23] =	ssyncadd.s32 $0xFFFFE000  }
0x13e: {  	[tilespmem:s19], [sflag:$0x1] =	stream.indirect.gather [spmem:s2], $0x40, s5, s18, $0xb8;
	[tilespmem:$0x1D900] =	vst v63  }
0x13f: {  	_ =	swait.ge [sflag:s24], $0x2000  }
0x140: {  	[sflag:s24] =	ssyncset.done $0x0  }
0x141: {  	s5 =	simm.s32 $0x380;
	[sflag:s24] =	ssyncadd.s32 $0xFFFFE000  }
0x142: {  	[tilespmem:s20], [sflag:$0x2] =	stream.indirect.gather [spmem:s2], $0x40, s5, s18, $0xb8;
	[tilespmem:$0x1D900] =	vst v63  }
0x143: {  	_ =	swait.ge [sflag:s21], $0x2000  }
0x144: {  	[sflag:s21] =	ssyncset.done $0x0  }
0x145: {  	s5 =	sadd.s32 $0x5400, s0;
	[sflag:s21] =	ssyncadd.s32 $0xFFFFE000  }
0x146: {  	[spmem:s3] =	stream.indirect.scatter.add.f32 [tilespmem:s19], [sflag:$0x3], $0x40, s5, s18, $0xb8;
	[tilespmem:$0x1D900] =	vst v63  }
0x147: {  	_ =	swait.ge [sflag:s22], $0x2000  }
0x148: {  	[sflag:s22] =	ssyncset.done $0x0  }
0x149: {  	s0 =	sadd.s32 $0x5480, s0;
	[sflag:s22] =	ssyncadd.s32 $0xFFFFE000  }
0x14a: {  	[spmem:s3] =	stream.indirect.scatter.add.f32 [tilespmem:s20], [sflag:$0x4], $0x40, s0, s18, $0xb8;
	[tilespmem:$0x1D900] =	vst v63  }
0x14b: {  	_ =	swait.ge [sflag:s23], $0x2000  }
0x14c: {  	[sflag:s23] =	ssyncset.done $0x0  }
0x14d: {  	s1 =	simm.s32 $0x400;
	[sflag:s23] =	ssyncadd.s32 $0xFFFFE000  }
0x14e: {  	[tilespmem:s19], [sflag:$0x1] =	stream.indirect.gather [spmem:s2], $0x40, s1, s18, $0xb8;
	[tilespmem:$0x1D900] =	vst v63  }
0x14f: {  	_ =	swait.ge [sflag:s24], $0x2000  }
0x150: {  	[sflag:s24] =	ssyncset.done $0x0  }
0x151: {  	s29 =	simm.s32 $0x800;
	s5 =	simm.s32 $0x480;
	[sflag:s24] =	ssyncadd.s32 $0xFFFFE000  }
0x152: {  	[tilespmem:s20], [sflag:$0x2] =	stream.indirect.gather [spmem:s2], $0x40, s5, s18, $0xb8;
	[tilespmem:$0x1D900] =	vst v63  }
0x153: {  	s31 =	simm.s32 $0x2000;
	s30 =	smov.u32 s12;
	_ =	swait.ge [sflag:s25], $0x400  }
0x154: {  	s28 =	simm.s32 $0x1000;
	s0 =	sand.u32 $0x400, s29;
	[sflag:s25] =	ssyncset.done $0x0  }
.LBB2_4:
0x155: {  	s0 =	sor.u32 $0x5100, s0  }
0x156: {  	[sflag:s25] =	ssyncadd.s32 $0xFFFFFC00;
	s30 =	sadd.s32 $0x80, s30;
	s5 =	smov.u32 s31  }
0x157: {  	[tilespmem:s0], [sflag:$0x5] =	stream.linear.gather [hbm4b:s30+s4], $0x400, $0x38;
	[tilespmem:$0x1D900] =	vst v63  }
0x158: {  	p0 =	sne.s32 s31, $0x13000;
	s0 =	sshrl.u32 s28, $0x2;
	_ =	swait.ge [sflag:s21], $0x2000  }
0x159: {  	s31 =	sadd.s32 $0x1000, s31;
	s1 =	sand.u32 $0x400, s0;
	[sflag:s21] =	ssyncset.done $0x0  }
0x15a: {  	s0 =	sor.u32 $0x5100, s1;
	[sflag:s21] =	ssyncadd.s32 $0xFFFFE000  }
0x15b: {  	[spmem:s3] =	stream.indirect.scatter.add.f32 [tilespmem:s19], [sflag:$0x3], $0x40, s0, s18, $0xb8;
	[tilespmem:$0x1D900] =	vst v63  }
0x15c: {  	_ =	swait.ge [sflag:s22], $0x2000  }
0x15d: {  	[sflag:s22] =	ssyncset.done $0x0  }
0x15e: {  	s0 =	sor.u32 $0x5180, s1;
	[sflag:s22] =	ssyncadd.s32 $0xFFFFE000  }
0x15f: {  	[spmem:s3] =	stream.indirect.scatter.add.f32 [tilespmem:s20], [sflag:$0x4], $0x40, s0, s18, $0xb8;
	[tilespmem:$0x1D900] =	vst v63  }
0x160: {  	_ =	swait.ge [sflag:s23], $0x2000  }
0x161: {  	s0 =	sshra.s32 s28, $0x2;
	s28 =	smov.u32 s5;
	[sflag:s23] =	ssyncset.done $0x0  }
0x162: {  	s5 =	sadd.s32 $0x100, s0;
	[sflag:s23] =	ssyncadd.s32 $0xFFFFE000  }
0x163: {  	[tilespmem:s19], [sflag:$0x1] =	stream.indirect.gather [spmem:s2], $0x40, s5, s18, $0xb8;
	[tilespmem:$0x1D900] =	vst v63  }
0x164: {  	_ =	swait.ge [sflag:s24], $0x2000  }
0x165: {  	[sflag:s24] =	ssyncset.done $0x0  }
0x166: {  	s5 =	sadd.s32 $0x180, s0;
	[sflag:s24] =	ssyncadd.s32 $0xFFFFE000  }
0x167: {  	[tilespmem:s20], [sflag:$0x2] =	stream.indirect.gather [spmem:s2], $0x40, s5, s18, $0xb8;
	[tilespmem:$0x1D900] =	vst v63  }
0x168: {  	_ =	swait.ge [sflag:s21], $0x2000  }
0x169: {  	[sflag:s21] =	ssyncset.done $0x0  }
0x16a: {  	s5 =	sor.u32 $0x5200, s1;
	[sflag:s21] =	ssyncadd.s32 $0xFFFFE000  }
0x16b: {  	[spmem:s3] =	stream.indirect.scatter.add.f32 [tilespmem:s19], [sflag:$0x3], $0x40, s5, s18, $0xb8;
	[tilespmem:$0x1D900] =	vst v63  }
0x16c: {  	_ =	swait.ge [sflag:s22], $0x2000  }
0x16d: {  	[sflag:s22] =	ssyncset.done $0x0  }
0x16e: {  	s5 =	sor.u32 $0x5280, s1;
	[sflag:s22] =	ssyncadd.s32 $0xFFFFE000  }
0x16f: {  	[spmem:s3] =	stream.indirect.scatter.add.f32 [tilespmem:s20], [sflag:$0x4], $0x40, s5, s18, $0xb8;
	[tilespmem:$0x1D900] =	vst v63  }
0x170: {  	_ =	swait.ge [sflag:s23], $0x2000  }
0x171: {  	[sflag:s23] =	ssyncset.done $0x0  }
0x172: {  	s5 =	sadd.s32 $0x200, s0;
	[sflag:s23] =	ssyncadd.s32 $0xFFFFE000  }
0x173: {  	[tilespmem:s19], [sflag:$0x1] =	stream.indirect.gather [spmem:s2], $0x40, s5, s18, $0xb8;
	[tilespmem:$0x1D900] =	vst v63  }
0x174: {  	_ =	swait.ge [sflag:s24], $0x2000  }
0x175: {  	[sflag:s24] =	ssyncset.done $0x0  }
0x176: {  	s5 =	sadd.s32 $0x280, s0;
	[sflag:s24] =	ssyncadd.s32 $0xFFFFE000  }
0x177: {  	[tilespmem:s20], [sflag:$0x2] =	stream.indirect.gather [spmem:s2], $0x40, s5, s18, $0xb8;
	[tilespmem:$0x1D900] =	vst v63  }
0x178: {  	_ =	swait.ge [sflag:s21], $0x2000  }
0x179: {  	[sflag:s21] =	ssyncset.done $0x0  }
0x17a: {  	s5 =	sor.u32 $0x5300, s1;
	[sflag:s21] =	ssyncadd.s32 $0xFFFFE000  }
0x17b: {  	[spmem:s3] =	stream.indirect.scatter.add.f32 [tilespmem:s19], [sflag:$0x3], $0x40, s5, s18, $0xb8;
	[tilespmem:$0x1D900] =	vst v63  }
0x17c: {  	_ =	swait.ge [sflag:s22], $0x2000  }
0x17d: {  	[sflag:s22] =	ssyncset.done $0x0  }
0x17e: {  	s5 =	sor.u32 $0x5380, s1;
	[sflag:s22] =	ssyncadd.s32 $0xFFFFE000  }
0x17f: {  	[spmem:s3] =	stream.indirect.scatter.add.f32 [tilespmem:s20], [sflag:$0x4], $0x40, s5, s18, $0xb8;
	[tilespmem:$0x1D900] =	vst v63  }
0x180: {  	_ =	swait.ge [sflag:s23], $0x2000  }
0x181: {  	[sflag:s23] =	ssyncset.done $0x0  }
0x182: {  	s5 =	sadd.s32 $0x300, s0;
	[sflag:s23] =	ssyncadd.s32 $0xFFFFE000  }
0x183: {  	[tilespmem:s19], [sflag:$0x1] =	stream.indirect.gather [spmem:s2], $0x40, s5, s18, $0xb8;
	[tilespmem:$0x1D900] =	vst v63  }
0x184: {  	_ =	swait.ge [sflag:s24], $0x2000  }
0x185: {  	[sflag:s24] =	ssyncset.done $0x0  }
0x186: {  	s5 =	sadd.s32 $0x380, s0;
	[sflag:s24] =	ssyncadd.s32 $0xFFFFE000  }
0x187: {  	[tilespmem:s20], [sflag:$0x2] =	stream.indirect.gather [spmem:s2], $0x40, s5, s18, $0xb8;
	[tilespmem:$0x1D900] =	vst v63  }
0x188: {  	_ =	swait.ge [sflag:s21], $0x2000  }
0x189: {  	[sflag:s21] =	ssyncset.done $0x0  }
0x18a: {  	s5 =	sadd.s32 $0x5400, s1;
	[sflag:s21] =	ssyncadd.s32 $0xFFFFE000  }
0x18b: {  	[spmem:s3] =	stream.indirect.scatter.add.f32 [tilespmem:s19], [sflag:$0x3], $0x40, s5, s18, $0xb8;
	[tilespmem:$0x1D900] =	vst v63  }
0x18c: {  	_ =	swait.ge [sflag:s22], $0x2000  }
0x18d: {  	[sflag:s22] =	ssyncset.done $0x0  }
0x18e: {  	s1 =	sadd.s32 $0x5480, s1;
	[sflag:s22] =	ssyncadd.s32 $0xFFFFE000  }
0x18f: {  	[spmem:s3] =	stream.indirect.scatter.add.f32 [tilespmem:s20], [sflag:$0x4], $0x40, s1, s18, $0xb8;
	[tilespmem:$0x1D900] =	vst v63  }
0x190: {  	_ =	swait.ge [sflag:s23], $0x2000  }
0x191: {  	[sflag:s23] =	ssyncset.done $0x0  }
0x192: {  	s1 =	sadd.s32 $0x400, s0;
	[sflag:s23] =	ssyncadd.s32 $0xFFFFE000  }
0x193: {  	[tilespmem:s19], [sflag:$0x1] =	stream.indirect.gather [spmem:s2], $0x40, s1, s18, $0xb8;
	[tilespmem:$0x1D900] =	vst v63  }
0x194: {  	_ =	swait.ge [sflag:s24], $0x2000  }
.Ltmp1:
0x195: {  	[sflag:s24] =	ssyncset.done $0x0;
	(pc) =	sbr.rel @p0 .LBB2_4-.Ltmp1, $4  }
0x196: {  	s0 =	sadd.s32 $0x480, s0;
	[sflag:s24] =	ssyncadd.s32 $0xFFFFE000  }
0x197: {  	[tilespmem:s20], [sflag:$0x2] =	stream.indirect.gather [spmem:s2], $0x40, s0, s18, $0xb8;
	[tilespmem:$0x1D900] =	vst v63  }
0x198: {  	s29 =	sadd.s32 $0x400, s29;
	_ =	swait.ge [sflag:s25], $0x400  }
0x199: {  	s0 =	sand.u32 $0x400, s29;
	[sflag:s25] =	ssyncset.done $0x0  }
0x19a: {  	s0 =	sor.u32 $0x5100, s0;
	[sflag:s25] =	ssyncadd.s32 $0xFFFFFC00;
	s1 =	sadd.s32 $0x80, s30  }
0x19b: {  	[tilespmem:s0], [sflag:$0x5] =	stream.linear.gather [hbm4b:s1+s4], $0x400, $0x38;
	[tilespmem:$0x1D900] =	vst v63  }
0x19c: {  	s30 =	sshrl.u32 s28, $0x2;
	_ =	swait.ge [sflag:s21], $0x2000  }
0x19d: {  	s0 =	sand.u32 $0x400, s30;
	[sflag:s21] =	ssyncset.done $0x0  }
0x19e: {  	s31 =	sor.u32 $0x5100, s0;
	[sflag:s21] =	ssyncadd.s32 $0xFFFFE000  }
0x19f: {  	[spmem:s3] =	stream.indirect.scatter.add.f32 [tilespmem:s19], [sflag:$0x3], $0x40, s31, s18, $0xb8;
	[tilespmem:$0x1D900] =	vst v63  }
0x1a0: {  	_ =	swait.ge [sflag:s22], $0x2000  }
0x1a1: {  	[sflag:s22] =	ssyncset.done $0x0  }
0x1a2: {  	s5 =	sor.u32 $0x5180, s0;
	[sflag:s22] =	ssyncadd.s32 $0xFFFFE000  }
0x1a3: {  	[spmem:s3] =	stream.indirect.scatter.add.f32 [tilespmem:s20], [sflag:$0x4], $0x40, s5, s18, $0xb8;
	[tilespmem:$0x1D900] =	vst v63  }
0x1a4: {  	_ =	swait.ge [sflag:s23], $0x2000  }
0x1a5: {  	s1 =	sshra.s32 s28, $0x2;
	[sflag:s23] =	ssyncset.done $0x0  }
0x1a6: {  	s5 =	sadd.s32 $0x100, s1;
	[sflag:s23] =	ssyncadd.s32 $0xFFFFE000  }
0x1a7: {  	[tilespmem:s19], [sflag:$0x1] =	stream.indirect.gather [spmem:s2], $0x40, s5, s18, $0xb8;
	[tilespmem:$0x1D900] =	vst v63  }
0x1a8: {  	_ =	swait.ge [sflag:s24], $0x2000  }
0x1a9: {  	[sflag:s24] =	ssyncset.done $0x0  }
0x1aa: {  	s28 =	sadd.s32 $0x180, s1;
	[sflag:s24] =	ssyncadd.s32 $0xFFFFE000  }
0x1ab: {  	[tilespmem:s20], [sflag:$0x2] =	stream.indirect.gather [spmem:s2], $0x40, s28, s18, $0xb8;
	[tilespmem:$0x1D900] =	vst v63  }
0x1ac: {  	_ =	swait.ge [sflag:s21], $0x2000  }
0x1ad: {  	[sflag:s21] =	ssyncset.done $0x0  }
0x1ae: {  	s29 =	sor.u32 $0x5200, s0;
	[sflag:s21] =	ssyncadd.s32 $0xFFFFE000  }
0x1af: {  	[spmem:s3] =	stream.indirect.scatter.add.f32 [tilespmem:s19], [sflag:$0x3], $0x40, s29, s18, $0xb8;
	[tilespmem:$0x1D900] =	vst v63  }
0x1b0: {  	_ =	swait.ge [sflag:s22], $0x2000  }
0x1b1: {  	[sflag:s22] =	ssyncset.done $0x0  }
0x1b2: {  	s30 =	sor.u32 $0x5280, s0;
	[sflag:s22] =	ssyncadd.s32 $0xFFFFE000  }
0x1b3: {  	[spmem:s3] =	stream.indirect.scatter.add.f32 [tilespmem:s20], [sflag:$0x4], $0x40, s30, s18, $0xb8;
	[tilespmem:$0x1D900] =	vst v63  }
0x1b4: {  	_ =	swait.ge [sflag:s23], $0x2000  }
0x1b5: {  	[sflag:s23] =	ssyncset.done $0x0  }
0x1b6: {  	s31 =	sadd.s32 $0x200, s1;
	[sflag:s23] =	ssyncadd.s32 $0xFFFFE000  }
0x1b7: {  	[tilespmem:s19], [sflag:$0x1] =	stream.indirect.gather [spmem:s2], $0x40, s31, s18, $0xb8;
	[tilespmem:$0x1D900] =	vst v63  }
0x1b8: {  	_ =	swait.ge [sflag:s24], $0x2000  }
0x1b9: {  	[sflag:s24] =	ssyncset.done $0x0  }
0x1ba: {  	s28 =	sadd.s32 $0x280, s1;
	[sflag:s24] =	ssyncadd.s32 $0xFFFFE000  }
0x1bb: {  	[tilespmem:s20], [sflag:$0x2] =	stream.indirect.gather [spmem:s2], $0x40, s28, s18, $0xb8;
	[tilespmem:$0x1D900] =	vst v63  }
0x1bc: {  	_ =	swait.ge [sflag:s21], $0x2000  }
0x1bd: {  	[sflag:s21] =	ssyncset.done $0x0  }
0x1be: {  	s29 =	sor.u32 $0x5300, s0;
	[sflag:s21] =	ssyncadd.s32 $0xFFFFE000  }
0x1bf: {  	[spmem:s3] =	stream.indirect.scatter.add.f32 [tilespmem:s19], [sflag:$0x3], $0x40, s29, s18, $0xb8;
	[tilespmem:$0x1D900] =	vst v63  }
0x1c0: {  	_ =	swait.ge [sflag:s22], $0x2000  }
0x1c1: {  	[sflag:s22] =	ssyncset.done $0x0  }
0x1c2: {  	s30 =	sor.u32 $0x5380, s0;
	[sflag:s22] =	ssyncadd.s32 $0xFFFFE000  }
0x1c3: {  	[spmem:s3] =	stream.indirect.scatter.add.f32 [tilespmem:s20], [sflag:$0x4], $0x40, s30, s18, $0xb8;
	[tilespmem:$0x1D900] =	vst v63  }
0x1c4: {  	_ =	swait.ge [sflag:s23], $0x2000  }
0x1c5: {  	[sflag:s23] =	ssyncset.done $0x0  }
0x1c6: {  	s31 =	sadd.s32 $0x300, s1;
	[sflag:s23] =	ssyncadd.s32 $0xFFFFE000  }
0x1c7: {  	[tilespmem:s19], [sflag:$0x1] =	stream.indirect.gather [spmem:s2], $0x40, s31, s18, $0xb8;
	[tilespmem:$0x1D900] =	vst v63  }
0x1c8: {  	_ =	swait.ge [sflag:s24], $0x2000  }
0x1c9: {  	[sflag:s24] =	ssyncset.done $0x0  }
0x1ca: {  	s28 =	sadd.s32 $0x380, s1;
	[sflag:s24] =	ssyncadd.s32 $0xFFFFE000  }
0x1cb: {  	[tilespmem:s20], [sflag:$0x2] =	stream.indirect.gather [spmem:s2], $0x40, s28, s18, $0xb8;
	[tilespmem:$0x1D900] =	vst v63  }
0x1cc: {  	_ =	swait.ge [sflag:s21], $0x2000  }
0x1cd: {  	[sflag:s21] =	ssyncset.done $0x0  }
0x1ce: {  	s29 =	sadd.s32 $0x5400, s0;
	[sflag:s21] =	ssyncadd.s32 $0xFFFFE000  }
0x1cf: {  	[spmem:s3] =	stream.indirect.scatter.add.f32 [tilespmem:s19], [sflag:$0x3], $0x40, s29, s18, $0xb8;
	[tilespmem:$0x1D900] =	vst v63  }
0x1d0: {  	_ =	swait.ge [sflag:s22], $0x2000  }
0x1d1: {  	[sflag:s22] =	ssyncset.done $0x0  }
0x1d2: {  	s0 =	sadd.s32 $0x5480, s0;
	[sflag:s22] =	ssyncadd.s32 $0xFFFFE000  }
0x1d3: {  	[spmem:s3] =	stream.indirect.scatter.add.f32 [tilespmem:s20], [sflag:$0x4], $0x40, s0, s18, $0xb8;
	[tilespmem:$0x1D900] =	vst v63  }
0x1d4: {  	_ =	swait.ge [sflag:s23], $0x2000  }
0x1d5: {  	[sflag:s23] =	ssyncset.done $0x0  }
0x1d6: {  	s30 =	sadd.s32 $0x400, s1;
	[sflag:s23] =	ssyncadd.s32 $0xFFFFE000  }
0x1d7: {  	[tilespmem:s19], [sflag:$0x1] =	stream.indirect.gather [spmem:s2], $0x40, s30, s18, $0xb8;
	[tilespmem:$0x1D900] =	vst v63  }
0x1d8: {  	_ =	swait.ge [sflag:s24], $0x2000  }
0x1d9: {  	[sflag:s24] =	ssyncset.done $0x0  }
0x1da: {  	s31 =	sadd.s32 $0x480, s1;
	[sflag:s24] =	ssyncadd.s32 $0xFFFFE000  }
0x1db: {  	[tilespmem:s20], [sflag:$0x2] =	stream.indirect.gather [spmem:s2], $0x40, s31, s18, $0xb8;
	[tilespmem:$0x1D900] =	vst v63  }
0x1dc: {  	_ =	swait.ge [sflag:s25], $0x400  }
0x1dd: {  	[sflag:s25] =	ssyncset.done $0x0  }
0x1de: {  	[sflag:s25] =	ssyncadd.s32 $0xFFFFFC00  }
0x1df: {  	_ =	swait.ge [sflag:s21], $0x2000  }
0x1e0: {  	[sflag:s21] =	ssyncset.done $0x0  }
0x1e1: {  	[sflag:s21] =	ssyncadd.s32 $0xFFFFE000  }
0x1e2: {  	_ =	swait.ge [sflag:s22], $0x2000  }
0x1e3: {  	s26 =	sadd.s32 $0x1, s26;
	[sflag:s22] =	ssyncset.done $0x0  }
0x1e4: {  	p0 =	sne.s32 s26, s11;
	[sflag:s22] =	ssyncadd.s32 $0xFFFFE000  }
.Ltmp2:
0x1e5: {  	[bflag:$0x0] =	sbarrier.arrive $0xFFFF;
	(pc) =	sbr.rel @p0 .LBB2_1-.Ltmp2, $4  }
0x1e6: {  	[hbm:s10], [sflag:s15] =	dma.local [spmem:s17], $0x1400  }
0x1e7: {  	_ =	swait.ge [sflag:s13], $0x1400  }
0x1e8: {  	[sflag:s13] =	ssyncset.done $0x0  }
0x1e9: {  	[sflag:s13] =	ssyncadd.s32 $0xFFFFEC00  }
0x1ea: {  	_ =	sfence.sel $0x180000  }
0x1eb: {  	[bflag:$0x0] =	sbarrier.arrive $0xFFFF  }
0x1ec: {  	_ =	strace $0x9000004D  }
0x1ed: {  	s0 =	stileid.u32;
	[bflag:$0x2] =	sbarrier.arrive $0xFFFF  }
0x1ee: {  	p0 =	sne.s32 s0, $0x0;
	s0 =	rddreg [dreg:$0x3]  }
0x1ef: {  	s0 =	sadd.s32 @!p0 $0x100000, s0  }
0x1f0: {  	[sflag:s0] =	ssyncadd.tile.s32 @!p0 $0x1;
	_ =	shalt  }
.Lfunc_end2:
_tile_overlayer_lowered:
.L_overlay_start_2:
0x1f1: {  	(tag) =	ssettag $0x2  }
0x1f2: {  	s0 =	rddreg [dreg:$0x0];
	s2 =	stileid.u32  }
0x1f3: {  	s1 =	rddreg [dreg:$0x1];
	p0 =	sne.s32 s2, $0x0  }
0x1f4: {  	s3 =	rddreg [dreg:$0x2];
	[bflag:$0x3] =	sbarrier.arrive $0xFFFF;
	s2 =	simm.s32 @!p0 $0x1C06  }
0x1f5: {  	[timem:s3], [sflag:s2] =	dma.local @!p0 [hbm:s0], s1  }
0x1f6: {  	s0 =	simm.s32 @!p0 $0x6  }
0x1f7: {  	_ =	swait.ge @!p0 [sflag:s0], s1  }
0x1f8: {  	s1 =	ssub.s32 @!p0 $0x0, s1;
	[sflag:s0] =	ssyncset.done @!p0 $0x0  }
0x1f9: {  	[sflag:s0] =	ssyncadd.s32 @!p0 s1  }
0x1fa: {  	[bflag:$0x3] =	sbarrier.arrive $0xFFFF  }
0x1fb: {  	_ =	shalt  }

// kernel: kernel.8.cloned.1.call-start
scs
__scs_entry_jumppad:
0x0: {  	(pc) =	sbr.rel $0x88, $3  }
0x1: {  	(tag) =	ssettag $0x0;
	lr =	simm.s32 $0x1  }
0x2: {  	[smem:$0x3F99] =	sst lr;
	_ =	strace $0xD0000000  }
0x3: {  	_ = 	snop  }
0x4: {  	_ = 	snop  }
0x5: {  	_ = 	snop  }
0x6: {  	_ = 	snop  }
0x7: {  	_ = 	snop  }
__scs_overlays_trampoline_lowered:
0x8: {  	[smem:$0x3FA8] =	sst s0  }
0x9: {  	[smem:$0x3FA9] =	sst s1  }
0xa: {  	[smem:$0x3FAA] =	sst s2  }
0xb: {  	[smem:$0x3FAB] =	sst s3  }
0xc: {  	[smem:$0x3FAC] =	sst s4  }
0xd: {  	[smem:$0x3FAD] =	sst s5  }
0xe: {  	[smem:$0x3FAE] =	sst s6  }
0xf: {  	[smem:$0x3FAF] =	sst s7  }
0x10: {  	[smem:$0x3FB0] =	sst s8  }
0x11: {  	[smem:$0x3FB1] =	sst s9;
	s0 =	simm.s32 @!p0 $0x0  }
0x12: {  	s1 =	sld [smem:$0x3F97];
	s0 =	simm.s32 @p0 $0x1  }
0x13: {  	[smem:$0x3FB2] =	sst s0;
	s0 =	simm.s32 @!p1 $0x0  }
0x14: {  	s2 =	sld [smem:$0x3F96];
	s0 =	simm.s32 @p1 $0x1  }
0x15: {  	[smem:$0x3FB3] =	sst s0;
	s0 =	simm.s32 @!p2 $0x0  }
0x16: {  	s3 =	sld [smem:$0x3FDB];
	s0 =	simm.s32 @p2 $0x1  }
0x17: {  	s4 =	simm.s32 $0x1BF5;
	[smem:$0x3FB5] =	sst s0  }
0x18: {  	s0 =	sld [smem:$0x3F98];
	_ =	swait.ge [sflag:s4], $0x0  }
0x19: {  	s7 =	sld [smem:$0x3F99]  }
0x1a: {  	s8 =	sadd.s32 $0xFFFFE003, lr  }
0x1b: {  	s9 =	sadd.s32 $0xFFFFFEF7, lr;
	s5 =	simm.s32 $0xFFFFFFFF;
	p2 =	slt.u32 s8, $0xFFFFF086  }
0x1c: {  	p1 =	slt.u32 s9, $0xF7A;
	s5 =	simm.s32 @!p2 $0x0  }
0x1d: {  	s5 =	simm.s32 @p1 $0x1;
	p0 =	seq.s32 s7, s2  }
0x1e: {  	s7 =	smul.u32 @!p0 $0xF7A, s2;
	p2 =	seq.s32 @!p0 s5, $0x0  }
0x1f: {  	s9 =	smul.u32 $0xF7A, s1;
	s8 =	simm.s32 @!p0 $0x1BF5;
	p2 =	por !p2, p0  }
0x20: {  	[sflag:s8] =	ssyncset.s32 @!p0 $0xFFFFF086;
	s6 =	sadd.s32 @!p0 s3, s7;
	s7 =	simm.s32 @!p0 $0x108  }
0x21: {  	s3 =	sadd.s32 s3, s9;
	s6 =	sadd.s32 @!p0 $0x88, s6;
	s7 =	simm.s32 @p2 $0x1082  }
0x22: {  	[simem:s7], [sflag:s8] =	dma.local @!p0 [hbm:s6], $0xF7A  }
0x23: {  	s9 =	sor.u32 $0xD0000000, s2;
	s6 =	simm.s32 $0x108;
	_ =	swait.ge @!p0 [sflag:s8], $0x0  }
0x24: {  	s3 =	sadd.s32 $0x88, s3;
	s6 =	simm.s32 @!p1 $0x1082;
	[sflag:s4] =	ssyncset.s32 $0xFFFFF086  }
0x25: {  	[simem:s6], [sflag:s4] =	dma.local [hbm:s3], $0xF7A  }
0x26: {  	[smem:$0x3F99] =	sst s1;
	(tag) =	ssettag s2;
	_ =	strace s9  }
0x27: {  	s1 =	sld [smem:$0x3FA9]  }
0x28: {  	s2 =	sld [smem:$0x3FAA]  }
0x29: {  	s4 =	sld [smem:$0x3FAC]  }
0x2a: {  	p0 =	seq.s32 s5, $0x0;
	s5 =	sld [smem:$0x3FAD]  }
0x2b: {  	s6 =	sld [smem:$0x3FAE]  }
0x2c: {  	s7 =	sld [smem:$0x3FAF]  }
0x2d: {  	s3 =	simm.s32 $0x108;
	s8 =	sld [smem:$0x3FB0]  }
0x2e: {  	s3 =	simm.s32 @!p0 $0x1082;
	s9 =	sld [smem:$0x3FB1]  }
0x2f: {  	lr =	sadd.s32 s0, s3;
	s0 =	sld [smem:$0x3FA8]  }
0x30: {  	s3 =	sld [smem:$0x3FAB]  }
0x31: {  	[smem:$0x3FB4] =	sst s10  }
0x32: {  	s10 =	sld [smem:$0x3FB2];
	_ =	sdelay $0x3  }
0x33: {  	p0 =	seq.s32 s10, $0x1;
	s10 =	sld [smem:$0x3FB4];
	_ =	sdelay $0x3  }
0x34: {  	[smem:$0x3FB4] =	sst s10  }
0x35: {  	s10 =	sld [smem:$0x3FB3];
	_ =	sdelay $0x3  }
0x36: {  	p1 =	seq.s32 s10, $0x1;
	s10 =	sld [smem:$0x3FB4];
	_ =	sdelay $0x3  }
0x37: {  	[smem:$0x3FB4] =	sst s10  }
0x38: {  	s10 =	sld [smem:$0x3FB5]  }
0x39: {  	_ = 	snop;
	(pc) =	sbr.ind lr, $3  }
0x3a: {  	_ = 	snop  }
0x3b: {  	_ = 	snop  }
0x3c: {  	p2 =	seq.s32 s10, $0x1;
	s10 =	sld [smem:$0x3FB4]  }
0x3d: {  	_ =	shalt  }
0x3e: {  	_ =	shalt  }
0x3f: {  	_ =	shalt  }
0x40: {  	_ =	shalt  }
0x41: {  	_ =	shalt  }
0x42: {  	_ =	shalt  }
0x43: {  	_ =	shalt  }
0x44: {  	_ =	shalt  }
0x45: {  	_ =	shalt  }
0x46: {  	_ =	shalt  }
0x47: {  	_ =	shalt  }
0x48: {  	_ =	shalt  }
0x49: {  	_ =	shalt  }
0x4a: {  	_ =	shalt  }
0x4b: {  	_ =	shalt  }
0x4c: {  	_ =	shalt  }
0x4d: {  	_ =	shalt  }
0x4e: {  	_ =	shalt  }
0x4f: {  	_ =	shalt  }
0x50: {  	_ =	shalt  }
0x51: {  	_ =	shalt  }
0x52: {  	_ =	shalt  }
0x53: {  	_ =	shalt  }
0x54: {  	_ =	shalt  }
0x55: {  	_ =	shalt  }
0x56: {  	_ =	shalt  }
0x57: {  	_ =	shalt  }
0x58: {  	_ =	shalt  }
0x59: {  	_ =	shalt  }
0x5a: {  	_ =	shalt  }
0x5b: {  	_ =	shalt  }
0x5c: {  	_ =	shalt  }
0x5d: {  	_ =	shalt  }
0x5e: {  	_ =	shalt  }
0x5f: {  	_ =	shalt  }
0x60: {  	_ =	shalt  }
0x61: {  	_ =	shalt  }
0x62: {  	_ =	shalt  }
0x63: {  	_ =	shalt  }
0x64: {  	_ =	shalt  }
0x65: {  	_ =	shalt  }
0x66: {  	_ =	shalt  }
0x67: {  	_ =	shalt  }
0x68: {  	_ =	shalt  }
0x69: {  	_ =	shalt  }
0x6a: {  	_ =	shalt  }
0x6b: {  	_ =	shalt  }
0x6c: {  	_ =	shalt  }
0x6d: {  	_ =	shalt  }
0x6e: {  	_ =	shalt  }
0x6f: {  	_ =	shalt  }
0x70: {  	_ =	shalt  }
0x71: {  	_ =	shalt  }
0x72: {  	_ =	shalt  }
0x73: {  	_ =	shalt  }
0x74: {  	_ =	shalt  }
0x75: {  	_ =	shalt  }
0x76: {  	_ =	shalt  }
0x77: {  	_ =	shalt  }
0x78: {  	_ =	shalt  }
0x79: {  	_ =	shalt  }
0x7a: {  	_ =	shalt  }
0x7b: {  	_ =	shalt  }
0x7c: {  	_ =	shalt  }
0x7d: {  	_ =	shalt  }
0x7e: {  	_ =	shalt  }
0x7f: {  	_ =	shalt  }
0x80: {  	_ =	shalt  }
0x81: {  	_ =	shalt  }
0x82: {  	_ =	shalt  }
0x83: {  	_ =	shalt  }
0x84: {  	_ =	shalt  }
0x85: {  	_ =	shalt  }
0x86: {  	_ =	shalt  }
0x87: {  	_ =	shalt  }
.Lfunc_end0:
.L_simem_size_0:
called_computation_lowered:
.L_overlay_start_0:
0x88: {  	s2 =	sld [smem:$0x3FD9]  }
0x89: {  	s3 =	sld [smem:$0x3FFE];
	_ =	sdelay $0x1  }
0x8a: {  	s1 =	srdreg.scid  }
0x8b: {  	s0 =	sand.u32 $0x1, s1  }
0x8c: {  	s17 =	sshll.u32 s0, $0xA;
	s2 =	sadd.s32 s3, s2  }
0x8d: {  	s2 =	sadd.s32 s2, s17  }
0x8e: {  	[smem:$0x3FC0] =	sst s2  }
0x8f: {  	_ = 	snop  }
0x90: {  	s2 =	sld [smem:$0x3FD0];
	(tm) =	ssettm $0x1  }
0x91: {  	s18 =	sld [smem:$0x3FFB];
	_ =	sdelay $0x3  }
0x92: {  	_ =	strace s18  }
0x93: {  	s3 =	sld [smem:$0x3FFC];
	_ =	sdelay $0x3  }
0x94: {  	_ =	strace s3  }
0x95: {  	s3 =	sld [smem:$0x3FFD];
	_ =	sdelay $0x3  }
0x96: {  	_ =	strace s3  }
0x97: {  	_ =	strace $0x8FFFFFFF  }
0x98: {  	s19 =	sld [smem:$0x3FDB];
	_ =	sdelay $0x1  }
0x99: {  	s4 =	simm.s32 $_scs_section_size  }
0x9a: {  	s5 =	simm.s32 $_size__tile_overlayer_lowered;
	s6 =	simm.s32 $_tile_overlayer_lowered  }
0x9b: {  	s22 =	simm.s32 $0x1BFF;
	s21 =	sshll.u32 s6, $0x1;
	s3 =	sadd.s32 s4, s19  }
0x9c: {  	s7 =	simm.s32 $0x0;
	s20 =	sshll.u32 s5, $0x1;
	s5 =	sadd.s32 s21, s3  }
0x9d: {  	[timem:s7], [sflag:s22] =	dma.local [hbm:s5], s20  }
0x9e: {  	_ =	swait.ge [sflag:s22], s20  }
0x9f: {  	s4 =	ssub.s32 $0x0, s20;
	[sflag:s22] =	ssyncset.done $0x0  }
0xa0: {  	[sflag:s22] =	ssyncadd.s32 s4;
	_ =	sdelay $0x1  }
0xa1: {  	s23 =	simm.s32 $0x1B8B  }
0xa2: {  	_ =	swait.ge [sflag:s23], $0x1  }
0xa3: {  	[sflag:s23] =	ssyncset.done $0x0  }
0xa4: {  	s25 =	simm.s32 $0x1B8E;
	s24 =	sld [smem:$0x3FFE];
	[sflag:s23] =	ssyncadd.s32 $0xFFFFFFFF  }
0xa5: {  	s26 =	simm.s32 $execute0_lowered;
	[smem:$0x3FD2] =	sst s25  }
0xa6: {  	s5 =	sshll.u32 s26, $0x1;
	_ =	strace $0x80000046;
	[dreg:$0x1] =	wrdreg $0xFFFFFFFF  }
0xa7: {  	s28 =	simm.s32 $_size_execute0_lowered;
	s3 =	sadd.s32 s3, s5;
	[dreg:$0x0] =	wrdreg $0x0  }
0xa8: {  	s5 =	sshll.u32 s28, $0x1;
	[dreg:$0x2] =	wrdreg s3  }
0xa9: {  	[dreg:$0x3] =	wrdreg s5  }
0xaa: {  	[dreg:$0x4] =	wrdreg $0xC0  }
0xab: {  	_ =	task [dreg:s7], $0x5FFFF  }
0xac: {  	[dreg:$0x1] =	wrdreg $0xFFFFFFFF  }
0xad: {  	[dreg:$0x0] =	wrdreg $0x60  }
0xae: {  	[dreg:$0x2] =	wrdreg s24  }
0xaf: {  	[dreg:$0x3] =	wrdreg s2  }
0xb0: {  	[dreg:$0x4] =	wrdreg $0x58000  }
0xb1: {  	[dreg:$0x5] =	wrdreg $0x9  }
0xb2: {  	_ =	task.clear_ibuf [dreg:s7], $0x6FFFF;
	_ =	strace $0x90000046  }
0xb3: {  	s29 =	simm.s32 $0x9;
	_ =	strace $0x80000048  }
0xb4: {  	_ =	swait.ge [sflag:s29], $0x1  }
0xb5: {  	[sflag:s29] =	ssyncadd.s32 $0xFFFFFFFF  }
0xb6: {  	_ =	strace $0x90000048  }
0xb7: {  	_ =	sfence  }
0xb8: {  	s30 =	sld [smem:$0x0];
	_ =	sdelay $0x2  }
0xb9: {  	s31 =	sshll.u32 s1, $0xD;
	s1 =	sshrl.u32 s1, $0x2  }
0xba: {  	s3 =	sand.u32 $0x4000, s31;
	s1 =	sadd.s32 s1, s30  }
0xbb: {  	s0 =	sor.u32 s3, s0;
	s1 =	sshll.u32 s1, $0x11  }
0xbc: {  	s0 =	sor.u32 s1, s0  }
0xbd: {  	s0 =	sadd.s32 $0x8F2B, s0  }
0xbe: {  	[sflag:s0] =	ssyncadd.remote.s32 $0x1  }
0xbf: {  	_ =	sfence.sel $0xFFFF  }
0xc0: {  	[dreg:$0x0] =	wrdreg $0xFFFFFFFF;
	(pc) =	sbr.abs _section_cstart, $3  }
0xc1: {  	[dreg:$0x1] =	wrdreg $0xFFFFFFFF  }
0xc2: {  	_ =	task.clear_ibuf [dreg:s7], $0x2FFFF;
	_ =	strace $0x9FFFFFFF  }
0xc3: {  	(tm) =	ssettm $0x7FFFFFFF  }
tec
execute0_lowered:
.L_overlay_start_1:
0x0: {  	(tag) =	ssettag $0x1  }
0x1: {  	s6 =	rddreg [dreg:$0x0]  }
0x2: {  	s2 =	rddreg [dreg:$0x1]  }
0x3: {  	s3 =	rddreg [dreg:$0x2]  }
0x4: {  	s0 =	rddreg [dreg:$0x3]  }
0x5: {  	s1 =	stileid.u32;
	s7 =	srdreg.scid  }
0x6: {  	s4 =	simm.s32 $0x0;
	s13 =	simm.s32 $0x80;
	s5 =	smul.u32 $0xA80, s1  }
0x7: {  	s14 =	simm.s32 $0x0;
	s7 =	sand.u32 $0x1, s7;
	s8 =	smul.u32 $0x500, s1  }
0x8: {  	[smem:$0x7FF] =	sst s4;
	s11 =	smul.u32 $0xA000, s1;
	s31 =	sshll.u32 s1, $0x6  }
0x9: {  	s9 =	smul.u32 $0x5000, s7;
	_ =	strace $0x80000047;
	s7 =	ssub.s32 $0x2, s7  }
0xa: {  	s10 =	sadd.s32 s5, s6;
	s5 =	sadd.s32 $0xD000, s6;
	s28 =	sshrl.u32 s7, $0x1  }
0xb: {  	s29 =	sshrl.u32 s11, $0x2;
	s11 =	sor.u32 $0x1C01, s31;
	s8 =	sadd.s32 s8, s9  }
0xc: {  	s30 =	ssub.s32 s7, s28;
	s12 =	sadd.s32 s29, s3;
	s9 =	simm.s32 $0x1  }
0xd: {  	s8 =	sadd.s32 s8, s6;
	s6 =	sadd.s32 $0x2800, s10;
	s10 =	simm.s32 $0x5000  }
0xe: {  	s12 =	sshrl.u32 s12, $0x3;
	s7 =	sadd.s32 $0xD200, s8;
	s8 =	smax.u32 s30, $0x1  }
.LBB2_1:
0xf: {  	[tilespmem:s4], [sflag:$0x1] =	stream.linear.gather [hbm4b:s6+s4], $0x5000, $0x38;
	[tilespmem:$0x8000] =	vst v63  }
0x10: {  	_ =	swait.ge [sflag:s9], $0x5000  }
0x11: {  	[sflag:s9] =	ssyncset.done $0x0  }
0x12: {  	[sflag:s9] =	ssyncadd.s32 $0xFFFFB000  }
0x13: {  	[tilespmem:s10], [sflag:$0x1] =	stream.linear.gather [hbm4b:s5+s4], $0x800, $0x38;
	[tilespmem:$0x8000] =	vst v63  }
0x14: {  	_ =	swait.ge [sflag:s9], $0x800  }
0x15: {  	[sflag:s9] =	ssyncset.done $0x0  }
0x16: {  	[sflag:s9] =	ssyncadd.s32 $0xFFFFF800  }
0x17: {  	[spmem:s12], [sflag:s11] =	dma.local [hbm:s2], $0x500  }
0x18: {  	_ =	swait.ge [sflag:s9], $0x500  }
0x19: {  	[sflag:s9] =	ssyncset.done $0x0  }
0x1a: {  	[sflag:s9] =	ssyncadd.s32 $0xFFFFFB00  }
0x1b: {  	s15 =	simm.s32 $0x0;
	[bflag:$0x0] =	sbarrier.arrive $0xFFFF  }
0x1c: {  	[spmem:s3] =	stream.indirect.scatter.add.f32 [tilespmem:s10], [sflag:$0x1], $0x10, s15, s13, $0xb8;
	[tilespmem:$0x8000] =	vst v63  }
0x1d: {  	_ =	swait.ge [sflag:s9], $0x800  }
0x1e: {  	s15 =	simm.s32 $0x200;
	[sflag:s9] =	ssyncset.done $0x0  }
.LBB2_2:
0x1f: {  	s16 =	sshra.s32 s15, $0x2;
	[sflag:s9] =	ssyncadd.s32 $0xFFFFF800;
	p0 =	sne.s32 s15, $0x13E00  }
0x20: {  	[spmem:s3] =	stream.indirect.scatter.add.f32 [tilespmem:s10], [sflag:$0x1], $0x10, s16, s13, $0xb8;
	[tilespmem:$0x8000] =	vst v63  }
.Ltmp0:
0x21: {  	_ = 	snop;
	(pc) =	sbr.rel @p0 .LBB2_2-.Ltmp0, $4  }
0x22: {  	_ = 	snop  }
0x23: {  	s15 =	sadd.s32 $0x200, s15  }
0x24: {  	_ =	swait.ge [sflag:s9], $0x800  }
0x25: {  	[sflag:s9] =	ssyncset.done $0x0  }
0x26: {  	s14 =	sadd.s32 $0x1, s14  }
0x27: {  	[sflag:s9] =	ssyncadd.s32 $0xFFFFF800;
	p0 =	sne.s32 s14, s8  }
.Ltmp1:
0x28: {  	[bflag:$0x0] =	sbarrier.arrive $0xFFFF;
	(pc) =	sbr.rel @p0 .LBB2_1-.Ltmp1, $4  }
0x29: {  	[hbm:s7], [sflag:s11] =	dma.local [spmem:s12], $0x500  }
0x2a: {  	_ =	swait.ge [sflag:s9], $0x500  }
0x2b: {  	[sflag:s9] =	ssyncset.done $0x0  }
0x2c: {  	[sflag:s9] =	ssyncadd.s32 $0xFFFFFB00  }
0x2d: {  	_ =	sfence.sel $0x180000  }
0x2e: {  	[bflag:$0x0] =	sbarrier.arrive $0xFFFF  }
0x2f: {  	p0 =	sne.s32 s1, $0x0;
	_ =	strace $0x90000047  }
0x30: {  	s0 =	sadd.s32 @!p0 $0x100000, s0;
	[bflag:$0x2] =	sbarrier.arrive $0xFFFF  }
0x31: {  	[sflag:s0] =	ssyncadd.tile.s32 @!p0 $0x1;
	_ =	shalt  }
.Lfunc_end2:
_tile_overlayer_lowered:
.L_overlay_start_2:
0x32: {  	(tag) =	ssettag $0x2  }
0x33: {  	s0 =	rddreg [dreg:$0x0];
	s2 =	stileid.u32  }
0x34: {  	s1 =	rddreg [dreg:$0x1];
	p0 =	sne.s32 s2, $0x0  }
0x35: {  	s3 =	rddreg [dreg:$0x2];
	[bflag:$0x3] =	sbarrier.arrive $0xFFFF;
	s2 =	simm.s32 @!p0 $0x1C01  }
0x36: {  	[timem:s3], [sflag:s2] =	dma.local @!p0 [hbm:s0], s1  }
0x37: {  	s0 =	simm.s32 @!p0 $0x1  }
0x38: {  	_ =	swait.ge @!p0 [sflag:s0], s1  }
0x39: {  	s1 =	ssub.s32 @!p0 $0x0, s1;
	[sflag:s0] =	ssyncset.done @!p0 $0x0  }
0x3a: {  	[sflag:s0] =	ssyncadd.s32 @!p0 s1  }
0x3b: {  	[bflag:$0x3] =	sbarrier.arrive $0xFFFF  }
0x3c: {  	_ =	shalt  }

</sc_bundles>
